<compile_context>
chip_gen: v7x
topology: tpu7x:2x2x1
jax: 0.10.2.dev20260603
libtpu: 0.0.44.dev20260713+nightly
codegen_flags: <defaults>
</compile_context>

<pallas_src>
import functools

import jax
import jax.numpy as jnp
from jax import lax
from jax.experimental import pallas as pl
from jax.experimental.pallas import tpu as pltpu
from jax.experimental.pallas import tpu_sc as plsc

B = 128
N = 32768
L = 16
NCHUNK = N // L
NBINS = 256
NCORES = 2
ROWS_PER_CORE = B // NCORES
U = 16

F32 = jnp.float32
VN = float(jnp.finfo(jnp.float32).min) / 4.0
BIG = float(jnp.finfo(jnp.float32).max)
NEG_INF = float("-inf")
NAN = float("nan")
NACT_NAN_MAX = float(N // 2 - 5)


def _splat(x):
    return jnp.broadcast_to(x, (L,))


def _vsum(v):
    return _splat(jnp.sum(v))


def _mesh():
    return plsc.VectorSubcoreMesh(core_axis_name="c", subcore_axis_name="s")


@functools.partial(
    pl.kernel,
    out_type=jax.ShapeDtypeStruct((B, N), jnp.float32),
    mesh=_mesh(),
    compiler_params=pltpu.CompilerParams(needs_layout_passes=False),
    scratch_types=[
        pltpu.VMEM((N,), jnp.float32),
        pltpu.VMEM((N,), jnp.float32),
        pltpu.VMEM((NBINS * L,), jnp.float32),
        pltpu.VMEM((NBINS * L,), jnp.float32),
        pltpu.VMEM(((N // (L * U)) * L,), jnp.float32),
        pltpu.SMEM((1,), jnp.int32),
    ],
)
def _sc_portfolio(logits_hbm, maskf_hbm, out_hbm, zbuf, mcand, hcnt, hsum,
                  gmax, rowcnt):
    sid = lax.axis_index("s")
    cid = lax.axis_index("c")
    lane = lax.iota(jnp.int32, L)
    zeros = jnp.full((L,), 0.0, F32)
    ones = jnp.full((L,), 1.0, F32)

    @pl.when(sid == 0)
    def _init():
        rowcnt[0] = jnp.int32(0)

    plsc.subcore_barrier()

    def process_row(row):
        pltpu.sync_copy(logits_hbm.at[row], zbuf)
        pltpu.sync_copy(maskf_hbm.at[row], mcand)

        def p1(jj, carry):
            vmax, vmin, vcnt = carry
            bmax = jnp.full((L,), -BIG, F32)
            for u in range(U):
                sl = pl.ds((jj * U + u) * L, L)
                v = zbuf[sl]
                m = mcand[sl]
                act = m > 0.0
                z = jnp.where(act, v, jnp.full((L,), VN, F32))
                zbuf[sl] = z
                bmax = jnp.maximum(bmax, z)
                vmin = jnp.minimum(vmin,
                                   jnp.where(act, v, jnp.full((L,), BIG, F32)))
                vcnt = vcnt + jnp.where(act, ones, zeros)
            gmax[pl.ds(jj * L, L)] = bmax
            vmax = jnp.maximum(vmax, bmax)
            return vmax, vmin, vcnt

        vmax, vmin, vcnt = lax.fori_loop(
            0, NCHUNK // U, p1,
            (jnp.full((L,), -BIG, F32), jnp.full((L,), BIG, F32), zeros))
        mx = _splat(jnp.max(vmax))
        mn = _splat(jnp.min(vmin))
        nact = _vsum(vcnt)

        def nan_row(_):
            nanv = jnp.full((L,), NAN, F32)

            def pn(jj, _c):
                for u in range(U):
                    zbuf[pl.ds((jj * U + u) * L, L)] = nanv
                return 0
            lax.fori_loop(0, NCHUNK // U, pn, 0)
            return 0

        def full_row(_):
            thr_c = mx - 1.0

            def p2(jj, off):
                gv = gmax[pl.ds(jj * L, L)]

                def scan_body(off_in):
                    for u in range(U):
                        sl = pl.ds((jj * U + u) * L, L)
                        v = zbuf[sl]
                        c = v > thr_c
                        ci = jnp.where(c, jnp.full((L,), 1, jnp.int32),
                                       jnp.full((L,), 0, jnp.int32))
                        pos = plsc.cumsum(ci)
                        idx = pos + (off_in - 1)
                        plsc.store_scatter(mcand, [idx], v, mask=c)
                        off_in = off_in + jnp.sum(ci)
                    return off_in

                return lax.cond(jnp.any(gv > thr_c), scan_body,
                                lambda o: o, off)

            nc = lax.fori_loop(0, NCHUNK // U, p2, jnp.int32(0))
            nch = (nc + (L - 1)) >> 4

            def cand_stats(tau):
                def cs(ch, carry):
                    csum, ccnt = carry
                    v = mcand[pl.ds(ch * L, L)]
                    valid = (lane + ch * L) < nc
                    a = jnp.logical_and(valid, v > tau)
                    csum = csum + jnp.where(a, v, zeros)
                    ccnt = ccnt + jnp.where(a, ones, zeros)
                    return csum, ccnt
                s, c = lax.fori_loop(0, nch, cs, (zeros, zeros))
                return _vsum(s), _vsum(c)

            def newton_cond(st):
                _tau, done, it = st
                return jnp.logical_and(jnp.logical_not(done), it < 64)

            def newton_body(st):
                tau, done, it = st
                s, c = cand_stats(tau)
                t2 = (s - 1.0) / jnp.maximum(c, 1.0)
                return t2, jnp.all(t2 == tau), it + 1

            tau_star, _d, _i = lax.while_loop(
                newton_cond, newton_body,
                (mx - 1.0, jnp.bool_(False), jnp.int32(0)))
            _s_unused, kstd = cand_stats(tau_star)

            k = kstd + (float(N - 4) - nact)
            ireg = k - nact

            def finite_tau(_a):
                def hz(jj, _c):
                    for u in range(U):
                        sl = pl.ds((jj * U + u) * L, L)
                        hcnt[sl] = zeros
                        hsum[sl] = zeros
                    return 0
                lax.fori_loop(0, (NBINS * L) // (L * U), hz, 0)

                w = jnp.where(mx > mn, (mx - mn) * (1.0 / float(NBINS)), ones)
                inv_w = 1.0 / w

                def hb(jj, _c):
                    for u in range(U):
                        v = zbuf[pl.ds((jj * U + u) * L, L)]
                        bf = jnp.clip((v - mn) * inv_w, 0.0, float(NBINS - 1))
                        bi = bf.astype(jnp.int32)
                        idx = bi * L + lane
                        plsc.addupdate_scatter(hcnt, [idx], ones)
                        plsc.addupdate_scatter(hsum, [idx], v)
                    return 0
                lax.fori_loop(0, NCHUNK // U, hb, 0)

                def sw1(tt, carry):
                    run, jbc = carry
                    for u in range(U):
                        bb = (NBINS - 1) - (tt * U + u)
                        tb = _vsum(hcnt[pl.ds(bb * L, L)])
                        run = run + tb
                        jbc = jbc + jnp.where(run > k, ones, zeros)
                    return run, jbc
                _run, jbf = lax.fori_loop(0, NBINS // U, sw1, (zeros, zeros))

                def sw2(tt, carry):
                    cab, sab = carry
                    for u in range(U):
                        bb = (NBINS - 1) - (tt * U + u)
                        above = _splat(jnp.int32(bb)).astype(F32) > jbf
                        tb = _vsum(hcnt[pl.ds(bb * L, L)])
                        ts = _vsum(hsum[pl.ds(bb * L, L)])
                        cab = cab + jnp.where(above, tb, zeros)
                        sab = sab + jnp.where(above, ts, zeros)
                    return cab, sab
                cab, sab = lax.fori_loop(0, NBINS // U, sw2, (zeros, zeros))

                t_edge = mn + jbf * w
                m_rem = k - cab
                sk = sab + m_rem * t_edge
                return (sk - 1.0) / k

            tau_fin = lax.cond(jnp.all(ireg < 0.5), finite_tau,
                               lambda _a: zeros, 0)
            tau_unif = (ireg * F32(VN) - 1.0) / k
            tau = jnp.where(ireg >= 4.5, jnp.full((L,), NEG_INF, F32),
                            jnp.where(ireg >= 0.5, tau_unif, tau_fin))

            def p4(jj, acc):
                for u in range(U):
                    v = zbuf[pl.ds((jj * U + u) * L, L)]
                    acc = acc + jnp.maximum(v - tau, 0.0)
                return acc
            s1 = _vsum(lax.fori_loop(0, NCHUNK // U, p4, zeros))
            r1 = 1.0 / jnp.maximum(s1, 1e-12)

            def p5(jj, acc):
                for u in range(U):
                    sl = pl.ds((jj * U + u) * L, L)
                    v = zbuf[sl]
                    p = jnp.maximum(v - tau, 0.0)
                    wv = p * r1
                    wv = jnp.where(wv < 1e-6, zeros, wv)
                    zbuf[sl] = wv
                    acc = acc + wv
                return acc
            ws = _vsum(lax.fori_loop(0, NCHUNK // U, p5, zeros))
            r2 = 1.0 / jnp.maximum(ws, 1e-12)

            def p6(jj, _c):
                for u in range(U):
                    sl = pl.ds((jj * U + u) * L, L)
                    zbuf[sl] = zbuf[sl] * r2
                return 0
            lax.fori_loop(0, NCHUNK // U, p6, 0)
            return 0

        lax.cond(jnp.all(nact <= NACT_NAN_MAX), nan_row, full_row, 0)
        pltpu.sync_copy(zbuf, out_hbm.at[row])

    def work_cond(idx):
        return idx < ROWS_PER_CORE

    def work_body(idx):
        process_row(cid * ROWS_PER_CORE + idx)
        return plsc.fetch_and_add(rowcnt.at[0], jnp.int32(1), subcore_id=0)

    idx0 = plsc.fetch_and_add(rowcnt.at[0], jnp.int32(1), subcore_id=0)
    lax.while_loop(work_cond, work_body, idx0)


def kernel(logits, mask):
    maskf = mask.astype(jnp.float32)
    return _sc_portfolio(logits, maskf)

# --- scband reference (transcript-rebuilt; emitter-appended) ---
"""Pipeline reference for scband-portfolio-constraint-layer-86157043958058 (READ-ONLY COPY).

The authoritative reference and input builder live on the scoring server;
editing this copy changes nothing except your own understanding.
"""

import jax, jax.numpy as jnp
import numpy as np

TEMPERATURE = 1.0
MIN_WEIGHT = 1e-06


def setup_inputs(seed: int = 0) -> dict:
    key = jax.random.key(seed)
    k1, k2 = jax.random.split(key)
    logits = jax.random.normal(k1, (128, 32768), dtype=jnp.float32)
    mask = jax.random.randint(k2, (128, 32768), 0, 2).astype(jnp.bool_)
    return {"logits": logits, "mask": mask}


def _sparsemax_lastdim(t):
    # t: [B, N], sparsemax over last dim (descending sort as in torch.sort(descending=True))
    zs = -jnp.sort(-t, axis=-1)
    range_ = jnp.arange(1, t.shape[-1] + 1, dtype=t.dtype)[None, :]
    cssv = jnp.cumsum(zs, axis=-1) - 1.0
    cond = (zs - cssv / range_) > 0
    k = jnp.clip(jnp.sum(cond, axis=-1), 1, None)
    tau = jnp.take_along_axis(cssv, (k - 1)[:, None], axis=-1)[:, 0] / k.astype(t.dtype)
    out = jnp.clip(t - tau[:, None], 0.0, None)
    s = jnp.clip(jnp.sum(out, axis=-1, keepdims=True), 1e-12, None)
    return out / s


def _masked_sparsemax(logits, mask):
    very_neg = jnp.finfo(logits.dtype).min / 4.0
    z = jnp.where(mask, logits, jnp.full_like(logits, very_neg))
    p = _sparsemax_lastdim(z)
    return jnp.where(mask, p, jnp.zeros_like(p))


def reference(logits, mask):
    scaled_logits = logits / TEMPERATURE
    weights = _masked_sparsemax(scaled_logits, mask)
    weights = jnp.where(weights < MIN_WEIGHT, jnp.zeros_like(weights), weights)
    weight_sum = jnp.clip(jnp.sum(weights, axis=-1, keepdims=True), 1e-12, None)
    weights = weights / weight_sum
    return weights

if __name__ == "__main__":
    import jax
    _d = setup_inputs()
    print(jax.jit(kernel)(*tuple(_d.values())))

</pallas_src>

<mosaic_0001>
#map = affine_map<(d0, d1) -> (0, 0)>
module attributes {stable_mosaic.version = 14 : i64} {
  func.func @_sc_portfolio(%arg0: i32, %arg1: i32, %arg2: memref<128x32768xf32, #tpu.memory_space<hbm>>, %arg3: memref<128x32768xf32, #tpu.memory_space<hbm>>, %arg4: memref<128x32768xf32, #tpu.memory_space<hbm>>, %arg5: memref<32768xf32, #tpu.memory_space<vmem>>, %arg6: memref<32768xf32, #tpu.memory_space<vmem>>, %arg7: memref<4096xf32, #tpu.memory_space<vmem>>, %arg8: memref<4096xf32, #tpu.memory_space<vmem>>, %arg9: memref<2048xf32, #tpu.memory_space<vmem>>, %arg10: memref<1xi32, #tpu.memory_space<smem>>) attributes {dimension_semantics = [#tpu.dimension_semantics<core_parallel>, #tpu.dimension_semantics<subcore_parallel>], iteration_bounds = array<i64: 2, 16>, scalar_prefetch = 0 : i64, scratch_operands = 6 : i64, tpu.core_type = #tpu.core_type<sc_vector_subcore>, window_params = [{transform_indices = #map}, {transform_indices = #map}, {transform_indices = #map}]} {
    %iota3A = tpu.iota {dimensions = array<i32: 0>} : vector<16xi32>
    %broadcast_in_dim3A = arith.constant 0.000000e+00 : f32
    %broadcast_in_dim3A_0 = vector.broadcast %broadcast_in_dim3A : f32 to vector<16xf32>
    %broadcast_in_dim3A_1 = arith.constant 1.000000e+00 : f32
    %broadcast_in_dim3A_2 = vector.broadcast %broadcast_in_dim3A_1 : f32 to vector<16xf32>
    %eq3A = arith.constant 0 : i32
    %eq3A_3 = arith.cmpi eq, %arg1, %eq3A : i32
    %convert_element_type3A = arith.extui %eq3A_3 : i1 to i32
    %cond3A = arith.constant 0 : i32
    %cond3A_4 = arith.cmpi ne, %convert_element_type3A, %cond3A : i32
    scf.if %cond3A_4 {
      %swap3A = arith.constant 0 : i32
      %swap3A_8 = arith.constant 0 : i32
      %swap3A_9 = arith.index_cast %swap3A_8 : i32 to index
      %swap3A_10 = memref.load %arg10[%swap3A_9] : memref<1xi32, #tpu.memory_space<smem>>
      memref.store %swap3A, %arg10[%swap3A_9] : memref<1xi32, #tpu.memory_space<smem>>
    } else {
    }
    %barrier3A = arith.constant 0 : index
    tpu.barrier barrier_id(%barrier3A)
    %sc_fetch_and_add3A = arith.constant 1 : i32
    %sc_fetch_and_add3A_5 = arith.constant 0 : i32
    %sc_fetch_and_add3A_6 = arith.constant 0 : i32
    %sc_fetch_and_add3A_7 = tpu.fetch_and_add_sync %arg10[%sc_fetch_and_add3A_5], %sc_fetch_and_add3A, %sc_fetch_and_add3A_6 : memref<1xi32, #tpu.memory_space<smem>>, i32 -> i32
    %while3A = scf.while (%while3A_8 = %sc_fetch_and_add3A_7) : (i32) -> i32 {
      %lt3A = arith.constant 64 : i32
      %lt3A_9 = arith.cmpi slt, %while3A_8, %lt3A : i32
      scf.condition(%lt3A_9) %while3A_8 : i32
    } do {
    ^bb0(%while3A_8: i32):
      %mul3A = arith.constant 64 : i32
      %mul3A_9 = arith.muli %arg0, %mul3A : i32
      %add3A = arith.addi %mul3A_9, %while3A_8 : i32
      "tpu.region"() ({
        %run_scoped3A = tpu.sem_alloc : memref<!tpu.dma_semaphore, #tpu.memory_space<semaphore_mem>>
        %dma_start3A = arith.constant 0 : i32
        %dma_start3A_52 = tpu.memref_slice %arg2[%add3A, %dma_start3A] : memref<128x32768xf32, #tpu.memory_space<hbm>> -> memref<1x32768xf32, #tpu.memory_space<hbm>>
        %dma_start3A_53 = tpu.memref_squeeze %dma_start3A_52 : memref<1x32768xf32, #tpu.memory_space<hbm>> -> memref<32768xf32, #tpu.memory_space<hbm>>
        %dma_start3A_54 = arith.constant 0 : i32
        %dma_start3A_55 = tpu.memref_slice %arg2[%add3A, %dma_start3A_54] : memref<128x32768xf32, #tpu.memory_space<hbm>> -> memref<1x32768xf32, #tpu.memory_space<hbm>>
        %dma_start3A_56 = tpu.memref_squeeze %dma_start3A_55 : memref<1x32768xf32, #tpu.memory_space<hbm>> -> memref<32768xf32, #tpu.memory_space<hbm>>
        tpu.enqueue_dma source(%dma_start3A_56 : memref<32768xf32, #tpu.memory_space<hbm>>) target(%arg5 : memref<32768xf32, #tpu.memory_space<vmem>>) target_semaphore(%run_scoped3A : memref<!tpu.dma_semaphore, #tpu.memory_space<semaphore_mem>>)
        %dma_wait3A = arith.constant 0 : i32
        %dma_wait3A_57 = tpu.memref_slice %arg2[%add3A, %dma_wait3A] : memref<128x32768xf32, #tpu.memory_space<hbm>> -> memref<1x32768xf32, #tpu.memory_space<hbm>>
        %dma_wait3A_58 = tpu.memref_squeeze %dma_wait3A_57 : memref<1x32768xf32, #tpu.memory_space<hbm>> -> memref<32768xf32, #tpu.memory_space<hbm>>
        %dma_wait3A_59 = arith.constant 0 : i32
        %dma_wait3A_60 = tpu.memref_slice %arg2[%add3A, %dma_wait3A_59] : memref<128x32768xf32, #tpu.memory_space<hbm>> -> memref<1x32768xf32, #tpu.memory_space<hbm>>
        %dma_wait3A_61 = tpu.memref_squeeze %dma_wait3A_60 : memref<1x32768xf32, #tpu.memory_space<hbm>> -> memref<32768xf32, #tpu.memory_space<hbm>>
        tpu.wait_dma2 semaphore(%run_scoped3A : memref<!tpu.dma_semaphore, #tpu.memory_space<semaphore_mem>>) src(%dma_wait3A_61 : memref<32768xf32, #tpu.memory_space<hbm>>) dst(%arg5 : memref<32768xf32, #tpu.memory_space<vmem>>)
        tpu.yield
      }) : () -> ()
      "tpu.region"() ({
        %run_scoped3A = tpu.sem_alloc : memref<!tpu.dma_semaphore, #tpu.memory_space<semaphore_mem>>
        %dma_start3A = arith.constant 0 : i32
        %dma_start3A_52 = tpu.memref_slice %arg3[%add3A, %dma_start3A] : memref<128x32768xf32, #tpu.memory_space<hbm>> -> memref<1x32768xf32, #tpu.memory_space<hbm>>
        %dma_start3A_53 = tpu.memref_squeeze %dma_start3A_52 : memref<1x32768xf32, #tpu.memory_space<hbm>> -> memref<32768xf32, #tpu.memory_space<hbm>>
        %dma_start3A_54 = arith.constant 0 : i32
        %dma_start3A_55 = tpu.memref_slice %arg3[%add3A, %dma_start3A_54] : memref<128x32768xf32, #tpu.memory_space<hbm>> -> memref<1x32768xf32, #tpu.memory_space<hbm>>
        %dma_start3A_56 = tpu.memref_squeeze %dma_start3A_55 : memref<1x32768xf32, #tpu.memory_space<hbm>> -> memref<32768xf32, #tpu.memory_space<hbm>>
        tpu.enqueue_dma source(%dma_start3A_56 : memref<32768xf32, #tpu.memory_space<hbm>>) target(%arg6 : memref<32768xf32, #tpu.memory_space<vmem>>) target_semaphore(%run_scoped3A : memref<!tpu.dma_semaphore, #tpu.memory_space<semaphore_mem>>)
        %dma_wait3A = arith.constant 0 : i32
        %dma_wait3A_57 = tpu.memref_slice %arg3[%add3A, %dma_wait3A] : memref<128x32768xf32, #tpu.memory_space<hbm>> -> memref<1x32768xf32, #tpu.memory_space<hbm>>
        %dma_wait3A_58 = tpu.memref_squeeze %dma_wait3A_57 : memref<1x32768xf32, #tpu.memory_space<hbm>> -> memref<32768xf32, #tpu.memory_space<hbm>>
        %dma_wait3A_59 = arith.constant 0 : i32
        %dma_wait3A_60 = tpu.memref_slice %arg3[%add3A, %dma_wait3A_59] : memref<128x32768xf32, #tpu.memory_space<hbm>> -> memref<1x32768xf32, #tpu.memory_space<hbm>>
        %dma_wait3A_61 = tpu.memref_squeeze %dma_wait3A_60 : memref<1x32768xf32, #tpu.memory_space<hbm>> -> memref<32768xf32, #tpu.memory_space<hbm>>
        tpu.wait_dma2 semaphore(%run_scoped3A : memref<!tpu.dma_semaphore, #tpu.memory_space<semaphore_mem>>) src(%dma_wait3A_61 : memref<32768xf32, #tpu.memory_space<hbm>>) dst(%arg6 : memref<32768xf32, #tpu.memory_space<vmem>>)
        tpu.yield
      }) : () -> ()
      %broadcast_in_dim3A_10 = arith.constant -3.40282347E+38 : f32
      %broadcast_in_dim3A_11 = vector.broadcast %broadcast_in_dim3A_10 : f32 to vector<16xf32>
      %broadcast_in_dim3A_12 = arith.constant 3.40282347E+38 : f32
      %broadcast_in_dim3A_13 = vector.broadcast %broadcast_in_dim3A_12 : f32 to vector<16xf32>
      %scan3A = arith.constant 0 : i32
      %scan3A_14 = arith.constant 128 : i32
      %scan3A_15 = arith.addi %scan3A, %scan3A_14 : i32
      %scan3A_16 = arith.constant 1 : i32
      %scan3A_17:3 = scf.for %scan3A_52 = %scan3A to %scan3A_15 step %scan3A_16 iter_args(%scan3A_53 = %broadcast_in_dim3A_11, %scan3A_54 = %broadcast_in_dim3A_13, %scan3A_55 = %broadcast_in_dim3A_0) -> (vector<16xf32>, vector<16xf32>, vector<16xf32>)  : i32 {
        %broadcast_in_dim3A_56 = arith.constant -3.40282347E+38 : f32
        %broadcast_in_dim3A_57 = vector.broadcast %broadcast_in_dim3A_56 : f32 to vector<16xf32>
        %mul3A_58 = arith.constant 16 : i32
        %mul3A_59 = arith.muli %scan3A_52, %mul3A_58 : i32
        %add3A_60 = arith.constant 0 : i32
        %add3A_61 = arith.addi %mul3A_59, %add3A_60 : i32
        %mul3A_62 = arith.constant 16 : i32
        %mul3A_63 = arith.muli %add3A_61, %mul3A_62 : i32
        %get3A = arith.index_cast %mul3A_63 : i32 to index
        %get3A_64 = tpu.vector_load %arg5[%get3A] {strides = array<i32>} : memref<32768xf32, #tpu.memory_space<vmem>>, vector<16xf32>,
        %get3A_65 = arith.index_cast %mul3A_63 : i32 to index
        %get3A_66 = tpu.vector_load %arg6[%get3A_65] {strides = array<i32>} : memref<32768xf32, #tpu.memory_space<vmem>>, vector<16xf32>,
        %gt3A = arith.constant 0.000000e+00 : f32
        %gt3A_67 = vector.broadcast %gt3A : f32 to vector<16xf32>
        %gt3A_68 = arith.cmpf ogt, %get3A_66, %gt3A_67 : vector<16xf32>
        %broadcast_in_dim3A_69 = arith.constant -8.50705867E+37 : f32
        %broadcast_in_dim3A_70 = vector.broadcast %broadcast_in_dim3A_69 : f32 to vector<16xf32>
        %select_n3A = arith.select %gt3A_68, %get3A_64, %broadcast_in_dim3A_70 : vector<16xi1>, vector<16xf32>
        %swap3A = arith.index_cast %mul3A_63 : i32 to index
        %swap3A_71 = tpu.vector_load %arg5[%swap3A] {strides = array<i32>} : memref<32768xf32, #tpu.memory_space<vmem>>, vector<16xf32>,
        tpu.vector_store %arg5[%swap3A], %select_n3A {strides = array<i32>} : memref<32768xf32, #tpu.memory_space<vmem>>, vector<16xf32>,
        %max3A = arith.maximumf %broadcast_in_dim3A_57, %select_n3A : vector<16xf32>
        %broadcast_in_dim3A_72 = arith.constant 3.40282347E+38 : f32
        %broadcast_in_dim3A_73 = vector.broadcast %broadcast_in_dim3A_72 : f32 to vector<16xf32>
        %select_n3A_74 = arith.select %gt3A_68, %get3A_64, %broadcast_in_dim3A_73 : vector<16xi1>, vector<16xf32>
        %min3A = arith.minimumf %scan3A_54, %select_n3A_74 : vector<16xf32>
        %select_n3A_75 = arith.select %gt3A_68, %broadcast_in_dim3A_2, %broadcast_in_dim3A_0 : vector<16xi1>, vector<16xf32>
        %add3A_76 = arith.addf %scan3A_55, %select_n3A_75 : vector<16xf32>
        %mul3A_77 = arith.constant 16 : i32
        %mul3A_78 = arith.muli %scan3A_52, %mul3A_77 : i32
        %add3A_79 = arith.constant 1 : i32
        %add3A_80 = arith.addi %mul3A_78, %add3A_79 : i32
        %mul3A_81 = arith.constant 16 : i32
        %mul3A_82 = arith.muli %add3A_80, %mul3A_81 : i32
        %get3A_83 = arith.index_cast %mul3A_82 : i32 to index
        %get3A_84 = tpu.vector_load %arg5[%get3A_83] {strides = array<i32>} : memref<32768xf32, #tpu.memory_space<vmem>>, vector<16xf32>,
        %get3A_85 = arith.index_cast %mul3A_82 : i32 to index
        %get3A_86 = tpu.vector_load %arg6[%get3A_85] {strides = array<i32>} : memref<32768xf32, #tpu.memory_space<vmem>>, vector<16xf32>,
        %gt3A_87 = arith.constant 0.000000e+00 : f32
        %gt3A_88 = vector.broadcast %gt3A_87 : f32 to vector<16xf32>
        %gt3A_89 = arith.cmpf ogt, %get3A_86, %gt3A_88 : vector<16xf32>
        %broadcast_in_dim3A_90 = arith.constant -8.50705867E+37 : f32
        %broadcast_in_dim3A_91 = vector.broadcast %broadcast_in_dim3A_90 : f32 to vector<16xf32>
        %select_n3A_92 = arith.select %gt3A_89, %get3A_84, %broadcast_in_dim3A_91 : vector<16xi1>, vector<16xf32>
        %swap3A_93 = arith.index_cast %mul3A_82 : i32 to index
        %swap3A_94 = tpu.vector_load %arg5[%swap3A_93] {strides = array<i32>} : memref<32768xf32, #tpu.memory_space<vmem>>, vector<16xf32>,
        tpu.vector_store %arg5[%swap3A_93], %select_n3A_92 {strides = array<i32>} : memref<32768xf32, #tpu.memory_space<vmem>>, vector<16xf32>,
        %max3A_95 = arith.maximumf %max3A, %select_n3A_92 : vector<16xf32>
        %broadcast_in_dim3A_96 = arith.constant 3.40282347E+38 : f32
        %broadcast_in_dim3A_97 = vector.broadcast %broadcast_in_dim3A_96 : f32 to vector<16xf32>
        %select_n3A_98 = arith.select %gt3A_89, %get3A_84, %broadcast_in_dim3A_97 : vector<16xi1>, vector<16xf32>
        %min3A_99 = arith.minimumf %min3A, %select_n3A_98 : vector<16xf32>
        %select_n3A_100 = arith.select %gt3A_89, %broadcast_in_dim3A_2, %broadcast_in_dim3A_0 : vector<16xi1>, vector<16xf32>
        %add3A_101 = arith.addf %add3A_76, %select_n3A_100 : vector<16xf32>
        %mul3A_102 = arith.constant 16 : i32
        %mul3A_103 = arith.muli %scan3A_52, %mul3A_102 : i32
        %add3A_104 = arith.constant 2 : i32
        %add3A_105 = arith.addi %mul3A_103, %add3A_104 : i32
        %mul3A_106 = arith.constant 16 : i32
        %mul3A_107 = arith.muli %add3A_105, %mul3A_106 : i32
        %get3A_108 = arith.index_cast %mul3A_107 : i32 to index
        %get3A_109 = tpu.vector_load %arg5[%get3A_108] {strides = array<i32>} : memref<32768xf32, #tpu.memory_space<vmem>>, vector<16xf32>,
        %get3A_110 = arith.index_cast %mul3A_107 : i32 to index
        %get3A_111 = tpu.vector_load %arg6[%get3A_110] {strides = array<i32>} : memref<32768xf32, #tpu.memory_space<vmem>>, vector<16xf32>,
        %gt3A_112 = arith.constant 0.000000e+00 : f32
        %gt3A_113 = vector.broadcast %gt3A_112 : f32 to vector<16xf32>
        %gt3A_114 = arith.cmpf ogt, %get3A_111, %gt3A_113 : vector<16xf32>
        %broadcast_in_dim3A_115 = arith.constant -8.50705867E+37 : f32
        %broadcast_in_dim3A_116 = vector.broadcast %broadcast_in_dim3A_115 : f32 to vector<16xf32>
        %select_n3A_117 = arith.select %gt3A_114, %get3A_109, %broadcast_in_dim3A_116 : vector<16xi1>, vector<16xf32>
        %swap3A_118 = arith.index_cast %mul3A_107 : i32 to index
        %swap3A_119 = tpu.vector_load %arg5[%swap3A_118] {strides = array<i32>} : memref<32768xf32, #tpu.memory_space<vmem>>, vector<16xf32>,
        tpu.vector_store %arg5[%swap3A_118], %select_n3A_117 {strides = array<i32>} : memref<32768xf32, #tpu.memory_space<vmem>>, vector<16xf32>,
        %max3A_120 = arith.maximumf %max3A_95, %select_n3A_117 : vector<16xf32>
        %broadcast_in_dim3A_121 = arith.constant 3.40282347E+38 : f32
        %broadcast_in_dim3A_122 = vector.broadcast %broadcast_in_dim3A_121 : f32 to vector<16xf32>
        %select_n3A_123 = arith.select %gt3A_114, %get3A_109, %broadcast_in_dim3A_122 : vector<16xi1>, vector<16xf32>
        %min3A_124 = arith.minimumf %min3A_99, %select_n3A_123 : vector<16xf32>
        %select_n3A_125 = arith.select %gt3A_114, %broadcast_in_dim3A_2, %broadcast_in_dim3A_0 : vector<16xi1>, vector<16xf32>
        %add3A_126 = arith.addf %add3A_101, %select_n3A_125 : vector<16xf32>
        %mul3A_127 = arith.constant 16 : i32
        %mul3A_128 = arith.muli %scan3A_52, %mul3A_127 : i32
        %add3A_129 = arith.constant 3 : i32
        %add3A_130 = arith.addi %mul3A_128, %add3A_129 : i32
        %mul3A_131 = arith.constant 16 : i32
        %mul3A_132 = arith.muli %add3A_130, %mul3A_131 : i32
        %get3A_133 = arith.index_cast %mul3A_132 : i32 to index
        %get3A_134 = tpu.vector_load %arg5[%get3A_133] {strides = array<i32>} : memref<32768xf32, #tpu.memory_space<vmem>>, vector<16xf32>,
        %get3A_135 = arith.index_cast %mul3A_132 : i32 to index
        %get3A_136 = tpu.vector_load %arg6[%get3A_135] {strides = array<i32>} : memref<32768xf32, #tpu.memory_space<vmem>>, vector<16xf32>,
        %gt3A_137 = arith.constant 0.000000e+00 : f32
        %gt3A_138 = vector.broadcast %gt3A_137 : f32 to vector<16xf32>
        %gt3A_139 = arith.cmpf ogt, %get3A_136, %gt3A_138 : vector<16xf32>
        %broadcast_in_dim3A_140 = arith.constant -8.50705867E+37 : f32
        %broadcast_in_dim3A_141 = vector.broadcast %broadcast_in_dim3A_140 : f32 to vector<16xf32>
        %select_n3A_142 = arith.select %gt3A_139, %get3A_134, %broadcast_in_dim3A_141 : vector<16xi1>, vector<16xf32>
        %swap3A_143 = arith.index_cast %mul3A_132 : i32 to index
        %swap3A_144 = tpu.vector_load %arg5[%swap3A_143] {strides = array<i32>} : memref<32768xf32, #tpu.memory_space<vmem>>, vector<16xf32>,
        tpu.vector_store %arg5[%swap3A_143], %select_n3A_142 {strides = array<i32>} : memref<32768xf32, #tpu.memory_space<vmem>>, vector<16xf32>,
        %max3A_145 = arith.maximumf %max3A_120, %select_n3A_142 : vector<16xf32>
        %broadcast_in_dim3A_146 = arith.constant 3.40282347E+38 : f32
        %broadcast_in_dim3A_147 = vector.broadcast %broadcast_in_dim3A_146 : f32 to vector<16xf32>
        %select_n3A_148 = arith.select %gt3A_139, %get3A_134, %broadcast_in_dim3A_147 : vector<16xi1>, vector<16xf32>
        %min3A_149 = arith.minimumf %min3A_124, %select_n3A_148 : vector<16xf32>
        %select_n3A_150 = arith.select %gt3A_139, %broadcast_in_dim3A_2, %broadcast_in_dim3A_0 : vector<16xi1>, vector<16xf32>
        %add3A_151 = arith.addf %add3A_126, %select_n3A_150 : vector<16xf32>
        %mul3A_152 = arith.constant 16 : i32
        %mul3A_153 = arith.muli %scan3A_52, %mul3A_152 : i32
        %add3A_154 = arith.constant 4 : i32
        %add3A_155 = arith.addi %mul3A_153, %add3A_154 : i32
        %mul3A_156 = arith.constant 16 : i32
        %mul3A_157 = arith.muli %add3A_155, %mul3A_156 : i32
        %get3A_158 = arith.index_cast %mul3A_157 : i32 to index
        %get3A_159 = tpu.vector_load %arg5[%get3A_158] {strides = array<i32>} : memref<32768xf32, #tpu.memory_space<vmem>>, vector<16xf32>,
        %get3A_160 = arith.index_cast %mul3A_157 : i32 to index
        %get3A_161 = tpu.vector_load %arg6[%get3A_160] {strides = array<i32>} : memref<32768xf32, #tpu.memory_space<vmem>>, vector<16xf32>,
        %gt3A_162 = arith.constant 0.000000e+00 : f32
        %gt3A_163 = vector.broadcast %gt3A_162 : f32 to vector<16xf32>
        %gt3A_164 = arith.cmpf ogt, %get3A_161, %gt3A_163 : vector<16xf32>
        %broadcast_in_dim3A_165 = arith.constant -8.50705867E+37 : f32
        %broadcast_in_dim3A_166 = vector.broadcast %broadcast_in_dim3A_165 : f32 to vector<16xf32>
        %select_n3A_167 = arith.select %gt3A_164, %get3A_159, %broadcast_in_dim3A_166 : vector<16xi1>, vector<16xf32>
        %swap3A_168 = arith.index_cast %mul3A_157 : i32 to index
        %swap3A_169 = tpu.vector_load %arg5[%swap3A_168] {strides = array<i32>} : memref<32768xf32, #tpu.memory_space<vmem>>, vector<16xf32>,
        tpu.vector_store %arg5[%swap3A_168], %select_n3A_167 {strides = array<i32>} : memref<32768xf32, #tpu.memory_space<vmem>>, vector<16xf32>,
        %max3A_170 = arith.maximumf %max3A_145, %select_n3A_167 : vector<16xf32>
        %broadcast_in_dim3A_171 = arith.constant 3.40282347E+38 : f32
        %broadcast_in_dim3A_172 = vector.broadcast %broadcast_in_dim3A_171 : f32 to vector<16xf32>
        %select_n3A_173 = arith.select %gt3A_164, %get3A_159, %broadcast_in_dim3A_172 : vector<16xi1>, vector<16xf32>
        %min3A_174 = arith.minimumf %min3A_149, %select_n3A_173 : vector<16xf32>
        %select_n3A_175 = arith.select %gt3A_164, %broadcast_in_dim3A_2, %broadcast_in_dim3A_0 : vector<16xi1>, vector<16xf32>
        %add3A_176 = arith.addf %add3A_151, %select_n3A_175 : vector<16xf32>
        %mul3A_177 = arith.constant 16 : i32
        %mul3A_178 = arith.muli %scan3A_52, %mul3A_177 : i32
        %add3A_179 = arith.constant 5 : i32
        %add3A_180 = arith.addi %mul3A_178, %add3A_179 : i32
        %mul3A_181 = arith.constant 16 : i32
        %mul3A_182 = arith.muli %add3A_180, %mul3A_181 : i32
        %get3A_183 = arith.index_cast %mul3A_182 : i32 to index
        %get3A_184 = tpu.vector_load %arg5[%get3A_183] {strides = array<i32>} : memref<32768xf32, #tpu.memory_space<vmem>>, vector<16xf32>,
        %get3A_185 = arith.index_cast %mul3A_182 : i32 to index
        %get3A_186 = tpu.vector_load %arg6[%get3A_185] {strides = array<i32>} : memref<32768xf32, #tpu.memory_space<vmem>>, vector<16xf32>,
        %gt3A_187 = arith.constant 0.000000e+00 : f32
        %gt3A_188 = vector.broadcast %gt3A_187 : f32 to vector<16xf32>
        %gt3A_189 = arith.cmpf ogt, %get3A_186, %gt3A_188 : vector<16xf32>
        %broadcast_in_dim3A_190 = arith.constant -8.50705867E+37 : f32
        %broadcast_in_dim3A_191 = vector.broadcast %broadcast_in_dim3A_190 : f32 to vector<16xf32>
        %select_n3A_192 = arith.select %gt3A_189, %get3A_184, %broadcast_in_dim3A_191 : vector<16xi1>, vector<16xf32>
        %swap3A_193 = arith.index_cast %mul3A_182 : i32 to index
        %swap3A_194 = tpu.vector_load %arg5[%swap3A_193] {strides = array<i32>} : memref<32768xf32, #tpu.memory_space<vmem>>, vector<16xf32>,
        tpu.vector_store %arg5[%swap3A_193], %select_n3A_192 {strides = array<i32>} : memref<32768xf32, #tpu.memory_space<vmem>>, vector<16xf32>,
        %max3A_195 = arith.maximumf %max3A_170, %select_n3A_192 : vector<16xf32>
        %broadcast_in_dim3A_196 = arith.constant 3.40282347E+38 : f32
        %broadcast_in_dim3A_197 = vector.broadcast %broadcast_in_dim3A_196 : f32 to vector<16xf32>
        %select_n3A_198 = arith.select %gt3A_189, %get3A_184, %broadcast_in_dim3A_197 : vector<16xi1>, vector<16xf32>
        %min3A_199 = arith.minimumf %min3A_174, %select_n3A_198 : vector<16xf32>
        %select_n3A_200 = arith.select %gt3A_189, %broadcast_in_dim3A_2, %broadcast_in_dim3A_0 : vector<16xi1>, vector<16xf32>
        %add3A_201 = arith.addf %add3A_176, %select_n3A_200 : vector<16xf32>
        %mul3A_202 = arith.constant 16 : i32
        %mul3A_203 = arith.muli %scan3A_52, %mul3A_202 : i32
        %add3A_204 = arith.constant 6 : i32
        %add3A_205 = arith.addi %mul3A_203, %add3A_204 : i32
        %mul3A_206 = arith.constant 16 : i32
        %mul3A_207 = arith.muli %add3A_205, %mul3A_206 : i32
        %get3A_208 = arith.index_cast %mul3A_207 : i32 to index
        %get3A_209 = tpu.vector_load %arg5[%get3A_208] {strides = array<i32>} : memref<32768xf32, #tpu.memory_space<vmem>>, vector<16xf32>,
        %get3A_210 = arith.index_cast %mul3A_207 : i32 to index
        %get3A_211 = tpu.vector_load %arg6[%get3A_210] {strides = array<i32>} : memref<32768xf32, #tpu.memory_space<vmem>>, vector<16xf32>,
        %gt3A_212 = arith.constant 0.000000e+00 : f32
        %gt3A_213 = vector.broadcast %gt3A_212 : f32 to vector<16xf32>
        %gt3A_214 = arith.cmpf ogt, %get3A_211, %gt3A_213 : vector<16xf32>
        %broadcast_in_dim3A_215 = arith.constant -8.50705867E+37 : f32
        %broadcast_in_dim3A_216 = vector.broadcast %broadcast_in_dim3A_215 : f32 to vector<16xf32>
        %select_n3A_217 = arith.select %gt3A_214, %get3A_209, %broadcast_in_dim3A_216 : vector<16xi1>, vector<16xf32>
        %swap3A_218 = arith.index_cast %mul3A_207 : i32 to index
        %swap3A_219 = tpu.vector_load %arg5[%swap3A_218] {strides = array<i32>} : memref<32768xf32, #tpu.memory_space<vmem>>, vector<16xf32>,
        tpu.vector_store %arg5[%swap3A_218], %select_n3A_217 {strides = array<i32>} : memref<32768xf32, #tpu.memory_space<vmem>>, vector<16xf32>,
        %max3A_220 = arith.maximumf %max3A_195, %select_n3A_217 : vector<16xf32>
        %broadcast_in_dim3A_221 = arith.constant 3.40282347E+38 : f32
        %broadcast_in_dim3A_222 = vector.broadcast %broadcast_in_dim3A_221 : f32 to vector<16xf32>
        %select_n3A_223 = arith.select %gt3A_214, %get3A_209, %broadcast_in_dim3A_222 : vector<16xi1>, vector<16xf32>
        %min3A_224 = arith.minimumf %min3A_199, %select_n3A_223 : vector<16xf32>
        %select_n3A_225 = arith.select %gt3A_214, %broadcast_in_dim3A_2, %broadcast_in_dim3A_0 : vector<16xi1>, vector<16xf32>
        %add3A_226 = arith.addf %add3A_201, %select_n3A_225 : vector<16xf32>
        %mul3A_227 = arith.constant 16 : i32
        %mul3A_228 = arith.muli %scan3A_52, %mul3A_227 : i32
        %add3A_229 = arith.constant 7 : i32
        %add3A_230 = arith.addi %mul3A_228, %add3A_229 : i32
        %mul3A_231 = arith.constant 16 : i32
        %mul3A_232 = arith.muli %add3A_230, %mul3A_231 : i32
        %get3A_233 = arith.index_cast %mul3A_232 : i32 to index
        %get3A_234 = tpu.vector_load %arg5[%get3A_233] {strides = array<i32>} : memref<32768xf32, #tpu.memory_space<vmem>>, vector<16xf32>,
        %get3A_235 = arith.index_cast %mul3A_232 : i32 to index
        %get3A_236 = tpu.vector_load %arg6[%get3A_235] {strides = array<i32>} : memref<32768xf32, #tpu.memory_space<vmem>>, vector<16xf32>,
        %gt3A_237 = arith.constant 0.000000e+00 : f32
        %gt3A_238 = vector.broadcast %gt3A_237 : f32 to vector<16xf32>
        %gt3A_239 = arith.cmpf ogt, %get3A_236, %gt3A_238 : vector<16xf32>
        %broadcast_in_dim3A_240 = arith.constant -8.50705867E+37 : f32
        %broadcast_in_dim3A_241 = vector.broadcast %broadcast_in_dim3A_240 : f32 to vector<16xf32>
        %select_n3A_242 = arith.select %gt3A_239, %get3A_234, %broadcast_in_dim3A_241 : vector<16xi1>, vector<16xf32>
        %swap3A_243 = arith.index_cast %mul3A_232 : i32 to index
        %swap3A_244 = tpu.vector_load %arg5[%swap3A_243] {strides = array<i32>} : memref<32768xf32, #tpu.memory_space<vmem>>, vector<16xf32>,
        tpu.vector_store %arg5[%swap3A_243], %select_n3A_242 {strides = array<i32>} : memref<32768xf32, #tpu.memory_space<vmem>>, vector<16xf32>,
        %max3A_245 = arith.maximumf %max3A_220, %select_n3A_242 : vector<16xf32>
        %broadcast_in_dim3A_246 = arith.constant 3.40282347E+38 : f32
        %broadcast_in_dim3A_247 = vector.broadcast %broadcast_in_dim3A_246 : f32 to vector<16xf32>
        %select_n3A_248 = arith.select %gt3A_239, %get3A_234, %broadcast_in_dim3A_247 : vector<16xi1>, vector<16xf32>
        %min3A_249 = arith.minimumf %min3A_224, %select_n3A_248 : vector<16xf32>
        %select_n3A_250 = arith.select %gt3A_239, %broadcast_in_dim3A_2, %broadcast_in_dim3A_0 : vector<16xi1>, vector<16xf32>
        %add3A_251 = arith.addf %add3A_226, %select_n3A_250 : vector<16xf32>
        %mul3A_252 = arith.constant 16 : i32
        %mul3A_253 = arith.muli %scan3A_52, %mul3A_252 : i32
        %add3A_254 = arith.constant 8 : i32
        %add3A_255 = arith.addi %mul3A_253, %add3A_254 : i32
        %mul3A_256 = arith.constant 16 : i32
        %mul3A_257 = arith.muli %add3A_255, %mul3A_256 : i32
        %get3A_258 = arith.index_cast %mul3A_257 : i32 to index
        %get3A_259 = tpu.vector_load %arg5[%get3A_258] {strides = array<i32>} : memref<32768xf32, #tpu.memory_space<vmem>>, vector<16xf32>,
        %get3A_260 = arith.index_cast %mul3A_257 : i32 to index
        %get3A_261 = tpu.vector_load %arg6[%get3A_260] {strides = array<i32>} : memref<32768xf32, #tpu.memory_space<vmem>>, vector<16xf32>,
        %gt3A_262 = arith.constant 0.000000e+00 : f32
        %gt3A_263 = vector.broadcast %gt3A_262 : f32 to vector<16xf32>
        %gt3A_264 = arith.cmpf ogt, %get3A_261, %gt3A_263 : vector<16xf32>
        %broadcast_in_dim3A_265 = arith.constant -8.50705867E+37 : f32
        %broadcast_in_dim3A_266 = vector.broadcast %broadcast_in_dim3A_265 : f32 to vector<16xf32>
        %select_n3A_267 = arith.select %gt3A_264, %get3A_259, %broadcast_in_dim3A_266 : vector<16xi1>, vector<16xf32>
        %swap3A_268 = arith.index_cast %mul3A_257 : i32 to index
        %swap3A_269 = tpu.vector_load %arg5[%swap3A_268] {strides = array<i32>} : memref<32768xf32, #tpu.memory_space<vmem>>, vector<16xf32>,
        tpu.vector_store %arg5[%swap3A_268], %select_n3A_267 {strides = array<i32>} : memref<32768xf32, #tpu.memory_space<vmem>>, vector<16xf32>,
        %max3A_270 = arith.maximumf %max3A_245, %select_n3A_267 : vector<16xf32>
        %broadcast_in_dim3A_271 = arith.constant 3.40282347E+38 : f32
        %broadcast_in_dim3A_272 = vector.broadcast %broadcast_in_dim3A_271 : f32 to vector<16xf32>
        %select_n3A_273 = arith.select %gt3A_264, %get3A_259, %broadcast_in_dim3A_272 : vector<16xi1>, vector<16xf32>
        %min3A_274 = arith.minimumf %min3A_249, %select_n3A_273 : vector<16xf32>
        %select_n3A_275 = arith.select %gt3A_264, %broadcast_in_dim3A_2, %broadcast_in_dim3A_0 : vector<16xi1>, vector<16xf32>
        %add3A_276 = arith.addf %add3A_251, %select_n3A_275 : vector<16xf32>
        %mul3A_277 = arith.constant 16 : i32
        %mul3A_278 = arith.muli %scan3A_52, %mul3A_277 : i32
        %add3A_279 = arith.constant 9 : i32
        %add3A_280 = arith.addi %mul3A_278, %add3A_279 : i32
        %mul3A_281 = arith.constant 16 : i32
        %mul3A_282 = arith.muli %add3A_280, %mul3A_281 : i32
        %get3A_283 = arith.index_cast %mul3A_282 : i32 to index
        %get3A_284 = tpu.vector_load %arg5[%get3A_283] {strides = array<i32>} : memref<32768xf32, #tpu.memory_space<vmem>>, vector<16xf32>,
        %get3A_285 = arith.index_cast %mul3A_282 : i32 to index
        %get3A_286 = tpu.vector_load %arg6[%get3A_285] {strides = array<i32>} : memref<32768xf32, #tpu.memory_space<vmem>>, vector<16xf32>,
        %gt3A_287 = arith.constant 0.000000e+00 : f32
        %gt3A_288 = vector.broadcast %gt3A_287 : f32 to vector<16xf32>
        %gt3A_289 = arith.cmpf ogt, %get3A_286, %gt3A_288 : vector<16xf32>
        %broadcast_in_dim3A_290 = arith.constant -8.50705867E+37 : f32
        %broadcast_in_dim3A_291 = vector.broadcast %broadcast_in_dim3A_290 : f32 to vector<16xf32>
        %select_n3A_292 = arith.select %gt3A_289, %get3A_284, %broadcast_in_dim3A_291 : vector<16xi1>, vector<16xf32>
        %swap3A_293 = arith.index_cast %mul3A_282 : i32 to index
        %swap3A_294 = tpu.vector_load %arg5[%swap3A_293] {strides = array<i32>} : memref<32768xf32, #tpu.memory_space<vmem>>, vector<16xf32>,
        tpu.vector_store %arg5[%swap3A_293], %select_n3A_292 {strides = array<i32>} : memref<32768xf32, #tpu.memory_space<vmem>>, vector<16xf32>,
        %max3A_295 = arith.maximumf %max3A_270, %select_n3A_292 : vector<16xf32>
        %broadcast_in_dim3A_296 = arith.constant 3.40282347E+38 : f32
        %broadcast_in_dim3A_297 = vector.broadcast %broadcast_in_dim3A_296 : f32 to vector<16xf32>
        %select_n3A_298 = arith.select %gt3A_289, %get3A_284, %broadcast_in_dim3A_297 : vector<16xi1>, vector<16xf32>
        %min3A_299 = arith.minimumf %min3A_274, %select_n3A_298 : vector<16xf32>
        %select_n3A_300 = arith.select %gt3A_289, %broadcast_in_dim3A_2, %broadcast_in_dim3A_0 : vector<16xi1>, vector<16xf32>
        %add3A_301 = arith.addf %add3A_276, %select_n3A_300 : vector<16xf32>
        %mul3A_302 = arith.constant 16 : i32
        %mul3A_303 = arith.muli %scan3A_52, %mul3A_302 : i32
        %add3A_304 = arith.constant 10 : i32
        %add3A_305 = arith.addi %mul3A_303, %add3A_304 : i32
        %mul3A_306 = arith.constant 16 : i32
        %mul3A_307 = arith.muli %add3A_305, %mul3A_306 : i32
        %get3A_308 = arith.index_cast %mul3A_307 : i32 to index
        %get3A_309 = tpu.vector_load %arg5[%get3A_308] {strides = array<i32>} : memref<32768xf32, #tpu.memory_space<vmem>>, vector<16xf32>,
        %get3A_310 = arith.index_cast %mul3A_307 : i32 to index
        %get3A_311 = tpu.vector_load %arg6[%get3A_310] {strides = array<i32>} : memref<32768xf32, #tpu.memory_space<vmem>>, vector<16xf32>,
        %gt3A_312 = arith.constant 0.000000e+00 : f32
        %gt3A_313 = vector.broadcast %gt3A_312 : f32 to vector<16xf32>
        %gt3A_314 = arith.cmpf ogt, %get3A_311, %gt3A_313 : vector<16xf32>
        %broadcast_in_dim3A_315 = arith.constant -8.50705867E+37 : f32
        %broadcast_in_dim3A_316 = vector.broadcast %broadcast_in_dim3A_315 : f32 to vector<16xf32>
        %select_n3A_317 = arith.select %gt3A_314, %get3A_309, %broadcast_in_dim3A_316 : vector<16xi1>, vector<16xf32>
        %swap3A_318 = arith.index_cast %mul3A_307 : i32 to index
        %swap3A_319 = tpu.vector_load %arg5[%swap3A_318] {strides = array<i32>} : memref<32768xf32, #tpu.memory_space<vmem>>, vector<16xf32>,
        tpu.vector_store %arg5[%swap3A_318], %select_n3A_317 {strides = array<i32>} : memref<32768xf32, #tpu.memory_space<vmem>>, vector<16xf32>,
        %max3A_320 = arith.maximumf %max3A_295, %select_n3A_317 : vector<16xf32>
        %broadcast_in_dim3A_321 = arith.constant 3.40282347E+38 : f32
        %broadcast_in_dim3A_322 = vector.broadcast %broadcast_in_dim3A_321 : f32 to vector<16xf32>
        %select_n3A_323 = arith.select %gt3A_314, %get3A_309, %broadcast_in_dim3A_322 : vector<16xi1>, vector<16xf32>
        %min3A_324 = arith.minimumf %min3A_299, %select_n3A_323 : vector<16xf32>
        %select_n3A_325 = arith.select %gt3A_314, %broadcast_in_dim3A_2, %broadcast_in_dim3A_0 : vector<16xi1>, vector<16xf32>
        %add3A_326 = arith.addf %add3A_301, %select_n3A_325 : vector<16xf32>
        %mul3A_327 = arith.constant 16 : i32
        %mul3A_328 = arith.muli %scan3A_52, %mul3A_327 : i32
        %add3A_329 = arith.constant 11 : i32
        %add3A_330 = arith.addi %mul3A_328, %add3A_329 : i32
        %mul3A_331 = arith.constant 16 : i32
        %mul3A_332 = arith.muli %add3A_330, %mul3A_331 : i32
        %get3A_333 = arith.index_cast %mul3A_332 : i32 to index
        %get3A_334 = tpu.vector_load %arg5[%get3A_333] {strides = array<i32>} : memref<32768xf32, #tpu.memory_space<vmem>>, vector<16xf32>,
        %get3A_335 = arith.index_cast %mul3A_332 : i32 to index
        %get3A_336 = tpu.vector_load %arg6[%get3A_335] {strides = array<i32>} : memref<32768xf32, #tpu.memory_space<vmem>>, vector<16xf32>,
        %gt3A_337 = arith.constant 0.000000e+00 : f32
        %gt3A_338 = vector.broadcast %gt3A_337 : f32 to vector<16xf32>
        %gt3A_339 = arith.cmpf ogt, %get3A_336, %gt3A_338 : vector<16xf32>
        %broadcast_in_dim3A_340 = arith.constant -8.50705867E+37 : f32
        %broadcast_in_dim3A_341 = vector.broadcast %broadcast_in_dim3A_340 : f32 to vector<16xf32>
        %select_n3A_342 = arith.select %gt3A_339, %get3A_334, %broadcast_in_dim3A_341 : vector<16xi1>, vector<16xf32>
        %swap3A_343 = arith.index_cast %mul3A_332 : i32 to index
        %swap3A_344 = tpu.vector_load %arg5[%swap3A_343] {strides = array<i32>} : memref<32768xf32, #tpu.memory_space<vmem>>, vector<16xf32>,
        tpu.vector_store %arg5[%swap3A_343], %select_n3A_342 {strides = array<i32>} : memref<32768xf32, #tpu.memory_space<vmem>>, vector<16xf32>,
        %max3A_345 = arith.maximumf %max3A_320, %select_n3A_342 : vector<16xf32>
        %broadcast_in_dim3A_346 = arith.constant 3.40282347E+38 : f32
        %broadcast_in_dim3A_347 = vector.broadcast %broadcast_in_dim3A_346 : f32 to vector<16xf32>
        %select_n3A_348 = arith.select %gt3A_339, %get3A_334, %broadcast_in_dim3A_347 : vector<16xi1>, vector<16xf32>
        %min3A_349 = arith.minimumf %min3A_324, %select_n3A_348 : vector<16xf32>
        %select_n3A_350 = arith.select %gt3A_339, %broadcast_in_dim3A_2, %broadcast_in_dim3A_0 : vector<16xi1>, vector<16xf32>
        %add3A_351 = arith.addf %add3A_326, %select_n3A_350 : vector<16xf32>
        %mul3A_352 = arith.constant 16 : i32
        %mul3A_353 = arith.muli %scan3A_52, %mul3A_352 : i32
        %add3A_354 = arith.constant 12 : i32
        %add3A_355 = arith.addi %mul3A_353, %add3A_354 : i32
        %mul3A_356 = arith.constant 16 : i32
        %mul3A_357 = arith.muli %add3A_355, %mul3A_356 : i32
        %get3A_358 = arith.index_cast %mul3A_357 : i32 to index
        %get3A_359 = tpu.vector_load %arg5[%get3A_358] {strides = array<i32>} : memref<32768xf32, #tpu.memory_space<vmem>>, vector<16xf32>,
        %get3A_360 = arith.index_cast %mul3A_357 : i32 to index
        %get3A_361 = tpu.vector_load %arg6[%get3A_360] {strides = array<i32>} : memref<32768xf32, #tpu.memory_space<vmem>>, vector<16xf32>,
        %gt3A_362 = arith.constant 0.000000e+00 : f32
        %gt3A_363 = vector.broadcast %gt3A_362 : f32 to vector<16xf32>
        %gt3A_364 = arith.cmpf ogt, %get3A_361, %gt3A_363 : vector<16xf32>
        %broadcast_in_dim3A_365 = arith.constant -8.50705867E+37 : f32
        %broadcast_in_dim3A_366 = vector.broadcast %broadcast_in_dim3A_365 : f32 to vector<16xf32>
        %select_n3A_367 = arith.select %gt3A_364, %get3A_359, %broadcast_in_dim3A_366 : vector<16xi1>, vector<16xf32>
        %swap3A_368 = arith.index_cast %mul3A_357 : i32 to index
        %swap3A_369 = tpu.vector_load %arg5[%swap3A_368] {strides = array<i32>} : memref<32768xf32, #tpu.memory_space<vmem>>, vector<16xf32>,
        tpu.vector_store %arg5[%swap3A_368], %select_n3A_367 {strides = array<i32>} : memref<32768xf32, #tpu.memory_space<vmem>>, vector<16xf32>,
        %max3A_370 = arith.maximumf %max3A_345, %select_n3A_367 : vector<16xf32>
        %broadcast_in_dim3A_371 = arith.constant 3.40282347E+38 : f32
        %broadcast_in_dim3A_372 = vector.broadcast %broadcast_in_dim3A_371 : f32 to vector<16xf32>
        %select_n3A_373 = arith.select %gt3A_364, %get3A_359, %broadcast_in_dim3A_372 : vector<16xi1>, vector<16xf32>
        %min3A_374 = arith.minimumf %min3A_349, %select_n3A_373 : vector<16xf32>
        %select_n3A_375 = arith.select %gt3A_364, %broadcast_in_dim3A_2, %broadcast_in_dim3A_0 : vector<16xi1>, vector<16xf32>
        %add3A_376 = arith.addf %add3A_351, %select_n3A_375 : vector<16xf32>
        %mul3A_377 = arith.constant 16 : i32
        %mul3A_378 = arith.muli %scan3A_52, %mul3A_377 : i32
        %add3A_379 = arith.constant 13 : i32
        %add3A_380 = arith.addi %mul3A_378, %add3A_379 : i32
        %mul3A_381 = arith.constant 16 : i32
        %mul3A_382 = arith.muli %add3A_380, %mul3A_381 : i32
        %get3A_383 = arith.index_cast %mul3A_382 : i32 to index
        %get3A_384 = tpu.vector_load %arg5[%get3A_383] {strides = array<i32>} : memref<32768xf32, #tpu.memory_space<vmem>>, vector<16xf32>,
        %get3A_385 = arith.index_cast %mul3A_382 : i32 to index
        %get3A_386 = tpu.vector_load %arg6[%get3A_385] {strides = array<i32>} : memref<32768xf32, #tpu.memory_space<vmem>>, vector<16xf32>,
        %gt3A_387 = arith.constant 0.000000e+00 : f32
        %gt3A_388 = vector.broadcast %gt3A_387 : f32 to vector<16xf32>
        %gt3A_389 = arith.cmpf ogt, %get3A_386, %gt3A_388 : vector<16xf32>
        %broadcast_in_dim3A_390 = arith.constant -8.50705867E+37 : f32
        %broadcast_in_dim3A_391 = vector.broadcast %broadcast_in_dim3A_390 : f32 to vector<16xf32>
        %select_n3A_392 = arith.select %gt3A_389, %get3A_384, %broadcast_in_dim3A_391 : vector<16xi1>, vector<16xf32>
        %swap3A_393 = arith.index_cast %mul3A_382 : i32 to index
        %swap3A_394 = tpu.vector_load %arg5[%swap3A_393] {strides = array<i32>} : memref<32768xf32, #tpu.memory_space<vmem>>, vector<16xf32>,
        tpu.vector_store %arg5[%swap3A_393], %select_n3A_392 {strides = array<i32>} : memref<32768xf32, #tpu.memory_space<vmem>>, vector<16xf32>,
        %max3A_395 = arith.maximumf %max3A_370, %select_n3A_392 : vector<16xf32>
        %broadcast_in_dim3A_396 = arith.constant 3.40282347E+38 : f32
        %broadcast_in_dim3A_397 = vector.broadcast %broadcast_in_dim3A_396 : f32 to vector<16xf32>
        %select_n3A_398 = arith.select %gt3A_389, %get3A_384, %broadcast_in_dim3A_397 : vector<16xi1>, vector<16xf32>
        %min3A_399 = arith.minimumf %min3A_374, %select_n3A_398 : vector<16xf32>
        %select_n3A_400 = arith.select %gt3A_389, %broadcast_in_dim3A_2, %broadcast_in_dim3A_0 : vector<16xi1>, vector<16xf32>
        %add3A_401 = arith.addf %add3A_376, %select_n3A_400 : vector<16xf32>
        %mul3A_402 = arith.constant 16 : i32
        %mul3A_403 = arith.muli %scan3A_52, %mul3A_402 : i32
        %add3A_404 = arith.constant 14 : i32
        %add3A_405 = arith.addi %mul3A_403, %add3A_404 : i32
        %mul3A_406 = arith.constant 16 : i32
        %mul3A_407 = arith.muli %add3A_405, %mul3A_406 : i32
        %get3A_408 = arith.index_cast %mul3A_407 : i32 to index
        %get3A_409 = tpu.vector_load %arg5[%get3A_408] {strides = array<i32>} : memref<32768xf32, #tpu.memory_space<vmem>>, vector<16xf32>,
        %get3A_410 = arith.index_cast %mul3A_407 : i32 to index
        %get3A_411 = tpu.vector_load %arg6[%get3A_410] {strides = array<i32>} : memref<32768xf32, #tpu.memory_space<vmem>>, vector<16xf32>,
        %gt3A_412 = arith.constant 0.000000e+00 : f32
        %gt3A_413 = vector.broadcast %gt3A_412 : f32 to vector<16xf32>
        %gt3A_414 = arith.cmpf ogt, %get3A_411, %gt3A_413 : vector<16xf32>
        %broadcast_in_dim3A_415 = arith.constant -8.50705867E+37 : f32
        %broadcast_in_dim3A_416 = vector.broadcast %broadcast_in_dim3A_415 : f32 to vector<16xf32>
        %select_n3A_417 = arith.select %gt3A_414, %get3A_409, %broadcast_in_dim3A_416 : vector<16xi1>, vector<16xf32>
        %swap3A_418 = arith.index_cast %mul3A_407 : i32 to index
        %swap3A_419 = tpu.vector_load %arg5[%swap3A_418] {strides = array<i32>} : memref<32768xf32, #tpu.memory_space<vmem>>, vector<16xf32>,
        tpu.vector_store %arg5[%swap3A_418], %select_n3A_417 {strides = array<i32>} : memref<32768xf32, #tpu.memory_space<vmem>>, vector<16xf32>,
        %max3A_420 = arith.maximumf %max3A_395, %select_n3A_417 : vector<16xf32>
        %broadcast_in_dim3A_421 = arith.constant 3.40282347E+38 : f32
        %broadcast_in_dim3A_422 = vector.broadcast %broadcast_in_dim3A_421 : f32 to vector<16xf32>
        %select_n3A_423 = arith.select %gt3A_414, %get3A_409, %broadcast_in_dim3A_422 : vector<16xi1>, vector<16xf32>
        %min3A_424 = arith.minimumf %min3A_399, %select_n3A_423 : vector<16xf32>
        %select_n3A_425 = arith.select %gt3A_414, %broadcast_in_dim3A_2, %broadcast_in_dim3A_0 : vector<16xi1>, vector<16xf32>
        %add3A_426 = arith.addf %add3A_401, %select_n3A_425 : vector<16xf32>
        %mul3A_427 = arith.constant 16 : i32
        %mul3A_428 = arith.muli %scan3A_52, %mul3A_427 : i32
        %add3A_429 = arith.constant 15 : i32
        %add3A_430 = arith.addi %mul3A_428, %add3A_429 : i32
        %mul3A_431 = arith.constant 16 : i32
        %mul3A_432 = arith.muli %add3A_430, %mul3A_431 : i32
        %get3A_433 = arith.index_cast %mul3A_432 : i32 to index
        %get3A_434 = tpu.vector_load %arg5[%get3A_433] {strides = array<i32>} : memref<32768xf32, #tpu.memory_space<vmem>>, vector<16xf32>,
        %get3A_435 = arith.index_cast %mul3A_432 : i32 to index
        %get3A_436 = tpu.vector_load %arg6[%get3A_435] {strides = array<i32>} : memref<32768xf32, #tpu.memory_space<vmem>>, vector<16xf32>,
        %gt3A_437 = arith.constant 0.000000e+00 : f32
        %gt3A_438 = vector.broadcast %gt3A_437 : f32 to vector<16xf32>
        %gt3A_439 = arith.cmpf ogt, %get3A_436, %gt3A_438 : vector<16xf32>
        %broadcast_in_dim3A_440 = arith.constant -8.50705867E+37 : f32
        %broadcast_in_dim3A_441 = vector.broadcast %broadcast_in_dim3A_440 : f32 to vector<16xf32>
        %select_n3A_442 = arith.select %gt3A_439, %get3A_434, %broadcast_in_dim3A_441 : vector<16xi1>, vector<16xf32>
        %swap3A_443 = arith.index_cast %mul3A_432 : i32 to index
        %swap3A_444 = tpu.vector_load %arg5[%swap3A_443] {strides = array<i32>} : memref<32768xf32, #tpu.memory_space<vmem>>, vector<16xf32>,
        tpu.vector_store %arg5[%swap3A_443], %select_n3A_442 {strides = array<i32>} : memref<32768xf32, #tpu.memory_space<vmem>>, vector<16xf32>,
        %max3A_445 = arith.maximumf %max3A_420, %select_n3A_442 : vector<16xf32>
        %broadcast_in_dim3A_446 = arith.constant 3.40282347E+38 : f32
        %broadcast_in_dim3A_447 = vector.broadcast %broadcast_in_dim3A_446 : f32 to vector<16xf32>
        %select_n3A_448 = arith.select %gt3A_439, %get3A_434, %broadcast_in_dim3A_447 : vector<16xi1>, vector<16xf32>
        %min3A_449 = arith.minimumf %min3A_424, %select_n3A_448 : vector<16xf32>
        %select_n3A_450 = arith.select %gt3A_439, %broadcast_in_dim3A_2, %broadcast_in_dim3A_0 : vector<16xi1>, vector<16xf32>
        %add3A_451 = arith.addf %add3A_426, %select_n3A_450 : vector<16xf32>
        %mul3A_452 = arith.constant 16 : i32
        %mul3A_453 = arith.muli %scan3A_52, %mul3A_452 : i32
        %swap3A_454 = arith.index_cast %mul3A_453 : i32 to index
        %swap3A_455 = tpu.vector_load %arg9[%swap3A_454] {strides = array<i32>} : memref<2048xf32, #tpu.memory_space<vmem>>, vector<16xf32>,
        tpu.vector_store %arg9[%swap3A_454], %max3A_445 {strides = array<i32>} : memref<2048xf32, #tpu.memory_space<vmem>>, vector<16xf32>,
        %max3A_456 = arith.maximumf %scan3A_53, %max3A_445 : vector<16xf32>
        scf.yield %max3A_456, %min3A_449, %add3A_451 : vector<16xf32>, vector<16xf32>, vector<16xf32>
      }
      %scan3A_18 = arith.constant 128 : i32
      %reduce_max3A = arith.constant true
      %reduce_max3A_19 = vector.broadcast %reduce_max3A : i1 to vector<16xi1>
      %reduce_max3A_20 = tpu.scan <max>, %scan3A_17#0 masked %reduce_max3A_19 : vector<16xf32>, vector<16xi1> -> vector<16xf32>
      %reduce_max3A_21 = vector.extract %reduce_max3A_20[15] : f32 from vector<16xf32>
      %broadcast_in_dim3A_22 = vector.broadcast %reduce_max3A_21 : f32 to vector<16xf32>
      %reduce_min3A = arith.constant true
      %reduce_min3A_23 = vector.broadcast %reduce_min3A : i1 to vector<16xi1>
      %reduce_min3A_24 = tpu.scan <min>, %scan3A_17#1 masked %reduce_min3A_23 : vector<16xf32>, vector<16xi1> -> vector<16xf32>
      %reduce_min3A_25 = vector.extract %reduce_min3A_24[15] : f32 from vector<16xf32>
      %broadcast_in_dim3A_26 = vector.broadcast %reduce_min3A_25 : f32 to vector<16xf32>
      %reduce_sum3A = arith.constant true
      %reduce_sum3A_27 = vector.broadcast %reduce_sum3A : i1 to vector<16xi1>
      %reduce_sum3A_28 = tpu.scan <sum>, %scan3A_17#2 masked %reduce_sum3A_27 : vector<16xf32>, vector<16xi1> -> vector<16xf32>
      %reduce_sum3A_29 = vector.extract %reduce_sum3A_28[15] : f32 from vector<16xf32>
      %broadcast_in_dim3A_30 = vector.broadcast %reduce_sum3A_29 : f32 to vector<16xf32>
      %le3A = arith.constant 1.637900e+04 : f32
      %le3A_31 = vector.broadcast %le3A : f32 to vector<16xf32>
      %le3A_32 = arith.cmpf ole, %broadcast_in_dim3A_30, %le3A_31 : vector<16xf32>
      %reduce_and3A = arith.constant 1.000000e+00 : f32
      %reduce_and3A_33 = arith.constant 0.000000e+00 : f32
      %reduce_and3A_34 = vector.broadcast %reduce_and3A : f32 to vector<16xf32>
      %reduce_and3A_35 = vector.broadcast %reduce_and3A_33 : f32 to vector<16xf32>
      %reduce_and3A_36 = arith.select %le3A_32, %reduce_and3A_34, %reduce_and3A_35 : vector<16xi1>, vector<16xf32>
      %reduce_and3A_37 = arith.constant true
      %reduce_and3A_38 = vector.broadcast %reduce_and3A_37 : i1 to vector<16xi1>
      %reduce_and3A_39 = tpu.scan <min>, %reduce_and3A_36 masked %reduce_and3A_38 : vector<16xf32>, vector<16xi1> -> vector<16xf32>
      %reduce_and3A_40 = vector.extract %reduce_and3A_39[15] : f32 from vector<16xf32>
      %reduce_and3A_41 = arith.constant 0.000000e+00 : f32
      %reduce_and3A_42 = arith.cmpf ogt, %reduce_and3A_40, %reduce_and3A_41 : f32
      %convert_element_type3A_43 = arith.extui %reduce_and3A_42 : i1 to i32
      %cond3A_44 = arith.constant 0 : i32
      %cond3A_45 = arith.constant 0 : i32
      %cond3A_46 = arith.cmpi ne, %convert_element_type3A_43, %cond3A_45 : i32
      %cond3A_47 = scf.if %cond3A_46 -> (i32) {
        %broadcast_in_dim3A_52 = arith.constant 0x7FC00000 : f32
        %broadcast_in_dim3A_53 = vector.broadcast %broadcast_in_dim3A_52 : f32 to vector<16xf32>
        %scan3A_54 = arith.constant 0 : i32
        %scan3A_55 = arith.constant 0 : i32
        %scan3A_56 = arith.constant 128 : i32
        %scan3A_57 = arith.addi %scan3A_55, %scan3A_56 : i32
        %scan3A_58 = arith.constant 1 : i32
        %scan3A_59 = scf.for %scan3A_62 = %scan3A_55 to %scan3A_57 step %scan3A_58 iter_args(%scan3A_63 = %scan3A_54) -> (i32)  : i32 {
          %mul3A_64 = arith.constant 16 : i32
          %mul3A_65 = arith.muli %scan3A_62, %mul3A_64 : i32
          %add3A_66 = arith.constant 0 : i32
          %add3A_67 = arith.addi %mul3A_65, %add3A_66 : i32
          %mul3A_68 = arith.constant 16 : i32
          %mul3A_69 = arith.muli %add3A_67, %mul3A_68 : i32
          %swap3A = arith.index_cast %mul3A_69 : i32 to index
          %swap3A_70 = tpu.vector_load %arg5[%swap3A] {strides = array<i32>} : memref<32768xf32, #tpu.memory_space<vmem>>, vector<16xf32>,
          tpu.vector_store %arg5[%swap3A], %broadcast_in_dim3A_53 {strides = array<i32>} : memref<32768xf32, #tpu.memory_space<vmem>>, vector<16xf32>,
          %mul3A_71 = arith.constant 16 : i32
          %mul3A_72 = arith.muli %scan3A_62, %mul3A_71 : i32
          %add3A_73 = arith.constant 1 : i32
          %add3A_74 = arith.addi %mul3A_72, %add3A_73 : i32
          %mul3A_75 = arith.constant 16 : i32
          %mul3A_76 = arith.muli %add3A_74, %mul3A_75 : i32
          %swap3A_77 = arith.index_cast %mul3A_76 : i32 to index
          %swap3A_78 = tpu.vector_load %arg5[%swap3A_77] {strides = array<i32>} : memref<32768xf32, #tpu.memory_space<vmem>>, vector<16xf32>,
          tpu.vector_store %arg5[%swap3A_77], %broadcast_in_dim3A_53 {strides = array<i32>} : memref<32768xf32, #tpu.memory_space<vmem>>, vector<16xf32>,
          %mul3A_79 = arith.constant 16 : i32
          %mul3A_80 = arith.muli %scan3A_62, %mul3A_79 : i32
          %add3A_81 = arith.constant 2 : i32
          %add3A_82 = arith.addi %mul3A_80, %add3A_81 : i32
          %mul3A_83 = arith.constant 16 : i32
          %mul3A_84 = arith.muli %add3A_82, %mul3A_83 : i32
          %swap3A_85 = arith.index_cast %mul3A_84 : i32 to index
          %swap3A_86 = tpu.vector_load %arg5[%swap3A_85] {strides = array<i32>} : memref<32768xf32, #tpu.memory_space<vmem>>, vector<16xf32>,
          tpu.vector_store %arg5[%swap3A_85], %broadcast_in_dim3A_53 {strides = array<i32>} : memref<32768xf32, #tpu.memory_space<vmem>>, vector<16xf32>,
          %mul3A_87 = arith.constant 16 : i32
          %mul3A_88 = arith.muli %scan3A_62, %mul3A_87 : i32
          %add3A_89 = arith.constant 3 : i32
          %add3A_90 = arith.addi %mul3A_88, %add3A_89 : i32
          %mul3A_91 = arith.constant 16 : i32
          %mul3A_92 = arith.muli %add3A_90, %mul3A_91 : i32
          %swap3A_93 = arith.index_cast %mul3A_92 : i32 to index
          %swap3A_94 = tpu.vector_load %arg5[%swap3A_93] {strides = array<i32>} : memref<32768xf32, #tpu.memory_space<vmem>>, vector<16xf32>,
          tpu.vector_store %arg5[%swap3A_93], %broadcast_in_dim3A_53 {strides = array<i32>} : memref<32768xf32, #tpu.memory_space<vmem>>, vector<16xf32>,
          %mul3A_95 = arith.constant 16 : i32
          %mul3A_96 = arith.muli %scan3A_62, %mul3A_95 : i32
          %add3A_97 = arith.constant 4 : i32
          %add3A_98 = arith.addi %mul3A_96, %add3A_97 : i32
          %mul3A_99 = arith.constant 16 : i32
          %mul3A_100 = arith.muli %add3A_98, %mul3A_99 : i32
          %swap3A_101 = arith.index_cast %mul3A_100 : i32 to index
          %swap3A_102 = tpu.vector_load %arg5[%swap3A_101] {strides = array<i32>} : memref<32768xf32, #tpu.memory_space<vmem>>, vector<16xf32>,
          tpu.vector_store %arg5[%swap3A_101], %broadcast_in_dim3A_53 {strides = array<i32>} : memref<32768xf32, #tpu.memory_space<vmem>>, vector<16xf32>,
          %mul3A_103 = arith.constant 16 : i32
          %mul3A_104 = arith.muli %scan3A_62, %mul3A_103 : i32
          %add3A_105 = arith.constant 5 : i32
          %add3A_106 = arith.addi %mul3A_104, %add3A_105 : i32
          %mul3A_107 = arith.constant 16 : i32
          %mul3A_108 = arith.muli %add3A_106, %mul3A_107 : i32
          %swap3A_109 = arith.index_cast %mul3A_108 : i32 to index
          %swap3A_110 = tpu.vector_load %arg5[%swap3A_109] {strides = array<i32>} : memref<32768xf32, #tpu.memory_space<vmem>>, vector<16xf32>,
          tpu.vector_store %arg5[%swap3A_109], %broadcast_in_dim3A_53 {strides = array<i32>} : memref<32768xf32, #tpu.memory_space<vmem>>, vector<16xf32>,
          %mul3A_111 = arith.constant 16 : i32
          %mul3A_112 = arith.muli %scan3A_62, %mul3A_111 : i32
          %add3A_113 = arith.constant 6 : i32
          %add3A_114 = arith.addi %mul3A_112, %add3A_113 : i32
          %mul3A_115 = arith.constant 16 : i32
          %mul3A_116 = arith.muli %add3A_114, %mul3A_115 : i32
          %swap3A_117 = arith.index_cast %mul3A_116 : i32 to index
          %swap3A_118 = tpu.vector_load %arg5[%swap3A_117] {strides = array<i32>} : memref<32768xf32, #tpu.memory_space<vmem>>, vector<16xf32>,
          tpu.vector_store %arg5[%swap3A_117], %broadcast_in_dim3A_53 {strides = array<i32>} : memref<32768xf32, #tpu.memory_space<vmem>>, vector<16xf32>,
          %mul3A_119 = arith.constant 16 : i32
          %mul3A_120 = arith.muli %scan3A_62, %mul3A_119 : i32
          %add3A_121 = arith.constant 7 : i32
          %add3A_122 = arith.addi %mul3A_120, %add3A_121 : i32
          %mul3A_123 = arith.constant 16 : i32
          %mul3A_124 = arith.muli %add3A_122, %mul3A_123 : i32
          %swap3A_125 = arith.index_cast %mul3A_124 : i32 to index
          %swap3A_126 = tpu.vector_load %arg5[%swap3A_125] {strides = array<i32>} : memref<32768xf32, #tpu.memory_space<vmem>>, vector<16xf32>,
          tpu.vector_store %arg5[%swap3A_125], %broadcast_in_dim3A_53 {strides = array<i32>} : memref<32768xf32, #tpu.memory_space<vmem>>, vector<16xf32>,
          %mul3A_127 = arith.constant 16 : i32
          %mul3A_128 = arith.muli %scan3A_62, %mul3A_127 : i32
          %add3A_129 = arith.constant 8 : i32
          %add3A_130 = arith.addi %mul3A_128, %add3A_129 : i32
          %mul3A_131 = arith.constant 16 : i32
          %mul3A_132 = arith.muli %add3A_130, %mul3A_131 : i32
          %swap3A_133 = arith.index_cast %mul3A_132 : i32 to index
          %swap3A_134 = tpu.vector_load %arg5[%swap3A_133] {strides = array<i32>} : memref<32768xf32, #tpu.memory_space<vmem>>, vector<16xf32>,
          tpu.vector_store %arg5[%swap3A_133], %broadcast_in_dim3A_53 {strides = array<i32>} : memref<32768xf32, #tpu.memory_space<vmem>>, vector<16xf32>,
          %mul3A_135 = arith.constant 16 : i32
          %mul3A_136 = arith.muli %scan3A_62, %mul3A_135 : i32
          %add3A_137 = arith.constant 9 : i32
          %add3A_138 = arith.addi %mul3A_136, %add3A_137 : i32
          %mul3A_139 = arith.constant 16 : i32
          %mul3A_140 = arith.muli %add3A_138, %mul3A_139 : i32
          %swap3A_141 = arith.index_cast %mul3A_140 : i32 to index
          %swap3A_142 = tpu.vector_load %arg5[%swap3A_141] {strides = array<i32>} : memref<32768xf32, #tpu.memory_space<vmem>>, vector<16xf32>,
          tpu.vector_store %arg5[%swap3A_141], %broadcast_in_dim3A_53 {strides = array<i32>} : memref<32768xf32, #tpu.memory_space<vmem>>, vector<16xf32>,
          %mul3A_143 = arith.constant 16 : i32
          %mul3A_144 = arith.muli %scan3A_62, %mul3A_143 : i32
          %add3A_145 = arith.constant 10 : i32
          %add3A_146 = arith.addi %mul3A_144, %add3A_145 : i32
          %mul3A_147 = arith.constant 16 : i32
          %mul3A_148 = arith.muli %add3A_146, %mul3A_147 : i32
          %swap3A_149 = arith.index_cast %mul3A_148 : i32 to index
          %swap3A_150 = tpu.vector_load %arg5[%swap3A_149] {strides = array<i32>} : memref<32768xf32, #tpu.memory_space<vmem>>, vector<16xf32>,
          tpu.vector_store %arg5[%swap3A_149], %broadcast_in_dim3A_53 {strides = array<i32>} : memref<32768xf32, #tpu.memory_space<vmem>>, vector<16xf32>,
          %mul3A_151 = arith.constant 16 : i32
          %mul3A_152 = arith.muli %scan3A_62, %mul3A_151 : i32
          %add3A_153 = arith.constant 11 : i32
          %add3A_154 = arith.addi %mul3A_152, %add3A_153 : i32
          %mul3A_155 = arith.constant 16 : i32
          %mul3A_156 = arith.muli %add3A_154, %mul3A_155 : i32
          %swap3A_157 = arith.index_cast %mul3A_156 : i32 to index
          %swap3A_158 = tpu.vector_load %arg5[%swap3A_157] {strides = array<i32>} : memref<32768xf32, #tpu.memory_space<vmem>>, vector<16xf32>,
          tpu.vector_store %arg5[%swap3A_157], %broadcast_in_dim3A_53 {strides = array<i32>} : memref<32768xf32, #tpu.memory_space<vmem>>, vector<16xf32>,
          %mul3A_159 = arith.constant 16 : i32
          %mul3A_160 = arith.muli %scan3A_62, %mul3A_159 : i32
          %add3A_161 = arith.constant 12 : i32
          %add3A_162 = arith.addi %mul3A_160, %add3A_161 : i32
          %mul3A_163 = arith.constant 16 : i32
          %mul3A_164 = arith.muli %add3A_162, %mul3A_163 : i32
          %swap3A_165 = arith.index_cast %mul3A_164 : i32 to index
          %swap3A_166 = tpu.vector_load %arg5[%swap3A_165] {strides = array<i32>} : memref<32768xf32, #tpu.memory_space<vmem>>, vector<16xf32>,
          tpu.vector_store %arg5[%swap3A_165], %broadcast_in_dim3A_53 {strides = array<i32>} : memref<32768xf32, #tpu.memory_space<vmem>>, vector<16xf32>,
          %mul3A_167 = arith.constant 16 : i32
          %mul3A_168 = arith.muli %scan3A_62, %mul3A_167 : i32
          %add3A_169 = arith.constant 13 : i32
          %add3A_170 = arith.addi %mul3A_168, %add3A_169 : i32
          %mul3A_171 = arith.constant 16 : i32
          %mul3A_172 = arith.muli %add3A_170, %mul3A_171 : i32
          %swap3A_173 = arith.index_cast %mul3A_172 : i32 to index
          %swap3A_174 = tpu.vector_load %arg5[%swap3A_173] {strides = array<i32>} : memref<32768xf32, #tpu.memory_space<vmem>>, vector<16xf32>,
          tpu.vector_store %arg5[%swap3A_173], %broadcast_in_dim3A_53 {strides = array<i32>} : memref<32768xf32, #tpu.memory_space<vmem>>, vector<16xf32>,
          %mul3A_175 = arith.constant 16 : i32
          %mul3A_176 = arith.muli %scan3A_62, %mul3A_175 : i32
          %add3A_177 = arith.constant 14 : i32
          %add3A_178 = arith.addi %mul3A_176, %add3A_177 : i32
          %mul3A_179 = arith.constant 16 : i32
          %mul3A_180 = arith.muli %add3A_178, %mul3A_179 : i32
          %swap3A_181 = arith.index_cast %mul3A_180 : i32 to index
          %swap3A_182 = tpu.vector_load %arg5[%swap3A_181] {strides = array<i32>} : memref<32768xf32, #tpu.memory_space<vmem>>, vector<16xf32>,
          tpu.vector_store %arg5[%swap3A_181], %broadcast_in_dim3A_53 {strides = array<i32>} : memref<32768xf32, #tpu.memory_space<vmem>>, vector<16xf32>,
          %mul3A_183 = arith.constant 16 : i32
          %mul3A_184 = arith.muli %scan3A_62, %mul3A_183 : i32
          %add3A_185 = arith.constant 15 : i32
          %add3A_186 = arith.addi %mul3A_184, %add3A_185 : i32
          %mul3A_187 = arith.constant 16 : i32
          %mul3A_188 = arith.muli %add3A_186, %mul3A_187 : i32
          %swap3A_189 = arith.index_cast %mul3A_188 : i32 to index
          %swap3A_190 = tpu.vector_load %arg5[%swap3A_189] {strides = array<i32>} : memref<32768xf32, #tpu.memory_space<vmem>>, vector<16xf32>,
          tpu.vector_store %arg5[%swap3A_189], %broadcast_in_dim3A_53 {strides = array<i32>} : memref<32768xf32, #tpu.memory_space<vmem>>, vector<16xf32>,
          %scan3A_191 = arith.constant 0 : i32
          scf.yield %scan3A_191 : i32
        }
        %scan3A_60 = arith.constant 128 : i32
        %cond3A_61 = arith.constant 0 : i32
        scf.yield %cond3A_61 : i32
      } else {
        %sub3A = arith.constant 1.000000e+00 : f32
        %sub3A_52 = vector.broadcast %sub3A : f32 to vector<16xf32>
        %sub3A_53 = arith.subf %broadcast_in_dim3A_22, %sub3A_52 : vector<16xf32>
        %scan3A_54 = arith.constant 0 : i32
        %scan3A_55 = arith.constant 0 : i32
        %scan3A_56 = arith.constant 128 : i32
        %scan3A_57 = arith.addi %scan3A_55, %scan3A_56 : i32
        %scan3A_58 = arith.constant 1 : i32
        %scan3A_59 = scf.for %scan3A_169 = %scan3A_55 to %scan3A_57 step %scan3A_58 iter_args(%scan3A_170 = %scan3A_54) -> (i32)  : i32 {
          %mul3A_171 = arith.constant 16 : i32
          %mul3A_172 = arith.muli %scan3A_169, %mul3A_171 : i32
          %get3A = arith.index_cast %mul3A_172 : i32 to index
          %get3A_173 = tpu.vector_load %arg9[%get3A] {strides = array<i32>} : memref<2048xf32, #tpu.memory_space<vmem>>, vector<16xf32>,
          %gt3A = arith.cmpf ogt, %get3A_173, %sub3A_53 : vector<16xf32>
          %reduce_or3A = arith.constant 1.000000e+00 : f32
          %reduce_or3A_174 = arith.constant 0.000000e+00 : f32
          %reduce_or3A_175 = vector.broadcast %reduce_or3A : f32 to vector<16xf32>
          %reduce_or3A_176 = vector.broadcast %reduce_or3A_174 : f32 to vector<16xf32>
          %reduce_or3A_177 = arith.select %gt3A, %reduce_or3A_175, %reduce_or3A_176 : vector<16xi1>, vector<16xf32>
          %reduce_or3A_178 = arith.constant true
          %reduce_or3A_179 = vector.broadcast %reduce_or3A_178 : i1 to vector<16xi1>
          %reduce_or3A_180 = tpu.scan <max>, %reduce_or3A_177 masked %reduce_or3A_179 : vector<16xf32>, vector<16xi1> -> vector<16xf32>
          %reduce_or3A_181 = vector.extract %reduce_or3A_180[15] : f32 from vector<16xf32>
          %reduce_or3A_182 = arith.constant 0.000000e+00 : f32
          %reduce_or3A_183 = arith.cmpf ogt, %reduce_or3A_181, %reduce_or3A_182 : f32
          %convert_element_type3A_184 = arith.extui %reduce_or3A_183 : i1 to i32
          %cond3A_185 = arith.constant 0 : i32
          %cond3A_186 = arith.cmpi ne, %convert_element_type3A_184, %cond3A_185 : i32
          %cond3A_187 = scf.if %cond3A_186 -> (i32) {
            %mul3A_188 = arith.constant 16 : i32
            %mul3A_189 = arith.muli %scan3A_169, %mul3A_188 : i32
            %add3A_190 = arith.constant 0 : i32
            %add3A_191 = arith.addi %mul3A_189, %add3A_190 : i32
            %mul3A_192 = arith.constant 16 : i32
            %mul3A_193 = arith.muli %add3A_191, %mul3A_192 : i32
            %get3A_194 = arith.index_cast %mul3A_193 : i32 to index
            %get3A_195 = tpu.vector_load %arg5[%get3A_194] {strides = array<i32>} : memref<32768xf32, #tpu.memory_space<vmem>>, vector<16xf32>,
            %gt3A_196 = arith.cmpf ogt, %get3A_195, %sub3A_53 : vector<16xf32>
            %broadcast_in_dim3A_197 = arith.constant 1 : i32
            %broadcast_in_dim3A_198 = vector.broadcast %broadcast_in_dim3A_197 : i32 to vector<16xi32>
            %broadcast_in_dim3A_199 = arith.constant 0 : i32
            %broadcast_in_dim3A_200 = vector.broadcast %broadcast_in_dim3A_199 : i32 to vector<16xi32>
            %select_n3A_201 = arith.select %gt3A_196, %broadcast_in_dim3A_198, %broadcast_in_dim3A_200 : vector<16xi1>, vector<16xi32>
            %broadcast_in_dim3A_202 = arith.constant true
            %broadcast_in_dim3A_203 = vector.broadcast %broadcast_in_dim3A_202 : i1 to vector<16xi1>
            %masked_cumsum3A = tpu.scan <sum>, %select_n3A_201 masked %broadcast_in_dim3A_203 : vector<16xi32>, vector<16xi1> -> vector<16xi32>
            %sub3A_204 = arith.constant 1 : i32
            %sub3A_205 = arith.subi %scan3A_170, %sub3A_204 : i32
            %add3A_206 = vector.broadcast %sub3A_205 : i32 to vector<16xi32>
            %add3A_207 = arith.addi %masked_cumsum3A, %add3A_206 : vector<16xi32>
            tpu.vector_store_idx %arg6[%add3A_207], %get3A_195 masked %gt3A_196 : memref<32768xf32, #tpu.memory_space<vmem>>[vector<16xi32>], vector<16xf32>, vector<16xi1>
            %reduce_sum3A_208 = arith.constant true
            %reduce_sum3A_209 = vector.broadcast %reduce_sum3A_208 : i1 to vector<16xi1>
            %reduce_sum3A_210 = tpu.scan <sum>, %select_n3A_201 masked %reduce_sum3A_209 : vector<16xi32>, vector<16xi1> -> vector<16xi32>
            %reduce_sum3A_211 = vector.extract %reduce_sum3A_210[15] : i32 from vector<16xi32>
            %add3A_212 = arith.addi %scan3A_170, %reduce_sum3A_211 : i32
            %mul3A_213 = arith.constant 16 : i32
            %mul3A_214 = arith.muli %scan3A_169, %mul3A_213 : i32
            %add3A_215 = arith.constant 1 : i32
            %add3A_216 = arith.addi %mul3A_214, %add3A_215 : i32
            %mul3A_217 = arith.constant 16 : i32
            %mul3A_218 = arith.muli %add3A_216, %mul3A_217 : i32
            %get3A_219 = arith.index_cast %mul3A_218 : i32 to index
            %get3A_220 = tpu.vector_load %arg5[%get3A_219] {strides = array<i32>} : memref<32768xf32, #tpu.memory_space<vmem>>, vector<16xf32>,
            %gt3A_221 = arith.cmpf ogt, %get3A_220, %sub3A_53 : vector<16xf32>
            %broadcast_in_dim3A_222 = arith.constant 1 : i32
            %broadcast_in_dim3A_223 = vector.broadcast %broadcast_in_dim3A_222 : i32 to vector<16xi32>
            %broadcast_in_dim3A_224 = arith.constant 0 : i32
            %broadcast_in_dim3A_225 = vector.broadcast %broadcast_in_dim3A_224 : i32 to vector<16xi32>
            %select_n3A_226 = arith.select %gt3A_221, %broadcast_in_dim3A_223, %broadcast_in_dim3A_225 : vector<16xi1>, vector<16xi32>
            %broadcast_in_dim3A_227 = arith.constant true
            %broadcast_in_dim3A_228 = vector.broadcast %broadcast_in_dim3A_227 : i1 to vector<16xi1>
            %masked_cumsum3A_229 = tpu.scan <sum>, %select_n3A_226 masked %broadcast_in_dim3A_228 : vector<16xi32>, vector<16xi1> -> vector<16xi32>
            %sub3A_230 = arith.constant 1 : i32
            %sub3A_231 = arith.subi %add3A_212, %sub3A_230 : i32
            %add3A_232 = vector.broadcast %sub3A_231 : i32 to vector<16xi32>
            %add3A_233 = arith.addi %masked_cumsum3A_229, %add3A_232 : vector<16xi32>
            tpu.vector_store_idx %arg6[%add3A_233], %get3A_220 masked %gt3A_221 : memref<32768xf32, #tpu.memory_space<vmem>>[vector<16xi32>], vector<16xf32>, vector<16xi1>
            %reduce_sum3A_234 = arith.constant true
            %reduce_sum3A_235 = vector.broadcast %reduce_sum3A_234 : i1 to vector<16xi1>
            %reduce_sum3A_236 = tpu.scan <sum>, %select_n3A_226 masked %reduce_sum3A_235 : vector<16xi32>, vector<16xi1> -> vector<16xi32>
            %reduce_sum3A_237 = vector.extract %reduce_sum3A_236[15] : i32 from vector<16xi32>
            %add3A_238 = arith.addi %add3A_212, %reduce_sum3A_237 : i32
            %mul3A_239 = arith.constant 16 : i32
            %mul3A_240 = arith.muli %scan3A_169, %mul3A_239 : i32
            %add3A_241 = arith.constant 2 : i32
            %add3A_242 = arith.addi %mul3A_240, %add3A_241 : i32
            %mul3A_243 = arith.constant 16 : i32
            %mul3A_244 = arith.muli %add3A_242, %mul3A_243 : i32
            %get3A_245 = arith.index_cast %mul3A_244 : i32 to index
            %get3A_246 = tpu.vector_load %arg5[%get3A_245] {strides = array<i32>} : memref<32768xf32, #tpu.memory_space<vmem>>, vector<16xf32>,
            %gt3A_247 = arith.cmpf ogt, %get3A_246, %sub3A_53 : vector<16xf32>
            %broadcast_in_dim3A_248 = arith.constant 1 : i32
            %broadcast_in_dim3A_249 = vector.broadcast %broadcast_in_dim3A_248 : i32 to vector<16xi32>
            %broadcast_in_dim3A_250 = arith.constant 0 : i32
            %broadcast_in_dim3A_251 = vector.broadcast %broadcast_in_dim3A_250 : i32 to vector<16xi32>
            %select_n3A_252 = arith.select %gt3A_247, %broadcast_in_dim3A_249, %broadcast_in_dim3A_251 : vector<16xi1>, vector<16xi32>
            %broadcast_in_dim3A_253 = arith.constant true
            %broadcast_in_dim3A_254 = vector.broadcast %broadcast_in_dim3A_253 : i1 to vector<16xi1>
            %masked_cumsum3A_255 = tpu.scan <sum>, %select_n3A_252 masked %broadcast_in_dim3A_254 : vector<16xi32>, vector<16xi1> -> vector<16xi32>
            %sub3A_256 = arith.constant 1 : i32
            %sub3A_257 = arith.subi %add3A_238, %sub3A_256 : i32
            %add3A_258 = vector.broadcast %sub3A_257 : i32 to vector<16xi32>
            %add3A_259 = arith.addi %masked_cumsum3A_255, %add3A_258 : vector<16xi32>
            tpu.vector_store_idx %arg6[%add3A_259], %get3A_246 masked %gt3A_247 : memref<32768xf32, #tpu.memory_space<vmem>>[vector<16xi32>], vector<16xf32>, vector<16xi1>
            %reduce_sum3A_260 = arith.constant true
            %reduce_sum3A_261 = vector.broadcast %reduce_sum3A_260 : i1 to vector<16xi1>
            %reduce_sum3A_262 = tpu.scan <sum>, %select_n3A_252 masked %reduce_sum3A_261 : vector<16xi32>, vector<16xi1> -> vector<16xi32>
            %reduce_sum3A_263 = vector.extract %reduce_sum3A_262[15] : i32 from vector<16xi32>
            %add3A_264 = arith.addi %add3A_238, %reduce_sum3A_263 : i32
            %mul3A_265 = arith.constant 16 : i32
            %mul3A_266 = arith.muli %scan3A_169, %mul3A_265 : i32
            %add3A_267 = arith.constant 3 : i32
            %add3A_268 = arith.addi %mul3A_266, %add3A_267 : i32
            %mul3A_269 = arith.constant 16 : i32
            %mul3A_270 = arith.muli %add3A_268, %mul3A_269 : i32
            %get3A_271 = arith.index_cast %mul3A_270 : i32 to index
            %get3A_272 = tpu.vector_load %arg5[%get3A_271] {strides = array<i32>} : memref<32768xf32, #tpu.memory_space<vmem>>, vector<16xf32>,
            %gt3A_273 = arith.cmpf ogt, %get3A_272, %sub3A_53 : vector<16xf32>
            %broadcast_in_dim3A_274 = arith.constant 1 : i32
            %broadcast_in_dim3A_275 = vector.broadcast %broadcast_in_dim3A_274 : i32 to vector<16xi32>
            %broadcast_in_dim3A_276 = arith.constant 0 : i32
            %broadcast_in_dim3A_277 = vector.broadcast %broadcast_in_dim3A_276 : i32 to vector<16xi32>
            %select_n3A_278 = arith.select %gt3A_273, %broadcast_in_dim3A_275, %broadcast_in_dim3A_277 : vector<16xi1>, vector<16xi32>
            %broadcast_in_dim3A_279 = arith.constant true
            %broadcast_in_dim3A_280 = vector.broadcast %broadcast_in_dim3A_279 : i1 to vector<16xi1>
            %masked_cumsum3A_281 = tpu.scan <sum>, %select_n3A_278 masked %broadcast_in_dim3A_280 : vector<16xi32>, vector<16xi1> -> vector<16xi32>
            %sub3A_282 = arith.constant 1 : i32
            %sub3A_283 = arith.subi %add3A_264, %sub3A_282 : i32
            %add3A_284 = vector.broadcast %sub3A_283 : i32 to vector<16xi32>
            %add3A_285 = arith.addi %masked_cumsum3A_281, %add3A_284 : vector<16xi32>
            tpu.vector_store_idx %arg6[%add3A_285], %get3A_272 masked %gt3A_273 : memref<32768xf32, #tpu.memory_space<vmem>>[vector<16xi32>], vector<16xf32>, vector<16xi1>
            %reduce_sum3A_286 = arith.constant true
            %reduce_sum3A_287 = vector.broadcast %reduce_sum3A_286 : i1 to vector<16xi1>
            %reduce_sum3A_288 = tpu.scan <sum>, %select_n3A_278 masked %reduce_sum3A_287 : vector<16xi32>, vector<16xi1> -> vector<16xi32>
            %reduce_sum3A_289 = vector.extract %reduce_sum3A_288[15] : i32 from vector<16xi32>
            %add3A_290 = arith.addi %add3A_264, %reduce_sum3A_289 : i32
            %mul3A_291 = arith.constant 16 : i32
            %mul3A_292 = arith.muli %scan3A_169, %mul3A_291 : i32
            %add3A_293 = arith.constant 4 : i32
            %add3A_294 = arith.addi %mul3A_292, %add3A_293 : i32
            %mul3A_295 = arith.constant 16 : i32
            %mul3A_296 = arith.muli %add3A_294, %mul3A_295 : i32
            %get3A_297 = arith.index_cast %mul3A_296 : i32 to index
            %get3A_298 = tpu.vector_load %arg5[%get3A_297] {strides = array<i32>} : memref<32768xf32, #tpu.memory_space<vmem>>, vector<16xf32>,
            %gt3A_299 = arith.cmpf ogt, %get3A_298, %sub3A_53 : vector<16xf32>
            %broadcast_in_dim3A_300 = arith.constant 1 : i32
            %broadcast_in_dim3A_301 = vector.broadcast %broadcast_in_dim3A_300 : i32 to vector<16xi32>
            %broadcast_in_dim3A_302 = arith.constant 0 : i32
            %broadcast_in_dim3A_303 = vector.broadcast %broadcast_in_dim3A_302 : i32 to vector<16xi32>
            %select_n3A_304 = arith.select %gt3A_299, %broadcast_in_dim3A_301, %broadcast_in_dim3A_303 : vector<16xi1>, vector<16xi32>
            %broadcast_in_dim3A_305 = arith.constant true
            %broadcast_in_dim3A_306 = vector.broadcast %broadcast_in_dim3A_305 : i1 to vector<16xi1>
            %masked_cumsum3A_307 = tpu.scan <sum>, %select_n3A_304 masked %broadcast_in_dim3A_306 : vector<16xi32>, vector<16xi1> -> vector<16xi32>
            %sub3A_308 = arith.constant 1 : i32
            %sub3A_309 = arith.subi %add3A_290, %sub3A_308 : i32
            %add3A_310 = vector.broadcast %sub3A_309 : i32 to vector<16xi32>
            %add3A_311 = arith.addi %masked_cumsum3A_307, %add3A_310 : vector<16xi32>
            tpu.vector_store_idx %arg6[%add3A_311], %get3A_298 masked %gt3A_299 : memref<32768xf32, #tpu.memory_space<vmem>>[vector<16xi32>], vector<16xf32>, vector<16xi1>
            %reduce_sum3A_312 = arith.constant true
            %reduce_sum3A_313 = vector.broadcast %reduce_sum3A_312 : i1 to vector<16xi1>
            %reduce_sum3A_314 = tpu.scan <sum>, %select_n3A_304 masked %reduce_sum3A_313 : vector<16xi32>, vector<16xi1> -> vector<16xi32>
            %reduce_sum3A_315 = vector.extract %reduce_sum3A_314[15] : i32 from vector<16xi32>
            %add3A_316 = arith.addi %add3A_290, %reduce_sum3A_315 : i32
            %mul3A_317 = arith.constant 16 : i32
            %mul3A_318 = arith.muli %scan3A_169, %mul3A_317 : i32
            %add3A_319 = arith.constant 5 : i32
            %add3A_320 = arith.addi %mul3A_318, %add3A_319 : i32
            %mul3A_321 = arith.constant 16 : i32
            %mul3A_322 = arith.muli %add3A_320, %mul3A_321 : i32
            %get3A_323 = arith.index_cast %mul3A_322 : i32 to index
            %get3A_324 = tpu.vector_load %arg5[%get3A_323] {strides = array<i32>} : memref<32768xf32, #tpu.memory_space<vmem>>, vector<16xf32>,
            %gt3A_325 = arith.cmpf ogt, %get3A_324, %sub3A_53 : vector<16xf32>
            %broadcast_in_dim3A_326 = arith.constant 1 : i32
            %broadcast_in_dim3A_327 = vector.broadcast %broadcast_in_dim3A_326 : i32 to vector<16xi32>
            %broadcast_in_dim3A_328 = arith.constant 0 : i32
            %broadcast_in_dim3A_329 = vector.broadcast %broadcast_in_dim3A_328 : i32 to vector<16xi32>
            %select_n3A_330 = arith.select %gt3A_325, %broadcast_in_dim3A_327, %broadcast_in_dim3A_329 : vector<16xi1>, vector<16xi32>
            %broadcast_in_dim3A_331 = arith.constant true
            %broadcast_in_dim3A_332 = vector.broadcast %broadcast_in_dim3A_331 : i1 to vector<16xi1>
            %masked_cumsum3A_333 = tpu.scan <sum>, %select_n3A_330 masked %broadcast_in_dim3A_332 : vector<16xi32>, vector<16xi1> -> vector<16xi32>
            %sub3A_334 = arith.constant 1 : i32
            %sub3A_335 = arith.subi %add3A_316, %sub3A_334 : i32
            %add3A_336 = vector.broadcast %sub3A_335 : i32 to vector<16xi32>
            %add3A_337 = arith.addi %masked_cumsum3A_333, %add3A_336 : vector<16xi32>
            tpu.vector_store_idx %arg6[%add3A_337], %get3A_324 masked %gt3A_325 : memref<32768xf32, #tpu.memory_space<vmem>>[vector<16xi32>], vector<16xf32>, vector<16xi1>
            %reduce_sum3A_338 = arith.constant true
            %reduce_sum3A_339 = vector.broadcast %reduce_sum3A_338 : i1 to vector<16xi1>
            %reduce_sum3A_340 = tpu.scan <sum>, %select_n3A_330 masked %reduce_sum3A_339 : vector<16xi32>, vector<16xi1> -> vector<16xi32>
            %reduce_sum3A_341 = vector.extract %reduce_sum3A_340[15] : i32 from vector<16xi32>
            %add3A_342 = arith.addi %add3A_316, %reduce_sum3A_341 : i32
            %mul3A_343 = arith.constant 16 : i32
            %mul3A_344 = arith.muli %scan3A_169, %mul3A_343 : i32
            %add3A_345 = arith.constant 6 : i32
            %add3A_346 = arith.addi %mul3A_344, %add3A_345 : i32
            %mul3A_347 = arith.constant 16 : i32
            %mul3A_348 = arith.muli %add3A_346, %mul3A_347 : i32
            %get3A_349 = arith.index_cast %mul3A_348 : i32 to index
            %get3A_350 = tpu.vector_load %arg5[%get3A_349] {strides = array<i32>} : memref<32768xf32, #tpu.memory_space<vmem>>, vector<16xf32>,
            %gt3A_351 = arith.cmpf ogt, %get3A_350, %sub3A_53 : vector<16xf32>
            %broadcast_in_dim3A_352 = arith.constant 1 : i32
            %broadcast_in_dim3A_353 = vector.broadcast %broadcast_in_dim3A_352 : i32 to vector<16xi32>
            %broadcast_in_dim3A_354 = arith.constant 0 : i32
            %broadcast_in_dim3A_355 = vector.broadcast %broadcast_in_dim3A_354 : i32 to vector<16xi32>
            %select_n3A_356 = arith.select %gt3A_351, %broadcast_in_dim3A_353, %broadcast_in_dim3A_355 : vector<16xi1>, vector<16xi32>
            %broadcast_in_dim3A_357 = arith.constant true
            %broadcast_in_dim3A_358 = vector.broadcast %broadcast_in_dim3A_357 : i1 to vector<16xi1>
            %masked_cumsum3A_359 = tpu.scan <sum>, %select_n3A_356 masked %broadcast_in_dim3A_358 : vector<16xi32>, vector<16xi1> -> vector<16xi32>
            %sub3A_360 = arith.constant 1 : i32
            %sub3A_361 = arith.subi %add3A_342, %sub3A_360 : i32
            %add3A_362 = vector.broadcast %sub3A_361 : i32 to vector<16xi32>
            %add3A_363 = arith.addi %masked_cumsum3A_359, %add3A_362 : vector<16xi32>
            tpu.vector_store_idx %arg6[%add3A_363], %get3A_350 masked %gt3A_351 : memref<32768xf32, #tpu.memory_space<vmem>>[vector<16xi32>], vector<16xf32>, vector<16xi1>
            %reduce_sum3A_364 = arith.constant true
            %reduce_sum3A_365 = vector.broadcast %reduce_sum3A_364 : i1 to vector<16xi1>
            %reduce_sum3A_366 = tpu.scan <sum>, %select_n3A_356 masked %reduce_sum3A_365 : vector<16xi32>, vector<16xi1> -> vector<16xi32>
            %reduce_sum3A_367 = vector.extract %reduce_sum3A_366[15] : i32 from vector<16xi32>
            %add3A_368 = arith.addi %add3A_342, %reduce_sum3A_367 : i32
            %mul3A_369 = arith.constant 16 : i32
            %mul3A_370 = arith.muli %scan3A_169, %mul3A_369 : i32
            %add3A_371 = arith.constant 7 : i32
            %add3A_372 = arith.addi %mul3A_370, %add3A_371 : i32
            %mul3A_373 = arith.constant 16 : i32
            %mul3A_374 = arith.muli %add3A_372, %mul3A_373 : i32
            %get3A_375 = arith.index_cast %mul3A_374 : i32 to index
            %get3A_376 = tpu.vector_load %arg5[%get3A_375] {strides = array<i32>} : memref<32768xf32, #tpu.memory_space<vmem>>, vector<16xf32>,
            %gt3A_377 = arith.cmpf ogt, %get3A_376, %sub3A_53 : vector<16xf32>
            %broadcast_in_dim3A_378 = arith.constant 1 : i32
            %broadcast_in_dim3A_379 = vector.broadcast %broadcast_in_dim3A_378 : i32 to vector<16xi32>
            %broadcast_in_dim3A_380 = arith.constant 0 : i32
            %broadcast_in_dim3A_381 = vector.broadcast %broadcast_in_dim3A_380 : i32 to vector<16xi32>
            %select_n3A_382 = arith.select %gt3A_377, %broadcast_in_dim3A_379, %broadcast_in_dim3A_381 : vector<16xi1>, vector<16xi32>
            %broadcast_in_dim3A_383 = arith.constant true
            %broadcast_in_dim3A_384 = vector.broadcast %broadcast_in_dim3A_383 : i1 to vector<16xi1>
            %masked_cumsum3A_385 = tpu.scan <sum>, %select_n3A_382 masked %broadcast_in_dim3A_384 : vector<16xi32>, vector<16xi1> -> vector<16xi32>
            %sub3A_386 = arith.constant 1 : i32
            %sub3A_387 = arith.subi %add3A_368, %sub3A_386 : i32
            %add3A_388 = vector.broadcast %sub3A_387 : i32 to vector<16xi32>
            %add3A_389 = arith.addi %masked_cumsum3A_385, %add3A_388 : vector<16xi32>
            tpu.vector_store_idx %arg6[%add3A_389], %get3A_376 masked %gt3A_377 : memref<32768xf32, #tpu.memory_space<vmem>>[vector<16xi32>], vector<16xf32>, vector<16xi1>
            %reduce_sum3A_390 = arith.constant true
            %reduce_sum3A_391 = vector.broadcast %reduce_sum3A_390 : i1 to vector<16xi1>
            %reduce_sum3A_392 = tpu.scan <sum>, %select_n3A_382 masked %reduce_sum3A_391 : vector<16xi32>, vector<16xi1> -> vector<16xi32>
            %reduce_sum3A_393 = vector.extract %reduce_sum3A_392[15] : i32 from vector<16xi32>
            %add3A_394 = arith.addi %add3A_368, %reduce_sum3A_393 : i32
            %mul3A_395 = arith.constant 16 : i32
            %mul3A_396 = arith.muli %scan3A_169, %mul3A_395 : i32
            %add3A_397 = arith.constant 8 : i32
            %add3A_398 = arith.addi %mul3A_396, %add3A_397 : i32
            %mul3A_399 = arith.constant 16 : i32
            %mul3A_400 = arith.muli %add3A_398, %mul3A_399 : i32
            %get3A_401 = arith.index_cast %mul3A_400 : i32 to index
            %get3A_402 = tpu.vector_load %arg5[%get3A_401] {strides = array<i32>} : memref<32768xf32, #tpu.memory_space<vmem>>, vector<16xf32>,
            %gt3A_403 = arith.cmpf ogt, %get3A_402, %sub3A_53 : vector<16xf32>
            %broadcast_in_dim3A_404 = arith.constant 1 : i32
            %broadcast_in_dim3A_405 = vector.broadcast %broadcast_in_dim3A_404 : i32 to vector<16xi32>
            %broadcast_in_dim3A_406 = arith.constant 0 : i32
            %broadcast_in_dim3A_407 = vector.broadcast %broadcast_in_dim3A_406 : i32 to vector<16xi32>
            %select_n3A_408 = arith.select %gt3A_403, %broadcast_in_dim3A_405, %broadcast_in_dim3A_407 : vector<16xi1>, vector<16xi32>
            %broadcast_in_dim3A_409 = arith.constant true
            %broadcast_in_dim3A_410 = vector.broadcast %broadcast_in_dim3A_409 : i1 to vector<16xi1>
            %masked_cumsum3A_411 = tpu.scan <sum>, %select_n3A_408 masked %broadcast_in_dim3A_410 : vector<16xi32>, vector<16xi1> -> vector<16xi32>
            %sub3A_412 = arith.constant 1 : i32
            %sub3A_413 = arith.subi %add3A_394, %sub3A_412 : i32
            %add3A_414 = vector.broadcast %sub3A_413 : i32 to vector<16xi32>
            %add3A_415 = arith.addi %masked_cumsum3A_411, %add3A_414 : vector<16xi32>
            tpu.vector_store_idx %arg6[%add3A_415], %get3A_402 masked %gt3A_403 : memref<32768xf32, #tpu.memory_space<vmem>>[vector<16xi32>], vector<16xf32>, vector<16xi1>
            %reduce_sum3A_416 = arith.constant true
            %reduce_sum3A_417 = vector.broadcast %reduce_sum3A_416 : i1 to vector<16xi1>
            %reduce_sum3A_418 = tpu.scan <sum>, %select_n3A_408 masked %reduce_sum3A_417 : vector<16xi32>, vector<16xi1> -> vector<16xi32>
            %reduce_sum3A_419 = vector.extract %reduce_sum3A_418[15] : i32 from vector<16xi32>
            %add3A_420 = arith.addi %add3A_394, %reduce_sum3A_419 : i32
            %mul3A_421 = arith.constant 16 : i32
            %mul3A_422 = arith.muli %scan3A_169, %mul3A_421 : i32
            %add3A_423 = arith.constant 9 : i32
            %add3A_424 = arith.addi %mul3A_422, %add3A_423 : i32
            %mul3A_425 = arith.constant 16 : i32
            %mul3A_426 = arith.muli %add3A_424, %mul3A_425 : i32
            %get3A_427 = arith.index_cast %mul3A_426 : i32 to index
            %get3A_428 = tpu.vector_load %arg5[%get3A_427] {strides = array<i32>} : memref<32768xf32, #tpu.memory_space<vmem>>, vector<16xf32>,
            %gt3A_429 = arith.cmpf ogt, %get3A_428, %sub3A_53 : vector<16xf32>
            %broadcast_in_dim3A_430 = arith.constant 1 : i32
            %broadcast_in_dim3A_431 = vector.broadcast %broadcast_in_dim3A_430 : i32 to vector<16xi32>
            %broadcast_in_dim3A_432 = arith.constant 0 : i32
            %broadcast_in_dim3A_433 = vector.broadcast %broadcast_in_dim3A_432 : i32 to vector<16xi32>
            %select_n3A_434 = arith.select %gt3A_429, %broadcast_in_dim3A_431, %broadcast_in_dim3A_433 : vector<16xi1>, vector<16xi32>
            %broadcast_in_dim3A_435 = arith.constant true
            %broadcast_in_dim3A_436 = vector.broadcast %broadcast_in_dim3A_435 : i1 to vector<16xi1>
            %masked_cumsum3A_437 = tpu.scan <sum>, %select_n3A_434 masked %broadcast_in_dim3A_436 : vector<16xi32>, vector<16xi1> -> vector<16xi32>
            %sub3A_438 = arith.constant 1 : i32
            %sub3A_439 = arith.subi %add3A_420, %sub3A_438 : i32
            %add3A_440 = vector.broadcast %sub3A_439 : i32 to vector<16xi32>
            %add3A_441 = arith.addi %masked_cumsum3A_437, %add3A_440 : vector<16xi32>
            tpu.vector_store_idx %arg6[%add3A_441], %get3A_428 masked %gt3A_429 : memref<32768xf32, #tpu.memory_space<vmem>>[vector<16xi32>], vector<16xf32>, vector<16xi1>
            %reduce_sum3A_442 = arith.constant true
            %reduce_sum3A_443 = vector.broadcast %reduce_sum3A_442 : i1 to vector<16xi1>
            %reduce_sum3A_444 = tpu.scan <sum>, %select_n3A_434 masked %reduce_sum3A_443 : vector<16xi32>, vector<16xi1> -> vector<16xi32>
            %reduce_sum3A_445 = vector.extract %reduce_sum3A_444[15] : i32 from vector<16xi32>
            %add3A_446 = arith.addi %add3A_420, %reduce_sum3A_445 : i32
            %mul3A_447 = arith.constant 16 : i32
            %mul3A_448 = arith.muli %scan3A_169, %mul3A_447 : i32
            %add3A_449 = arith.constant 10 : i32
            %add3A_450 = arith.addi %mul3A_448, %add3A_449 : i32
            %mul3A_451 = arith.constant 16 : i32
            %mul3A_452 = arith.muli %add3A_450, %mul3A_451 : i32
            %get3A_453 = arith.index_cast %mul3A_452 : i32 to index
            %get3A_454 = tpu.vector_load %arg5[%get3A_453] {strides = array<i32>} : memref<32768xf32, #tpu.memory_space<vmem>>, vector<16xf32>,
            %gt3A_455 = arith.cmpf ogt, %get3A_454, %sub3A_53 : vector<16xf32>
            %broadcast_in_dim3A_456 = arith.constant 1 : i32
            %broadcast_in_dim3A_457 = vector.broadcast %broadcast_in_dim3A_456 : i32 to vector<16xi32>
            %broadcast_in_dim3A_458 = arith.constant 0 : i32
            %broadcast_in_dim3A_459 = vector.broadcast %broadcast_in_dim3A_458 : i32 to vector<16xi32>
            %select_n3A_460 = arith.select %gt3A_455, %broadcast_in_dim3A_457, %broadcast_in_dim3A_459 : vector<16xi1>, vector<16xi32>
            %broadcast_in_dim3A_461 = arith.constant true
            %broadcast_in_dim3A_462 = vector.broadcast %broadcast_in_dim3A_461 : i1 to vector<16xi1>
            %masked_cumsum3A_463 = tpu.scan <sum>, %select_n3A_460 masked %broadcast_in_dim3A_462 : vector<16xi32>, vector<16xi1> -> vector<16xi32>
            %sub3A_464 = arith.constant 1 : i32
            %sub3A_465 = arith.subi %add3A_446, %sub3A_464 : i32
            %add3A_466 = vector.broadcast %sub3A_465 : i32 to vector<16xi32>
            %add3A_467 = arith.addi %masked_cumsum3A_463, %add3A_466 : vector<16xi32>
            tpu.vector_store_idx %arg6[%add3A_467], %get3A_454 masked %gt3A_455 : memref<32768xf32, #tpu.memory_space<vmem>>[vector<16xi32>], vector<16xf32>, vector<16xi1>
            %reduce_sum3A_468 = arith.constant true
            %reduce_sum3A_469 = vector.broadcast %reduce_sum3A_468 : i1 to vector<16xi1>
            %reduce_sum3A_470 = tpu.scan <sum>, %select_n3A_460 masked %reduce_sum3A_469 : vector<16xi32>, vector<16xi1> -> vector<16xi32>
            %reduce_sum3A_471 = vector.extract %reduce_sum3A_470[15] : i32 from vector<16xi32>
            %add3A_472 = arith.addi %add3A_446, %reduce_sum3A_471 : i32
            %mul3A_473 = arith.constant 16 : i32
            %mul3A_474 = arith.muli %scan3A_169, %mul3A_473 : i32
            %add3A_475 = arith.constant 11 : i32
            %add3A_476 = arith.addi %mul3A_474, %add3A_475 : i32
            %mul3A_477 = arith.constant 16 : i32
            %mul3A_478 = arith.muli %add3A_476, %mul3A_477 : i32
            %get3A_479 = arith.index_cast %mul3A_478 : i32 to index
            %get3A_480 = tpu.vector_load %arg5[%get3A_479] {strides = array<i32>} : memref<32768xf32, #tpu.memory_space<vmem>>, vector<16xf32>,
            %gt3A_481 = arith.cmpf ogt, %get3A_480, %sub3A_53 : vector<16xf32>
            %broadcast_in_dim3A_482 = arith.constant 1 : i32
            %broadcast_in_dim3A_483 = vector.broadcast %broadcast_in_dim3A_482 : i32 to vector<16xi32>
            %broadcast_in_dim3A_484 = arith.constant 0 : i32
            %broadcast_in_dim3A_485 = vector.broadcast %broadcast_in_dim3A_484 : i32 to vector<16xi32>
            %select_n3A_486 = arith.select %gt3A_481, %broadcast_in_dim3A_483, %broadcast_in_dim3A_485 : vector<16xi1>, vector<16xi32>
            %broadcast_in_dim3A_487 = arith.constant true
            %broadcast_in_dim3A_488 = vector.broadcast %broadcast_in_dim3A_487 : i1 to vector<16xi1>
            %masked_cumsum3A_489 = tpu.scan <sum>, %select_n3A_486 masked %broadcast_in_dim3A_488 : vector<16xi32>, vector<16xi1> -> vector<16xi32>
            %sub3A_490 = arith.constant 1 : i32
            %sub3A_491 = arith.subi %add3A_472, %sub3A_490 : i32
            %add3A_492 = vector.broadcast %sub3A_491 : i32 to vector<16xi32>
            %add3A_493 = arith.addi %masked_cumsum3A_489, %add3A_492 : vector<16xi32>
            tpu.vector_store_idx %arg6[%add3A_493], %get3A_480 masked %gt3A_481 : memref<32768xf32, #tpu.memory_space<vmem>>[vector<16xi32>], vector<16xf32>, vector<16xi1>
            %reduce_sum3A_494 = arith.constant true
            %reduce_sum3A_495 = vector.broadcast %reduce_sum3A_494 : i1 to vector<16xi1>
            %reduce_sum3A_496 = tpu.scan <sum>, %select_n3A_486 masked %reduce_sum3A_495 : vector<16xi32>, vector<16xi1> -> vector<16xi32>
            %reduce_sum3A_497 = vector.extract %reduce_sum3A_496[15] : i32 from vector<16xi32>
            %add3A_498 = arith.addi %add3A_472, %reduce_sum3A_497 : i32
            %mul3A_499 = arith.constant 16 : i32
            %mul3A_500 = arith.muli %scan3A_169, %mul3A_499 : i32
            %add3A_501 = arith.constant 12 : i32
            %add3A_502 = arith.addi %mul3A_500, %add3A_501 : i32
            %mul3A_503 = arith.constant 16 : i32
            %mul3A_504 = arith.muli %add3A_502, %mul3A_503 : i32
            %get3A_505 = arith.index_cast %mul3A_504 : i32 to index
            %get3A_506 = tpu.vector_load %arg5[%get3A_505] {strides = array<i32>} : memref<32768xf32, #tpu.memory_space<vmem>>, vector<16xf32>,
            %gt3A_507 = arith.cmpf ogt, %get3A_506, %sub3A_53 : vector<16xf32>
            %broadcast_in_dim3A_508 = arith.constant 1 : i32
            %broadcast_in_dim3A_509 = vector.broadcast %broadcast_in_dim3A_508 : i32 to vector<16xi32>
            %broadcast_in_dim3A_510 = arith.constant 0 : i32
            %broadcast_in_dim3A_511 = vector.broadcast %broadcast_in_dim3A_510 : i32 to vector<16xi32>
            %select_n3A_512 = arith.select %gt3A_507, %broadcast_in_dim3A_509, %broadcast_in_dim3A_511 : vector<16xi1>, vector<16xi32>
            %broadcast_in_dim3A_513 = arith.constant true
            %broadcast_in_dim3A_514 = vector.broadcast %broadcast_in_dim3A_513 : i1 to vector<16xi1>
            %masked_cumsum3A_515 = tpu.scan <sum>, %select_n3A_512 masked %broadcast_in_dim3A_514 : vector<16xi32>, vector<16xi1> -> vector<16xi32>
            %sub3A_516 = arith.constant 1 : i32
            %sub3A_517 = arith.subi %add3A_498, %sub3A_516 : i32
            %add3A_518 = vector.broadcast %sub3A_517 : i32 to vector<16xi32>
            %add3A_519 = arith.addi %masked_cumsum3A_515, %add3A_518 : vector<16xi32>
            tpu.vector_store_idx %arg6[%add3A_519], %get3A_506 masked %gt3A_507 : memref<32768xf32, #tpu.memory_space<vmem>>[vector<16xi32>], vector<16xf32>, vector<16xi1>
            %reduce_sum3A_520 = arith.constant true
            %reduce_sum3A_521 = vector.broadcast %reduce_sum3A_520 : i1 to vector<16xi1>
            %reduce_sum3A_522 = tpu.scan <sum>, %select_n3A_512 masked %reduce_sum3A_521 : vector<16xi32>, vector<16xi1> -> vector<16xi32>
            %reduce_sum3A_523 = vector.extract %reduce_sum3A_522[15] : i32 from vector<16xi32>
            %add3A_524 = arith.addi %add3A_498, %reduce_sum3A_523 : i32
            %mul3A_525 = arith.constant 16 : i32
            %mul3A_526 = arith.muli %scan3A_169, %mul3A_525 : i32
            %add3A_527 = arith.constant 13 : i32
            %add3A_528 = arith.addi %mul3A_526, %add3A_527 : i32
            %mul3A_529 = arith.constant 16 : i32
            %mul3A_530 = arith.muli %add3A_528, %mul3A_529 : i32
            %get3A_531 = arith.index_cast %mul3A_530 : i32 to index
            %get3A_532 = tpu.vector_load %arg5[%get3A_531] {strides = array<i32>} : memref<32768xf32, #tpu.memory_space<vmem>>, vector<16xf32>,
            %gt3A_533 = arith.cmpf ogt, %get3A_532, %sub3A_53 : vector<16xf32>
            %broadcast_in_dim3A_534 = arith.constant 1 : i32
            %broadcast_in_dim3A_535 = vector.broadcast %broadcast_in_dim3A_534 : i32 to vector<16xi32>
            %broadcast_in_dim3A_536 = arith.constant 0 : i32
            %broadcast_in_dim3A_537 = vector.broadcast %broadcast_in_dim3A_536 : i32 to vector<16xi32>
            %select_n3A_538 = arith.select %gt3A_533, %broadcast_in_dim3A_535, %broadcast_in_dim3A_537 : vector<16xi1>, vector<16xi32>
            %broadcast_in_dim3A_539 = arith.constant true
            %broadcast_in_dim3A_540 = vector.broadcast %broadcast_in_dim3A_539 : i1 to vector<16xi1>
            %masked_cumsum3A_541 = tpu.scan <sum>, %select_n3A_538 masked %broadcast_in_dim3A_540 : vector<16xi32>, vector<16xi1> -> vector<16xi32>
            %sub3A_542 = arith.constant 1 : i32
            %sub3A_543 = arith.subi %add3A_524, %sub3A_542 : i32
            %add3A_544 = vector.broadcast %sub3A_543 : i32 to vector<16xi32>
            %add3A_545 = arith.addi %masked_cumsum3A_541, %add3A_544 : vector<16xi32>
            tpu.vector_store_idx %arg6[%add3A_545], %get3A_532 masked %gt3A_533 : memref<32768xf32, #tpu.memory_space<vmem>>[vector<16xi32>], vector<16xf32>, vector<16xi1>
            %reduce_sum3A_546 = arith.constant true
            %reduce_sum3A_547 = vector.broadcast %reduce_sum3A_546 : i1 to vector<16xi1>
            %reduce_sum3A_548 = tpu.scan <sum>, %select_n3A_538 masked %reduce_sum3A_547 : vector<16xi32>, vector<16xi1> -> vector<16xi32>
            %reduce_sum3A_549 = vector.extract %reduce_sum3A_548[15] : i32 from vector<16xi32>
            %add3A_550 = arith.addi %add3A_524, %reduce_sum3A_549 : i32
            %mul3A_551 = arith.constant 16 : i32
            %mul3A_552 = arith.muli %scan3A_169, %mul3A_551 : i32
            %add3A_553 = arith.constant 14 : i32
            %add3A_554 = arith.addi %mul3A_552, %add3A_553 : i32
            %mul3A_555 = arith.constant 16 : i32
            %mul3A_556 = arith.muli %add3A_554, %mul3A_555 : i32
            %get3A_557 = arith.index_cast %mul3A_556 : i32 to index
            %get3A_558 = tpu.vector_load %arg5[%get3A_557] {strides = array<i32>} : memref<32768xf32, #tpu.memory_space<vmem>>, vector<16xf32>,
            %gt3A_559 = arith.cmpf ogt, %get3A_558, %sub3A_53 : vector<16xf32>
            %broadcast_in_dim3A_560 = arith.constant 1 : i32
            %broadcast_in_dim3A_561 = vector.broadcast %broadcast_in_dim3A_560 : i32 to vector<16xi32>
            %broadcast_in_dim3A_562 = arith.constant 0 : i32
            %broadcast_in_dim3A_563 = vector.broadcast %broadcast_in_dim3A_562 : i32 to vector<16xi32>
            %select_n3A_564 = arith.select %gt3A_559, %broadcast_in_dim3A_561, %broadcast_in_dim3A_563 : vector<16xi1>, vector<16xi32>
            %broadcast_in_dim3A_565 = arith.constant true
            %broadcast_in_dim3A_566 = vector.broadcast %broadcast_in_dim3A_565 : i1 to vector<16xi1>
            %masked_cumsum3A_567 = tpu.scan <sum>, %select_n3A_564 masked %broadcast_in_dim3A_566 : vector<16xi32>, vector<16xi1> -> vector<16xi32>
            %sub3A_568 = arith.constant 1 : i32
            %sub3A_569 = arith.subi %add3A_550, %sub3A_568 : i32
            %add3A_570 = vector.broadcast %sub3A_569 : i32 to vector<16xi32>
            %add3A_571 = arith.addi %masked_cumsum3A_567, %add3A_570 : vector<16xi32>
            tpu.vector_store_idx %arg6[%add3A_571], %get3A_558 masked %gt3A_559 : memref<32768xf32, #tpu.memory_space<vmem>>[vector<16xi32>], vector<16xf32>, vector<16xi1>
            %reduce_sum3A_572 = arith.constant true
            %reduce_sum3A_573 = vector.broadcast %reduce_sum3A_572 : i1 to vector<16xi1>
            %reduce_sum3A_574 = tpu.scan <sum>, %select_n3A_564 masked %reduce_sum3A_573 : vector<16xi32>, vector<16xi1> -> vector<16xi32>
            %reduce_sum3A_575 = vector.extract %reduce_sum3A_574[15] : i32 from vector<16xi32>
            %add3A_576 = arith.addi %add3A_550, %reduce_sum3A_575 : i32
            %mul3A_577 = arith.constant 16 : i32
            %mul3A_578 = arith.muli %scan3A_169, %mul3A_577 : i32
            %add3A_579 = arith.constant 15 : i32
            %add3A_580 = arith.addi %mul3A_578, %add3A_579 : i32
            %mul3A_581 = arith.constant 16 : i32
            %mul3A_582 = arith.muli %add3A_580, %mul3A_581 : i32
            %get3A_583 = arith.index_cast %mul3A_582 : i32 to index
            %get3A_584 = tpu.vector_load %arg5[%get3A_583] {strides = array<i32>} : memref<32768xf32, #tpu.memory_space<vmem>>, vector<16xf32>,
            %gt3A_585 = arith.cmpf ogt, %get3A_584, %sub3A_53 : vector<16xf32>
            %broadcast_in_dim3A_586 = arith.constant 1 : i32
            %broadcast_in_dim3A_587 = vector.broadcast %broadcast_in_dim3A_586 : i32 to vector<16xi32>
            %broadcast_in_dim3A_588 = arith.constant 0 : i32
            %broadcast_in_dim3A_589 = vector.broadcast %broadcast_in_dim3A_588 : i32 to vector<16xi32>
            %select_n3A_590 = arith.select %gt3A_585, %broadcast_in_dim3A_587, %broadcast_in_dim3A_589 : vector<16xi1>, vector<16xi32>
            %broadcast_in_dim3A_591 = arith.constant true
            %broadcast_in_dim3A_592 = vector.broadcast %broadcast_in_dim3A_591 : i1 to vector<16xi1>
            %masked_cumsum3A_593 = tpu.scan <sum>, %select_n3A_590 masked %broadcast_in_dim3A_592 : vector<16xi32>, vector<16xi1> -> vector<16xi32>
            %sub3A_594 = arith.constant 1 : i32
            %sub3A_595 = arith.subi %add3A_576, %sub3A_594 : i32
            %add3A_596 = vector.broadcast %sub3A_595 : i32 to vector<16xi32>
            %add3A_597 = arith.addi %masked_cumsum3A_593, %add3A_596 : vector<16xi32>
            tpu.vector_store_idx %arg6[%add3A_597], %get3A_584 masked %gt3A_585 : memref<32768xf32, #tpu.memory_space<vmem>>[vector<16xi32>], vector<16xf32>, vector<16xi1>
            %reduce_sum3A_598 = arith.constant true
            %reduce_sum3A_599 = vector.broadcast %reduce_sum3A_598 : i1 to vector<16xi1>
            %reduce_sum3A_600 = tpu.scan <sum>, %select_n3A_590 masked %reduce_sum3A_599 : vector<16xi32>, vector<16xi1> -> vector<16xi32>
            %reduce_sum3A_601 = vector.extract %reduce_sum3A_600[15] : i32 from vector<16xi32>
            %add3A_602 = arith.addi %add3A_576, %reduce_sum3A_601 : i32
            scf.yield %add3A_602 : i32
          } else {
            scf.yield %scan3A_170 : i32
          }
          scf.yield %cond3A_187 : i32
        }
        %scan3A_60 = arith.constant 128 : i32
        %add3A_61 = arith.constant 15 : i32
        %add3A_62 = arith.addi %scan3A_59, %add3A_61 : i32
        %shift_right_arithmetic3A = arith.constant 4 : i32
        %shift_right_arithmetic3A_63 = arith.shrsi %add3A_62, %shift_right_arithmetic3A : i32
        %sub3A_64 = arith.constant 1.000000e+00 : f32
        %sub3A_65 = vector.broadcast %sub3A_64 : f32 to vector<16xf32>
        %sub3A_66 = arith.subf %broadcast_in_dim3A_22, %sub3A_65 : vector<16xf32>
        %while3A_67 = arith.constant false
        %while3A_68 = arith.constant 0 : i32
        %while3A_69:3 = scf.while (%while3A_169 = %sub3A_66, %while3A_170 = %while3A_67, %while3A_171 = %while3A_68) : (vector<16xf32>, i1, i32) -> (vector<16xf32>, i1, i32) {
          %not3A = arith.constant true
          %not3A_172 = arith.xori %while3A_170, %not3A : i1
          %lt3A_173 = arith.constant 64 : i32
          %lt3A_174 = arith.cmpi slt, %while3A_171, %lt3A_173 : i32
          %and3A = arith.andi %not3A_172, %lt3A_174 : i1
          scf.condition(%and3A) %while3A_169, %while3A_170, %while3A_171 : vector<16xf32>, i1, i32
        } do {
        ^bb0(%while3A_169: vector<16xf32>, %while3A_170: i1, %while3A_171: i32):
          %while3A_172 = arith.constant 0 : i32
          %while3A_173 = arith.subi %shift_right_arithmetic3A_63, %while3A_172 : i32
          %while3A_174 = arith.addi %while3A_172, %while3A_173 : i32
          %while3A_175 = arith.constant 1 : i32
          %while3A_176 = arith.divsi %while3A_173, %while3A_175 : i32
          %while3A_177 = arith.muli %while3A_176, %while3A_175 : i32
          %while3A_178 = arith.addi %while3A_172, %while3A_177 : i32
          %while3A_179 = arith.constant 1 : i32
          %while3A_180:2 = scf.for %while3A_214 = %while3A_172 to %while3A_178 step %while3A_179 iter_args(%while3A_215 = %broadcast_in_dim3A_0, %while3A_216 = %broadcast_in_dim3A_0) -> (vector<16xf32>, vector<16xf32>)  : i32 {
            %mul3A_217 = arith.constant 16 : i32
            %mul3A_218 = arith.muli %while3A_214, %mul3A_217 : i32
            %get3A = arith.index_cast %mul3A_218 : i32 to index
            %get3A_219 = tpu.vector_load %arg6[%get3A] {strides = array<i32>} : memref<32768xf32, #tpu.memory_space<vmem>>, vector<16xf32>,
            %mul3A_220 = arith.constant 16 : i32
            %mul3A_221 = arith.muli %while3A_214, %mul3A_220 : i32
            %add3A_222 = vector.broadcast %mul3A_221 : i32 to vector<16xi32>
            %add3A_223 = arith.addi %iota3A, %add3A_222 : vector<16xi32>
            %lt3A_224 = vector.broadcast %scan3A_59 : i32 to vector<16xi32>
            %lt3A_225 = arith.cmpi slt, %add3A_223, %lt3A_224 : vector<16xi32>
            %gt3A = arith.cmpf ogt, %get3A_219, %while3A_169 : vector<16xf32>
            %and3A = arith.andi %lt3A_225, %gt3A : vector<16xi1>
            %select_n3A_226 = arith.select %and3A, %get3A_219, %broadcast_in_dim3A_0 : vector<16xi1>, vector<16xf32>
            %add3A_227 = arith.addf %while3A_215, %select_n3A_226 : vector<16xf32>
            %select_n3A_228 = arith.select %and3A, %broadcast_in_dim3A_2, %broadcast_in_dim3A_0 : vector<16xi1>, vector<16xf32>
            %add3A_229 = arith.addf %while3A_216, %select_n3A_228 : vector<16xf32>
            scf.yield %add3A_227, %add3A_229 : vector<16xf32>, vector<16xf32>
          }
          %while3A_181 = arith.constant 1 : i32
          %while3A_182:2 = scf.for %while3A_214 = %while3A_178 to %while3A_174 step %while3A_181 iter_args(%while3A_215 = %while3A_180#0, %while3A_216 = %while3A_180#1) -> (vector<16xf32>, vector<16xf32>)  : i32 {
            %mul3A_217 = arith.constant 16 : i32
            %mul3A_218 = arith.muli %while3A_214, %mul3A_217 : i32
            %get3A = arith.index_cast %mul3A_218 : i32 to index
            %get3A_219 = tpu.vector_load %arg6[%get3A] {strides = array<i32>} : memref<32768xf32, #tpu.memory_space<vmem>>, vector<16xf32>,
            %mul3A_220 = arith.constant 16 : i32
            %mul3A_221 = arith.muli %while3A_214, %mul3A_220 : i32
            %add3A_222 = vector.broadcast %mul3A_221 : i32 to vector<16xi32>
            %add3A_223 = arith.addi %iota3A, %add3A_222 : vector<16xi32>
            %lt3A_224 = vector.broadcast %scan3A_59 : i32 to vector<16xi32>
            %lt3A_225 = arith.cmpi slt, %add3A_223, %lt3A_224 : vector<16xi32>
            %gt3A = arith.cmpf ogt, %get3A_219, %while3A_169 : vector<16xf32>
            %and3A = arith.andi %lt3A_225, %gt3A : vector<16xi1>
            %select_n3A_226 = arith.select %and3A, %get3A_219, %broadcast_in_dim3A_0 : vector<16xi1>, vector<16xf32>
            %add3A_227 = arith.addf %while3A_215, %select_n3A_226 : vector<16xf32>
            %select_n3A_228 = arith.select %and3A, %broadcast_in_dim3A_2, %broadcast_in_dim3A_0 : vector<16xi1>, vector<16xf32>
            %add3A_229 = arith.addf %while3A_216, %select_n3A_228 : vector<16xf32>
            scf.yield %add3A_227, %add3A_229 : vector<16xf32>, vector<16xf32>
          }
          %reduce_sum3A_183 = arith.constant true
          %reduce_sum3A_184 = vector.broadcast %reduce_sum3A_183 : i1 to vector<16xi1>
          %reduce_sum3A_185 = tpu.scan <sum>, %while3A_182#0 masked %reduce_sum3A_184 : vector<16xf32>, vector<16xi1> -> vector<16xf32>
          %reduce_sum3A_186 = vector.extract %reduce_sum3A_185[15] : f32 from vector<16xf32>
          %broadcast_in_dim3A_187 = vector.broadcast %reduce_sum3A_186 : f32 to vector<16xf32>
          %reduce_sum3A_188 = arith.constant true
          %reduce_sum3A_189 = vector.broadcast %reduce_sum3A_188 : i1 to vector<16xi1>
          %reduce_sum3A_190 = tpu.scan <sum>, %while3A_182#1 masked %reduce_sum3A_189 : vector<16xf32>, vector<16xi1> -> vector<16xf32>
          %reduce_sum3A_191 = vector.extract %reduce_sum3A_190[15] : f32 from vector<16xf32>
          %broadcast_in_dim3A_192 = vector.broadcast %reduce_sum3A_191 : f32 to vector<16xf32>
          %sub3A_193 = arith.constant 1.000000e+00 : f32
          %sub3A_194 = vector.broadcast %sub3A_193 : f32 to vector<16xf32>
          %sub3A_195 = arith.subf %broadcast_in_dim3A_187, %sub3A_194 : vector<16xf32>
          %max3A_196 = arith.constant 1.000000e+00 : f32
          %max3A_197 = vector.broadcast %max3A_196 : f32 to vector<16xf32>
          %max3A_198 = arith.maximumf %broadcast_in_dim3A_192, %max3A_197 : vector<16xf32>
          %div3A_199 = arith.divf %sub3A_195, %max3A_198 : vector<16xf32>
          %eq3A_200 = arith.cmpf oeq, %div3A_199, %while3A_169 : vector<16xf32>
          %reduce_and3A_201 = arith.constant 1.000000e+00 : f32
          %reduce_and3A_202 = arith.constant 0.000000e+00 : f32
          %reduce_and3A_203 = vector.broadcast %reduce_and3A_201 : f32 to vector<16xf32>
          %reduce_and3A_204 = vector.broadcast %reduce_and3A_202 : f32 to vector<16xf32>
          %reduce_and3A_205 = arith.select %eq3A_200, %reduce_and3A_203, %reduce_and3A_204 : vector<16xi1>, vector<16xf32>
          %reduce_and3A_206 = arith.constant true
          %reduce_and3A_207 = vector.broadcast %reduce_and3A_206 : i1 to vector<16xi1>
          %reduce_and3A_208 = tpu.scan <min>, %reduce_and3A_205 masked %reduce_and3A_207 : vector<16xf32>, vector<16xi1> -> vector<16xf32>
          %reduce_and3A_209 = vector.extract %reduce_and3A_208[15] : f32 from vector<16xf32>
          %reduce_and3A_210 = arith.constant 0.000000e+00 : f32
          %reduce_and3A_211 = arith.cmpf ogt, %reduce_and3A_209, %reduce_and3A_210 : f32
          %add3A_212 = arith.constant 1 : i32
          %add3A_213 = arith.addi %while3A_171, %add3A_212 : i32
          scf.yield %div3A_199, %reduce_and3A_211, %add3A_213 : vector<16xf32>, i1, i32
        }
        %while3A_70 = arith.constant 0 : i32
        %while3A_71 = arith.subi %shift_right_arithmetic3A_63, %while3A_70 : i32
        %while3A_72 = arith.addi %while3A_70, %while3A_71 : i32
        %while3A_73 = arith.constant 1 : i32
        %while3A_74 = arith.divsi %while3A_71, %while3A_73 : i32
        %while3A_75 = arith.muli %while3A_74, %while3A_73 : i32
        %while3A_76 = arith.addi %while3A_70, %while3A_75 : i32
        %while3A_77 = arith.constant 1 : i32
        %while3A_78:2 = scf.for %while3A_169 = %while3A_70 to %while3A_76 step %while3A_77 iter_args(%while3A_170 = %broadcast_in_dim3A_0, %while3A_171 = %broadcast_in_dim3A_0) -> (vector<16xf32>, vector<16xf32>)  : i32 {
          %mul3A_172 = arith.constant 16 : i32
          %mul3A_173 = arith.muli %while3A_169, %mul3A_172 : i32
          %get3A = arith.index_cast %mul3A_173 : i32 to index
          %get3A_174 = tpu.vector_load %arg6[%get3A] {strides = array<i32>} : memref<32768xf32, #tpu.memory_space<vmem>>, vector<16xf32>,
          %mul3A_175 = arith.constant 16 : i32
          %mul3A_176 = arith.muli %while3A_169, %mul3A_175 : i32
          %add3A_177 = vector.broadcast %mul3A_176 : i32 to vector<16xi32>
          %add3A_178 = arith.addi %iota3A, %add3A_177 : vector<16xi32>
          %lt3A_179 = vector.broadcast %scan3A_59 : i32 to vector<16xi32>
          %lt3A_180 = arith.cmpi slt, %add3A_178, %lt3A_179 : vector<16xi32>
          %gt3A = arith.cmpf ogt, %get3A_174, %while3A_69#0 : vector<16xf32>
          %and3A = arith.andi %lt3A_180, %gt3A : vector<16xi1>
          %select_n3A_181 = arith.select %and3A, %get3A_174, %broadcast_in_dim3A_0 : vector<16xi1>, vector<16xf32>
          %add3A_182 = arith.addf %while3A_170, %select_n3A_181 : vector<16xf32>
          %select_n3A_183 = arith.select %and3A, %broadcast_in_dim3A_2, %broadcast_in_dim3A_0 : vector<16xi1>, vector<16xf32>
          %add3A_184 = arith.addf %while3A_171, %select_n3A_183 : vector<16xf32>
          scf.yield %add3A_182, %add3A_184 : vector<16xf32>, vector<16xf32>
        }
        %while3A_79 = arith.constant 1 : i32
        %while3A_80:2 = scf.for %while3A_169 = %while3A_76 to %while3A_72 step %while3A_79 iter_args(%while3A_170 = %while3A_78#0, %while3A_171 = %while3A_78#1) -> (vector<16xf32>, vector<16xf32>)  : i32 {
          %mul3A_172 = arith.constant 16 : i32
          %mul3A_173 = arith.muli %while3A_169, %mul3A_172 : i32
          %get3A = arith.index_cast %mul3A_173 : i32 to index
          %get3A_174 = tpu.vector_load %arg6[%get3A] {strides = array<i32>} : memref<32768xf32, #tpu.memory_space<vmem>>, vector<16xf32>,
          %mul3A_175 = arith.constant 16 : i32
          %mul3A_176 = arith.muli %while3A_169, %mul3A_175 : i32
          %add3A_177 = vector.broadcast %mul3A_176 : i32 to vector<16xi32>
          %add3A_178 = arith.addi %iota3A, %add3A_177 : vector<16xi32>
          %lt3A_179 = vector.broadcast %scan3A_59 : i32 to vector<16xi32>
          %lt3A_180 = arith.cmpi slt, %add3A_178, %lt3A_179 : vector<16xi32>
          %gt3A = arith.cmpf ogt, %get3A_174, %while3A_69#0 : vector<16xf32>
          %and3A = arith.andi %lt3A_180, %gt3A : vector<16xi1>
          %select_n3A_181 = arith.select %and3A, %get3A_174, %broadcast_in_dim3A_0 : vector<16xi1>, vector<16xf32>
          %add3A_182 = arith.addf %while3A_170, %select_n3A_181 : vector<16xf32>
          %select_n3A_183 = arith.select %and3A, %broadcast_in_dim3A_2, %broadcast_in_dim3A_0 : vector<16xi1>, vector<16xf32>
          %add3A_184 = arith.addf %while3A_171, %select_n3A_183 : vector<16xf32>
          scf.yield %add3A_182, %add3A_184 : vector<16xf32>, vector<16xf32>
        }
        %reduce_sum3A_81 = arith.constant true
        %reduce_sum3A_82 = vector.broadcast %reduce_sum3A_81 : i1 to vector<16xi1>
        %reduce_sum3A_83 = tpu.scan <sum>, %while3A_80#0 masked %reduce_sum3A_82 : vector<16xf32>, vector<16xi1> -> vector<16xf32>
        %reduce_sum3A_84 = vector.extract %reduce_sum3A_83[15] : f32 from vector<16xf32>
        %broadcast_in_dim3A_85 = vector.broadcast %reduce_sum3A_84 : f32 to vector<16xf32>
        %reduce_sum3A_86 = arith.constant true
        %reduce_sum3A_87 = vector.broadcast %reduce_sum3A_86 : i1 to vector<16xi1>
        %reduce_sum3A_88 = tpu.scan <sum>, %while3A_80#1 masked %reduce_sum3A_87 : vector<16xf32>, vector<16xi1> -> vector<16xf32>
        %reduce_sum3A_89 = vector.extract %reduce_sum3A_88[15] : f32 from vector<16xf32>
        %broadcast_in_dim3A_90 = vector.broadcast %reduce_sum3A_89 : f32 to vector<16xf32>
        %sub3A_91 = arith.constant 3.276400e+04 : f32
        %sub3A_92 = vector.broadcast %sub3A_91 : f32 to vector<16xf32>
        %sub3A_93 = arith.subf %sub3A_92, %broadcast_in_dim3A_30 : vector<16xf32>
        %add3A_94 = arith.addf %broadcast_in_dim3A_90, %sub3A_93 : vector<16xf32>
        %sub3A_95 = arith.subf %add3A_94, %broadcast_in_dim3A_30 : vector<16xf32>
        %lt3A = arith.constant 5.000000e-01 : f32
        %lt3A_96 = vector.broadcast %lt3A : f32 to vector<16xf32>
        %lt3A_97 = arith.cmpf olt, %sub3A_95, %lt3A_96 : vector<16xf32>
        %reduce_and3A_98 = arith.constant 1.000000e+00 : f32
        %reduce_and3A_99 = arith.constant 0.000000e+00 : f32
        %reduce_and3A_100 = vector.broadcast %reduce_and3A_98 : f32 to vector<16xf32>
        %reduce_and3A_101 = vector.broadcast %reduce_and3A_99 : f32 to vector<16xf32>
        %reduce_and3A_102 = arith.select %lt3A_97, %reduce_and3A_100, %reduce_and3A_101 : vector<16xi1>, vector<16xf32>
        %reduce_and3A_103 = arith.constant true
        %reduce_and3A_104 = vector.broadcast %reduce_and3A_103 : i1 to vector<16xi1>
        %reduce_and3A_105 = tpu.scan <min>, %reduce_and3A_102 masked %reduce_and3A_104 : vector<16xf32>, vector<16xi1> -> vector<16xf32>
        %reduce_and3A_106 = vector.extract %reduce_and3A_105[15] : f32 from vector<16xf32>
        %reduce_and3A_107 = arith.constant 0.000000e+00 : f32
        %reduce_and3A_108 = arith.cmpf ogt, %reduce_and3A_106, %reduce_and3A_107 : f32
        %convert_element_type3A_109 = arith.extui %reduce_and3A_108 : i1 to i32
        %cond3A_110 = arith.constant 0 : i32
        %cond3A_111 = arith.constant 0 : i32
        %cond3A_112 = arith.cmpi ne, %convert_element_type3A_109, %cond3A_111 : i32
        %cond3A_113 = scf.if %cond3A_112 -> (vector<16xf32>) {
          %scan3A_169 = arith.constant 0 : i32
          %scan3A_170 = arith.constant 0 : i32
          %scan3A_171 = arith.constant 16 : i32
          %scan3A_172 = arith.addi %scan3A_170, %scan3A_171 : i32
          %scan3A_173 = arith.constant 1 : i32
          %scan3A_174 = scf.for %scan3A_212 = %scan3A_170 to %scan3A_172 step %scan3A_173 iter_args(%scan3A_213 = %scan3A_169) -> (i32)  : i32 {
            %mul3A_214 = arith.constant 16 : i32
            %mul3A_215 = arith.muli %scan3A_212, %mul3A_214 : i32
            %add3A_216 = arith.constant 0 : i32
            %add3A_217 = arith.addi %mul3A_215, %add3A_216 : i32
            %mul3A_218 = arith.constant 16 : i32
            %mul3A_219 = arith.muli %add3A_217, %mul3A_218 : i32
            %swap3A = arith.index_cast %mul3A_219 : i32 to index
            %swap3A_220 = tpu.vector_load %arg7[%swap3A] {strides = array<i32>} : memref<4096xf32, #tpu.memory_space<vmem>>, vector<16xf32>,
            tpu.vector_store %arg7[%swap3A], %broadcast_in_dim3A_0 {strides = array<i32>} : memref<4096xf32, #tpu.memory_space<vmem>>, vector<16xf32>,
            %swap3A_221 = arith.index_cast %mul3A_219 : i32 to index
            %swap3A_222 = tpu.vector_load %arg8[%swap3A_221] {strides = array<i32>} : memref<4096xf32, #tpu.memory_space<vmem>>, vector<16xf32>,
            tpu.vector_store %arg8[%swap3A_221], %broadcast_in_dim3A_0 {strides = array<i32>} : memref<4096xf32, #tpu.memory_space<vmem>>, vector<16xf32>,
            %mul3A_223 = arith.constant 16 : i32
            %mul3A_224 = arith.muli %scan3A_212, %mul3A_223 : i32
            %add3A_225 = arith.constant 1 : i32
            %add3A_226 = arith.addi %mul3A_224, %add3A_225 : i32
            %mul3A_227 = arith.constant 16 : i32
            %mul3A_228 = arith.muli %add3A_226, %mul3A_227 : i32
            %swap3A_229 = arith.index_cast %mul3A_228 : i32 to index
            %swap3A_230 = tpu.vector_load %arg7[%swap3A_229] {strides = array<i32>} : memref<4096xf32, #tpu.memory_space<vmem>>, vector<16xf32>,
            tpu.vector_store %arg7[%swap3A_229], %broadcast_in_dim3A_0 {strides = array<i32>} : memref<4096xf32, #tpu.memory_space<vmem>>, vector<16xf32>,
            %swap3A_231 = arith.index_cast %mul3A_228 : i32 to index
            %swap3A_232 = tpu.vector_load %arg8[%swap3A_231] {strides = array<i32>} : memref<4096xf32, #tpu.memory_space<vmem>>, vector<16xf32>,
            tpu.vector_store %arg8[%swap3A_231], %broadcast_in_dim3A_0 {strides = array<i32>} : memref<4096xf32, #tpu.memory_space<vmem>>, vector<16xf32>,
            %mul3A_233 = arith.constant 16 : i32
            %mul3A_234 = arith.muli %scan3A_212, %mul3A_233 : i32
            %add3A_235 = arith.constant 2 : i32
            %add3A_236 = arith.addi %mul3A_234, %add3A_235 : i32
            %mul3A_237 = arith.constant 16 : i32
            %mul3A_238 = arith.muli %add3A_236, %mul3A_237 : i32
            %swap3A_239 = arith.index_cast %mul3A_238 : i32 to index
            %swap3A_240 = tpu.vector_load %arg7[%swap3A_239] {strides = array<i32>} : memref<4096xf32, #tpu.memory_space<vmem>>, vector<16xf32>,
            tpu.vector_store %arg7[%swap3A_239], %broadcast_in_dim3A_0 {strides = array<i32>} : memref<4096xf32, #tpu.memory_space<vmem>>, vector<16xf32>,
            %swap3A_241 = arith.index_cast %mul3A_238 : i32 to index
            %swap3A_242 = tpu.vector_load %arg8[%swap3A_241] {strides = array<i32>} : memref<4096xf32, #tpu.memory_space<vmem>>, vector<16xf32>,
            tpu.vector_store %arg8[%swap3A_241], %broadcast_in_dim3A_0 {strides = array<i32>} : memref<4096xf32, #tpu.memory_space<vmem>>, vector<16xf32>,
            %mul3A_243 = arith.constant 16 : i32
            %mul3A_244 = arith.muli %scan3A_212, %mul3A_243 : i32
            %add3A_245 = arith.constant 3 : i32
            %add3A_246 = arith.addi %mul3A_244, %add3A_245 : i32
            %mul3A_247 = arith.constant 16 : i32
            %mul3A_248 = arith.muli %add3A_246, %mul3A_247 : i32
            %swap3A_249 = arith.index_cast %mul3A_248 : i32 to index
            %swap3A_250 = tpu.vector_load %arg7[%swap3A_249] {strides = array<i32>} : memref<4096xf32, #tpu.memory_space<vmem>>, vector<16xf32>,
            tpu.vector_store %arg7[%swap3A_249], %broadcast_in_dim3A_0 {strides = array<i32>} : memref<4096xf32, #tpu.memory_space<vmem>>, vector<16xf32>,
            %swap3A_251 = arith.index_cast %mul3A_248 : i32 to index
            %swap3A_252 = tpu.vector_load %arg8[%swap3A_251] {strides = array<i32>} : memref<4096xf32, #tpu.memory_space<vmem>>, vector<16xf32>,
            tpu.vector_store %arg8[%swap3A_251], %broadcast_in_dim3A_0 {strides = array<i32>} : memref<4096xf32, #tpu.memory_space<vmem>>, vector<16xf32>,
            %mul3A_253 = arith.constant 16 : i32
            %mul3A_254 = arith.muli %scan3A_212, %mul3A_253 : i32
            %add3A_255 = arith.constant 4 : i32
            %add3A_256 = arith.addi %mul3A_254, %add3A_255 : i32
            %mul3A_257 = arith.constant 16 : i32
            %mul3A_258 = arith.muli %add3A_256, %mul3A_257 : i32
            %swap3A_259 = arith.index_cast %mul3A_258 : i32 to index
            %swap3A_260 = tpu.vector_load %arg7[%swap3A_259] {strides = array<i32>} : memref<4096xf32, #tpu.memory_space<vmem>>, vector<16xf32>,
            tpu.vector_store %arg7[%swap3A_259], %broadcast_in_dim3A_0 {strides = array<i32>} : memref<4096xf32, #tpu.memory_space<vmem>>, vector<16xf32>,
            %swap3A_261 = arith.index_cast %mul3A_258 : i32 to index
            %swap3A_262 = tpu.vector_load %arg8[%swap3A_261] {strides = array<i32>} : memref<4096xf32, #tpu.memory_space<vmem>>, vector<16xf32>,
            tpu.vector_store %arg8[%swap3A_261], %broadcast_in_dim3A_0 {strides = array<i32>} : memref<4096xf32, #tpu.memory_space<vmem>>, vector<16xf32>,
            %mul3A_263 = arith.constant 16 : i32
            %mul3A_264 = arith.muli %scan3A_212, %mul3A_263 : i32
            %add3A_265 = arith.constant 5 : i32
            %add3A_266 = arith.addi %mul3A_264, %add3A_265 : i32
            %mul3A_267 = arith.constant 16 : i32
            %mul3A_268 = arith.muli %add3A_266, %mul3A_267 : i32
            %swap3A_269 = arith.index_cast %mul3A_268 : i32 to index
            %swap3A_270 = tpu.vector_load %arg7[%swap3A_269] {strides = array<i32>} : memref<4096xf32, #tpu.memory_space<vmem>>, vector<16xf32>,
            tpu.vector_store %arg7[%swap3A_269], %broadcast_in_dim3A_0 {strides = array<i32>} : memref<4096xf32, #tpu.memory_space<vmem>>, vector<16xf32>,
            %swap3A_271 = arith.index_cast %mul3A_268 : i32 to index
            %swap3A_272 = tpu.vector_load %arg8[%swap3A_271] {strides = array<i32>} : memref<4096xf32, #tpu.memory_space<vmem>>, vector<16xf32>,
            tpu.vector_store %arg8[%swap3A_271], %broadcast_in_dim3A_0 {strides = array<i32>} : memref<4096xf32, #tpu.memory_space<vmem>>, vector<16xf32>,
            %mul3A_273 = arith.constant 16 : i32
            %mul3A_274 = arith.muli %scan3A_212, %mul3A_273 : i32
            %add3A_275 = arith.constant 6 : i32
            %add3A_276 = arith.addi %mul3A_274, %add3A_275 : i32
            %mul3A_277 = arith.constant 16 : i32
            %mul3A_278 = arith.muli %add3A_276, %mul3A_277 : i32
            %swap3A_279 = arith.index_cast %mul3A_278 : i32 to index
            %swap3A_280 = tpu.vector_load %arg7[%swap3A_279] {strides = array<i32>} : memref<4096xf32, #tpu.memory_space<vmem>>, vector<16xf32>,
            tpu.vector_store %arg7[%swap3A_279], %broadcast_in_dim3A_0 {strides = array<i32>} : memref<4096xf32, #tpu.memory_space<vmem>>, vector<16xf32>,
            %swap3A_281 = arith.index_cast %mul3A_278 : i32 to index
            %swap3A_282 = tpu.vector_load %arg8[%swap3A_281] {strides = array<i32>} : memref<4096xf32, #tpu.memory_space<vmem>>, vector<16xf32>,
            tpu.vector_store %arg8[%swap3A_281], %broadcast_in_dim3A_0 {strides = array<i32>} : memref<4096xf32, #tpu.memory_space<vmem>>, vector<16xf32>,
            %mul3A_283 = arith.constant 16 : i32
            %mul3A_284 = arith.muli %scan3A_212, %mul3A_283 : i32
            %add3A_285 = arith.constant 7 : i32
            %add3A_286 = arith.addi %mul3A_284, %add3A_285 : i32
            %mul3A_287 = arith.constant 16 : i32
            %mul3A_288 = arith.muli %add3A_286, %mul3A_287 : i32
            %swap3A_289 = arith.index_cast %mul3A_288 : i32 to index
            %swap3A_290 = tpu.vector_load %arg7[%swap3A_289] {strides = array<i32>} : memref<4096xf32, #tpu.memory_space<vmem>>, vector<16xf32>,
            tpu.vector_store %arg7[%swap3A_289], %broadcast_in_dim3A_0 {strides = array<i32>} : memref<4096xf32, #tpu.memory_space<vmem>>, vector<16xf32>,
            %swap3A_291 = arith.index_cast %mul3A_288 : i32 to index
            %swap3A_292 = tpu.vector_load %arg8[%swap3A_291] {strides = array<i32>} : memref<4096xf32, #tpu.memory_space<vmem>>, vector<16xf32>,
            tpu.vector_store %arg8[%swap3A_291], %broadcast_in_dim3A_0 {strides = array<i32>} : memref<4096xf32, #tpu.memory_space<vmem>>, vector<16xf32>,
            %mul3A_293 = arith.constant 16 : i32
            %mul3A_294 = arith.muli %scan3A_212, %mul3A_293 : i32
            %add3A_295 = arith.constant 8 : i32
            %add3A_296 = arith.addi %mul3A_294, %add3A_295 : i32
            %mul3A_297 = arith.constant 16 : i32
            %mul3A_298 = arith.muli %add3A_296, %mul3A_297 : i32
            %swap3A_299 = arith.index_cast %mul3A_298 : i32 to index
            %swap3A_300 = tpu.vector_load %arg7[%swap3A_299] {strides = array<i32>} : memref<4096xf32, #tpu.memory_space<vmem>>, vector<16xf32>,
            tpu.vector_store %arg7[%swap3A_299], %broadcast_in_dim3A_0 {strides = array<i32>} : memref<4096xf32, #tpu.memory_space<vmem>>, vector<16xf32>,
            %swap3A_301 = arith.index_cast %mul3A_298 : i32 to index
            %swap3A_302 = tpu.vector_load %arg8[%swap3A_301] {strides = array<i32>} : memref<4096xf32, #tpu.memory_space<vmem>>, vector<16xf32>,
            tpu.vector_store %arg8[%swap3A_301], %broadcast_in_dim3A_0 {strides = array<i32>} : memref<4096xf32, #tpu.memory_space<vmem>>, vector<16xf32>,
            %mul3A_303 = arith.constant 16 : i32
            %mul3A_304 = arith.muli %scan3A_212, %mul3A_303 : i32
            %add3A_305 = arith.constant 9 : i32
            %add3A_306 = arith.addi %mul3A_304, %add3A_305 : i32
            %mul3A_307 = arith.constant 16 : i32
            %mul3A_308 = arith.muli %add3A_306, %mul3A_307 : i32
            %swap3A_309 = arith.index_cast %mul3A_308 : i32 to index
            %swap3A_310 = tpu.vector_load %arg7[%swap3A_309] {strides = array<i32>} : memref<4096xf32, #tpu.memory_space<vmem>>, vector<16xf32>,
            tpu.vector_store %arg7[%swap3A_309], %broadcast_in_dim3A_0 {strides = array<i32>} : memref<4096xf32, #tpu.memory_space<vmem>>, vector<16xf32>,
            %swap3A_311 = arith.index_cast %mul3A_308 : i32 to index
            %swap3A_312 = tpu.vector_load %arg8[%swap3A_311] {strides = array<i32>} : memref<4096xf32, #tpu.memory_space<vmem>>, vector<16xf32>,
            tpu.vector_store %arg8[%swap3A_311], %broadcast_in_dim3A_0 {strides = array<i32>} : memref<4096xf32, #tpu.memory_space<vmem>>, vector<16xf32>,
            %mul3A_313 = arith.constant 16 : i32
            %mul3A_314 = arith.muli %scan3A_212, %mul3A_313 : i32
            %add3A_315 = arith.constant 10 : i32
            %add3A_316 = arith.addi %mul3A_314, %add3A_315 : i32
            %mul3A_317 = arith.constant 16 : i32
            %mul3A_318 = arith.muli %add3A_316, %mul3A_317 : i32
            %swap3A_319 = arith.index_cast %mul3A_318 : i32 to index
            %swap3A_320 = tpu.vector_load %arg7[%swap3A_319] {strides = array<i32>} : memref<4096xf32, #tpu.memory_space<vmem>>, vector<16xf32>,
            tpu.vector_store %arg7[%swap3A_319], %broadcast_in_dim3A_0 {strides = array<i32>} : memref<4096xf32, #tpu.memory_space<vmem>>, vector<16xf32>,
            %swap3A_321 = arith.index_cast %mul3A_318 : i32 to index
            %swap3A_322 = tpu.vector_load %arg8[%swap3A_321] {strides = array<i32>} : memref<4096xf32, #tpu.memory_space<vmem>>, vector<16xf32>,
            tpu.vector_store %arg8[%swap3A_321], %broadcast_in_dim3A_0 {strides = array<i32>} : memref<4096xf32, #tpu.memory_space<vmem>>, vector<16xf32>,
            %mul3A_323 = arith.constant 16 : i32
            %mul3A_324 = arith.muli %scan3A_212, %mul3A_323 : i32
            %add3A_325 = arith.constant 11 : i32
            %add3A_326 = arith.addi %mul3A_324, %add3A_325 : i32
            %mul3A_327 = arith.constant 16 : i32
            %mul3A_328 = arith.muli %add3A_326, %mul3A_327 : i32
            %swap3A_329 = arith.index_cast %mul3A_328 : i32 to index
            %swap3A_330 = tpu.vector_load %arg7[%swap3A_329] {strides = array<i32>} : memref<4096xf32, #tpu.memory_space<vmem>>, vector<16xf32>,
            tpu.vector_store %arg7[%swap3A_329], %broadcast_in_dim3A_0 {strides = array<i32>} : memref<4096xf32, #tpu.memory_space<vmem>>, vector<16xf32>,
            %swap3A_331 = arith.index_cast %mul3A_328 : i32 to index
            %swap3A_332 = tpu.vector_load %arg8[%swap3A_331] {strides = array<i32>} : memref<4096xf32, #tpu.memory_space<vmem>>, vector<16xf32>,
            tpu.vector_store %arg8[%swap3A_331], %broadcast_in_dim3A_0 {strides = array<i32>} : memref<4096xf32, #tpu.memory_space<vmem>>, vector<16xf32>,
            %mul3A_333 = arith.constant 16 : i32
            %mul3A_334 = arith.muli %scan3A_212, %mul3A_333 : i32
            %add3A_335 = arith.constant 12 : i32
            %add3A_336 = arith.addi %mul3A_334, %add3A_335 : i32
            %mul3A_337 = arith.constant 16 : i32
            %mul3A_338 = arith.muli %add3A_336, %mul3A_337 : i32
            %swap3A_339 = arith.index_cast %mul3A_338 : i32 to index
            %swap3A_340 = tpu.vector_load %arg7[%swap3A_339] {strides = array<i32>} : memref<4096xf32, #tpu.memory_space<vmem>>, vector<16xf32>,
            tpu.vector_store %arg7[%swap3A_339], %broadcast_in_dim3A_0 {strides = array<i32>} : memref<4096xf32, #tpu.memory_space<vmem>>, vector<16xf32>,
            %swap3A_341 = arith.index_cast %mul3A_338 : i32 to index
            %swap3A_342 = tpu.vector_load %arg8[%swap3A_341] {strides = array<i32>} : memref<4096xf32, #tpu.memory_space<vmem>>, vector<16xf32>,
            tpu.vector_store %arg8[%swap3A_341], %broadcast_in_dim3A_0 {strides = array<i32>} : memref<4096xf32, #tpu.memory_space<vmem>>, vector<16xf32>,
            %mul3A_343 = arith.constant 16 : i32
            %mul3A_344 = arith.muli %scan3A_212, %mul3A_343 : i32
            %add3A_345 = arith.constant 13 : i32
            %add3A_346 = arith.addi %mul3A_344, %add3A_345 : i32
            %mul3A_347 = arith.constant 16 : i32
            %mul3A_348 = arith.muli %add3A_346, %mul3A_347 : i32
            %swap3A_349 = arith.index_cast %mul3A_348 : i32 to index
            %swap3A_350 = tpu.vector_load %arg7[%swap3A_349] {strides = array<i32>} : memref<4096xf32, #tpu.memory_space<vmem>>, vector<16xf32>,
            tpu.vector_store %arg7[%swap3A_349], %broadcast_in_dim3A_0 {strides = array<i32>} : memref<4096xf32, #tpu.memory_space<vmem>>, vector<16xf32>,
            %swap3A_351 = arith.index_cast %mul3A_348 : i32 to index
            %swap3A_352 = tpu.vector_load %arg8[%swap3A_351] {strides = array<i32>} : memref<4096xf32, #tpu.memory_space<vmem>>, vector<16xf32>,
            tpu.vector_store %arg8[%swap3A_351], %broadcast_in_dim3A_0 {strides = array<i32>} : memref<4096xf32, #tpu.memory_space<vmem>>, vector<16xf32>,
            %mul3A_353 = arith.constant 16 : i32
            %mul3A_354 = arith.muli %scan3A_212, %mul3A_353 : i32
            %add3A_355 = arith.constant 14 : i32
            %add3A_356 = arith.addi %mul3A_354, %add3A_355 : i32
            %mul3A_357 = arith.constant 16 : i32
            %mul3A_358 = arith.muli %add3A_356, %mul3A_357 : i32
            %swap3A_359 = arith.index_cast %mul3A_358 : i32 to index
            %swap3A_360 = tpu.vector_load %arg7[%swap3A_359] {strides = array<i32>} : memref<4096xf32, #tpu.memory_space<vmem>>, vector<16xf32>,
            tpu.vector_store %arg7[%swap3A_359], %broadcast_in_dim3A_0 {strides = array<i32>} : memref<4096xf32, #tpu.memory_space<vmem>>, vector<16xf32>,
            %swap3A_361 = arith.index_cast %mul3A_358 : i32 to index
            %swap3A_362 = tpu.vector_load %arg8[%swap3A_361] {strides = array<i32>} : memref<4096xf32, #tpu.memory_space<vmem>>, vector<16xf32>,
            tpu.vector_store %arg8[%swap3A_361], %broadcast_in_dim3A_0 {strides = array<i32>} : memref<4096xf32, #tpu.memory_space<vmem>>, vector<16xf32>,
            %mul3A_363 = arith.constant 16 : i32
            %mul3A_364 = arith.muli %scan3A_212, %mul3A_363 : i32
            %add3A_365 = arith.constant 15 : i32
            %add3A_366 = arith.addi %mul3A_364, %add3A_365 : i32
            %mul3A_367 = arith.constant 16 : i32
            %mul3A_368 = arith.muli %add3A_366, %mul3A_367 : i32
            %swap3A_369 = arith.index_cast %mul3A_368 : i32 to index
            %swap3A_370 = tpu.vector_load %arg7[%swap3A_369] {strides = array<i32>} : memref<4096xf32, #tpu.memory_space<vmem>>, vector<16xf32>,
            tpu.vector_store %arg7[%swap3A_369], %broadcast_in_dim3A_0 {strides = array<i32>} : memref<4096xf32, #tpu.memory_space<vmem>>, vector<16xf32>,
            %swap3A_371 = arith.index_cast %mul3A_368 : i32 to index
            %swap3A_372 = tpu.vector_load %arg8[%swap3A_371] {strides = array<i32>} : memref<4096xf32, #tpu.memory_space<vmem>>, vector<16xf32>,
            tpu.vector_store %arg8[%swap3A_371], %broadcast_in_dim3A_0 {strides = array<i32>} : memref<4096xf32, #tpu.memory_space<vmem>>, vector<16xf32>,
            %scan3A_373 = arith.constant 0 : i32
            scf.yield %scan3A_373 : i32
          }
          %scan3A_175 = arith.constant 16 : i32
          %gt3A = arith.cmpf ogt, %broadcast_in_dim3A_22, %broadcast_in_dim3A_26 : vector<16xf32>
          %sub3A_176 = arith.subf %broadcast_in_dim3A_22, %broadcast_in_dim3A_26 : vector<16xf32>
          %mul3A_177 = arith.constant 3.906250e-03 : f32
          %mul3A_178 = vector.broadcast %mul3A_177 : f32 to vector<16xf32>
          %mul3A_179 = arith.mulf %sub3A_176, %mul3A_178 : vector<16xf32>
          %select_n3A_180 = arith.select %gt3A, %mul3A_179, %broadcast_in_dim3A_2 : vector<16xi1>, vector<16xf32>
          %div3A_181 = arith.constant 1.000000e+00 : f32
          %div3A_182 = vector.broadcast %div3A_181 : f32 to vector<16xf32>
          %div3A_183 = arith.divf %div3A_182, %select_n3A_180 : vector<16xf32>
          %scan3A_184 = arith.constant 0 : i32
          %scan3A_185 = arith.constant 0 : i32
          %scan3A_186 = arith.constant 128 : i32
          %scan3A_187 = arith.addi %scan3A_185, %scan3A_186 : i32
          %scan3A_188 = arith.constant 1 : i32
          %scan3A_189 = scf.for %scan3A_212 = %scan3A_185 to %scan3A_187 step %scan3A_188 iter_args(%scan3A_213 = %scan3A_184) -> (i32)  : i32 {
            %mul3A_214 = arith.constant 16 : i32
            %mul3A_215 = arith.muli %scan3A_212, %mul3A_214 : i32
            %add3A_216 = arith.constant 0 : i32
            %add3A_217 = arith.addi %mul3A_215, %add3A_216 : i32
            %mul3A_218 = arith.constant 16 : i32
            %mul3A_219 = arith.muli %add3A_217, %mul3A_218 : i32
            %get3A = arith.index_cast %mul3A_219 : i32 to index
            %get3A_220 = tpu.vector_load %arg5[%get3A] {strides = array<i32>} : memref<32768xf32, #tpu.memory_space<vmem>>, vector<16xf32>,
            %sub3A_221 = arith.subf %get3A_220, %broadcast_in_dim3A_26 : vector<16xf32>
            %mul3A_222 = arith.mulf %sub3A_221, %div3A_183 : vector<16xf32>
            %jit3A = arith.constant 0.000000e+00 : f32
            %jit3A_223 = arith.constant 2.550000e+02 : f32
            %max3A_224 = vector.broadcast %jit3A : f32 to vector<16xf32>
            %max3A_225 = arith.maximumf %max3A_224, %mul3A_222 : vector<16xf32>
            %min3A = vector.broadcast %jit3A_223 : f32 to vector<16xf32>
            %min3A_226 = arith.minimumf %min3A, %max3A_225 : vector<16xf32>
            %convert_element_type3A_227 = arith.fptosi %min3A_226 : vector<16xf32> to vector<16xi32>
            %mul3A_228 = arith.constant 16 : i32
            %mul3A_229 = vector.broadcast %mul3A_228 : i32 to vector<16xi32>
            %mul3A_230 = arith.muli %convert_element_type3A_227, %mul3A_229 : vector<16xi32>
            %add3A_231 = arith.addi %mul3A_230, %iota3A : vector<16xi32>
            tpu.vector_store_idx %arg7[%add3A_231], %broadcast_in_dim3A_2 {add = true} : memref<4096xf32, #tpu.memory_space<vmem>>[vector<16xi32>], vector<16xf32>,
            tpu.vector_store_idx %arg8[%add3A_231], %get3A_220 {add = true} : memref<4096xf32, #tpu.memory_space<vmem>>[vector<16xi32>], vector<16xf32>,
            %mul3A_232 = arith.constant 16 : i32
            %mul3A_233 = arith.muli %scan3A_212, %mul3A_232 : i32
            %add3A_234 = arith.constant 1 : i32
            %add3A_235 = arith.addi %mul3A_233, %add3A_234 : i32
            %mul3A_236 = arith.constant 16 : i32
            %mul3A_237 = arith.muli %add3A_235, %mul3A_236 : i32
            %get3A_238 = arith.index_cast %mul3A_237 : i32 to index
            %get3A_239 = tpu.vector_load %arg5[%get3A_238] {strides = array<i32>} : memref<32768xf32, #tpu.memory_space<vmem>>, vector<16xf32>,
            %sub3A_240 = arith.subf %get3A_239, %broadcast_in_dim3A_26 : vector<16xf32>
            %mul3A_241 = arith.mulf %sub3A_240, %div3A_183 : vector<16xf32>
            %jit3A_242 = arith.constant 0.000000e+00 : f32
            %jit3A_243 = arith.constant 2.550000e+02 : f32
            %max3A_244 = vector.broadcast %jit3A_242 : f32 to vector<16xf32>
            %max3A_245 = arith.maximumf %max3A_244, %mul3A_241 : vector<16xf32>
            %min3A_246 = vector.broadcast %jit3A_243 : f32 to vector<16xf32>
            %min3A_247 = arith.minimumf %min3A_246, %max3A_245 : vector<16xf32>
            %convert_element_type3A_248 = arith.fptosi %min3A_247 : vector<16xf32> to vector<16xi32>
            %mul3A_249 = arith.constant 16 : i32
            %mul3A_250 = vector.broadcast %mul3A_249 : i32 to vector<16xi32>
            %mul3A_251 = arith.muli %convert_element_type3A_248, %mul3A_250 : vector<16xi32>
            %add3A_252 = arith.addi %mul3A_251, %iota3A : vector<16xi32>
            tpu.vector_store_idx %arg7[%add3A_252], %broadcast_in_dim3A_2 {add = true} : memref<4096xf32, #tpu.memory_space<vmem>>[vector<16xi32>], vector<16xf32>,
            tpu.vector_store_idx %arg8[%add3A_252], %get3A_239 {add = true} : memref<4096xf32, #tpu.memory_space<vmem>>[vector<16xi32>], vector<16xf32>,
            %mul3A_253 = arith.constant 16 : i32
            %mul3A_254 = arith.muli %scan3A_212, %mul3A_253 : i32
            %add3A_255 = arith.constant 2 : i32
            %add3A_256 = arith.addi %mul3A_254, %add3A_255 : i32
            %mul3A_257 = arith.constant 16 : i32
            %mul3A_258 = arith.muli %add3A_256, %mul3A_257 : i32
            %get3A_259 = arith.index_cast %mul3A_258 : i32 to index
            %get3A_260 = tpu.vector_load %arg5[%get3A_259] {strides = array<i32>} : memref<32768xf32, #tpu.memory_space<vmem>>, vector<16xf32>,
            %sub3A_261 = arith.subf %get3A_260, %broadcast_in_dim3A_26 : vector<16xf32>
            %mul3A_262 = arith.mulf %sub3A_261, %div3A_183 : vector<16xf32>
            %jit3A_263 = arith.constant 0.000000e+00 : f32
            %jit3A_264 = arith.constant 2.550000e+02 : f32
            %max3A_265 = vector.broadcast %jit3A_263 : f32 to vector<16xf32>
            %max3A_266 = arith.maximumf %max3A_265, %mul3A_262 : vector<16xf32>
            %min3A_267 = vector.broadcast %jit3A_264 : f32 to vector<16xf32>
            %min3A_268 = arith.minimumf %min3A_267, %max3A_266 : vector<16xf32>
            %convert_element_type3A_269 = arith.fptosi %min3A_268 : vector<16xf32> to vector<16xi32>
            %mul3A_270 = arith.constant 16 : i32
            %mul3A_271 = vector.broadcast %mul3A_270 : i32 to vector<16xi32>
            %mul3A_272 = arith.muli %convert_element_type3A_269, %mul3A_271 : vector<16xi32>
            %add3A_273 = arith.addi %mul3A_272, %iota3A : vector<16xi32>
            tpu.vector_store_idx %arg7[%add3A_273], %broadcast_in_dim3A_2 {add = true} : memref<4096xf32, #tpu.memory_space<vmem>>[vector<16xi32>], vector<16xf32>,
            tpu.vector_store_idx %arg8[%add3A_273], %get3A_260 {add = true} : memref<4096xf32, #tpu.memory_space<vmem>>[vector<16xi32>], vector<16xf32>,
            %mul3A_274 = arith.constant 16 : i32
            %mul3A_275 = arith.muli %scan3A_212, %mul3A_274 : i32
            %add3A_276 = arith.constant 3 : i32
            %add3A_277 = arith.addi %mul3A_275, %add3A_276 : i32
            %mul3A_278 = arith.constant 16 : i32
            %mul3A_279 = arith.muli %add3A_277, %mul3A_278 : i32
            %get3A_280 = arith.index_cast %mul3A_279 : i32 to index
            %get3A_281 = tpu.vector_load %arg5[%get3A_280] {strides = array<i32>} : memref<32768xf32, #tpu.memory_space<vmem>>, vector<16xf32>,
            %sub3A_282 = arith.subf %get3A_281, %broadcast_in_dim3A_26 : vector<16xf32>
            %mul3A_283 = arith.mulf %sub3A_282, %div3A_183 : vector<16xf32>
            %jit3A_284 = arith.constant 0.000000e+00 : f32
            %jit3A_285 = arith.constant 2.550000e+02 : f32
            %max3A_286 = vector.broadcast %jit3A_284 : f32 to vector<16xf32>
            %max3A_287 = arith.maximumf %max3A_286, %mul3A_283 : vector<16xf32>
            %min3A_288 = vector.broadcast %jit3A_285 : f32 to vector<16xf32>
            %min3A_289 = arith.minimumf %min3A_288, %max3A_287 : vector<16xf32>
            %convert_element_type3A_290 = arith.fptosi %min3A_289 : vector<16xf32> to vector<16xi32>
            %mul3A_291 = arith.constant 16 : i32
            %mul3A_292 = vector.broadcast %mul3A_291 : i32 to vector<16xi32>
            %mul3A_293 = arith.muli %convert_element_type3A_290, %mul3A_292 : vector<16xi32>
            %add3A_294 = arith.addi %mul3A_293, %iota3A : vector<16xi32>
            tpu.vector_store_idx %arg7[%add3A_294], %broadcast_in_dim3A_2 {add = true} : memref<4096xf32, #tpu.memory_space<vmem>>[vector<16xi32>], vector<16xf32>,
            tpu.vector_store_idx %arg8[%add3A_294], %get3A_281 {add = true} : memref<4096xf32, #tpu.memory_space<vmem>>[vector<16xi32>], vector<16xf32>,
            %mul3A_295 = arith.constant 16 : i32
            %mul3A_296 = arith.muli %scan3A_212, %mul3A_295 : i32
            %add3A_297 = arith.constant 4 : i32
            %add3A_298 = arith.addi %mul3A_296, %add3A_297 : i32
            %mul3A_299 = arith.constant 16 : i32
            %mul3A_300 = arith.muli %add3A_298, %mul3A_299 : i32
            %get3A_301 = arith.index_cast %mul3A_300 : i32 to index
            %get3A_302 = tpu.vector_load %arg5[%get3A_301] {strides = array<i32>} : memref<32768xf32, #tpu.memory_space<vmem>>, vector<16xf32>,
            %sub3A_303 = arith.subf %get3A_302, %broadcast_in_dim3A_26 : vector<16xf32>
            %mul3A_304 = arith.mulf %sub3A_303, %div3A_183 : vector<16xf32>
            %jit3A_305 = arith.constant 0.000000e+00 : f32
            %jit3A_306 = arith.constant 2.550000e+02 : f32
            %max3A_307 = vector.broadcast %jit3A_305 : f32 to vector<16xf32>
            %max3A_308 = arith.maximumf %max3A_307, %mul3A_304 : vector<16xf32>
            %min3A_309 = vector.broadcast %jit3A_306 : f32 to vector<16xf32>
            %min3A_310 = arith.minimumf %min3A_309, %max3A_308 : vector<16xf32>
            %convert_element_type3A_311 = arith.fptosi %min3A_310 : vector<16xf32> to vector<16xi32>
            %mul3A_312 = arith.constant 16 : i32
            %mul3A_313 = vector.broadcast %mul3A_312 : i32 to vector<16xi32>
            %mul3A_314 = arith.muli %convert_element_type3A_311, %mul3A_313 : vector<16xi32>
            %add3A_315 = arith.addi %mul3A_314, %iota3A : vector<16xi32>
            tpu.vector_store_idx %arg7[%add3A_315], %broadcast_in_dim3A_2 {add = true} : memref<4096xf32, #tpu.memory_space<vmem>>[vector<16xi32>], vector<16xf32>,
            tpu.vector_store_idx %arg8[%add3A_315], %get3A_302 {add = true} : memref<4096xf32, #tpu.memory_space<vmem>>[vector<16xi32>], vector<16xf32>,
            %mul3A_316 = arith.constant 16 : i32
            %mul3A_317 = arith.muli %scan3A_212, %mul3A_316 : i32
            %add3A_318 = arith.constant 5 : i32
            %add3A_319 = arith.addi %mul3A_317, %add3A_318 : i32
            %mul3A_320 = arith.constant 16 : i32
            %mul3A_321 = arith.muli %add3A_319, %mul3A_320 : i32
            %get3A_322 = arith.index_cast %mul3A_321 : i32 to index
            %get3A_323 = tpu.vector_load %arg5[%get3A_322] {strides = array<i32>} : memref<32768xf32, #tpu.memory_space<vmem>>, vector<16xf32>,
            %sub3A_324 = arith.subf %get3A_323, %broadcast_in_dim3A_26 : vector<16xf32>
            %mul3A_325 = arith.mulf %sub3A_324, %div3A_183 : vector<16xf32>
            %jit3A_326 = arith.constant 0.000000e+00 : f32
            %jit3A_327 = arith.constant 2.550000e+02 : f32
            %max3A_328 = vector.broadcast %jit3A_326 : f32 to vector<16xf32>
            %max3A_329 = arith.maximumf %max3A_328, %mul3A_325 : vector<16xf32>
            %min3A_330 = vector.broadcast %jit3A_327 : f32 to vector<16xf32>
            %min3A_331 = arith.minimumf %min3A_330, %max3A_329 : vector<16xf32>
            %convert_element_type3A_332 = arith.fptosi %min3A_331 : vector<16xf32> to vector<16xi32>
            %mul3A_333 = arith.constant 16 : i32
            %mul3A_334 = vector.broadcast %mul3A_333 : i32 to vector<16xi32>
            %mul3A_335 = arith.muli %convert_element_type3A_332, %mul3A_334 : vector<16xi32>
            %add3A_336 = arith.addi %mul3A_335, %iota3A : vector<16xi32>
            tpu.vector_store_idx %arg7[%add3A_336], %broadcast_in_dim3A_2 {add = true} : memref<4096xf32, #tpu.memory_space<vmem>>[vector<16xi32>], vector<16xf32>,
            tpu.vector_store_idx %arg8[%add3A_336], %get3A_323 {add = true} : memref<4096xf32, #tpu.memory_space<vmem>>[vector<16xi32>], vector<16xf32>,
            %mul3A_337 = arith.constant 16 : i32
            %mul3A_338 = arith.muli %scan3A_212, %mul3A_337 : i32
            %add3A_339 = arith.constant 6 : i32
            %add3A_340 = arith.addi %mul3A_338, %add3A_339 : i32
            %mul3A_341 = arith.constant 16 : i32
            %mul3A_342 = arith.muli %add3A_340, %mul3A_341 : i32
            %get3A_343 = arith.index_cast %mul3A_342 : i32 to index
            %get3A_344 = tpu.vector_load %arg5[%get3A_343] {strides = array<i32>} : memref<32768xf32, #tpu.memory_space<vmem>>, vector<16xf32>,
            %sub3A_345 = arith.subf %get3A_344, %broadcast_in_dim3A_26 : vector<16xf32>
            %mul3A_346 = arith.mulf %sub3A_345, %div3A_183 : vector<16xf32>
            %jit3A_347 = arith.constant 0.000000e+00 : f32
            %jit3A_348 = arith.constant 2.550000e+02 : f32
            %max3A_349 = vector.broadcast %jit3A_347 : f32 to vector<16xf32>
            %max3A_350 = arith.maximumf %max3A_349, %mul3A_346 : vector<16xf32>
            %min3A_351 = vector.broadcast %jit3A_348 : f32 to vector<16xf32>
            %min3A_352 = arith.minimumf %min3A_351, %max3A_350 : vector<16xf32>
            %convert_element_type3A_353 = arith.fptosi %min3A_352 : vector<16xf32> to vector<16xi32>
            %mul3A_354 = arith.constant 16 : i32
            %mul3A_355 = vector.broadcast %mul3A_354 : i32 to vector<16xi32>
            %mul3A_356 = arith.muli %convert_element_type3A_353, %mul3A_355 : vector<16xi32>
            %add3A_357 = arith.addi %mul3A_356, %iota3A : vector<16xi32>
            tpu.vector_store_idx %arg7[%add3A_357], %broadcast_in_dim3A_2 {add = true} : memref<4096xf32, #tpu.memory_space<vmem>>[vector<16xi32>], vector<16xf32>,
            tpu.vector_store_idx %arg8[%add3A_357], %get3A_344 {add = true} : memref<4096xf32, #tpu.memory_space<vmem>>[vector<16xi32>], vector<16xf32>,
            %mul3A_358 = arith.constant 16 : i32
            %mul3A_359 = arith.muli %scan3A_212, %mul3A_358 : i32
            %add3A_360 = arith.constant 7 : i32
            %add3A_361 = arith.addi %mul3A_359, %add3A_360 : i32
            %mul3A_362 = arith.constant 16 : i32
            %mul3A_363 = arith.muli %add3A_361, %mul3A_362 : i32
            %get3A_364 = arith.index_cast %mul3A_363 : i32 to index
            %get3A_365 = tpu.vector_load %arg5[%get3A_364] {strides = array<i32>} : memref<32768xf32, #tpu.memory_space<vmem>>, vector<16xf32>,
            %sub3A_366 = arith.subf %get3A_365, %broadcast_in_dim3A_26 : vector<16xf32>
            %mul3A_367 = arith.mulf %sub3A_366, %div3A_183 : vector<16xf32>
            %jit3A_368 = arith.constant 0.000000e+00 : f32
            %jit3A_369 = arith.constant 2.550000e+02 : f32
            %max3A_370 = vector.broadcast %jit3A_368 : f32 to vector<16xf32>
            %max3A_371 = arith.maximumf %max3A_370, %mul3A_367 : vector<16xf32>
            %min3A_372 = vector.broadcast %jit3A_369 : f32 to vector<16xf32>
            %min3A_373 = arith.minimumf %min3A_372, %max3A_371 : vector<16xf32>
            %convert_element_type3A_374 = arith.fptosi %min3A_373 : vector<16xf32> to vector<16xi32>
            %mul3A_375 = arith.constant 16 : i32
            %mul3A_376 = vector.broadcast %mul3A_375 : i32 to vector<16xi32>
            %mul3A_377 = arith.muli %convert_element_type3A_374, %mul3A_376 : vector<16xi32>
            %add3A_378 = arith.addi %mul3A_377, %iota3A : vector<16xi32>
            tpu.vector_store_idx %arg7[%add3A_378], %broadcast_in_dim3A_2 {add = true} : memref<4096xf32, #tpu.memory_space<vmem>>[vector<16xi32>], vector<16xf32>,
            tpu.vector_store_idx %arg8[%add3A_378], %get3A_365 {add = true} : memref<4096xf32, #tpu.memory_space<vmem>>[vector<16xi32>], vector<16xf32>,
            %mul3A_379 = arith.constant 16 : i32
            %mul3A_380 = arith.muli %scan3A_212, %mul3A_379 : i32
            %add3A_381 = arith.constant 8 : i32
            %add3A_382 = arith.addi %mul3A_380, %add3A_381 : i32
            %mul3A_383 = arith.constant 16 : i32
            %mul3A_384 = arith.muli %add3A_382, %mul3A_383 : i32
            %get3A_385 = arith.index_cast %mul3A_384 : i32 to index
            %get3A_386 = tpu.vector_load %arg5[%get3A_385] {strides = array<i32>} : memref<32768xf32, #tpu.memory_space<vmem>>, vector<16xf32>,
            %sub3A_387 = arith.subf %get3A_386, %broadcast_in_dim3A_26 : vector<16xf32>
            %mul3A_388 = arith.mulf %sub3A_387, %div3A_183 : vector<16xf32>
            %jit3A_389 = arith.constant 0.000000e+00 : f32
            %jit3A_390 = arith.constant 2.550000e+02 : f32
            %max3A_391 = vector.broadcast %jit3A_389 : f32 to vector<16xf32>
            %max3A_392 = arith.maximumf %max3A_391, %mul3A_388 : vector<16xf32>
            %min3A_393 = vector.broadcast %jit3A_390 : f32 to vector<16xf32>
            %min3A_394 = arith.minimumf %min3A_393, %max3A_392 : vector<16xf32>
            %convert_element_type3A_395 = arith.fptosi %min3A_394 : vector<16xf32> to vector<16xi32>
            %mul3A_396 = arith.constant 16 : i32
            %mul3A_397 = vector.broadcast %mul3A_396 : i32 to vector<16xi32>
            %mul3A_398 = arith.muli %convert_element_type3A_395, %mul3A_397 : vector<16xi32>
            %add3A_399 = arith.addi %mul3A_398, %iota3A : vector<16xi32>
            tpu.vector_store_idx %arg7[%add3A_399], %broadcast_in_dim3A_2 {add = true} : memref<4096xf32, #tpu.memory_space<vmem>>[vector<16xi32>], vector<16xf32>,
            tpu.vector_store_idx %arg8[%add3A_399], %get3A_386 {add = true} : memref<4096xf32, #tpu.memory_space<vmem>>[vector<16xi32>], vector<16xf32>,
            %mul3A_400 = arith.constant 16 : i32
            %mul3A_401 = arith.muli %scan3A_212, %mul3A_400 : i32
            %add3A_402 = arith.constant 9 : i32
            %add3A_403 = arith.addi %mul3A_401, %add3A_402 : i32
            %mul3A_404 = arith.constant 16 : i32
            %mul3A_405 = arith.muli %add3A_403, %mul3A_404 : i32
            %get3A_406 = arith.index_cast %mul3A_405 : i32 to index
            %get3A_407 = tpu.vector_load %arg5[%get3A_406] {strides = array<i32>} : memref<32768xf32, #tpu.memory_space<vmem>>, vector<16xf32>,
            %sub3A_408 = arith.subf %get3A_407, %broadcast_in_dim3A_26 : vector<16xf32>
            %mul3A_409 = arith.mulf %sub3A_408, %div3A_183 : vector<16xf32>
            %jit3A_410 = arith.constant 0.000000e+00 : f32
            %jit3A_411 = arith.constant 2.550000e+02 : f32
            %max3A_412 = vector.broadcast %jit3A_410 : f32 to vector<16xf32>
            %max3A_413 = arith.maximumf %max3A_412, %mul3A_409 : vector<16xf32>
            %min3A_414 = vector.broadcast %jit3A_411 : f32 to vector<16xf32>
            %min3A_415 = arith.minimumf %min3A_414, %max3A_413 : vector<16xf32>
            %convert_element_type3A_416 = arith.fptosi %min3A_415 : vector<16xf32> to vector<16xi32>
            %mul3A_417 = arith.constant 16 : i32
            %mul3A_418 = vector.broadcast %mul3A_417 : i32 to vector<16xi32>
            %mul3A_419 = arith.muli %convert_element_type3A_416, %mul3A_418 : vector<16xi32>
            %add3A_420 = arith.addi %mul3A_419, %iota3A : vector<16xi32>
            tpu.vector_store_idx %arg7[%add3A_420], %broadcast_in_dim3A_2 {add = true} : memref<4096xf32, #tpu.memory_space<vmem>>[vector<16xi32>], vector<16xf32>,
            tpu.vector_store_idx %arg8[%add3A_420], %get3A_407 {add = true} : memref<4096xf32, #tpu.memory_space<vmem>>[vector<16xi32>], vector<16xf32>,
            %mul3A_421 = arith.constant 16 : i32
            %mul3A_422 = arith.muli %scan3A_212, %mul3A_421 : i32
            %add3A_423 = arith.constant 10 : i32
            %add3A_424 = arith.addi %mul3A_422, %add3A_423 : i32
            %mul3A_425 = arith.constant 16 : i32
            %mul3A_426 = arith.muli %add3A_424, %mul3A_425 : i32
            %get3A_427 = arith.index_cast %mul3A_426 : i32 to index
            %get3A_428 = tpu.vector_load %arg5[%get3A_427] {strides = array<i32>} : memref<32768xf32, #tpu.memory_space<vmem>>, vector<16xf32>,
            %sub3A_429 = arith.subf %get3A_428, %broadcast_in_dim3A_26 : vector<16xf32>
            %mul3A_430 = arith.mulf %sub3A_429, %div3A_183 : vector<16xf32>
            %jit3A_431 = arith.constant 0.000000e+00 : f32
            %jit3A_432 = arith.constant 2.550000e+02 : f32
            %max3A_433 = vector.broadcast %jit3A_431 : f32 to vector<16xf32>
            %max3A_434 = arith.maximumf %max3A_433, %mul3A_430 : vector<16xf32>
            %min3A_435 = vector.broadcast %jit3A_432 : f32 to vector<16xf32>
            %min3A_436 = arith.minimumf %min3A_435, %max3A_434 : vector<16xf32>
            %convert_element_type3A_437 = arith.fptosi %min3A_436 : vector<16xf32> to vector<16xi32>
            %mul3A_438 = arith.constant 16 : i32
            %mul3A_439 = vector.broadcast %mul3A_438 : i32 to vector<16xi32>
            %mul3A_440 = arith.muli %convert_element_type3A_437, %mul3A_439 : vector<16xi32>
            %add3A_441 = arith.addi %mul3A_440, %iota3A : vector<16xi32>
            tpu.vector_store_idx %arg7[%add3A_441], %broadcast_in_dim3A_2 {add = true} : memref<4096xf32, #tpu.memory_space<vmem>>[vector<16xi32>], vector<16xf32>,
            tpu.vector_store_idx %arg8[%add3A_441], %get3A_428 {add = true} : memref<4096xf32, #tpu.memory_space<vmem>>[vector<16xi32>], vector<16xf32>,
            %mul3A_442 = arith.constant 16 : i32
            %mul3A_443 = arith.muli %scan3A_212, %mul3A_442 : i32
            %add3A_444 = arith.constant 11 : i32
            %add3A_445 = arith.addi %mul3A_443, %add3A_444 : i32
            %mul3A_446 = arith.constant 16 : i32
            %mul3A_447 = arith.muli %add3A_445, %mul3A_446 : i32
            %get3A_448 = arith.index_cast %mul3A_447 : i32 to index
            %get3A_449 = tpu.vector_load %arg5[%get3A_448] {strides = array<i32>} : memref<32768xf32, #tpu.memory_space<vmem>>, vector<16xf32>,
            %sub3A_450 = arith.subf %get3A_449, %broadcast_in_dim3A_26 : vector<16xf32>
            %mul3A_451 = arith.mulf %sub3A_450, %div3A_183 : vector<16xf32>
            %jit3A_452 = arith.constant 0.000000e+00 : f32
            %jit3A_453 = arith.constant 2.550000e+02 : f32
            %max3A_454 = vector.broadcast %jit3A_452 : f32 to vector<16xf32>
            %max3A_455 = arith.maximumf %max3A_454, %mul3A_451 : vector<16xf32>
            %min3A_456 = vector.broadcast %jit3A_453 : f32 to vector<16xf32>
            %min3A_457 = arith.minimumf %min3A_456, %max3A_455 : vector<16xf32>
            %convert_element_type3A_458 = arith.fptosi %min3A_457 : vector<16xf32> to vector<16xi32>
            %mul3A_459 = arith.constant 16 : i32
            %mul3A_460 = vector.broadcast %mul3A_459 : i32 to vector<16xi32>
            %mul3A_461 = arith.muli %convert_element_type3A_458, %mul3A_460 : vector<16xi32>
            %add3A_462 = arith.addi %mul3A_461, %iota3A : vector<16xi32>
            tpu.vector_store_idx %arg7[%add3A_462], %broadcast_in_dim3A_2 {add = true} : memref<4096xf32, #tpu.memory_space<vmem>>[vector<16xi32>], vector<16xf32>,
            tpu.vector_store_idx %arg8[%add3A_462], %get3A_449 {add = true} : memref<4096xf32, #tpu.memory_space<vmem>>[vector<16xi32>], vector<16xf32>,
            %mul3A_463 = arith.constant 16 : i32
            %mul3A_464 = arith.muli %scan3A_212, %mul3A_463 : i32
            %add3A_465 = arith.constant 12 : i32
            %add3A_466 = arith.addi %mul3A_464, %add3A_465 : i32
            %mul3A_467 = arith.constant 16 : i32
            %mul3A_468 = arith.muli %add3A_466, %mul3A_467 : i32
            %get3A_469 = arith.index_cast %mul3A_468 : i32 to index
            %get3A_470 = tpu.vector_load %arg5[%get3A_469] {strides = array<i32>} : memref<32768xf32, #tpu.memory_space<vmem>>, vector<16xf32>,
            %sub3A_471 = arith.subf %get3A_470, %broadcast_in_dim3A_26 : vector<16xf32>
            %mul3A_472 = arith.mulf %sub3A_471, %div3A_183 : vector<16xf32>
            %jit3A_473 = arith.constant 0.000000e+00 : f32
            %jit3A_474 = arith.constant 2.550000e+02 : f32
            %max3A_475 = vector.broadcast %jit3A_473 : f32 to vector<16xf32>
            %max3A_476 = arith.maximumf %max3A_475, %mul3A_472 : vector<16xf32>
            %min3A_477 = vector.broadcast %jit3A_474 : f32 to vector<16xf32>
            %min3A_478 = arith.minimumf %min3A_477, %max3A_476 : vector<16xf32>
            %convert_element_type3A_479 = arith.fptosi %min3A_478 : vector<16xf32> to vector<16xi32>
            %mul3A_480 = arith.constant 16 : i32
            %mul3A_481 = vector.broadcast %mul3A_480 : i32 to vector<16xi32>
            %mul3A_482 = arith.muli %convert_element_type3A_479, %mul3A_481 : vector<16xi32>
            %add3A_483 = arith.addi %mul3A_482, %iota3A : vector<16xi32>
            tpu.vector_store_idx %arg7[%add3A_483], %broadcast_in_dim3A_2 {add = true} : memref<4096xf32, #tpu.memory_space<vmem>>[vector<16xi32>], vector<16xf32>,
            tpu.vector_store_idx %arg8[%add3A_483], %get3A_470 {add = true} : memref<4096xf32, #tpu.memory_space<vmem>>[vector<16xi32>], vector<16xf32>,
            %mul3A_484 = arith.constant 16 : i32
            %mul3A_485 = arith.muli %scan3A_212, %mul3A_484 : i32
            %add3A_486 = arith.constant 13 : i32
            %add3A_487 = arith.addi %mul3A_485, %add3A_486 : i32
            %mul3A_488 = arith.constant 16 : i32
            %mul3A_489 = arith.muli %add3A_487, %mul3A_488 : i32
            %get3A_490 = arith.index_cast %mul3A_489 : i32 to index
            %get3A_491 = tpu.vector_load %arg5[%get3A_490] {strides = array<i32>} : memref<32768xf32, #tpu.memory_space<vmem>>, vector<16xf32>,
            %sub3A_492 = arith.subf %get3A_491, %broadcast_in_dim3A_26 : vector<16xf32>
            %mul3A_493 = arith.mulf %sub3A_492, %div3A_183 : vector<16xf32>
            %jit3A_494 = arith.constant 0.000000e+00 : f32
            %jit3A_495 = arith.constant 2.550000e+02 : f32
            %max3A_496 = vector.broadcast %jit3A_494 : f32 to vector<16xf32>
            %max3A_497 = arith.maximumf %max3A_496, %mul3A_493 : vector<16xf32>
            %min3A_498 = vector.broadcast %jit3A_495 : f32 to vector<16xf32>
            %min3A_499 = arith.minimumf %min3A_498, %max3A_497 : vector<16xf32>
            %convert_element_type3A_500 = arith.fptosi %min3A_499 : vector<16xf32> to vector<16xi32>
            %mul3A_501 = arith.constant 16 : i32
            %mul3A_502 = vector.broadcast %mul3A_501 : i32 to vector<16xi32>
            %mul3A_503 = arith.muli %convert_element_type3A_500, %mul3A_502 : vector<16xi32>
            %add3A_504 = arith.addi %mul3A_503, %iota3A : vector<16xi32>
            tpu.vector_store_idx %arg7[%add3A_504], %broadcast_in_dim3A_2 {add = true} : memref<4096xf32, #tpu.memory_space<vmem>>[vector<16xi32>], vector<16xf32>,
            tpu.vector_store_idx %arg8[%add3A_504], %get3A_491 {add = true} : memref<4096xf32, #tpu.memory_space<vmem>>[vector<16xi32>], vector<16xf32>,
            %mul3A_505 = arith.constant 16 : i32
            %mul3A_506 = arith.muli %scan3A_212, %mul3A_505 : i32
            %add3A_507 = arith.constant 14 : i32
            %add3A_508 = arith.addi %mul3A_506, %add3A_507 : i32
            %mul3A_509 = arith.constant 16 : i32
            %mul3A_510 = arith.muli %add3A_508, %mul3A_509 : i32
            %get3A_511 = arith.index_cast %mul3A_510 : i32 to index
            %get3A_512 = tpu.vector_load %arg5[%get3A_511] {strides = array<i32>} : memref<32768xf32, #tpu.memory_space<vmem>>, vector<16xf32>,
            %sub3A_513 = arith.subf %get3A_512, %broadcast_in_dim3A_26 : vector<16xf32>
            %mul3A_514 = arith.mulf %sub3A_513, %div3A_183 : vector<16xf32>
            %jit3A_515 = arith.constant 0.000000e+00 : f32
            %jit3A_516 = arith.constant 2.550000e+02 : f32
            %max3A_517 = vector.broadcast %jit3A_515 : f32 to vector<16xf32>
            %max3A_518 = arith.maximumf %max3A_517, %mul3A_514 : vector<16xf32>
            %min3A_519 = vector.broadcast %jit3A_516 : f32 to vector<16xf32>
            %min3A_520 = arith.minimumf %min3A_519, %max3A_518 : vector<16xf32>
            %convert_element_type3A_521 = arith.fptosi %min3A_520 : vector<16xf32> to vector<16xi32>
            %mul3A_522 = arith.constant 16 : i32
            %mul3A_523 = vector.broadcast %mul3A_522 : i32 to vector<16xi32>
            %mul3A_524 = arith.muli %convert_element_type3A_521, %mul3A_523 : vector<16xi32>
            %add3A_525 = arith.addi %mul3A_524, %iota3A : vector<16xi32>
            tpu.vector_store_idx %arg7[%add3A_525], %broadcast_in_dim3A_2 {add = true} : memref<4096xf32, #tpu.memory_space<vmem>>[vector<16xi32>], vector<16xf32>,
            tpu.vector_store_idx %arg8[%add3A_525], %get3A_512 {add = true} : memref<4096xf32, #tpu.memory_space<vmem>>[vector<16xi32>], vector<16xf32>,
            %mul3A_526 = arith.constant 16 : i32
            %mul3A_527 = arith.muli %scan3A_212, %mul3A_526 : i32
            %add3A_528 = arith.constant 15 : i32
            %add3A_529 = arith.addi %mul3A_527, %add3A_528 : i32
            %mul3A_530 = arith.constant 16 : i32
            %mul3A_531 = arith.muli %add3A_529, %mul3A_530 : i32
            %get3A_532 = arith.index_cast %mul3A_531 : i32 to index
            %get3A_533 = tpu.vector_load %arg5[%get3A_532] {strides = array<i32>} : memref<32768xf32, #tpu.memory_space<vmem>>, vector<16xf32>,
            %sub3A_534 = arith.subf %get3A_533, %broadcast_in_dim3A_26 : vector<16xf32>
            %mul3A_535 = arith.mulf %sub3A_534, %div3A_183 : vector<16xf32>
            %jit3A_536 = arith.constant 0.000000e+00 : f32
            %jit3A_537 = arith.constant 2.550000e+02 : f32
            %max3A_538 = vector.broadcast %jit3A_536 : f32 to vector<16xf32>
            %max3A_539 = arith.maximumf %max3A_538, %mul3A_535 : vector<16xf32>
            %min3A_540 = vector.broadcast %jit3A_537 : f32 to vector<16xf32>
            %min3A_541 = arith.minimumf %min3A_540, %max3A_539 : vector<16xf32>
            %convert_element_type3A_542 = arith.fptosi %min3A_541 : vector<16xf32> to vector<16xi32>
            %mul3A_543 = arith.constant 16 : i32
            %mul3A_544 = vector.broadcast %mul3A_543 : i32 to vector<16xi32>
            %mul3A_545 = arith.muli %convert_element_type3A_542, %mul3A_544 : vector<16xi32>
            %add3A_546 = arith.addi %mul3A_545, %iota3A : vector<16xi32>
            tpu.vector_store_idx %arg7[%add3A_546], %broadcast_in_dim3A_2 {add = true} : memref<4096xf32, #tpu.memory_space<vmem>>[vector<16xi32>], vector<16xf32>,
            tpu.vector_store_idx %arg8[%add3A_546], %get3A_533 {add = true} : memref<4096xf32, #tpu.memory_space<vmem>>[vector<16xi32>], vector<16xf32>,
            %scan3A_547 = arith.constant 0 : i32
            scf.yield %scan3A_547 : i32
          }
          %scan3A_190 = arith.constant 128 : i32
          %scan3A_191 = arith.constant 0 : i32
          %scan3A_192 = arith.constant 16 : i32
          %scan3A_193 = arith.addi %scan3A_191, %scan3A_192 : i32
          %scan3A_194 = arith.constant 1 : i32
          %scan3A_195:2 = scf.for %scan3A_212 = %scan3A_191 to %scan3A_193 step %scan3A_194 iter_args(%scan3A_213 = %broadcast_in_dim3A_0, %scan3A_214 = %broadcast_in_dim3A_0) -> (vector<16xf32>, vector<16xf32>)  : i32 {
            %mul3A_215 = arith.constant 16 : i32
            %mul3A_216 = arith.muli %scan3A_212, %mul3A_215 : i32
            %add3A_217 = arith.constant 0 : i32
            %add3A_218 = arith.addi %mul3A_216, %add3A_217 : i32
            %sub3A_219 = arith.constant 255 : i32
            %sub3A_220 = arith.subi %sub3A_219, %add3A_218 : i32
            %mul3A_221 = arith.constant 16 : i32
            %mul3A_222 = arith.muli %sub3A_220, %mul3A_221 : i32
            %get3A = arith.index_cast %mul3A_222 : i32 to index
            %get3A_223 = tpu.vector_load %arg7[%get3A] {strides = array<i32>} : memref<4096xf32, #tpu.memory_space<vmem>>, vector<16xf32>,
            %reduce_sum3A_224 = arith.constant true
            %reduce_sum3A_225 = vector.broadcast %reduce_sum3A_224 : i1 to vector<16xi1>
            %reduce_sum3A_226 = tpu.scan <sum>, %get3A_223 masked %reduce_sum3A_225 : vector<16xf32>, vector<16xi1> -> vector<16xf32>
            %reduce_sum3A_227 = vector.extract %reduce_sum3A_226[15] : f32 from vector<16xf32>
            %broadcast_in_dim3A_228 = vector.broadcast %reduce_sum3A_227 : f32 to vector<16xf32>
            %add3A_229 = arith.addf %scan3A_213, %broadcast_in_dim3A_228 : vector<16xf32>
            %gt3A_230 = arith.cmpf ogt, %add3A_229, %add3A_94 : vector<16xf32>
            %select_n3A_231 = arith.select %gt3A_230, %broadcast_in_dim3A_2, %broadcast_in_dim3A_0 : vector<16xi1>, vector<16xf32>
            %add3A_232 = arith.addf %scan3A_214, %select_n3A_231 : vector<16xf32>
            %mul3A_233 = arith.constant 16 : i32
            %mul3A_234 = arith.muli %scan3A_212, %mul3A_233 : i32
            %add3A_235 = arith.constant 1 : i32
            %add3A_236 = arith.addi %mul3A_234, %add3A_235 : i32
            %sub3A_237 = arith.constant 255 : i32
            %sub3A_238 = arith.subi %sub3A_237, %add3A_236 : i32
            %mul3A_239 = arith.constant 16 : i32
            %mul3A_240 = arith.muli %sub3A_238, %mul3A_239 : i32
            %get3A_241 = arith.index_cast %mul3A_240 : i32 to index
            %get3A_242 = tpu.vector_load %arg7[%get3A_241] {strides = array<i32>} : memref<4096xf32, #tpu.memory_space<vmem>>, vector<16xf32>,
            %reduce_sum3A_243 = arith.constant true
            %reduce_sum3A_244 = vector.broadcast %reduce_sum3A_243 : i1 to vector<16xi1>
            %reduce_sum3A_245 = tpu.scan <sum>, %get3A_242 masked %reduce_sum3A_244 : vector<16xf32>, vector<16xi1> -> vector<16xf32>
            %reduce_sum3A_246 = vector.extract %reduce_sum3A_245[15] : f32 from vector<16xf32>
            %broadcast_in_dim3A_247 = vector.broadcast %reduce_sum3A_246 : f32 to vector<16xf32>
            %add3A_248 = arith.addf %add3A_229, %broadcast_in_dim3A_247 : vector<16xf32>
            %gt3A_249 = arith.cmpf ogt, %add3A_248, %add3A_94 : vector<16xf32>
            %select_n3A_250 = arith.select %gt3A_249, %broadcast_in_dim3A_2, %broadcast_in_dim3A_0 : vector<16xi1>, vector<16xf32>
            %add3A_251 = arith.addf %add3A_232, %select_n3A_250 : vector<16xf32>
            %mul3A_252 = arith.constant 16 : i32
            %mul3A_253 = arith.muli %scan3A_212, %mul3A_252 : i32
            %add3A_254 = arith.constant 2 : i32
            %add3A_255 = arith.addi %mul3A_253, %add3A_254 : i32
            %sub3A_256 = arith.constant 255 : i32
            %sub3A_257 = arith.subi %sub3A_256, %add3A_255 : i32
            %mul3A_258 = arith.constant 16 : i32
            %mul3A_259 = arith.muli %sub3A_257, %mul3A_258 : i32
            %get3A_260 = arith.index_cast %mul3A_259 : i32 to index
            %get3A_261 = tpu.vector_load %arg7[%get3A_260] {strides = array<i32>} : memref<4096xf32, #tpu.memory_space<vmem>>, vector<16xf32>,
            %reduce_sum3A_262 = arith.constant true
            %reduce_sum3A_263 = vector.broadcast %reduce_sum3A_262 : i1 to vector<16xi1>
            %reduce_sum3A_264 = tpu.scan <sum>, %get3A_261 masked %reduce_sum3A_263 : vector<16xf32>, vector<16xi1> -> vector<16xf32>
            %reduce_sum3A_265 = vector.extract %reduce_sum3A_264[15] : f32 from vector<16xf32>
            %broadcast_in_dim3A_266 = vector.broadcast %reduce_sum3A_265 : f32 to vector<16xf32>
            %add3A_267 = arith.addf %add3A_248, %broadcast_in_dim3A_266 : vector<16xf32>
            %gt3A_268 = arith.cmpf ogt, %add3A_267, %add3A_94 : vector<16xf32>
            %select_n3A_269 = arith.select %gt3A_268, %broadcast_in_dim3A_2, %broadcast_in_dim3A_0 : vector<16xi1>, vector<16xf32>
            %add3A_270 = arith.addf %add3A_251, %select_n3A_269 : vector<16xf32>
            %mul3A_271 = arith.constant 16 : i32
            %mul3A_272 = arith.muli %scan3A_212, %mul3A_271 : i32
            %add3A_273 = arith.constant 3 : i32
            %add3A_274 = arith.addi %mul3A_272, %add3A_273 : i32
            %sub3A_275 = arith.constant 255 : i32
            %sub3A_276 = arith.subi %sub3A_275, %add3A_274 : i32
            %mul3A_277 = arith.constant 16 : i32
            %mul3A_278 = arith.muli %sub3A_276, %mul3A_277 : i32
            %get3A_279 = arith.index_cast %mul3A_278 : i32 to index
            %get3A_280 = tpu.vector_load %arg7[%get3A_279] {strides = array<i32>} : memref<4096xf32, #tpu.memory_space<vmem>>, vector<16xf32>,
            %reduce_sum3A_281 = arith.constant true
            %reduce_sum3A_282 = vector.broadcast %reduce_sum3A_281 : i1 to vector<16xi1>
            %reduce_sum3A_283 = tpu.scan <sum>, %get3A_280 masked %reduce_sum3A_282 : vector<16xf32>, vector<16xi1> -> vector<16xf32>
            %reduce_sum3A_284 = vector.extract %reduce_sum3A_283[15] : f32 from vector<16xf32>
            %broadcast_in_dim3A_285 = vector.broadcast %reduce_sum3A_284 : f32 to vector<16xf32>
            %add3A_286 = arith.addf %add3A_267, %broadcast_in_dim3A_285 : vector<16xf32>
            %gt3A_287 = arith.cmpf ogt, %add3A_286, %add3A_94 : vector<16xf32>
            %select_n3A_288 = arith.select %gt3A_287, %broadcast_in_dim3A_2, %broadcast_in_dim3A_0 : vector<16xi1>, vector<16xf32>
            %add3A_289 = arith.addf %add3A_270, %select_n3A_288 : vector<16xf32>
            %mul3A_290 = arith.constant 16 : i32
            %mul3A_291 = arith.muli %scan3A_212, %mul3A_290 : i32
            %add3A_292 = arith.constant 4 : i32
            %add3A_293 = arith.addi %mul3A_291, %add3A_292 : i32
            %sub3A_294 = arith.constant 255 : i32
            %sub3A_295 = arith.subi %sub3A_294, %add3A_293 : i32
            %mul3A_296 = arith.constant 16 : i32
            %mul3A_297 = arith.muli %sub3A_295, %mul3A_296 : i32
            %get3A_298 = arith.index_cast %mul3A_297 : i32 to index
            %get3A_299 = tpu.vector_load %arg7[%get3A_298] {strides = array<i32>} : memref<4096xf32, #tpu.memory_space<vmem>>, vector<16xf32>,
            %reduce_sum3A_300 = arith.constant true
            %reduce_sum3A_301 = vector.broadcast %reduce_sum3A_300 : i1 to vector<16xi1>
            %reduce_sum3A_302 = tpu.scan <sum>, %get3A_299 masked %reduce_sum3A_301 : vector<16xf32>, vector<16xi1> -> vector<16xf32>
            %reduce_sum3A_303 = vector.extract %reduce_sum3A_302[15] : f32 from vector<16xf32>
            %broadcast_in_dim3A_304 = vector.broadcast %reduce_sum3A_303 : f32 to vector<16xf32>
            %add3A_305 = arith.addf %add3A_286, %broadcast_in_dim3A_304 : vector<16xf32>
            %gt3A_306 = arith.cmpf ogt, %add3A_305, %add3A_94 : vector<16xf32>
            %select_n3A_307 = arith.select %gt3A_306, %broadcast_in_dim3A_2, %broadcast_in_dim3A_0 : vector<16xi1>, vector<16xf32>
            %add3A_308 = arith.addf %add3A_289, %select_n3A_307 : vector<16xf32>
            %mul3A_309 = arith.constant 16 : i32
            %mul3A_310 = arith.muli %scan3A_212, %mul3A_309 : i32
            %add3A_311 = arith.constant 5 : i32
            %add3A_312 = arith.addi %mul3A_310, %add3A_311 : i32
            %sub3A_313 = arith.constant 255 : i32
            %sub3A_314 = arith.subi %sub3A_313, %add3A_312 : i32
            %mul3A_315 = arith.constant 16 : i32
            %mul3A_316 = arith.muli %sub3A_314, %mul3A_315 : i32
            %get3A_317 = arith.index_cast %mul3A_316 : i32 to index
            %get3A_318 = tpu.vector_load %arg7[%get3A_317] {strides = array<i32>} : memref<4096xf32, #tpu.memory_space<vmem>>, vector<16xf32>,
            %reduce_sum3A_319 = arith.constant true
            %reduce_sum3A_320 = vector.broadcast %reduce_sum3A_319 : i1 to vector<16xi1>
            %reduce_sum3A_321 = tpu.scan <sum>, %get3A_318 masked %reduce_sum3A_320 : vector<16xf32>, vector<16xi1> -> vector<16xf32>
            %reduce_sum3A_322 = vector.extract %reduce_sum3A_321[15] : f32 from vector<16xf32>
            %broadcast_in_dim3A_323 = vector.broadcast %reduce_sum3A_322 : f32 to vector<16xf32>
            %add3A_324 = arith.addf %add3A_305, %broadcast_in_dim3A_323 : vector<16xf32>
            %gt3A_325 = arith.cmpf ogt, %add3A_324, %add3A_94 : vector<16xf32>
            %select_n3A_326 = arith.select %gt3A_325, %broadcast_in_dim3A_2, %broadcast_in_dim3A_0 : vector<16xi1>, vector<16xf32>
            %add3A_327 = arith.addf %add3A_308, %select_n3A_326 : vector<16xf32>
            %mul3A_328 = arith.constant 16 : i32
            %mul3A_329 = arith.muli %scan3A_212, %mul3A_328 : i32
            %add3A_330 = arith.constant 6 : i32
            %add3A_331 = arith.addi %mul3A_329, %add3A_330 : i32
            %sub3A_332 = arith.constant 255 : i32
            %sub3A_333 = arith.subi %sub3A_332, %add3A_331 : i32
            %mul3A_334 = arith.constant 16 : i32
            %mul3A_335 = arith.muli %sub3A_333, %mul3A_334 : i32
            %get3A_336 = arith.index_cast %mul3A_335 : i32 to index
            %get3A_337 = tpu.vector_load %arg7[%get3A_336] {strides = array<i32>} : memref<4096xf32, #tpu.memory_space<vmem>>, vector<16xf32>,
            %reduce_sum3A_338 = arith.constant true
            %reduce_sum3A_339 = vector.broadcast %reduce_sum3A_338 : i1 to vector<16xi1>
            %reduce_sum3A_340 = tpu.scan <sum>, %get3A_337 masked %reduce_sum3A_339 : vector<16xf32>, vector<16xi1> -> vector<16xf32>
            %reduce_sum3A_341 = vector.extract %reduce_sum3A_340[15] : f32 from vector<16xf32>
            %broadcast_in_dim3A_342 = vector.broadcast %reduce_sum3A_341 : f32 to vector<16xf32>
            %add3A_343 = arith.addf %add3A_324, %broadcast_in_dim3A_342 : vector<16xf32>
            %gt3A_344 = arith.cmpf ogt, %add3A_343, %add3A_94 : vector<16xf32>
            %select_n3A_345 = arith.select %gt3A_344, %broadcast_in_dim3A_2, %broadcast_in_dim3A_0 : vector<16xi1>, vector<16xf32>
            %add3A_346 = arith.addf %add3A_327, %select_n3A_345 : vector<16xf32>
            %mul3A_347 = arith.constant 16 : i32
            %mul3A_348 = arith.muli %scan3A_212, %mul3A_347 : i32
            %add3A_349 = arith.constant 7 : i32
            %add3A_350 = arith.addi %mul3A_348, %add3A_349 : i32
            %sub3A_351 = arith.constant 255 : i32
            %sub3A_352 = arith.subi %sub3A_351, %add3A_350 : i32
            %mul3A_353 = arith.constant 16 : i32
            %mul3A_354 = arith.muli %sub3A_352, %mul3A_353 : i32
            %get3A_355 = arith.index_cast %mul3A_354 : i32 to index
            %get3A_356 = tpu.vector_load %arg7[%get3A_355] {strides = array<i32>} : memref<4096xf32, #tpu.memory_space<vmem>>, vector<16xf32>,
            %reduce_sum3A_357 = arith.constant true
            %reduce_sum3A_358 = vector.broadcast %reduce_sum3A_357 : i1 to vector<16xi1>
            %reduce_sum3A_359 = tpu.scan <sum>, %get3A_356 masked %reduce_sum3A_358 : vector<16xf32>, vector<16xi1> -> vector<16xf32>
            %reduce_sum3A_360 = vector.extract %reduce_sum3A_359[15] : f32 from vector<16xf32>
            %broadcast_in_dim3A_361 = vector.broadcast %reduce_sum3A_360 : f32 to vector<16xf32>
            %add3A_362 = arith.addf %add3A_343, %broadcast_in_dim3A_361 : vector<16xf32>
            %gt3A_363 = arith.cmpf ogt, %add3A_362, %add3A_94 : vector<16xf32>
            %select_n3A_364 = arith.select %gt3A_363, %broadcast_in_dim3A_2, %broadcast_in_dim3A_0 : vector<16xi1>, vector<16xf32>
            %add3A_365 = arith.addf %add3A_346, %select_n3A_364 : vector<16xf32>
            %mul3A_366 = arith.constant 16 : i32
            %mul3A_367 = arith.muli %scan3A_212, %mul3A_366 : i32
            %add3A_368 = arith.constant 8 : i32
            %add3A_369 = arith.addi %mul3A_367, %add3A_368 : i32
            %sub3A_370 = arith.constant 255 : i32
            %sub3A_371 = arith.subi %sub3A_370, %add3A_369 : i32
            %mul3A_372 = arith.constant 16 : i32
            %mul3A_373 = arith.muli %sub3A_371, %mul3A_372 : i32
            %get3A_374 = arith.index_cast %mul3A_373 : i32 to index
            %get3A_375 = tpu.vector_load %arg7[%get3A_374] {strides = array<i32>} : memref<4096xf32, #tpu.memory_space<vmem>>, vector<16xf32>,
            %reduce_sum3A_376 = arith.constant true
            %reduce_sum3A_377 = vector.broadcast %reduce_sum3A_376 : i1 to vector<16xi1>
            %reduce_sum3A_378 = tpu.scan <sum>, %get3A_375 masked %reduce_sum3A_377 : vector<16xf32>, vector<16xi1> -> vector<16xf32>
            %reduce_sum3A_379 = vector.extract %reduce_sum3A_378[15] : f32 from vector<16xf32>
            %broadcast_in_dim3A_380 = vector.broadcast %reduce_sum3A_379 : f32 to vector<16xf32>
            %add3A_381 = arith.addf %add3A_362, %broadcast_in_dim3A_380 : vector<16xf32>
            %gt3A_382 = arith.cmpf ogt, %add3A_381, %add3A_94 : vector<16xf32>
            %select_n3A_383 = arith.select %gt3A_382, %broadcast_in_dim3A_2, %broadcast_in_dim3A_0 : vector<16xi1>, vector<16xf32>
            %add3A_384 = arith.addf %add3A_365, %select_n3A_383 : vector<16xf32>
            %mul3A_385 = arith.constant 16 : i32
            %mul3A_386 = arith.muli %scan3A_212, %mul3A_385 : i32
            %add3A_387 = arith.constant 9 : i32
            %add3A_388 = arith.addi %mul3A_386, %add3A_387 : i32
            %sub3A_389 = arith.constant 255 : i32
            %sub3A_390 = arith.subi %sub3A_389, %add3A_388 : i32
            %mul3A_391 = arith.constant 16 : i32
            %mul3A_392 = arith.muli %sub3A_390, %mul3A_391 : i32
            %get3A_393 = arith.index_cast %mul3A_392 : i32 to index
            %get3A_394 = tpu.vector_load %arg7[%get3A_393] {strides = array<i32>} : memref<4096xf32, #tpu.memory_space<vmem>>, vector<16xf32>,
            %reduce_sum3A_395 = arith.constant true
            %reduce_sum3A_396 = vector.broadcast %reduce_sum3A_395 : i1 to vector<16xi1>
            %reduce_sum3A_397 = tpu.scan <sum>, %get3A_394 masked %reduce_sum3A_396 : vector<16xf32>, vector<16xi1> -> vector<16xf32>
            %reduce_sum3A_398 = vector.extract %reduce_sum3A_397[15] : f32 from vector<16xf32>
            %broadcast_in_dim3A_399 = vector.broadcast %reduce_sum3A_398 : f32 to vector<16xf32>
            %add3A_400 = arith.addf %add3A_381, %broadcast_in_dim3A_399 : vector<16xf32>
            %gt3A_401 = arith.cmpf ogt, %add3A_400, %add3A_94 : vector<16xf32>
            %select_n3A_402 = arith.select %gt3A_401, %broadcast_in_dim3A_2, %broadcast_in_dim3A_0 : vector<16xi1>, vector<16xf32>
            %add3A_403 = arith.addf %add3A_384, %select_n3A_402 : vector<16xf32>
            %mul3A_404 = arith.constant 16 : i32
            %mul3A_405 = arith.muli %scan3A_212, %mul3A_404 : i32
            %add3A_406 = arith.constant 10 : i32
            %add3A_407 = arith.addi %mul3A_405, %add3A_406 : i32
            %sub3A_408 = arith.constant 255 : i32
            %sub3A_409 = arith.subi %sub3A_408, %add3A_407 : i32
            %mul3A_410 = arith.constant 16 : i32
            %mul3A_411 = arith.muli %sub3A_409, %mul3A_410 : i32
            %get3A_412 = arith.index_cast %mul3A_411 : i32 to index
            %get3A_413 = tpu.vector_load %arg7[%get3A_412] {strides = array<i32>} : memref<4096xf32, #tpu.memory_space<vmem>>, vector<16xf32>,
            %reduce_sum3A_414 = arith.constant true
            %reduce_sum3A_415 = vector.broadcast %reduce_sum3A_414 : i1 to vector<16xi1>
            %reduce_sum3A_416 = tpu.scan <sum>, %get3A_413 masked %reduce_sum3A_415 : vector<16xf32>, vector<16xi1> -> vector<16xf32>
            %reduce_sum3A_417 = vector.extract %reduce_sum3A_416[15] : f32 from vector<16xf32>
            %broadcast_in_dim3A_418 = vector.broadcast %reduce_sum3A_417 : f32 to vector<16xf32>
            %add3A_419 = arith.addf %add3A_400, %broadcast_in_dim3A_418 : vector<16xf32>
            %gt3A_420 = arith.cmpf ogt, %add3A_419, %add3A_94 : vector<16xf32>
            %select_n3A_421 = arith.select %gt3A_420, %broadcast_in_dim3A_2, %broadcast_in_dim3A_0 : vector<16xi1>, vector<16xf32>
            %add3A_422 = arith.addf %add3A_403, %select_n3A_421 : vector<16xf32>
            %mul3A_423 = arith.constant 16 : i32
            %mul3A_424 = arith.muli %scan3A_212, %mul3A_423 : i32
            %add3A_425 = arith.constant 11 : i32
            %add3A_426 = arith.addi %mul3A_424, %add3A_425 : i32
            %sub3A_427 = arith.constant 255 : i32
            %sub3A_428 = arith.subi %sub3A_427, %add3A_426 : i32
            %mul3A_429 = arith.constant 16 : i32
            %mul3A_430 = arith.muli %sub3A_428, %mul3A_429 : i32
            %get3A_431 = arith.index_cast %mul3A_430 : i32 to index
            %get3A_432 = tpu.vector_load %arg7[%get3A_431] {strides = array<i32>} : memref<4096xf32, #tpu.memory_space<vmem>>, vector<16xf32>,
            %reduce_sum3A_433 = arith.constant true
            %reduce_sum3A_434 = vector.broadcast %reduce_sum3A_433 : i1 to vector<16xi1>
            %reduce_sum3A_435 = tpu.scan <sum>, %get3A_432 masked %reduce_sum3A_434 : vector<16xf32>, vector<16xi1> -> vector<16xf32>
            %reduce_sum3A_436 = vector.extract %reduce_sum3A_435[15] : f32 from vector<16xf32>
            %broadcast_in_dim3A_437 = vector.broadcast %reduce_sum3A_436 : f32 to vector<16xf32>
            %add3A_438 = arith.addf %add3A_419, %broadcast_in_dim3A_437 : vector<16xf32>
            %gt3A_439 = arith.cmpf ogt, %add3A_438, %add3A_94 : vector<16xf32>
            %select_n3A_440 = arith.select %gt3A_439, %broadcast_in_dim3A_2, %broadcast_in_dim3A_0 : vector<16xi1>, vector<16xf32>
            %add3A_441 = arith.addf %add3A_422, %select_n3A_440 : vector<16xf32>
            %mul3A_442 = arith.constant 16 : i32
            %mul3A_443 = arith.muli %scan3A_212, %mul3A_442 : i32
            %add3A_444 = arith.constant 12 : i32
            %add3A_445 = arith.addi %mul3A_443, %add3A_444 : i32
            %sub3A_446 = arith.constant 255 : i32
            %sub3A_447 = arith.subi %sub3A_446, %add3A_445 : i32
            %mul3A_448 = arith.constant 16 : i32
            %mul3A_449 = arith.muli %sub3A_447, %mul3A_448 : i32
            %get3A_450 = arith.index_cast %mul3A_449 : i32 to index
            %get3A_451 = tpu.vector_load %arg7[%get3A_450] {strides = array<i32>} : memref<4096xf32, #tpu.memory_space<vmem>>, vector<16xf32>,
            %reduce_sum3A_452 = arith.constant true
            %reduce_sum3A_453 = vector.broadcast %reduce_sum3A_452 : i1 to vector<16xi1>
            %reduce_sum3A_454 = tpu.scan <sum>, %get3A_451 masked %reduce_sum3A_453 : vector<16xf32>, vector<16xi1> -> vector<16xf32>
            %reduce_sum3A_455 = vector.extract %reduce_sum3A_454[15] : f32 from vector<16xf32>
            %broadcast_in_dim3A_456 = vector.broadcast %reduce_sum3A_455 : f32 to vector<16xf32>
            %add3A_457 = arith.addf %add3A_438, %broadcast_in_dim3A_456 : vector<16xf32>
            %gt3A_458 = arith.cmpf ogt, %add3A_457, %add3A_94 : vector<16xf32>
            %select_n3A_459 = arith.select %gt3A_458, %broadcast_in_dim3A_2, %broadcast_in_dim3A_0 : vector<16xi1>, vector<16xf32>
            %add3A_460 = arith.addf %add3A_441, %select_n3A_459 : vector<16xf32>
            %mul3A_461 = arith.constant 16 : i32
            %mul3A_462 = arith.muli %scan3A_212, %mul3A_461 : i32
            %add3A_463 = arith.constant 13 : i32
            %add3A_464 = arith.addi %mul3A_462, %add3A_463 : i32
            %sub3A_465 = arith.constant 255 : i32
            %sub3A_466 = arith.subi %sub3A_465, %add3A_464 : i32
            %mul3A_467 = arith.constant 16 : i32
            %mul3A_468 = arith.muli %sub3A_466, %mul3A_467 : i32
            %get3A_469 = arith.index_cast %mul3A_468 : i32 to index
            %get3A_470 = tpu.vector_load %arg7[%get3A_469] {strides = array<i32>} : memref<4096xf32, #tpu.memory_space<vmem>>, vector<16xf32>,
            %reduce_sum3A_471 = arith.constant true
            %reduce_sum3A_472 = vector.broadcast %reduce_sum3A_471 : i1 to vector<16xi1>
            %reduce_sum3A_473 = tpu.scan <sum>, %get3A_470 masked %reduce_sum3A_472 : vector<16xf32>, vector<16xi1> -> vector<16xf32>
            %reduce_sum3A_474 = vector.extract %reduce_sum3A_473[15] : f32 from vector<16xf32>
            %broadcast_in_dim3A_475 = vector.broadcast %reduce_sum3A_474 : f32 to vector<16xf32>
            %add3A_476 = arith.addf %add3A_457, %broadcast_in_dim3A_475 : vector<16xf32>
            %gt3A_477 = arith.cmpf ogt, %add3A_476, %add3A_94 : vector<16xf32>
            %select_n3A_478 = arith.select %gt3A_477, %broadcast_in_dim3A_2, %broadcast_in_dim3A_0 : vector<16xi1>, vector<16xf32>
            %add3A_479 = arith.addf %add3A_460, %select_n3A_478 : vector<16xf32>
            %mul3A_480 = arith.constant 16 : i32
            %mul3A_481 = arith.muli %scan3A_212, %mul3A_480 : i32
            %add3A_482 = arith.constant 14 : i32
            %add3A_483 = arith.addi %mul3A_481, %add3A_482 : i32
            %sub3A_484 = arith.constant 255 : i32
            %sub3A_485 = arith.subi %sub3A_484, %add3A_483 : i32
            %mul3A_486 = arith.constant 16 : i32
            %mul3A_487 = arith.muli %sub3A_485, %mul3A_486 : i32
            %get3A_488 = arith.index_cast %mul3A_487 : i32 to index
            %get3A_489 = tpu.vector_load %arg7[%get3A_488] {strides = array<i32>} : memref<4096xf32, #tpu.memory_space<vmem>>, vector<16xf32>,
            %reduce_sum3A_490 = arith.constant true
            %reduce_sum3A_491 = vector.broadcast %reduce_sum3A_490 : i1 to vector<16xi1>
            %reduce_sum3A_492 = tpu.scan <sum>, %get3A_489 masked %reduce_sum3A_491 : vector<16xf32>, vector<16xi1> -> vector<16xf32>
            %reduce_sum3A_493 = vector.extract %reduce_sum3A_492[15] : f32 from vector<16xf32>
            %broadcast_in_dim3A_494 = vector.broadcast %reduce_sum3A_493 : f32 to vector<16xf32>
            %add3A_495 = arith.addf %add3A_476, %broadcast_in_dim3A_494 : vector<16xf32>
            %gt3A_496 = arith.cmpf ogt, %add3A_495, %add3A_94 : vector<16xf32>
            %select_n3A_497 = arith.select %gt3A_496, %broadcast_in_dim3A_2, %broadcast_in_dim3A_0 : vector<16xi1>, vector<16xf32>
            %add3A_498 = arith.addf %add3A_479, %select_n3A_497 : vector<16xf32>
            %mul3A_499 = arith.constant 16 : i32
            %mul3A_500 = arith.muli %scan3A_212, %mul3A_499 : i32
            %add3A_501 = arith.constant 15 : i32
            %add3A_502 = arith.addi %mul3A_500, %add3A_501 : i32
            %sub3A_503 = arith.constant 255 : i32
            %sub3A_504 = arith.subi %sub3A_503, %add3A_502 : i32
            %mul3A_505 = arith.constant 16 : i32
            %mul3A_506 = arith.muli %sub3A_504, %mul3A_505 : i32
            %get3A_507 = arith.index_cast %mul3A_506 : i32 to index
            %get3A_508 = tpu.vector_load %arg7[%get3A_507] {strides = array<i32>} : memref<4096xf32, #tpu.memory_space<vmem>>, vector<16xf32>,
            %reduce_sum3A_509 = arith.constant true
            %reduce_sum3A_510 = vector.broadcast %reduce_sum3A_509 : i1 to vector<16xi1>
            %reduce_sum3A_511 = tpu.scan <sum>, %get3A_508 masked %reduce_sum3A_510 : vector<16xf32>, vector<16xi1> -> vector<16xf32>
            %reduce_sum3A_512 = vector.extract %reduce_sum3A_511[15] : f32 from vector<16xf32>
            %broadcast_in_dim3A_513 = vector.broadcast %reduce_sum3A_512 : f32 to vector<16xf32>
            %add3A_514 = arith.addf %add3A_495, %broadcast_in_dim3A_513 : vector<16xf32>
            %gt3A_515 = arith.cmpf ogt, %add3A_514, %add3A_94 : vector<16xf32>
            %select_n3A_516 = arith.select %gt3A_515, %broadcast_in_dim3A_2, %broadcast_in_dim3A_0 : vector<16xi1>, vector<16xf32>
            %add3A_517 = arith.addf %add3A_498, %select_n3A_516 : vector<16xf32>
            scf.yield %add3A_514, %add3A_517 : vector<16xf32>, vector<16xf32>
          }
          %scan3A_196 = arith.constant 16 : i32
          %scan3A_197 = arith.constant 0 : i32
          %scan3A_198 = arith.constant 16 : i32
          %scan3A_199 = arith.addi %scan3A_197, %scan3A_198 : i32
          %scan3A_200 = arith.constant 1 : i32
          %scan3A_201:2 = scf.for %scan3A_212 = %scan3A_197 to %scan3A_199 step %scan3A_200 iter_args(%scan3A_213 = %broadcast_in_dim3A_0, %scan3A_214 = %broadcast_in_dim3A_0) -> (vector<16xf32>, vector<16xf32>)  : i32 {
            %mul3A_215 = arith.constant 16 : i32
            %mul3A_216 = arith.muli %scan3A_212, %mul3A_215 : i32
            %add3A_217 = arith.constant 0 : i32
            %add3A_218 = arith.addi %mul3A_216, %add3A_217 : i32
            %sub3A_219 = arith.constant 255 : i32
            %sub3A_220 = arith.subi %sub3A_219, %add3A_218 : i32
            %broadcast_in_dim3A_221 = vector.broadcast %sub3A_220 : i32 to vector<16xi32>
            %convert_element_type3A_222 = arith.sitofp %broadcast_in_dim3A_221 : vector<16xi32> to vector<16xf32>
            %gt3A_223 = arith.cmpf ogt, %convert_element_type3A_222, %scan3A_195#1 : vector<16xf32>
            %mul3A_224 = arith.constant 16 : i32
            %mul3A_225 = arith.muli %sub3A_220, %mul3A_224 : i32
            %get3A = arith.index_cast %mul3A_225 : i32 to index
            %get3A_226 = tpu.vector_load %arg7[%get3A] {strides = array<i32>} : memref<4096xf32, #tpu.memory_space<vmem>>, vector<16xf32>,
            %reduce_sum3A_227 = arith.constant true
            %reduce_sum3A_228 = vector.broadcast %reduce_sum3A_227 : i1 to vector<16xi1>
            %reduce_sum3A_229 = tpu.scan <sum>, %get3A_226 masked %reduce_sum3A_228 : vector<16xf32>, vector<16xi1> -> vector<16xf32>
            %reduce_sum3A_230 = vector.extract %reduce_sum3A_229[15] : f32 from vector<16xf32>
            %broadcast_in_dim3A_231 = vector.broadcast %reduce_sum3A_230 : f32 to vector<16xf32>
            %mul3A_232 = arith.constant 16 : i32
            %mul3A_233 = arith.muli %sub3A_220, %mul3A_232 : i32
            %get3A_234 = arith.index_cast %mul3A_233 : i32 to index
            %get3A_235 = tpu.vector_load %arg8[%get3A_234] {strides = array<i32>} : memref<4096xf32, #tpu.memory_space<vmem>>, vector<16xf32>,
            %reduce_sum3A_236 = arith.constant true
            %reduce_sum3A_237 = vector.broadcast %reduce_sum3A_236 : i1 to vector<16xi1>
            %reduce_sum3A_238 = tpu.scan <sum>, %get3A_235 masked %reduce_sum3A_237 : vector<16xf32>, vector<16xi1> -> vector<16xf32>
            %reduce_sum3A_239 = vector.extract %reduce_sum3A_238[15] : f32 from vector<16xf32>
            %broadcast_in_dim3A_240 = vector.broadcast %reduce_sum3A_239 : f32 to vector<16xf32>
            %select_n3A_241 = arith.select %gt3A_223, %broadcast_in_dim3A_231, %broadcast_in_dim3A_0 : vector<16xi1>, vector<16xf32>
            %add3A_242 = arith.addf %scan3A_213, %select_n3A_241 : vector<16xf32>
            %select_n3A_243 = arith.select %gt3A_223, %broadcast_in_dim3A_240, %broadcast_in_dim3A_0 : vector<16xi1>, vector<16xf32>
            %add3A_244 = arith.addf %scan3A_214, %select_n3A_243 : vector<16xf32>
            %mul3A_245 = arith.constant 16 : i32
            %mul3A_246 = arith.muli %scan3A_212, %mul3A_245 : i32
            %add3A_247 = arith.constant 1 : i32
            %add3A_248 = arith.addi %mul3A_246, %add3A_247 : i32
            %sub3A_249 = arith.constant 255 : i32
            %sub3A_250 = arith.subi %sub3A_249, %add3A_248 : i32
            %broadcast_in_dim3A_251 = vector.broadcast %sub3A_250 : i32 to vector<16xi32>
            %convert_element_type3A_252 = arith.sitofp %broadcast_in_dim3A_251 : vector<16xi32> to vector<16xf32>
            %gt3A_253 = arith.cmpf ogt, %convert_element_type3A_252, %scan3A_195#1 : vector<16xf32>
            %mul3A_254 = arith.constant 16 : i32
            %mul3A_255 = arith.muli %sub3A_250, %mul3A_254 : i32
            %get3A_256 = arith.index_cast %mul3A_255 : i32 to index
            %get3A_257 = tpu.vector_load %arg7[%get3A_256] {strides = array<i32>} : memref<4096xf32, #tpu.memory_space<vmem>>, vector<16xf32>,
            %reduce_sum3A_258 = arith.constant true
            %reduce_sum3A_259 = vector.broadcast %reduce_sum3A_258 : i1 to vector<16xi1>
            %reduce_sum3A_260 = tpu.scan <sum>, %get3A_257 masked %reduce_sum3A_259 : vector<16xf32>, vector<16xi1> -> vector<16xf32>
            %reduce_sum3A_261 = vector.extract %reduce_sum3A_260[15] : f32 from vector<16xf32>
            %broadcast_in_dim3A_262 = vector.broadcast %reduce_sum3A_261 : f32 to vector<16xf32>
            %mul3A_263 = arith.constant 16 : i32
            %mul3A_264 = arith.muli %sub3A_250, %mul3A_263 : i32
            %get3A_265 = arith.index_cast %mul3A_264 : i32 to index
            %get3A_266 = tpu.vector_load %arg8[%get3A_265] {strides = array<i32>} : memref<4096xf32, #tpu.memory_space<vmem>>, vector<16xf32>,
            %reduce_sum3A_267 = arith.constant true
            %reduce_sum3A_268 = vector.broadcast %reduce_sum3A_267 : i1 to vector<16xi1>
            %reduce_sum3A_269 = tpu.scan <sum>, %get3A_266 masked %reduce_sum3A_268 : vector<16xf32>, vector<16xi1> -> vector<16xf32>
            %reduce_sum3A_270 = vector.extract %reduce_sum3A_269[15] : f32 from vector<16xf32>
            %broadcast_in_dim3A_271 = vector.broadcast %reduce_sum3A_270 : f32 to vector<16xf32>
            %select_n3A_272 = arith.select %gt3A_253, %broadcast_in_dim3A_262, %broadcast_in_dim3A_0 : vector<16xi1>, vector<16xf32>
            %add3A_273 = arith.addf %add3A_242, %select_n3A_272 : vector<16xf32>
            %select_n3A_274 = arith.select %gt3A_253, %broadcast_in_dim3A_271, %broadcast_in_dim3A_0 : vector<16xi1>, vector<16xf32>
            %add3A_275 = arith.addf %add3A_244, %select_n3A_274 : vector<16xf32>
            %mul3A_276 = arith.constant 16 : i32
            %mul3A_277 = arith.muli %scan3A_212, %mul3A_276 : i32
            %add3A_278 = arith.constant 2 : i32
            %add3A_279 = arith.addi %mul3A_277, %add3A_278 : i32
            %sub3A_280 = arith.constant 255 : i32
            %sub3A_281 = arith.subi %sub3A_280, %add3A_279 : i32
            %broadcast_in_dim3A_282 = vector.broadcast %sub3A_281 : i32 to vector<16xi32>
            %convert_element_type3A_283 = arith.sitofp %broadcast_in_dim3A_282 : vector<16xi32> to vector<16xf32>
            %gt3A_284 = arith.cmpf ogt, %convert_element_type3A_283, %scan3A_195#1 : vector<16xf32>
            %mul3A_285 = arith.constant 16 : i32
            %mul3A_286 = arith.muli %sub3A_281, %mul3A_285 : i32
            %get3A_287 = arith.index_cast %mul3A_286 : i32 to index
            %get3A_288 = tpu.vector_load %arg7[%get3A_287] {strides = array<i32>} : memref<4096xf32, #tpu.memory_space<vmem>>, vector<16xf32>,
            %reduce_sum3A_289 = arith.constant true
            %reduce_sum3A_290 = vector.broadcast %reduce_sum3A_289 : i1 to vector<16xi1>
            %reduce_sum3A_291 = tpu.scan <sum>, %get3A_288 masked %reduce_sum3A_290 : vector<16xf32>, vector<16xi1> -> vector<16xf32>
            %reduce_sum3A_292 = vector.extract %reduce_sum3A_291[15] : f32 from vector<16xf32>
            %broadcast_in_dim3A_293 = vector.broadcast %reduce_sum3A_292 : f32 to vector<16xf32>
            %mul3A_294 = arith.constant 16 : i32
            %mul3A_295 = arith.muli %sub3A_281, %mul3A_294 : i32
            %get3A_296 = arith.index_cast %mul3A_295 : i32 to index
            %get3A_297 = tpu.vector_load %arg8[%get3A_296] {strides = array<i32>} : memref<4096xf32, #tpu.memory_space<vmem>>, vector<16xf32>,
            %reduce_sum3A_298 = arith.constant true
            %reduce_sum3A_299 = vector.broadcast %reduce_sum3A_298 : i1 to vector<16xi1>
            %reduce_sum3A_300 = tpu.scan <sum>, %get3A_297 masked %reduce_sum3A_299 : vector<16xf32>, vector<16xi1> -> vector<16xf32>
            %reduce_sum3A_301 = vector.extract %reduce_sum3A_300[15] : f32 from vector<16xf32>
            %broadcast_in_dim3A_302 = vector.broadcast %reduce_sum3A_301 : f32 to vector<16xf32>
            %select_n3A_303 = arith.select %gt3A_284, %broadcast_in_dim3A_293, %broadcast_in_dim3A_0 : vector<16xi1>, vector<16xf32>
            %add3A_304 = arith.addf %add3A_273, %select_n3A_303 : vector<16xf32>
            %select_n3A_305 = arith.select %gt3A_284, %broadcast_in_dim3A_302, %broadcast_in_dim3A_0 : vector<16xi1>, vector<16xf32>
            %add3A_306 = arith.addf %add3A_275, %select_n3A_305 : vector<16xf32>
            %mul3A_307 = arith.constant 16 : i32
            %mul3A_308 = arith.muli %scan3A_212, %mul3A_307 : i32
            %add3A_309 = arith.constant 3 : i32
            %add3A_310 = arith.addi %mul3A_308, %add3A_309 : i32
            %sub3A_311 = arith.constant 255 : i32
            %sub3A_312 = arith.subi %sub3A_311, %add3A_310 : i32
            %broadcast_in_dim3A_313 = vector.broadcast %sub3A_312 : i32 to vector<16xi32>
            %convert_element_type3A_314 = arith.sitofp %broadcast_in_dim3A_313 : vector<16xi32> to vector<16xf32>
            %gt3A_315 = arith.cmpf ogt, %convert_element_type3A_314, %scan3A_195#1 : vector<16xf32>
            %mul3A_316 = arith.constant 16 : i32
            %mul3A_317 = arith.muli %sub3A_312, %mul3A_316 : i32
            %get3A_318 = arith.index_cast %mul3A_317 : i32 to index
            %get3A_319 = tpu.vector_load %arg7[%get3A_318] {strides = array<i32>} : memref<4096xf32, #tpu.memory_space<vmem>>, vector<16xf32>,
            %reduce_sum3A_320 = arith.constant true
            %reduce_sum3A_321 = vector.broadcast %reduce_sum3A_320 : i1 to vector<16xi1>
            %reduce_sum3A_322 = tpu.scan <sum>, %get3A_319 masked %reduce_sum3A_321 : vector<16xf32>, vector<16xi1> -> vector<16xf32>
            %reduce_sum3A_323 = vector.extract %reduce_sum3A_322[15] : f32 from vector<16xf32>
            %broadcast_in_dim3A_324 = vector.broadcast %reduce_sum3A_323 : f32 to vector<16xf32>
            %mul3A_325 = arith.constant 16 : i32
            %mul3A_326 = arith.muli %sub3A_312, %mul3A_325 : i32
            %get3A_327 = arith.index_cast %mul3A_326 : i32 to index
            %get3A_328 = tpu.vector_load %arg8[%get3A_327] {strides = array<i32>} : memref<4096xf32, #tpu.memory_space<vmem>>, vector<16xf32>,
            %reduce_sum3A_329 = arith.constant true
            %reduce_sum3A_330 = vector.broadcast %reduce_sum3A_329 : i1 to vector<16xi1>
            %reduce_sum3A_331 = tpu.scan <sum>, %get3A_328 masked %reduce_sum3A_330 : vector<16xf32>, vector<16xi1> -> vector<16xf32>
            %reduce_sum3A_332 = vector.extract %reduce_sum3A_331[15] : f32 from vector<16xf32>
            %broadcast_in_dim3A_333 = vector.broadcast %reduce_sum3A_332 : f32 to vector<16xf32>
            %select_n3A_334 = arith.select %gt3A_315, %broadcast_in_dim3A_324, %broadcast_in_dim3A_0 : vector<16xi1>, vector<16xf32>
            %add3A_335 = arith.addf %add3A_304, %select_n3A_334 : vector<16xf32>
            %select_n3A_336 = arith.select %gt3A_315, %broadcast_in_dim3A_333, %broadcast_in_dim3A_0 : vector<16xi1>, vector<16xf32>
            %add3A_337 = arith.addf %add3A_306, %select_n3A_336 : vector<16xf32>
            %mul3A_338 = arith.constant 16 : i32
            %mul3A_339 = arith.muli %scan3A_212, %mul3A_338 : i32
            %add3A_340 = arith.constant 4 : i32
            %add3A_341 = arith.addi %mul3A_339, %add3A_340 : i32
            %sub3A_342 = arith.constant 255 : i32
            %sub3A_343 = arith.subi %sub3A_342, %add3A_341 : i32
            %broadcast_in_dim3A_344 = vector.broadcast %sub3A_343 : i32 to vector<16xi32>
            %convert_element_type3A_345 = arith.sitofp %broadcast_in_dim3A_344 : vector<16xi32> to vector<16xf32>
            %gt3A_346 = arith.cmpf ogt, %convert_element_type3A_345, %scan3A_195#1 : vector<16xf32>
            %mul3A_347 = arith.constant 16 : i32
            %mul3A_348 = arith.muli %sub3A_343, %mul3A_347 : i32
            %get3A_349 = arith.index_cast %mul3A_348 : i32 to index
            %get3A_350 = tpu.vector_load %arg7[%get3A_349] {strides = array<i32>} : memref<4096xf32, #tpu.memory_space<vmem>>, vector<16xf32>,
            %reduce_sum3A_351 = arith.constant true
            %reduce_sum3A_352 = vector.broadcast %reduce_sum3A_351 : i1 to vector<16xi1>
            %reduce_sum3A_353 = tpu.scan <sum>, %get3A_350 masked %reduce_sum3A_352 : vector<16xf32>, vector<16xi1> -> vector<16xf32>
            %reduce_sum3A_354 = vector.extract %reduce_sum3A_353[15] : f32 from vector<16xf32>
            %broadcast_in_dim3A_355 = vector.broadcast %reduce_sum3A_354 : f32 to vector<16xf32>
            %mul3A_356 = arith.constant 16 : i32
            %mul3A_357 = arith.muli %sub3A_343, %mul3A_356 : i32
            %get3A_358 = arith.index_cast %mul3A_357 : i32 to index
            %get3A_359 = tpu.vector_load %arg8[%get3A_358] {strides = array<i32>} : memref<4096xf32, #tpu.memory_space<vmem>>, vector<16xf32>,
            %reduce_sum3A_360 = arith.constant true
            %reduce_sum3A_361 = vector.broadcast %reduce_sum3A_360 : i1 to vector<16xi1>
            %reduce_sum3A_362 = tpu.scan <sum>, %get3A_359 masked %reduce_sum3A_361 : vector<16xf32>, vector<16xi1> -> vector<16xf32>
            %reduce_sum3A_363 = vector.extract %reduce_sum3A_362[15] : f32 from vector<16xf32>
            %broadcast_in_dim3A_364 = vector.broadcast %reduce_sum3A_363 : f32 to vector<16xf32>
            %select_n3A_365 = arith.select %gt3A_346, %broadcast_in_dim3A_355, %broadcast_in_dim3A_0 : vector<16xi1>, vector<16xf32>
            %add3A_366 = arith.addf %add3A_335, %select_n3A_365 : vector<16xf32>
            %select_n3A_367 = arith.select %gt3A_346, %broadcast_in_dim3A_364, %broadcast_in_dim3A_0 : vector<16xi1>, vector<16xf32>
            %add3A_368 = arith.addf %add3A_337, %select_n3A_367 : vector<16xf32>
            %mul3A_369 = arith.constant 16 : i32
            %mul3A_370 = arith.muli %scan3A_212, %mul3A_369 : i32
            %add3A_371 = arith.constant 5 : i32
            %add3A_372 = arith.addi %mul3A_370, %add3A_371 : i32
            %sub3A_373 = arith.constant 255 : i32
            %sub3A_374 = arith.subi %sub3A_373, %add3A_372 : i32
            %broadcast_in_dim3A_375 = vector.broadcast %sub3A_374 : i32 to vector<16xi32>
            %convert_element_type3A_376 = arith.sitofp %broadcast_in_dim3A_375 : vector<16xi32> to vector<16xf32>
            %gt3A_377 = arith.cmpf ogt, %convert_element_type3A_376, %scan3A_195#1 : vector<16xf32>
            %mul3A_378 = arith.constant 16 : i32
            %mul3A_379 = arith.muli %sub3A_374, %mul3A_378 : i32
            %get3A_380 = arith.index_cast %mul3A_379 : i32 to index
            %get3A_381 = tpu.vector_load %arg7[%get3A_380] {strides = array<i32>} : memref<4096xf32, #tpu.memory_space<vmem>>, vector<16xf32>,
            %reduce_sum3A_382 = arith.constant true
            %reduce_sum3A_383 = vector.broadcast %reduce_sum3A_382 : i1 to vector<16xi1>
            %reduce_sum3A_384 = tpu.scan <sum>, %get3A_381 masked %reduce_sum3A_383 : vector<16xf32>, vector<16xi1> -> vector<16xf32>
            %reduce_sum3A_385 = vector.extract %reduce_sum3A_384[15] : f32 from vector<16xf32>
            %broadcast_in_dim3A_386 = vector.broadcast %reduce_sum3A_385 : f32 to vector<16xf32>
            %mul3A_387 = arith.constant 16 : i32
            %mul3A_388 = arith.muli %sub3A_374, %mul3A_387 : i32
            %get3A_389 = arith.index_cast %mul3A_388 : i32 to index
            %get3A_390 = tpu.vector_load %arg8[%get3A_389] {strides = array<i32>} : memref<4096xf32, #tpu.memory_space<vmem>>, vector<16xf32>,
            %reduce_sum3A_391 = arith.constant true
            %reduce_sum3A_392 = vector.broadcast %reduce_sum3A_391 : i1 to vector<16xi1>
            %reduce_sum3A_393 = tpu.scan <sum>, %get3A_390 masked %reduce_sum3A_392 : vector<16xf32>, vector<16xi1> -> vector<16xf32>
            %reduce_sum3A_394 = vector.extract %reduce_sum3A_393[15] : f32 from vector<16xf32>
            %broadcast_in_dim3A_395 = vector.broadcast %reduce_sum3A_394 : f32 to vector<16xf32>
            %select_n3A_396 = arith.select %gt3A_377, %broadcast_in_dim3A_386, %broadcast_in_dim3A_0 : vector<16xi1>, vector<16xf32>
            %add3A_397 = arith.addf %add3A_366, %select_n3A_396 : vector<16xf32>
            %select_n3A_398 = arith.select %gt3A_377, %broadcast_in_dim3A_395, %broadcast_in_dim3A_0 : vector<16xi1>, vector<16xf32>
            %add3A_399 = arith.addf %add3A_368, %select_n3A_398 : vector<16xf32>
            %mul3A_400 = arith.constant 16 : i32
            %mul3A_401 = arith.muli %scan3A_212, %mul3A_400 : i32
            %add3A_402 = arith.constant 6 : i32
            %add3A_403 = arith.addi %mul3A_401, %add3A_402 : i32
            %sub3A_404 = arith.constant 255 : i32
            %sub3A_405 = arith.subi %sub3A_404, %add3A_403 : i32
            %broadcast_in_dim3A_406 = vector.broadcast %sub3A_405 : i32 to vector<16xi32>
            %convert_element_type3A_407 = arith.sitofp %broadcast_in_dim3A_406 : vector<16xi32> to vector<16xf32>
            %gt3A_408 = arith.cmpf ogt, %convert_element_type3A_407, %scan3A_195#1 : vector<16xf32>
            %mul3A_409 = arith.constant 16 : i32
            %mul3A_410 = arith.muli %sub3A_405, %mul3A_409 : i32
            %get3A_411 = arith.index_cast %mul3A_410 : i32 to index
            %get3A_412 = tpu.vector_load %arg7[%get3A_411] {strides = array<i32>} : memref<4096xf32, #tpu.memory_space<vmem>>, vector<16xf32>,
            %reduce_sum3A_413 = arith.constant true
            %reduce_sum3A_414 = vector.broadcast %reduce_sum3A_413 : i1 to vector<16xi1>
            %reduce_sum3A_415 = tpu.scan <sum>, %get3A_412 masked %reduce_sum3A_414 : vector<16xf32>, vector<16xi1> -> vector<16xf32>
            %reduce_sum3A_416 = vector.extract %reduce_sum3A_415[15] : f32 from vector<16xf32>
            %broadcast_in_dim3A_417 = vector.broadcast %reduce_sum3A_416 : f32 to vector<16xf32>
            %mul3A_418 = arith.constant 16 : i32
            %mul3A_419 = arith.muli %sub3A_405, %mul3A_418 : i32
            %get3A_420 = arith.index_cast %mul3A_419 : i32 to index
            %get3A_421 = tpu.vector_load %arg8[%get3A_420] {strides = array<i32>} : memref<4096xf32, #tpu.memory_space<vmem>>, vector<16xf32>,
            %reduce_sum3A_422 = arith.constant true
            %reduce_sum3A_423 = vector.broadcast %reduce_sum3A_422 : i1 to vector<16xi1>
            %reduce_sum3A_424 = tpu.scan <sum>, %get3A_421 masked %reduce_sum3A_423 : vector<16xf32>, vector<16xi1> -> vector<16xf32>
            %reduce_sum3A_425 = vector.extract %reduce_sum3A_424[15] : f32 from vector<16xf32>
            %broadcast_in_dim3A_426 = vector.broadcast %reduce_sum3A_425 : f32 to vector<16xf32>
            %select_n3A_427 = arith.select %gt3A_408, %broadcast_in_dim3A_417, %broadcast_in_dim3A_0 : vector<16xi1>, vector<16xf32>
            %add3A_428 = arith.addf %add3A_397, %select_n3A_427 : vector<16xf32>
            %select_n3A_429 = arith.select %gt3A_408, %broadcast_in_dim3A_426, %broadcast_in_dim3A_0 : vector<16xi1>, vector<16xf32>
            %add3A_430 = arith.addf %add3A_399, %select_n3A_429 : vector<16xf32>
            %mul3A_431 = arith.constant 16 : i32
            %mul3A_432 = arith.muli %scan3A_212, %mul3A_431 : i32
            %add3A_433 = arith.constant 7 : i32
            %add3A_434 = arith.addi %mul3A_432, %add3A_433 : i32
            %sub3A_435 = arith.constant 255 : i32
            %sub3A_436 = arith.subi %sub3A_435, %add3A_434 : i32
            %broadcast_in_dim3A_437 = vector.broadcast %sub3A_436 : i32 to vector<16xi32>
            %convert_element_type3A_438 = arith.sitofp %broadcast_in_dim3A_437 : vector<16xi32> to vector<16xf32>
            %gt3A_439 = arith.cmpf ogt, %convert_element_type3A_438, %scan3A_195#1 : vector<16xf32>
            %mul3A_440 = arith.constant 16 : i32
            %mul3A_441 = arith.muli %sub3A_436, %mul3A_440 : i32
            %get3A_442 = arith.index_cast %mul3A_441 : i32 to index
            %get3A_443 = tpu.vector_load %arg7[%get3A_442] {strides = array<i32>} : memref<4096xf32, #tpu.memory_space<vmem>>, vector<16xf32>,
            %reduce_sum3A_444 = arith.constant true
            %reduce_sum3A_445 = vector.broadcast %reduce_sum3A_444 : i1 to vector<16xi1>
            %reduce_sum3A_446 = tpu.scan <sum>, %get3A_443 masked %reduce_sum3A_445 : vector<16xf32>, vector<16xi1> -> vector<16xf32>
            %reduce_sum3A_447 = vector.extract %reduce_sum3A_446[15] : f32 from vector<16xf32>
            %broadcast_in_dim3A_448 = vector.broadcast %reduce_sum3A_447 : f32 to vector<16xf32>
            %mul3A_449 = arith.constant 16 : i32
            %mul3A_450 = arith.muli %sub3A_436, %mul3A_449 : i32
            %get3A_451 = arith.index_cast %mul3A_450 : i32 to index
            %get3A_452 = tpu.vector_load %arg8[%get3A_451] {strides = array<i32>} : memref<4096xf32, #tpu.memory_space<vmem>>, vector<16xf32>,
            %reduce_sum3A_453 = arith.constant true
            %reduce_sum3A_454 = vector.broadcast %reduce_sum3A_453 : i1 to vector<16xi1>
            %reduce_sum3A_455 = tpu.scan <sum>, %get3A_452 masked %reduce_sum3A_454 : vector<16xf32>, vector<16xi1> -> vector<16xf32>
            %reduce_sum3A_456 = vector.extract %reduce_sum3A_455[15] : f32 from vector<16xf32>
            %broadcast_in_dim3A_457 = vector.broadcast %reduce_sum3A_456 : f32 to vector<16xf32>
            %select_n3A_458 = arith.select %gt3A_439, %broadcast_in_dim3A_448, %broadcast_in_dim3A_0 : vector<16xi1>, vector<16xf32>
            %add3A_459 = arith.addf %add3A_428, %select_n3A_458 : vector<16xf32>
            %select_n3A_460 = arith.select %gt3A_439, %broadcast_in_dim3A_457, %broadcast_in_dim3A_0 : vector<16xi1>, vector<16xf32>
            %add3A_461 = arith.addf %add3A_430, %select_n3A_460 : vector<16xf32>
            %mul3A_462 = arith.constant 16 : i32
            %mul3A_463 = arith.muli %scan3A_212, %mul3A_462 : i32
            %add3A_464 = arith.constant 8 : i32
            %add3A_465 = arith.addi %mul3A_463, %add3A_464 : i32
            %sub3A_466 = arith.constant 255 : i32
            %sub3A_467 = arith.subi %sub3A_466, %add3A_465 : i32
            %broadcast_in_dim3A_468 = vector.broadcast %sub3A_467 : i32 to vector<16xi32>
            %convert_element_type3A_469 = arith.sitofp %broadcast_in_dim3A_468 : vector<16xi32> to vector<16xf32>
            %gt3A_470 = arith.cmpf ogt, %convert_element_type3A_469, %scan3A_195#1 : vector<16xf32>
            %mul3A_471 = arith.constant 16 : i32
            %mul3A_472 = arith.muli %sub3A_467, %mul3A_471 : i32
            %get3A_473 = arith.index_cast %mul3A_472 : i32 to index
            %get3A_474 = tpu.vector_load %arg7[%get3A_473] {strides = array<i32>} : memref<4096xf32, #tpu.memory_space<vmem>>, vector<16xf32>,
            %reduce_sum3A_475 = arith.constant true
            %reduce_sum3A_476 = vector.broadcast %reduce_sum3A_475 : i1 to vector<16xi1>
            %reduce_sum3A_477 = tpu.scan <sum>, %get3A_474 masked %reduce_sum3A_476 : vector<16xf32>, vector<16xi1> -> vector<16xf32>
            %reduce_sum3A_478 = vector.extract %reduce_sum3A_477[15] : f32 from vector<16xf32>
            %broadcast_in_dim3A_479 = vector.broadcast %reduce_sum3A_478 : f32 to vector<16xf32>
            %mul3A_480 = arith.constant 16 : i32
            %mul3A_481 = arith.muli %sub3A_467, %mul3A_480 : i32
            %get3A_482 = arith.index_cast %mul3A_481 : i32 to index
            %get3A_483 = tpu.vector_load %arg8[%get3A_482] {strides = array<i32>} : memref<4096xf32, #tpu.memory_space<vmem>>, vector<16xf32>,
            %reduce_sum3A_484 = arith.constant true
            %reduce_sum3A_485 = vector.broadcast %reduce_sum3A_484 : i1 to vector<16xi1>
            %reduce_sum3A_486 = tpu.scan <sum>, %get3A_483 masked %reduce_sum3A_485 : vector<16xf32>, vector<16xi1> -> vector<16xf32>
            %reduce_sum3A_487 = vector.extract %reduce_sum3A_486[15] : f32 from vector<16xf32>
            %broadcast_in_dim3A_488 = vector.broadcast %reduce_sum3A_487 : f32 to vector<16xf32>
            %select_n3A_489 = arith.select %gt3A_470, %broadcast_in_dim3A_479, %broadcast_in_dim3A_0 : vector<16xi1>, vector<16xf32>
            %add3A_490 = arith.addf %add3A_459, %select_n3A_489 : vector<16xf32>
            %select_n3A_491 = arith.select %gt3A_470, %broadcast_in_dim3A_488, %broadcast_in_dim3A_0 : vector<16xi1>, vector<16xf32>
            %add3A_492 = arith.addf %add3A_461, %select_n3A_491 : vector<16xf32>
            %mul3A_493 = arith.constant 16 : i32
            %mul3A_494 = arith.muli %scan3A_212, %mul3A_493 : i32
            %add3A_495 = arith.constant 9 : i32
            %add3A_496 = arith.addi %mul3A_494, %add3A_495 : i32
            %sub3A_497 = arith.constant 255 : i32
            %sub3A_498 = arith.subi %sub3A_497, %add3A_496 : i32
            %broadcast_in_dim3A_499 = vector.broadcast %sub3A_498 : i32 to vector<16xi32>
            %convert_element_type3A_500 = arith.sitofp %broadcast_in_dim3A_499 : vector<16xi32> to vector<16xf32>
            %gt3A_501 = arith.cmpf ogt, %convert_element_type3A_500, %scan3A_195#1 : vector<16xf32>
            %mul3A_502 = arith.constant 16 : i32
            %mul3A_503 = arith.muli %sub3A_498, %mul3A_502 : i32
            %get3A_504 = arith.index_cast %mul3A_503 : i32 to index
            %get3A_505 = tpu.vector_load %arg7[%get3A_504] {strides = array<i32>} : memref<4096xf32, #tpu.memory_space<vmem>>, vector<16xf32>,
            %reduce_sum3A_506 = arith.constant true
            %reduce_sum3A_507 = vector.broadcast %reduce_sum3A_506 : i1 to vector<16xi1>
            %reduce_sum3A_508 = tpu.scan <sum>, %get3A_505 masked %reduce_sum3A_507 : vector<16xf32>, vector<16xi1> -> vector<16xf32>
            %reduce_sum3A_509 = vector.extract %reduce_sum3A_508[15] : f32 from vector<16xf32>
            %broadcast_in_dim3A_510 = vector.broadcast %reduce_sum3A_509 : f32 to vector<16xf32>
            %mul3A_511 = arith.constant 16 : i32
            %mul3A_512 = arith.muli %sub3A_498, %mul3A_511 : i32
            %get3A_513 = arith.index_cast %mul3A_512 : i32 to index
            %get3A_514 = tpu.vector_load %arg8[%get3A_513] {strides = array<i32>} : memref<4096xf32, #tpu.memory_space<vmem>>, vector<16xf32>,
            %reduce_sum3A_515 = arith.constant true
            %reduce_sum3A_516 = vector.broadcast %reduce_sum3A_515 : i1 to vector<16xi1>
            %reduce_sum3A_517 = tpu.scan <sum>, %get3A_514 masked %reduce_sum3A_516 : vector<16xf32>, vector<16xi1> -> vector<16xf32>
            %reduce_sum3A_518 = vector.extract %reduce_sum3A_517[15] : f32 from vector<16xf32>
            %broadcast_in_dim3A_519 = vector.broadcast %reduce_sum3A_518 : f32 to vector<16xf32>
            %select_n3A_520 = arith.select %gt3A_501, %broadcast_in_dim3A_510, %broadcast_in_dim3A_0 : vector<16xi1>, vector<16xf32>
            %add3A_521 = arith.addf %add3A_490, %select_n3A_520 : vector<16xf32>
            %select_n3A_522 = arith.select %gt3A_501, %broadcast_in_dim3A_519, %broadcast_in_dim3A_0 : vector<16xi1>, vector<16xf32>
            %add3A_523 = arith.addf %add3A_492, %select_n3A_522 : vector<16xf32>
            %mul3A_524 = arith.constant 16 : i32
            %mul3A_525 = arith.muli %scan3A_212, %mul3A_524 : i32
            %add3A_526 = arith.constant 10 : i32
            %add3A_527 = arith.addi %mul3A_525, %add3A_526 : i32
            %sub3A_528 = arith.constant 255 : i32
            %sub3A_529 = arith.subi %sub3A_528, %add3A_527 : i32
            %broadcast_in_dim3A_530 = vector.broadcast %sub3A_529 : i32 to vector<16xi32>
            %convert_element_type3A_531 = arith.sitofp %broadcast_in_dim3A_530 : vector<16xi32> to vector<16xf32>
            %gt3A_532 = arith.cmpf ogt, %convert_element_type3A_531, %scan3A_195#1 : vector<16xf32>
            %mul3A_533 = arith.constant 16 : i32
            %mul3A_534 = arith.muli %sub3A_529, %mul3A_533 : i32
            %get3A_535 = arith.index_cast %mul3A_534 : i32 to index
            %get3A_536 = tpu.vector_load %arg7[%get3A_535] {strides = array<i32>} : memref<4096xf32, #tpu.memory_space<vmem>>, vector<16xf32>,
            %reduce_sum3A_537 = arith.constant true
            %reduce_sum3A_538 = vector.broadcast %reduce_sum3A_537 : i1 to vector<16xi1>
            %reduce_sum3A_539 = tpu.scan <sum>, %get3A_536 masked %reduce_sum3A_538 : vector<16xf32>, vector<16xi1> -> vector<16xf32>
            %reduce_sum3A_540 = vector.extract %reduce_sum3A_539[15] : f32 from vector<16xf32>
            %broadcast_in_dim3A_541 = vector.broadcast %reduce_sum3A_540 : f32 to vector<16xf32>
            %mul3A_542 = arith.constant 16 : i32
            %mul3A_543 = arith.muli %sub3A_529, %mul3A_542 : i32
            %get3A_544 = arith.index_cast %mul3A_543 : i32 to index
            %get3A_545 = tpu.vector_load %arg8[%get3A_544] {strides = array<i32>} : memref<4096xf32, #tpu.memory_space<vmem>>, vector<16xf32>,
            %reduce_sum3A_546 = arith.constant true
            %reduce_sum3A_547 = vector.broadcast %reduce_sum3A_546 : i1 to vector<16xi1>
            %reduce_sum3A_548 = tpu.scan <sum>, %get3A_545 masked %reduce_sum3A_547 : vector<16xf32>, vector<16xi1> -> vector<16xf32>
            %reduce_sum3A_549 = vector.extract %reduce_sum3A_548[15] : f32 from vector<16xf32>
            %broadcast_in_dim3A_550 = vector.broadcast %reduce_sum3A_549 : f32 to vector<16xf32>
            %select_n3A_551 = arith.select %gt3A_532, %broadcast_in_dim3A_541, %broadcast_in_dim3A_0 : vector<16xi1>, vector<16xf32>
            %add3A_552 = arith.addf %add3A_521, %select_n3A_551 : vector<16xf32>
            %select_n3A_553 = arith.select %gt3A_532, %broadcast_in_dim3A_550, %broadcast_in_dim3A_0 : vector<16xi1>, vector<16xf32>
            %add3A_554 = arith.addf %add3A_523, %select_n3A_553 : vector<16xf32>
            %mul3A_555 = arith.constant 16 : i32
            %mul3A_556 = arith.muli %scan3A_212, %mul3A_555 : i32
            %add3A_557 = arith.constant 11 : i32
            %add3A_558 = arith.addi %mul3A_556, %add3A_557 : i32
            %sub3A_559 = arith.constant 255 : i32
            %sub3A_560 = arith.subi %sub3A_559, %add3A_558 : i32
            %broadcast_in_dim3A_561 = vector.broadcast %sub3A_560 : i32 to vector<16xi32>
            %convert_element_type3A_562 = arith.sitofp %broadcast_in_dim3A_561 : vector<16xi32> to vector<16xf32>
            %gt3A_563 = arith.cmpf ogt, %convert_element_type3A_562, %scan3A_195#1 : vector<16xf32>
            %mul3A_564 = arith.constant 16 : i32
            %mul3A_565 = arith.muli %sub3A_560, %mul3A_564 : i32
            %get3A_566 = arith.index_cast %mul3A_565 : i32 to index
            %get3A_567 = tpu.vector_load %arg7[%get3A_566] {strides = array<i32>} : memref<4096xf32, #tpu.memory_space<vmem>>, vector<16xf32>,
            %reduce_sum3A_568 = arith.constant true
            %reduce_sum3A_569 = vector.broadcast %reduce_sum3A_568 : i1 to vector<16xi1>
            %reduce_sum3A_570 = tpu.scan <sum>, %get3A_567 masked %reduce_sum3A_569 : vector<16xf32>, vector<16xi1> -> vector<16xf32>
            %reduce_sum3A_571 = vector.extract %reduce_sum3A_570[15] : f32 from vector<16xf32>
            %broadcast_in_dim3A_572 = vector.broadcast %reduce_sum3A_571 : f32 to vector<16xf32>
            %mul3A_573 = arith.constant 16 : i32
            %mul3A_574 = arith.muli %sub3A_560, %mul3A_573 : i32
            %get3A_575 = arith.index_cast %mul3A_574 : i32 to index
            %get3A_576 = tpu.vector_load %arg8[%get3A_575] {strides = array<i32>} : memref<4096xf32, #tpu.memory_space<vmem>>, vector<16xf32>,
            %reduce_sum3A_577 = arith.constant true
            %reduce_sum3A_578 = vector.broadcast %reduce_sum3A_577 : i1 to vector<16xi1>
            %reduce_sum3A_579 = tpu.scan <sum>, %get3A_576 masked %reduce_sum3A_578 : vector<16xf32>, vector<16xi1> -> vector<16xf32>
            %reduce_sum3A_580 = vector.extract %reduce_sum3A_579[15] : f32 from vector<16xf32>
            %broadcast_in_dim3A_581 = vector.broadcast %reduce_sum3A_580 : f32 to vector<16xf32>
            %select_n3A_582 = arith.select %gt3A_563, %broadcast_in_dim3A_572, %broadcast_in_dim3A_0 : vector<16xi1>, vector<16xf32>
            %add3A_583 = arith.addf %add3A_552, %select_n3A_582 : vector<16xf32>
            %select_n3A_584 = arith.select %gt3A_563, %broadcast_in_dim3A_581, %broadcast_in_dim3A_0 : vector<16xi1>, vector<16xf32>
            %add3A_585 = arith.addf %add3A_554, %select_n3A_584 : vector<16xf32>
            %mul3A_586 = arith.constant 16 : i32
            %mul3A_587 = arith.muli %scan3A_212, %mul3A_586 : i32
            %add3A_588 = arith.constant 12 : i32
            %add3A_589 = arith.addi %mul3A_587, %add3A_588 : i32
            %sub3A_590 = arith.constant 255 : i32
            %sub3A_591 = arith.subi %sub3A_590, %add3A_589 : i32
            %broadcast_in_dim3A_592 = vector.broadcast %sub3A_591 : i32 to vector<16xi32>
            %convert_element_type3A_593 = arith.sitofp %broadcast_in_dim3A_592 : vector<16xi32> to vector<16xf32>
            %gt3A_594 = arith.cmpf ogt, %convert_element_type3A_593, %scan3A_195#1 : vector<16xf32>
            %mul3A_595 = arith.constant 16 : i32
            %mul3A_596 = arith.muli %sub3A_591, %mul3A_595 : i32
            %get3A_597 = arith.index_cast %mul3A_596 : i32 to index
            %get3A_598 = tpu.vector_load %arg7[%get3A_597] {strides = array<i32>} : memref<4096xf32, #tpu.memory_space<vmem>>, vector<16xf32>,
            %reduce_sum3A_599 = arith.constant true
            %reduce_sum3A_600 = vector.broadcast %reduce_sum3A_599 : i1 to vector<16xi1>
            %reduce_sum3A_601 = tpu.scan <sum>, %get3A_598 masked %reduce_sum3A_600 : vector<16xf32>, vector<16xi1> -> vector<16xf32>
            %reduce_sum3A_602 = vector.extract %reduce_sum3A_601[15] : f32 from vector<16xf32>
            %broadcast_in_dim3A_603 = vector.broadcast %reduce_sum3A_602 : f32 to vector<16xf32>
            %mul3A_604 = arith.constant 16 : i32
            %mul3A_605 = arith.muli %sub3A_591, %mul3A_604 : i32
            %get3A_606 = arith.index_cast %mul3A_605 : i32 to index
            %get3A_607 = tpu.vector_load %arg8[%get3A_606] {strides = array<i32>} : memref<4096xf32, #tpu.memory_space<vmem>>, vector<16xf32>,
            %reduce_sum3A_608 = arith.constant true
            %reduce_sum3A_609 = vector.broadcast %reduce_sum3A_608 : i1 to vector<16xi1>
            %reduce_sum3A_610 = tpu.scan <sum>, %get3A_607 masked %reduce_sum3A_609 : vector<16xf32>, vector<16xi1> -> vector<16xf32>
            %reduce_sum3A_611 = vector.extract %reduce_sum3A_610[15] : f32 from vector<16xf32>
            %broadcast_in_dim3A_612 = vector.broadcast %reduce_sum3A_611 : f32 to vector<16xf32>
            %select_n3A_613 = arith.select %gt3A_594, %broadcast_in_dim3A_603, %broadcast_in_dim3A_0 : vector<16xi1>, vector<16xf32>
            %add3A_614 = arith.addf %add3A_583, %select_n3A_613 : vector<16xf32>
            %select_n3A_615 = arith.select %gt3A_594, %broadcast_in_dim3A_612, %broadcast_in_dim3A_0 : vector<16xi1>, vector<16xf32>
            %add3A_616 = arith.addf %add3A_585, %select_n3A_615 : vector<16xf32>
            %mul3A_617 = arith.constant 16 : i32
            %mul3A_618 = arith.muli %scan3A_212, %mul3A_617 : i32
            %add3A_619 = arith.constant 13 : i32
            %add3A_620 = arith.addi %mul3A_618, %add3A_619 : i32
            %sub3A_621 = arith.constant 255 : i32
            %sub3A_622 = arith.subi %sub3A_621, %add3A_620 : i32
            %broadcast_in_dim3A_623 = vector.broadcast %sub3A_622 : i32 to vector<16xi32>
            %convert_element_type3A_624 = arith.sitofp %broadcast_in_dim3A_623 : vector<16xi32> to vector<16xf32>
            %gt3A_625 = arith.cmpf ogt, %convert_element_type3A_624, %scan3A_195#1 : vector<16xf32>
            %mul3A_626 = arith.constant 16 : i32
            %mul3A_627 = arith.muli %sub3A_622, %mul3A_626 : i32
            %get3A_628 = arith.index_cast %mul3A_627 : i32 to index
            %get3A_629 = tpu.vector_load %arg7[%get3A_628] {strides = array<i32>} : memref<4096xf32, #tpu.memory_space<vmem>>, vector<16xf32>,
            %reduce_sum3A_630 = arith.constant true
            %reduce_sum3A_631 = vector.broadcast %reduce_sum3A_630 : i1 to vector<16xi1>
            %reduce_sum3A_632 = tpu.scan <sum>, %get3A_629 masked %reduce_sum3A_631 : vector<16xf32>, vector<16xi1> -> vector<16xf32>
            %reduce_sum3A_633 = vector.extract %reduce_sum3A_632[15] : f32 from vector<16xf32>
            %broadcast_in_dim3A_634 = vector.broadcast %reduce_sum3A_633 : f32 to vector<16xf32>
            %mul3A_635 = arith.constant 16 : i32
            %mul3A_636 = arith.muli %sub3A_622, %mul3A_635 : i32
            %get3A_637 = arith.index_cast %mul3A_636 : i32 to index
            %get3A_638 = tpu.vector_load %arg8[%get3A_637] {strides = array<i32>} : memref<4096xf32, #tpu.memory_space<vmem>>, vector<16xf32>,
            %reduce_sum3A_639 = arith.constant true
            %reduce_sum3A_640 = vector.broadcast %reduce_sum3A_639 : i1 to vector<16xi1>
            %reduce_sum3A_641 = tpu.scan <sum>, %get3A_638 masked %reduce_sum3A_640 : vector<16xf32>, vector<16xi1> -> vector<16xf32>
            %reduce_sum3A_642 = vector.extract %reduce_sum3A_641[15] : f32 from vector<16xf32>
            %broadcast_in_dim3A_643 = vector.broadcast %reduce_sum3A_642 : f32 to vector<16xf32>
            %select_n3A_644 = arith.select %gt3A_625, %broadcast_in_dim3A_634, %broadcast_in_dim3A_0 : vector<16xi1>, vector<16xf32>
            %add3A_645 = arith.addf %add3A_614, %select_n3A_644 : vector<16xf32>
            %select_n3A_646 = arith.select %gt3A_625, %broadcast_in_dim3A_643, %broadcast_in_dim3A_0 : vector<16xi1>, vector<16xf32>
            %add3A_647 = arith.addf %add3A_616, %select_n3A_646 : vector<16xf32>
            %mul3A_648 = arith.constant 16 : i32
            %mul3A_649 = arith.muli %scan3A_212, %mul3A_648 : i32
            %add3A_650 = arith.constant 14 : i32
            %add3A_651 = arith.addi %mul3A_649, %add3A_650 : i32
            %sub3A_652 = arith.constant 255 : i32
            %sub3A_653 = arith.subi %sub3A_652, %add3A_651 : i32
            %broadcast_in_dim3A_654 = vector.broadcast %sub3A_653 : i32 to vector<16xi32>
            %convert_element_type3A_655 = arith.sitofp %broadcast_in_dim3A_654 : vector<16xi32> to vector<16xf32>
            %gt3A_656 = arith.cmpf ogt, %convert_element_type3A_655, %scan3A_195#1 : vector<16xf32>
            %mul3A_657 = arith.constant 16 : i32
            %mul3A_658 = arith.muli %sub3A_653, %mul3A_657 : i32
            %get3A_659 = arith.index_cast %mul3A_658 : i32 to index
            %get3A_660 = tpu.vector_load %arg7[%get3A_659] {strides = array<i32>} : memref<4096xf32, #tpu.memory_space<vmem>>, vector<16xf32>,
            %reduce_sum3A_661 = arith.constant true
            %reduce_sum3A_662 = vector.broadcast %reduce_sum3A_661 : i1 to vector<16xi1>
            %reduce_sum3A_663 = tpu.scan <sum>, %get3A_660 masked %reduce_sum3A_662 : vector<16xf32>, vector<16xi1> -> vector<16xf32>
            %reduce_sum3A_664 = vector.extract %reduce_sum3A_663[15] : f32 from vector<16xf32>
            %broadcast_in_dim3A_665 = vector.broadcast %reduce_sum3A_664 : f32 to vector<16xf32>
            %mul3A_666 = arith.constant 16 : i32
            %mul3A_667 = arith.muli %sub3A_653, %mul3A_666 : i32
            %get3A_668 = arith.index_cast %mul3A_667 : i32 to index
            %get3A_669 = tpu.vector_load %arg8[%get3A_668] {strides = array<i32>} : memref<4096xf32, #tpu.memory_space<vmem>>, vector<16xf32>,
            %reduce_sum3A_670 = arith.constant true
            %reduce_sum3A_671 = vector.broadcast %reduce_sum3A_670 : i1 to vector<16xi1>
            %reduce_sum3A_672 = tpu.scan <sum>, %get3A_669 masked %reduce_sum3A_671 : vector<16xf32>, vector<16xi1> -> vector<16xf32>
            %reduce_sum3A_673 = vector.extract %reduce_sum3A_672[15] : f32 from vector<16xf32>
            %broadcast_in_dim3A_674 = vector.broadcast %reduce_sum3A_673 : f32 to vector<16xf32>
            %select_n3A_675 = arith.select %gt3A_656, %broadcast_in_dim3A_665, %broadcast_in_dim3A_0 : vector<16xi1>, vector<16xf32>
            %add3A_676 = arith.addf %add3A_645, %select_n3A_675 : vector<16xf32>
            %select_n3A_677 = arith.select %gt3A_656, %broadcast_in_dim3A_674, %broadcast_in_dim3A_0 : vector<16xi1>, vector<16xf32>
            %add3A_678 = arith.addf %add3A_647, %select_n3A_677 : vector<16xf32>
            %mul3A_679 = arith.constant 16 : i32
            %mul3A_680 = arith.muli %scan3A_212, %mul3A_679 : i32
            %add3A_681 = arith.constant 15 : i32
            %add3A_682 = arith.addi %mul3A_680, %add3A_681 : i32
            %sub3A_683 = arith.constant 255 : i32
            %sub3A_684 = arith.subi %sub3A_683, %add3A_682 : i32
            %broadcast_in_dim3A_685 = vector.broadcast %sub3A_684 : i32 to vector<16xi32>
            %convert_element_type3A_686 = arith.sitofp %broadcast_in_dim3A_685 : vector<16xi32> to vector<16xf32>
            %gt3A_687 = arith.cmpf ogt, %convert_element_type3A_686, %scan3A_195#1 : vector<16xf32>
            %mul3A_688 = arith.constant 16 : i32
            %mul3A_689 = arith.muli %sub3A_684, %mul3A_688 : i32
            %get3A_690 = arith.index_cast %mul3A_689 : i32 to index
            %get3A_691 = tpu.vector_load %arg7[%get3A_690] {strides = array<i32>} : memref<4096xf32, #tpu.memory_space<vmem>>, vector<16xf32>,
            %reduce_sum3A_692 = arith.constant true
            %reduce_sum3A_693 = vector.broadcast %reduce_sum3A_692 : i1 to vector<16xi1>
            %reduce_sum3A_694 = tpu.scan <sum>, %get3A_691 masked %reduce_sum3A_693 : vector<16xf32>, vector<16xi1> -> vector<16xf32>
            %reduce_sum3A_695 = vector.extract %reduce_sum3A_694[15] : f32 from vector<16xf32>
            %broadcast_in_dim3A_696 = vector.broadcast %reduce_sum3A_695 : f32 to vector<16xf32>
            %mul3A_697 = arith.constant 16 : i32
            %mul3A_698 = arith.muli %sub3A_684, %mul3A_697 : i32
            %get3A_699 = arith.index_cast %mul3A_698 : i32 to index
            %get3A_700 = tpu.vector_load %arg8[%get3A_699] {strides = array<i32>} : memref<4096xf32, #tpu.memory_space<vmem>>, vector<16xf32>,
            %reduce_sum3A_701 = arith.constant true
            %reduce_sum3A_702 = vector.broadcast %reduce_sum3A_701 : i1 to vector<16xi1>
            %reduce_sum3A_703 = tpu.scan <sum>, %get3A_700 masked %reduce_sum3A_702 : vector<16xf32>, vector<16xi1> -> vector<16xf32>
            %reduce_sum3A_704 = vector.extract %reduce_sum3A_703[15] : f32 from vector<16xf32>
            %broadcast_in_dim3A_705 = vector.broadcast %reduce_sum3A_704 : f32 to vector<16xf32>
            %select_n3A_706 = arith.select %gt3A_687, %broadcast_in_dim3A_696, %broadcast_in_dim3A_0 : vector<16xi1>, vector<16xf32>
            %add3A_707 = arith.addf %add3A_676, %select_n3A_706 : vector<16xf32>
            %select_n3A_708 = arith.select %gt3A_687, %broadcast_in_dim3A_705, %broadcast_in_dim3A_0 : vector<16xi1>, vector<16xf32>
            %add3A_709 = arith.addf %add3A_678, %select_n3A_708 : vector<16xf32>
            scf.yield %add3A_707, %add3A_709 : vector<16xf32>, vector<16xf32>
          }
          %scan3A_202 = arith.constant 16 : i32
          %mul3A_203 = arith.mulf %scan3A_195#1, %select_n3A_180 : vector<16xf32>
          %add3A_204 = arith.addf %broadcast_in_dim3A_26, %mul3A_203 : vector<16xf32>
          %sub3A_205 = arith.subf %add3A_94, %scan3A_201#0 : vector<16xf32>
          %mul3A_206 = arith.mulf %sub3A_205, %add3A_204 : vector<16xf32>
          %add3A_207 = arith.addf %scan3A_201#1, %mul3A_206 : vector<16xf32>
          %sub3A_208 = arith.constant 1.000000e+00 : f32
          %sub3A_209 = vector.broadcast %sub3A_208 : f32 to vector<16xf32>
          %sub3A_210 = arith.subf %add3A_207, %sub3A_209 : vector<16xf32>
          %div3A_211 = arith.divf %sub3A_210, %add3A_94 : vector<16xf32>
          scf.yield %div3A_211 : vector<16xf32>
        } else {
          scf.yield %broadcast_in_dim3A_0 : vector<16xf32>
        }
        %mul3A_114 = arith.constant -8.50705867E+37 : f32
        %mul3A_115 = vector.broadcast %mul3A_114 : f32 to vector<16xf32>
        %mul3A_116 = arith.mulf %sub3A_95, %mul3A_115 : vector<16xf32>
        %sub3A_117 = arith.constant 1.000000e+00 : f32
        %sub3A_118 = vector.broadcast %sub3A_117 : f32 to vector<16xf32>
        %sub3A_119 = arith.subf %mul3A_116, %sub3A_118 : vector<16xf32>
        %div3A = arith.divf %sub3A_119, %add3A_94 : vector<16xf32>
        %ge3A = arith.constant 4.500000e+00 : f32
        %ge3A_120 = vector.broadcast %ge3A : f32 to vector<16xf32>
        %ge3A_121 = arith.cmpf oge, %sub3A_95, %ge3A_120 : vector<16xf32>
        %broadcast_in_dim3A_122 = arith.constant 0xFF800000 : f32
        %broadcast_in_dim3A_123 = vector.broadcast %broadcast_in_dim3A_122 : f32 to vector<16xf32>
        %ge3A_124 = arith.constant 5.000000e-01 : f32
        %ge3A_125 = vector.broadcast %ge3A_124 : f32 to vector<16xf32>
        %ge3A_126 = arith.cmpf oge, %sub3A_95, %ge3A_125 : vector<16xf32>
        %select_n3A = arith.select %ge3A_126, %div3A, %cond3A_113 : vector<16xi1>, vector<16xf32>
        %select_n3A_127 = arith.select %ge3A_121, %broadcast_in_dim3A_123, %select_n3A : vector<16xi1>, vector<16xf32>
        %scan3A_128 = arith.constant 0 : i32
        %scan3A_129 = arith.constant 128 : i32
        %scan3A_130 = arith.addi %scan3A_128, %scan3A_129 : i32
        %scan3A_131 = arith.constant 1 : i32
        %scan3A_132 = scf.for %scan3A_169 = %scan3A_128 to %scan3A_130 step %scan3A_131 iter_args(%scan3A_170 = %broadcast_in_dim3A_0) -> (vector<16xf32>)  : i32 {
          %mul3A_171 = arith.constant 16 : i32
          %mul3A_172 = arith.muli %scan3A_169, %mul3A_171 : i32
          %add3A_173 = arith.constant 0 : i32
          %add3A_174 = arith.addi %mul3A_172, %add3A_173 : i32
          %mul3A_175 = arith.constant 16 : i32
          %mul3A_176 = arith.muli %add3A_174, %mul3A_175 : i32
          %get3A = arith.index_cast %mul3A_176 : i32 to index
          %get3A_177 = tpu.vector_load %arg5[%get3A] {strides = array<i32>} : memref<32768xf32, #tpu.memory_space<vmem>>, vector<16xf32>,
          %sub3A_178 = arith.subf %get3A_177, %select_n3A_127 : vector<16xf32>
          %max3A_179 = arith.constant 0.000000e+00 : f32
          %max3A_180 = vector.broadcast %max3A_179 : f32 to vector<16xf32>
          %max3A_181 = arith.maximumf %sub3A_178, %max3A_180 : vector<16xf32>
          %add3A_182 = arith.addf %scan3A_170, %max3A_181 : vector<16xf32>
          %mul3A_183 = arith.constant 16 : i32
          %mul3A_184 = arith.muli %scan3A_169, %mul3A_183 : i32
          %add3A_185 = arith.constant 1 : i32
          %add3A_186 = arith.addi %mul3A_184, %add3A_185 : i32
          %mul3A_187 = arith.constant 16 : i32
          %mul3A_188 = arith.muli %add3A_186, %mul3A_187 : i32
          %get3A_189 = arith.index_cast %mul3A_188 : i32 to index
          %get3A_190 = tpu.vector_load %arg5[%get3A_189] {strides = array<i32>} : memref<32768xf32, #tpu.memory_space<vmem>>, vector<16xf32>,
          %sub3A_191 = arith.subf %get3A_190, %select_n3A_127 : vector<16xf32>
          %max3A_192 = arith.constant 0.000000e+00 : f32
          %max3A_193 = vector.broadcast %max3A_192 : f32 to vector<16xf32>
          %max3A_194 = arith.maximumf %sub3A_191, %max3A_193 : vector<16xf32>
          %add3A_195 = arith.addf %add3A_182, %max3A_194 : vector<16xf32>
          %mul3A_196 = arith.constant 16 : i32
          %mul3A_197 = arith.muli %scan3A_169, %mul3A_196 : i32
          %add3A_198 = arith.constant 2 : i32
          %add3A_199 = arith.addi %mul3A_197, %add3A_198 : i32
          %mul3A_200 = arith.constant 16 : i32
          %mul3A_201 = arith.muli %add3A_199, %mul3A_200 : i32
          %get3A_202 = arith.index_cast %mul3A_201 : i32 to index
          %get3A_203 = tpu.vector_load %arg5[%get3A_202] {strides = array<i32>} : memref<32768xf32, #tpu.memory_space<vmem>>, vector<16xf32>,
          %sub3A_204 = arith.subf %get3A_203, %select_n3A_127 : vector<16xf32>
          %max3A_205 = arith.constant 0.000000e+00 : f32
          %max3A_206 = vector.broadcast %max3A_205 : f32 to vector<16xf32>
          %max3A_207 = arith.maximumf %sub3A_204, %max3A_206 : vector<16xf32>
          %add3A_208 = arith.addf %add3A_195, %max3A_207 : vector<16xf32>
          %mul3A_209 = arith.constant 16 : i32
          %mul3A_210 = arith.muli %scan3A_169, %mul3A_209 : i32
          %add3A_211 = arith.constant 3 : i32
          %add3A_212 = arith.addi %mul3A_210, %add3A_211 : i32
          %mul3A_213 = arith.constant 16 : i32
          %mul3A_214 = arith.muli %add3A_212, %mul3A_213 : i32
          %get3A_215 = arith.index_cast %mul3A_214 : i32 to index
          %get3A_216 = tpu.vector_load %arg5[%get3A_215] {strides = array<i32>} : memref<32768xf32, #tpu.memory_space<vmem>>, vector<16xf32>,
          %sub3A_217 = arith.subf %get3A_216, %select_n3A_127 : vector<16xf32>
          %max3A_218 = arith.constant 0.000000e+00 : f32
          %max3A_219 = vector.broadcast %max3A_218 : f32 to vector<16xf32>
          %max3A_220 = arith.maximumf %sub3A_217, %max3A_219 : vector<16xf32>
          %add3A_221 = arith.addf %add3A_208, %max3A_220 : vector<16xf32>
          %mul3A_222 = arith.constant 16 : i32
          %mul3A_223 = arith.muli %scan3A_169, %mul3A_222 : i32
          %add3A_224 = arith.constant 4 : i32
          %add3A_225 = arith.addi %mul3A_223, %add3A_224 : i32
          %mul3A_226 = arith.constant 16 : i32
          %mul3A_227 = arith.muli %add3A_225, %mul3A_226 : i32
          %get3A_228 = arith.index_cast %mul3A_227 : i32 to index
          %get3A_229 = tpu.vector_load %arg5[%get3A_228] {strides = array<i32>} : memref<32768xf32, #tpu.memory_space<vmem>>, vector<16xf32>,
          %sub3A_230 = arith.subf %get3A_229, %select_n3A_127 : vector<16xf32>
          %max3A_231 = arith.constant 0.000000e+00 : f32
          %max3A_232 = vector.broadcast %max3A_231 : f32 to vector<16xf32>
          %max3A_233 = arith.maximumf %sub3A_230, %max3A_232 : vector<16xf32>
          %add3A_234 = arith.addf %add3A_221, %max3A_233 : vector<16xf32>
          %mul3A_235 = arith.constant 16 : i32
          %mul3A_236 = arith.muli %scan3A_169, %mul3A_235 : i32
          %add3A_237 = arith.constant 5 : i32
          %add3A_238 = arith.addi %mul3A_236, %add3A_237 : i32
          %mul3A_239 = arith.constant 16 : i32
          %mul3A_240 = arith.muli %add3A_238, %mul3A_239 : i32
          %get3A_241 = arith.index_cast %mul3A_240 : i32 to index
          %get3A_242 = tpu.vector_load %arg5[%get3A_241] {strides = array<i32>} : memref<32768xf32, #tpu.memory_space<vmem>>, vector<16xf32>,
          %sub3A_243 = arith.subf %get3A_242, %select_n3A_127 : vector<16xf32>
          %max3A_244 = arith.constant 0.000000e+00 : f32
          %max3A_245 = vector.broadcast %max3A_244 : f32 to vector<16xf32>
          %max3A_246 = arith.maximumf %sub3A_243, %max3A_245 : vector<16xf32>
          %add3A_247 = arith.addf %add3A_234, %max3A_246 : vector<16xf32>
          %mul3A_248 = arith.constant 16 : i32
          %mul3A_249 = arith.muli %scan3A_169, %mul3A_248 : i32
          %add3A_250 = arith.constant 6 : i32
          %add3A_251 = arith.addi %mul3A_249, %add3A_250 : i32
          %mul3A_252 = arith.constant 16 : i32
          %mul3A_253 = arith.muli %add3A_251, %mul3A_252 : i32
          %get3A_254 = arith.index_cast %mul3A_253 : i32 to index
          %get3A_255 = tpu.vector_load %arg5[%get3A_254] {strides = array<i32>} : memref<32768xf32, #tpu.memory_space<vmem>>, vector<16xf32>,
          %sub3A_256 = arith.subf %get3A_255, %select_n3A_127 : vector<16xf32>
          %max3A_257 = arith.constant 0.000000e+00 : f32
          %max3A_258 = vector.broadcast %max3A_257 : f32 to vector<16xf32>
          %max3A_259 = arith.maximumf %sub3A_256, %max3A_258 : vector<16xf32>
          %add3A_260 = arith.addf %add3A_247, %max3A_259 : vector<16xf32>
          %mul3A_261 = arith.constant 16 : i32
          %mul3A_262 = arith.muli %scan3A_169, %mul3A_261 : i32
          %add3A_263 = arith.constant 7 : i32
          %add3A_264 = arith.addi %mul3A_262, %add3A_263 : i32
          %mul3A_265 = arith.constant 16 : i32
          %mul3A_266 = arith.muli %add3A_264, %mul3A_265 : i32
          %get3A_267 = arith.index_cast %mul3A_266 : i32 to index
          %get3A_268 = tpu.vector_load %arg5[%get3A_267] {strides = array<i32>} : memref<32768xf32, #tpu.memory_space<vmem>>, vector<16xf32>,
          %sub3A_269 = arith.subf %get3A_268, %select_n3A_127 : vector<16xf32>
          %max3A_270 = arith.constant 0.000000e+00 : f32
          %max3A_271 = vector.broadcast %max3A_270 : f32 to vector<16xf32>
          %max3A_272 = arith.maximumf %sub3A_269, %max3A_271 : vector<16xf32>
          %add3A_273 = arith.addf %add3A_260, %max3A_272 : vector<16xf32>
          %mul3A_274 = arith.constant 16 : i32
          %mul3A_275 = arith.muli %scan3A_169, %mul3A_274 : i32
          %add3A_276 = arith.constant 8 : i32
          %add3A_277 = arith.addi %mul3A_275, %add3A_276 : i32
          %mul3A_278 = arith.constant 16 : i32
          %mul3A_279 = arith.muli %add3A_277, %mul3A_278 : i32
          %get3A_280 = arith.index_cast %mul3A_279 : i32 to index
          %get3A_281 = tpu.vector_load %arg5[%get3A_280] {strides = array<i32>} : memref<32768xf32, #tpu.memory_space<vmem>>, vector<16xf32>,
          %sub3A_282 = arith.subf %get3A_281, %select_n3A_127 : vector<16xf32>
          %max3A_283 = arith.constant 0.000000e+00 : f32
          %max3A_284 = vector.broadcast %max3A_283 : f32 to vector<16xf32>
          %max3A_285 = arith.maximumf %sub3A_282, %max3A_284 : vector<16xf32>
          %add3A_286 = arith.addf %add3A_273, %max3A_285 : vector<16xf32>
          %mul3A_287 = arith.constant 16 : i32
          %mul3A_288 = arith.muli %scan3A_169, %mul3A_287 : i32
          %add3A_289 = arith.constant 9 : i32
          %add3A_290 = arith.addi %mul3A_288, %add3A_289 : i32
          %mul3A_291 = arith.constant 16 : i32
          %mul3A_292 = arith.muli %add3A_290, %mul3A_291 : i32
          %get3A_293 = arith.index_cast %mul3A_292 : i32 to index
          %get3A_294 = tpu.vector_load %arg5[%get3A_293] {strides = array<i32>} : memref<32768xf32, #tpu.memory_space<vmem>>, vector<16xf32>,
          %sub3A_295 = arith.subf %get3A_294, %select_n3A_127 : vector<16xf32>
          %max3A_296 = arith.constant 0.000000e+00 : f32
          %max3A_297 = vector.broadcast %max3A_296 : f32 to vector<16xf32>
          %max3A_298 = arith.maximumf %sub3A_295, %max3A_297 : vector<16xf32>
          %add3A_299 = arith.addf %add3A_286, %max3A_298 : vector<16xf32>
          %mul3A_300 = arith.constant 16 : i32
          %mul3A_301 = arith.muli %scan3A_169, %mul3A_300 : i32
          %add3A_302 = arith.constant 10 : i32
          %add3A_303 = arith.addi %mul3A_301, %add3A_302 : i32
          %mul3A_304 = arith.constant 16 : i32
          %mul3A_305 = arith.muli %add3A_303, %mul3A_304 : i32
          %get3A_306 = arith.index_cast %mul3A_305 : i32 to index
          %get3A_307 = tpu.vector_load %arg5[%get3A_306] {strides = array<i32>} : memref<32768xf32, #tpu.memory_space<vmem>>, vector<16xf32>,
          %sub3A_308 = arith.subf %get3A_307, %select_n3A_127 : vector<16xf32>
          %max3A_309 = arith.constant 0.000000e+00 : f32
          %max3A_310 = vector.broadcast %max3A_309 : f32 to vector<16xf32>
          %max3A_311 = arith.maximumf %sub3A_308, %max3A_310 : vector<16xf32>
          %add3A_312 = arith.addf %add3A_299, %max3A_311 : vector<16xf32>
          %mul3A_313 = arith.constant 16 : i32
          %mul3A_314 = arith.muli %scan3A_169, %mul3A_313 : i32
          %add3A_315 = arith.constant 11 : i32
          %add3A_316 = arith.addi %mul3A_314, %add3A_315 : i32
          %mul3A_317 = arith.constant 16 : i32
          %mul3A_318 = arith.muli %add3A_316, %mul3A_317 : i32
          %get3A_319 = arith.index_cast %mul3A_318 : i32 to index
          %get3A_320 = tpu.vector_load %arg5[%get3A_319] {strides = array<i32>} : memref<32768xf32, #tpu.memory_space<vmem>>, vector<16xf32>,
          %sub3A_321 = arith.subf %get3A_320, %select_n3A_127 : vector<16xf32>
          %max3A_322 = arith.constant 0.000000e+00 : f32
          %max3A_323 = vector.broadcast %max3A_322 : f32 to vector<16xf32>
          %max3A_324 = arith.maximumf %sub3A_321, %max3A_323 : vector<16xf32>
          %add3A_325 = arith.addf %add3A_312, %max3A_324 : vector<16xf32>
          %mul3A_326 = arith.constant 16 : i32
          %mul3A_327 = arith.muli %scan3A_169, %mul3A_326 : i32
          %add3A_328 = arith.constant 12 : i32
          %add3A_329 = arith.addi %mul3A_327, %add3A_328 : i32
          %mul3A_330 = arith.constant 16 : i32
          %mul3A_331 = arith.muli %add3A_329, %mul3A_330 : i32
          %get3A_332 = arith.index_cast %mul3A_331 : i32 to index
          %get3A_333 = tpu.vector_load %arg5[%get3A_332] {strides = array<i32>} : memref<32768xf32, #tpu.memory_space<vmem>>, vector<16xf32>,
          %sub3A_334 = arith.subf %get3A_333, %select_n3A_127 : vector<16xf32>
          %max3A_335 = arith.constant 0.000000e+00 : f32
          %max3A_336 = vector.broadcast %max3A_335 : f32 to vector<16xf32>
          %max3A_337 = arith.maximumf %sub3A_334, %max3A_336 : vector<16xf32>
          %add3A_338 = arith.addf %add3A_325, %max3A_337 : vector<16xf32>
          %mul3A_339 = arith.constant 16 : i32
          %mul3A_340 = arith.muli %scan3A_169, %mul3A_339 : i32
          %add3A_341 = arith.constant 13 : i32
          %add3A_342 = arith.addi %mul3A_340, %add3A_341 : i32
          %mul3A_343 = arith.constant 16 : i32
          %mul3A_344 = arith.muli %add3A_342, %mul3A_343 : i32
          %get3A_345 = arith.index_cast %mul3A_344 : i32 to index
          %get3A_346 = tpu.vector_load %arg5[%get3A_345] {strides = array<i32>} : memref<32768xf32, #tpu.memory_space<vmem>>, vector<16xf32>,
          %sub3A_347 = arith.subf %get3A_346, %select_n3A_127 : vector<16xf32>
          %max3A_348 = arith.constant 0.000000e+00 : f32
          %max3A_349 = vector.broadcast %max3A_348 : f32 to vector<16xf32>
          %max3A_350 = arith.maximumf %sub3A_347, %max3A_349 : vector<16xf32>
          %add3A_351 = arith.addf %add3A_338, %max3A_350 : vector<16xf32>
          %mul3A_352 = arith.constant 16 : i32
          %mul3A_353 = arith.muli %scan3A_169, %mul3A_352 : i32
          %add3A_354 = arith.constant 14 : i32
          %add3A_355 = arith.addi %mul3A_353, %add3A_354 : i32
          %mul3A_356 = arith.constant 16 : i32
          %mul3A_357 = arith.muli %add3A_355, %mul3A_356 : i32
          %get3A_358 = arith.index_cast %mul3A_357 : i32 to index
          %get3A_359 = tpu.vector_load %arg5[%get3A_358] {strides = array<i32>} : memref<32768xf32, #tpu.memory_space<vmem>>, vector<16xf32>,
          %sub3A_360 = arith.subf %get3A_359, %select_n3A_127 : vector<16xf32>
          %max3A_361 = arith.constant 0.000000e+00 : f32
          %max3A_362 = vector.broadcast %max3A_361 : f32 to vector<16xf32>
          %max3A_363 = arith.maximumf %sub3A_360, %max3A_362 : vector<16xf32>
          %add3A_364 = arith.addf %add3A_351, %max3A_363 : vector<16xf32>
          %mul3A_365 = arith.constant 16 : i32
          %mul3A_366 = arith.muli %scan3A_169, %mul3A_365 : i32
          %add3A_367 = arith.constant 15 : i32
          %add3A_368 = arith.addi %mul3A_366, %add3A_367 : i32
          %mul3A_369 = arith.constant 16 : i32
          %mul3A_370 = arith.muli %add3A_368, %mul3A_369 : i32
          %get3A_371 = arith.index_cast %mul3A_370 : i32 to index
          %get3A_372 = tpu.vector_load %arg5[%get3A_371] {strides = array<i32>} : memref<32768xf32, #tpu.memory_space<vmem>>, vector<16xf32>,
          %sub3A_373 = arith.subf %get3A_372, %select_n3A_127 : vector<16xf32>
          %max3A_374 = arith.constant 0.000000e+00 : f32
          %max3A_375 = vector.broadcast %max3A_374 : f32 to vector<16xf32>
          %max3A_376 = arith.maximumf %sub3A_373, %max3A_375 : vector<16xf32>
          %add3A_377 = arith.addf %add3A_364, %max3A_376 : vector<16xf32>
          scf.yield %add3A_377 : vector<16xf32>
        }
        %scan3A_133 = arith.constant 128 : i32
        %reduce_sum3A_134 = arith.constant true
        %reduce_sum3A_135 = vector.broadcast %reduce_sum3A_134 : i1 to vector<16xi1>
        %reduce_sum3A_136 = tpu.scan <sum>, %scan3A_132 masked %reduce_sum3A_135 : vector<16xf32>, vector<16xi1> -> vector<16xf32>
        %reduce_sum3A_137 = vector.extract %reduce_sum3A_136[15] : f32 from vector<16xf32>
        %broadcast_in_dim3A_138 = vector.broadcast %reduce_sum3A_137 : f32 to vector<16xf32>
        %max3A = arith.constant 9.99999996E-13 : f32
        %max3A_139 = vector.broadcast %max3A : f32 to vector<16xf32>
        %max3A_140 = arith.maximumf %broadcast_in_dim3A_138, %max3A_139 : vector<16xf32>
        %div3A_141 = arith.constant 1.000000e+00 : f32
        %div3A_142 = vector.broadcast %div3A_141 : f32 to vector<16xf32>
        %div3A_143 = arith.divf %div3A_142, %max3A_140 : vector<16xf32>
        %scan3A_144 = arith.constant 0 : i32
        %scan3A_145 = arith.constant 128 : i32
        %scan3A_146 = arith.addi %scan3A_144, %scan3A_145 : i32
        %scan3A_147 = arith.constant 1 : i32
        %scan3A_148 = scf.for %scan3A_169 = %scan3A_144 to %scan3A_146 step %scan3A_147 iter_args(%scan3A_170 = %broadcast_in_dim3A_0) -> (vector<16xf32>)  : i32 {
          %mul3A_171 = arith.constant 16 : i32
          %mul3A_172 = arith.muli %scan3A_169, %mul3A_171 : i32
          %add3A_173 = arith.constant 0 : i32
          %add3A_174 = arith.addi %mul3A_172, %add3A_173 : i32
          %mul3A_175 = arith.constant 16 : i32
          %mul3A_176 = arith.muli %add3A_174, %mul3A_175 : i32
          %get3A = arith.index_cast %mul3A_176 : i32 to index
          %get3A_177 = tpu.vector_load %arg5[%get3A] {strides = array<i32>} : memref<32768xf32, #tpu.memory_space<vmem>>, vector<16xf32>,
          %sub3A_178 = arith.subf %get3A_177, %select_n3A_127 : vector<16xf32>
          %max3A_179 = arith.constant 0.000000e+00 : f32
          %max3A_180 = vector.broadcast %max3A_179 : f32 to vector<16xf32>
          %max3A_181 = arith.maximumf %sub3A_178, %max3A_180 : vector<16xf32>
          %mul3A_182 = arith.mulf %max3A_181, %div3A_143 : vector<16xf32>
          %lt3A_183 = arith.constant 9.99999997E-7 : f32
          %lt3A_184 = vector.broadcast %lt3A_183 : f32 to vector<16xf32>
          %lt3A_185 = arith.cmpf olt, %mul3A_182, %lt3A_184 : vector<16xf32>
          %select_n3A_186 = arith.select %lt3A_185, %broadcast_in_dim3A_0, %mul3A_182 : vector<16xi1>, vector<16xf32>
          %swap3A = arith.index_cast %mul3A_176 : i32 to index
          %swap3A_187 = tpu.vector_load %arg5[%swap3A] {strides = array<i32>} : memref<32768xf32, #tpu.memory_space<vmem>>, vector<16xf32>,
          tpu.vector_store %arg5[%swap3A], %select_n3A_186 {strides = array<i32>} : memref<32768xf32, #tpu.memory_space<vmem>>, vector<16xf32>,
          %add3A_188 = arith.addf %scan3A_170, %select_n3A_186 : vector<16xf32>
          %mul3A_189 = arith.constant 16 : i32
          %mul3A_190 = arith.muli %scan3A_169, %mul3A_189 : i32
          %add3A_191 = arith.constant 1 : i32
          %add3A_192 = arith.addi %mul3A_190, %add3A_191 : i32
          %mul3A_193 = arith.constant 16 : i32
          %mul3A_194 = arith.muli %add3A_192, %mul3A_193 : i32
          %get3A_195 = arith.index_cast %mul3A_194 : i32 to index
          %get3A_196 = tpu.vector_load %arg5[%get3A_195] {strides = array<i32>} : memref<32768xf32, #tpu.memory_space<vmem>>, vector<16xf32>,
          %sub3A_197 = arith.subf %get3A_196, %select_n3A_127 : vector<16xf32>
          %max3A_198 = arith.constant 0.000000e+00 : f32
          %max3A_199 = vector.broadcast %max3A_198 : f32 to vector<16xf32>
          %max3A_200 = arith.maximumf %sub3A_197, %max3A_199 : vector<16xf32>
          %mul3A_201 = arith.mulf %max3A_200, %div3A_143 : vector<16xf32>
          %lt3A_202 = arith.constant 9.99999997E-7 : f32
          %lt3A_203 = vector.broadcast %lt3A_202 : f32 to vector<16xf32>
          %lt3A_204 = arith.cmpf olt, %mul3A_201, %lt3A_203 : vector<16xf32>
          %select_n3A_205 = arith.select %lt3A_204, %broadcast_in_dim3A_0, %mul3A_201 : vector<16xi1>, vector<16xf32>
          %swap3A_206 = arith.index_cast %mul3A_194 : i32 to index
          %swap3A_207 = tpu.vector_load %arg5[%swap3A_206] {strides = array<i32>} : memref<32768xf32, #tpu.memory_space<vmem>>, vector<16xf32>,
          tpu.vector_store %arg5[%swap3A_206], %select_n3A_205 {strides = array<i32>} : memref<32768xf32, #tpu.memory_space<vmem>>, vector<16xf32>,
          %add3A_208 = arith.addf %add3A_188, %select_n3A_205 : vector<16xf32>
          %mul3A_209 = arith.constant 16 : i32
          %mul3A_210 = arith.muli %scan3A_169, %mul3A_209 : i32
          %add3A_211 = arith.constant 2 : i32
          %add3A_212 = arith.addi %mul3A_210, %add3A_211 : i32
          %mul3A_213 = arith.constant 16 : i32
          %mul3A_214 = arith.muli %add3A_212, %mul3A_213 : i32
          %get3A_215 = arith.index_cast %mul3A_214 : i32 to index
          %get3A_216 = tpu.vector_load %arg5[%get3A_215] {strides = array<i32>} : memref<32768xf32, #tpu.memory_space<vmem>>, vector<16xf32>,
          %sub3A_217 = arith.subf %get3A_216, %select_n3A_127 : vector<16xf32>
          %max3A_218 = arith.constant 0.000000e+00 : f32
          %max3A_219 = vector.broadcast %max3A_218 : f32 to vector<16xf32>
          %max3A_220 = arith.maximumf %sub3A_217, %max3A_219 : vector<16xf32>
          %mul3A_221 = arith.mulf %max3A_220, %div3A_143 : vector<16xf32>
          %lt3A_222 = arith.constant 9.99999997E-7 : f32
          %lt3A_223 = vector.broadcast %lt3A_222 : f32 to vector<16xf32>
          %lt3A_224 = arith.cmpf olt, %mul3A_221, %lt3A_223 : vector<16xf32>
          %select_n3A_225 = arith.select %lt3A_224, %broadcast_in_dim3A_0, %mul3A_221 : vector<16xi1>, vector<16xf32>
          %swap3A_226 = arith.index_cast %mul3A_214 : i32 to index
          %swap3A_227 = tpu.vector_load %arg5[%swap3A_226] {strides = array<i32>} : memref<32768xf32, #tpu.memory_space<vmem>>, vector<16xf32>,
          tpu.vector_store %arg5[%swap3A_226], %select_n3A_225 {strides = array<i32>} : memref<32768xf32, #tpu.memory_space<vmem>>, vector<16xf32>,
          %add3A_228 = arith.addf %add3A_208, %select_n3A_225 : vector<16xf32>
          %mul3A_229 = arith.constant 16 : i32
          %mul3A_230 = arith.muli %scan3A_169, %mul3A_229 : i32
          %add3A_231 = arith.constant 3 : i32
          %add3A_232 = arith.addi %mul3A_230, %add3A_231 : i32
          %mul3A_233 = arith.constant 16 : i32
          %mul3A_234 = arith.muli %add3A_232, %mul3A_233 : i32
          %get3A_235 = arith.index_cast %mul3A_234 : i32 to index
          %get3A_236 = tpu.vector_load %arg5[%get3A_235] {strides = array<i32>} : memref<32768xf32, #tpu.memory_space<vmem>>, vector<16xf32>,
          %sub3A_237 = arith.subf %get3A_236, %select_n3A_127 : vector<16xf32>
          %max3A_238 = arith.constant 0.000000e+00 : f32
          %max3A_239 = vector.broadcast %max3A_238 : f32 to vector<16xf32>
          %max3A_240 = arith.maximumf %sub3A_237, %max3A_239 : vector<16xf32>
          %mul3A_241 = arith.mulf %max3A_240, %div3A_143 : vector<16xf32>
          %lt3A_242 = arith.constant 9.99999997E-7 : f32
          %lt3A_243 = vector.broadcast %lt3A_242 : f32 to vector<16xf32>
          %lt3A_244 = arith.cmpf olt, %mul3A_241, %lt3A_243 : vector<16xf32>
          %select_n3A_245 = arith.select %lt3A_244, %broadcast_in_dim3A_0, %mul3A_241 : vector<16xi1>, vector<16xf32>
          %swap3A_246 = arith.index_cast %mul3A_234 : i32 to index
          %swap3A_247 = tpu.vector_load %arg5[%swap3A_246] {strides = array<i32>} : memref<32768xf32, #tpu.memory_space<vmem>>, vector<16xf32>,
          tpu.vector_store %arg5[%swap3A_246], %select_n3A_245 {strides = array<i32>} : memref<32768xf32, #tpu.memory_space<vmem>>, vector<16xf32>,
          %add3A_248 = arith.addf %add3A_228, %select_n3A_245 : vector<16xf32>
          %mul3A_249 = arith.constant 16 : i32
          %mul3A_250 = arith.muli %scan3A_169, %mul3A_249 : i32
          %add3A_251 = arith.constant 4 : i32
          %add3A_252 = arith.addi %mul3A_250, %add3A_251 : i32
          %mul3A_253 = arith.constant 16 : i32
          %mul3A_254 = arith.muli %add3A_252, %mul3A_253 : i32
          %get3A_255 = arith.index_cast %mul3A_254 : i32 to index
          %get3A_256 = tpu.vector_load %arg5[%get3A_255] {strides = array<i32>} : memref<32768xf32, #tpu.memory_space<vmem>>, vector<16xf32>,
          %sub3A_257 = arith.subf %get3A_256, %select_n3A_127 : vector<16xf32>
          %max3A_258 = arith.constant 0.000000e+00 : f32
          %max3A_259 = vector.broadcast %max3A_258 : f32 to vector<16xf32>
          %max3A_260 = arith.maximumf %sub3A_257, %max3A_259 : vector<16xf32>
          %mul3A_261 = arith.mulf %max3A_260, %div3A_143 : vector<16xf32>
          %lt3A_262 = arith.constant 9.99999997E-7 : f32
          %lt3A_263 = vector.broadcast %lt3A_262 : f32 to vector<16xf32>
          %lt3A_264 = arith.cmpf olt, %mul3A_261, %lt3A_263 : vector<16xf32>
          %select_n3A_265 = arith.select %lt3A_264, %broadcast_in_dim3A_0, %mul3A_261 : vector<16xi1>, vector<16xf32>
          %swap3A_266 = arith.index_cast %mul3A_254 : i32 to index
          %swap3A_267 = tpu.vector_load %arg5[%swap3A_266] {strides = array<i32>} : memref<32768xf32, #tpu.memory_space<vmem>>, vector<16xf32>,
          tpu.vector_store %arg5[%swap3A_266], %select_n3A_265 {strides = array<i32>} : memref<32768xf32, #tpu.memory_space<vmem>>, vector<16xf32>,
          %add3A_268 = arith.addf %add3A_248, %select_n3A_265 : vector<16xf32>
          %mul3A_269 = arith.constant 16 : i32
          %mul3A_270 = arith.muli %scan3A_169, %mul3A_269 : i32
          %add3A_271 = arith.constant 5 : i32
          %add3A_272 = arith.addi %mul3A_270, %add3A_271 : i32
          %mul3A_273 = arith.constant 16 : i32
          %mul3A_274 = arith.muli %add3A_272, %mul3A_273 : i32
          %get3A_275 = arith.index_cast %mul3A_274 : i32 to index
          %get3A_276 = tpu.vector_load %arg5[%get3A_275] {strides = array<i32>} : memref<32768xf32, #tpu.memory_space<vmem>>, vector<16xf32>,
          %sub3A_277 = arith.subf %get3A_276, %select_n3A_127 : vector<16xf32>
          %max3A_278 = arith.constant 0.000000e+00 : f32
          %max3A_279 = vector.broadcast %max3A_278 : f32 to vector<16xf32>
          %max3A_280 = arith.maximumf %sub3A_277, %max3A_279 : vector<16xf32>
          %mul3A_281 = arith.mulf %max3A_280, %div3A_143 : vector<16xf32>
          %lt3A_282 = arith.constant 9.99999997E-7 : f32
          %lt3A_283 = vector.broadcast %lt3A_282 : f32 to vector<16xf32>
          %lt3A_284 = arith.cmpf olt, %mul3A_281, %lt3A_283 : vector<16xf32>
          %select_n3A_285 = arith.select %lt3A_284, %broadcast_in_dim3A_0, %mul3A_281 : vector<16xi1>, vector<16xf32>
          %swap3A_286 = arith.index_cast %mul3A_274 : i32 to index
          %swap3A_287 = tpu.vector_load %arg5[%swap3A_286] {strides = array<i32>} : memref<32768xf32, #tpu.memory_space<vmem>>, vector<16xf32>,
          tpu.vector_store %arg5[%swap3A_286], %select_n3A_285 {strides = array<i32>} : memref<32768xf32, #tpu.memory_space<vmem>>, vector<16xf32>,
          %add3A_288 = arith.addf %add3A_268, %select_n3A_285 : vector<16xf32>
          %mul3A_289 = arith.constant 16 : i32
          %mul3A_290 = arith.muli %scan3A_169, %mul3A_289 : i32
          %add3A_291 = arith.constant 6 : i32
          %add3A_292 = arith.addi %mul3A_290, %add3A_291 : i32
          %mul3A_293 = arith.constant 16 : i32
          %mul3A_294 = arith.muli %add3A_292, %mul3A_293 : i32
          %get3A_295 = arith.index_cast %mul3A_294 : i32 to index
          %get3A_296 = tpu.vector_load %arg5[%get3A_295] {strides = array<i32>} : memref<32768xf32, #tpu.memory_space<vmem>>, vector<16xf32>,
          %sub3A_297 = arith.subf %get3A_296, %select_n3A_127 : vector<16xf32>
          %max3A_298 = arith.constant 0.000000e+00 : f32
          %max3A_299 = vector.broadcast %max3A_298 : f32 to vector<16xf32>
          %max3A_300 = arith.maximumf %sub3A_297, %max3A_299 : vector<16xf32>
          %mul3A_301 = arith.mulf %max3A_300, %div3A_143 : vector<16xf32>
          %lt3A_302 = arith.constant 9.99999997E-7 : f32
          %lt3A_303 = vector.broadcast %lt3A_302 : f32 to vector<16xf32>
          %lt3A_304 = arith.cmpf olt, %mul3A_301, %lt3A_303 : vector<16xf32>
          %select_n3A_305 = arith.select %lt3A_304, %broadcast_in_dim3A_0, %mul3A_301 : vector<16xi1>, vector<16xf32>
          %swap3A_306 = arith.index_cast %mul3A_294 : i32 to index
          %swap3A_307 = tpu.vector_load %arg5[%swap3A_306] {strides = array<i32>} : memref<32768xf32, #tpu.memory_space<vmem>>, vector<16xf32>,
          tpu.vector_store %arg5[%swap3A_306], %select_n3A_305 {strides = array<i32>} : memref<32768xf32, #tpu.memory_space<vmem>>, vector<16xf32>,
          %add3A_308 = arith.addf %add3A_288, %select_n3A_305 : vector<16xf32>
          %mul3A_309 = arith.constant 16 : i32
          %mul3A_310 = arith.muli %scan3A_169, %mul3A_309 : i32
          %add3A_311 = arith.constant 7 : i32
          %add3A_312 = arith.addi %mul3A_310, %add3A_311 : i32
          %mul3A_313 = arith.constant 16 : i32
          %mul3A_314 = arith.muli %add3A_312, %mul3A_313 : i32
          %get3A_315 = arith.index_cast %mul3A_314 : i32 to index
          %get3A_316 = tpu.vector_load %arg5[%get3A_315] {strides = array<i32>} : memref<32768xf32, #tpu.memory_space<vmem>>, vector<16xf32>,
          %sub3A_317 = arith.subf %get3A_316, %select_n3A_127 : vector<16xf32>
          %max3A_318 = arith.constant 0.000000e+00 : f32
          %max3A_319 = vector.broadcast %max3A_318 : f32 to vector<16xf32>
          %max3A_320 = arith.maximumf %sub3A_317, %max3A_319 : vector<16xf32>
          %mul3A_321 = arith.mulf %max3A_320, %div3A_143 : vector<16xf32>
          %lt3A_322 = arith.constant 9.99999997E-7 : f32
          %lt3A_323 = vector.broadcast %lt3A_322 : f32 to vector<16xf32>
          %lt3A_324 = arith.cmpf olt, %mul3A_321, %lt3A_323 : vector<16xf32>
          %select_n3A_325 = arith.select %lt3A_324, %broadcast_in_dim3A_0, %mul3A_321 : vector<16xi1>, vector<16xf32>
          %swap3A_326 = arith.index_cast %mul3A_314 : i32 to index
          %swap3A_327 = tpu.vector_load %arg5[%swap3A_326] {strides = array<i32>} : memref<32768xf32, #tpu.memory_space<vmem>>, vector<16xf32>,
          tpu.vector_store %arg5[%swap3A_326], %select_n3A_325 {strides = array<i32>} : memref<32768xf32, #tpu.memory_space<vmem>>, vector<16xf32>,
          %add3A_328 = arith.addf %add3A_308, %select_n3A_325 : vector<16xf32>
          %mul3A_329 = arith.constant 16 : i32
          %mul3A_330 = arith.muli %scan3A_169, %mul3A_329 : i32
          %add3A_331 = arith.constant 8 : i32
          %add3A_332 = arith.addi %mul3A_330, %add3A_331 : i32
          %mul3A_333 = arith.constant 16 : i32
          %mul3A_334 = arith.muli %add3A_332, %mul3A_333 : i32
          %get3A_335 = arith.index_cast %mul3A_334 : i32 to index
          %get3A_336 = tpu.vector_load %arg5[%get3A_335] {strides = array<i32>} : memref<32768xf32, #tpu.memory_space<vmem>>, vector<16xf32>,
          %sub3A_337 = arith.subf %get3A_336, %select_n3A_127 : vector<16xf32>
          %max3A_338 = arith.constant 0.000000e+00 : f32
          %max3A_339 = vector.broadcast %max3A_338 : f32 to vector<16xf32>
          %max3A_340 = arith.maximumf %sub3A_337, %max3A_339 : vector<16xf32>
          %mul3A_341 = arith.mulf %max3A_340, %div3A_143 : vector<16xf32>
          %lt3A_342 = arith.constant 9.99999997E-7 : f32
          %lt3A_343 = vector.broadcast %lt3A_342 : f32 to vector<16xf32>
          %lt3A_344 = arith.cmpf olt, %mul3A_341, %lt3A_343 : vector<16xf32>
          %select_n3A_345 = arith.select %lt3A_344, %broadcast_in_dim3A_0, %mul3A_341 : vector<16xi1>, vector<16xf32>
          %swap3A_346 = arith.index_cast %mul3A_334 : i32 to index
          %swap3A_347 = tpu.vector_load %arg5[%swap3A_346] {strides = array<i32>} : memref<32768xf32, #tpu.memory_space<vmem>>, vector<16xf32>,
          tpu.vector_store %arg5[%swap3A_346], %select_n3A_345 {strides = array<i32>} : memref<32768xf32, #tpu.memory_space<vmem>>, vector<16xf32>,
          %add3A_348 = arith.addf %add3A_328, %select_n3A_345 : vector<16xf32>
          %mul3A_349 = arith.constant 16 : i32
          %mul3A_350 = arith.muli %scan3A_169, %mul3A_349 : i32
          %add3A_351 = arith.constant 9 : i32
          %add3A_352 = arith.addi %mul3A_350, %add3A_351 : i32
          %mul3A_353 = arith.constant 16 : i32
          %mul3A_354 = arith.muli %add3A_352, %mul3A_353 : i32
          %get3A_355 = arith.index_cast %mul3A_354 : i32 to index
          %get3A_356 = tpu.vector_load %arg5[%get3A_355] {strides = array<i32>} : memref<32768xf32, #tpu.memory_space<vmem>>, vector<16xf32>,
          %sub3A_357 = arith.subf %get3A_356, %select_n3A_127 : vector<16xf32>
          %max3A_358 = arith.constant 0.000000e+00 : f32
          %max3A_359 = vector.broadcast %max3A_358 : f32 to vector<16xf32>
          %max3A_360 = arith.maximumf %sub3A_357, %max3A_359 : vector<16xf32>
          %mul3A_361 = arith.mulf %max3A_360, %div3A_143 : vector<16xf32>
          %lt3A_362 = arith.constant 9.99999997E-7 : f32
          %lt3A_363 = vector.broadcast %lt3A_362 : f32 to vector<16xf32>
          %lt3A_364 = arith.cmpf olt, %mul3A_361, %lt3A_363 : vector<16xf32>
          %select_n3A_365 = arith.select %lt3A_364, %broadcast_in_dim3A_0, %mul3A_361 : vector<16xi1>, vector<16xf32>
          %swap3A_366 = arith.index_cast %mul3A_354 : i32 to index
          %swap3A_367 = tpu.vector_load %arg5[%swap3A_366] {strides = array<i32>} : memref<32768xf32, #tpu.memory_space<vmem>>, vector<16xf32>,
          tpu.vector_store %arg5[%swap3A_366], %select_n3A_365 {strides = array<i32>} : memref<32768xf32, #tpu.memory_space<vmem>>, vector<16xf32>,
          %add3A_368 = arith.addf %add3A_348, %select_n3A_365 : vector<16xf32>
          %mul3A_369 = arith.constant 16 : i32
          %mul3A_370 = arith.muli %scan3A_169, %mul3A_369 : i32
          %add3A_371 = arith.constant 10 : i32
          %add3A_372 = arith.addi %mul3A_370, %add3A_371 : i32
          %mul3A_373 = arith.constant 16 : i32
          %mul3A_374 = arith.muli %add3A_372, %mul3A_373 : i32
          %get3A_375 = arith.index_cast %mul3A_374 : i32 to index
          %get3A_376 = tpu.vector_load %arg5[%get3A_375] {strides = array<i32>} : memref<32768xf32, #tpu.memory_space<vmem>>, vector<16xf32>,
          %sub3A_377 = arith.subf %get3A_376, %select_n3A_127 : vector<16xf32>
          %max3A_378 = arith.constant 0.000000e+00 : f32
          %max3A_379 = vector.broadcast %max3A_378 : f32 to vector<16xf32>
          %max3A_380 = arith.maximumf %sub3A_377, %max3A_379 : vector<16xf32>
          %mul3A_381 = arith.mulf %max3A_380, %div3A_143 : vector<16xf32>
          %lt3A_382 = arith.constant 9.99999997E-7 : f32
          %lt3A_383 = vector.broadcast %lt3A_382 : f32 to vector<16xf32>
          %lt3A_384 = arith.cmpf olt, %mul3A_381, %lt3A_383 : vector<16xf32>
          %select_n3A_385 = arith.select %lt3A_384, %broadcast_in_dim3A_0, %mul3A_381 : vector<16xi1>, vector<16xf32>
          %swap3A_386 = arith.index_cast %mul3A_374 : i32 to index
          %swap3A_387 = tpu.vector_load %arg5[%swap3A_386] {strides = array<i32>} : memref<32768xf32, #tpu.memory_space<vmem>>, vector<16xf32>,
          tpu.vector_store %arg5[%swap3A_386], %select_n3A_385 {strides = array<i32>} : memref<32768xf32, #tpu.memory_space<vmem>>, vector<16xf32>,
          %add3A_388 = arith.addf %add3A_368, %select_n3A_385 : vector<16xf32>
          %mul3A_389 = arith.constant 16 : i32
          %mul3A_390 = arith.muli %scan3A_169, %mul3A_389 : i32
          %add3A_391 = arith.constant 11 : i32
          %add3A_392 = arith.addi %mul3A_390, %add3A_391 : i32
          %mul3A_393 = arith.constant 16 : i32
          %mul3A_394 = arith.muli %add3A_392, %mul3A_393 : i32
          %get3A_395 = arith.index_cast %mul3A_394 : i32 to index
          %get3A_396 = tpu.vector_load %arg5[%get3A_395] {strides = array<i32>} : memref<32768xf32, #tpu.memory_space<vmem>>, vector<16xf32>,
          %sub3A_397 = arith.subf %get3A_396, %select_n3A_127 : vector<16xf32>
          %max3A_398 = arith.constant 0.000000e+00 : f32
          %max3A_399 = vector.broadcast %max3A_398 : f32 to vector<16xf32>
          %max3A_400 = arith.maximumf %sub3A_397, %max3A_399 : vector<16xf32>
          %mul3A_401 = arith.mulf %max3A_400, %div3A_143 : vector<16xf32>
          %lt3A_402 = arith.constant 9.99999997E-7 : f32
          %lt3A_403 = vector.broadcast %lt3A_402 : f32 to vector<16xf32>
          %lt3A_404 = arith.cmpf olt, %mul3A_401, %lt3A_403 : vector<16xf32>
          %select_n3A_405 = arith.select %lt3A_404, %broadcast_in_dim3A_0, %mul3A_401 : vector<16xi1>, vector<16xf32>
          %swap3A_406 = arith.index_cast %mul3A_394 : i32 to index
          %swap3A_407 = tpu.vector_load %arg5[%swap3A_406] {strides = array<i32>} : memref<32768xf32, #tpu.memory_space<vmem>>, vector<16xf32>,
          tpu.vector_store %arg5[%swap3A_406], %select_n3A_405 {strides = array<i32>} : memref<32768xf32, #tpu.memory_space<vmem>>, vector<16xf32>,
          %add3A_408 = arith.addf %add3A_388, %select_n3A_405 : vector<16xf32>
          %mul3A_409 = arith.constant 16 : i32
          %mul3A_410 = arith.muli %scan3A_169, %mul3A_409 : i32
          %add3A_411 = arith.constant 12 : i32
          %add3A_412 = arith.addi %mul3A_410, %add3A_411 : i32
          %mul3A_413 = arith.constant 16 : i32
          %mul3A_414 = arith.muli %add3A_412, %mul3A_413 : i32
          %get3A_415 = arith.index_cast %mul3A_414 : i32 to index
          %get3A_416 = tpu.vector_load %arg5[%get3A_415] {strides = array<i32>} : memref<32768xf32, #tpu.memory_space<vmem>>, vector<16xf32>,
          %sub3A_417 = arith.subf %get3A_416, %select_n3A_127 : vector<16xf32>
          %max3A_418 = arith.constant 0.000000e+00 : f32
          %max3A_419 = vector.broadcast %max3A_418 : f32 to vector<16xf32>
          %max3A_420 = arith.maximumf %sub3A_417, %max3A_419 : vector<16xf32>
          %mul3A_421 = arith.mulf %max3A_420, %div3A_143 : vector<16xf32>
          %lt3A_422 = arith.constant 9.99999997E-7 : f32
          %lt3A_423 = vector.broadcast %lt3A_422 : f32 to vector<16xf32>
          %lt3A_424 = arith.cmpf olt, %mul3A_421, %lt3A_423 : vector<16xf32>
          %select_n3A_425 = arith.select %lt3A_424, %broadcast_in_dim3A_0, %mul3A_421 : vector<16xi1>, vector<16xf32>
          %swap3A_426 = arith.index_cast %mul3A_414 : i32 to index
          %swap3A_427 = tpu.vector_load %arg5[%swap3A_426] {strides = array<i32>} : memref<32768xf32, #tpu.memory_space<vmem>>, vector<16xf32>,
          tpu.vector_store %arg5[%swap3A_426], %select_n3A_425 {strides = array<i32>} : memref<32768xf32, #tpu.memory_space<vmem>>, vector<16xf32>,
          %add3A_428 = arith.addf %add3A_408, %select_n3A_425 : vector<16xf32>
          %mul3A_429 = arith.constant 16 : i32
          %mul3A_430 = arith.muli %scan3A_169, %mul3A_429 : i32
          %add3A_431 = arith.constant 13 : i32
          %add3A_432 = arith.addi %mul3A_430, %add3A_431 : i32
          %mul3A_433 = arith.constant 16 : i32
          %mul3A_434 = arith.muli %add3A_432, %mul3A_433 : i32
          %get3A_435 = arith.index_cast %mul3A_434 : i32 to index
          %get3A_436 = tpu.vector_load %arg5[%get3A_435] {strides = array<i32>} : memref<32768xf32, #tpu.memory_space<vmem>>, vector<16xf32>,
          %sub3A_437 = arith.subf %get3A_436, %select_n3A_127 : vector<16xf32>
          %max3A_438 = arith.constant 0.000000e+00 : f32
          %max3A_439 = vector.broadcast %max3A_438 : f32 to vector<16xf32>
          %max3A_440 = arith.maximumf %sub3A_437, %max3A_439 : vector<16xf32>
          %mul3A_441 = arith.mulf %max3A_440, %div3A_143 : vector<16xf32>
          %lt3A_442 = arith.constant 9.99999997E-7 : f32
          %lt3A_443 = vector.broadcast %lt3A_442 : f32 to vector<16xf32>
          %lt3A_444 = arith.cmpf olt, %mul3A_441, %lt3A_443 : vector<16xf32>
          %select_n3A_445 = arith.select %lt3A_444, %broadcast_in_dim3A_0, %mul3A_441 : vector<16xi1>, vector<16xf32>
          %swap3A_446 = arith.index_cast %mul3A_434 : i32 to index
          %swap3A_447 = tpu.vector_load %arg5[%swap3A_446] {strides = array<i32>} : memref<32768xf32, #tpu.memory_space<vmem>>, vector<16xf32>,
          tpu.vector_store %arg5[%swap3A_446], %select_n3A_445 {strides = array<i32>} : memref<32768xf32, #tpu.memory_space<vmem>>, vector<16xf32>,
          %add3A_448 = arith.addf %add3A_428, %select_n3A_445 : vector<16xf32>
          %mul3A_449 = arith.constant 16 : i32
          %mul3A_450 = arith.muli %scan3A_169, %mul3A_449 : i32
          %add3A_451 = arith.constant 14 : i32
          %add3A_452 = arith.addi %mul3A_450, %add3A_451 : i32
          %mul3A_453 = arith.constant 16 : i32
          %mul3A_454 = arith.muli %add3A_452, %mul3A_453 : i32
          %get3A_455 = arith.index_cast %mul3A_454 : i32 to index
          %get3A_456 = tpu.vector_load %arg5[%get3A_455] {strides = array<i32>} : memref<32768xf32, #tpu.memory_space<vmem>>, vector<16xf32>,
          %sub3A_457 = arith.subf %get3A_456, %select_n3A_127 : vector<16xf32>
          %max3A_458 = arith.constant 0.000000e+00 : f32
          %max3A_459 = vector.broadcast %max3A_458 : f32 to vector<16xf32>
          %max3A_460 = arith.maximumf %sub3A_457, %max3A_459 : vector<16xf32>
          %mul3A_461 = arith.mulf %max3A_460, %div3A_143 : vector<16xf32>
          %lt3A_462 = arith.constant 9.99999997E-7 : f32
          %lt3A_463 = vector.broadcast %lt3A_462 : f32 to vector<16xf32>
          %lt3A_464 = arith.cmpf olt, %mul3A_461, %lt3A_463 : vector<16xf32>
          %select_n3A_465 = arith.select %lt3A_464, %broadcast_in_dim3A_0, %mul3A_461 : vector<16xi1>, vector<16xf32>
          %swap3A_466 = arith.index_cast %mul3A_454 : i32 to index
          %swap3A_467 = tpu.vector_load %arg5[%swap3A_466] {strides = array<i32>} : memref<32768xf32, #tpu.memory_space<vmem>>, vector<16xf32>,
          tpu.vector_store %arg5[%swap3A_466], %select_n3A_465 {strides = array<i32>} : memref<32768xf32, #tpu.memory_space<vmem>>, vector<16xf32>,
          %add3A_468 = arith.addf %add3A_448, %select_n3A_465 : vector<16xf32>
          %mul3A_469 = arith.constant 16 : i32
          %mul3A_470 = arith.muli %scan3A_169, %mul3A_469 : i32
          %add3A_471 = arith.constant 15 : i32
          %add3A_472 = arith.addi %mul3A_470, %add3A_471 : i32
          %mul3A_473 = arith.constant 16 : i32
          %mul3A_474 = arith.muli %add3A_472, %mul3A_473 : i32
          %get3A_475 = arith.index_cast %mul3A_474 : i32 to index
          %get3A_476 = tpu.vector_load %arg5[%get3A_475] {strides = array<i32>} : memref<32768xf32, #tpu.memory_space<vmem>>, vector<16xf32>,
          %sub3A_477 = arith.subf %get3A_476, %select_n3A_127 : vector<16xf32>
          %max3A_478 = arith.constant 0.000000e+00 : f32
          %max3A_479 = vector.broadcast %max3A_478 : f32 to vector<16xf32>
          %max3A_480 = arith.maximumf %sub3A_477, %max3A_479 : vector<16xf32>
          %mul3A_481 = arith.mulf %max3A_480, %div3A_143 : vector<16xf32>
          %lt3A_482 = arith.constant 9.99999997E-7 : f32
          %lt3A_483 = vector.broadcast %lt3A_482 : f32 to vector<16xf32>
          %lt3A_484 = arith.cmpf olt, %mul3A_481, %lt3A_483 : vector<16xf32>
          %select_n3A_485 = arith.select %lt3A_484, %broadcast_in_dim3A_0, %mul3A_481 : vector<16xi1>, vector<16xf32>
          %swap3A_486 = arith.index_cast %mul3A_474 : i32 to index
          %swap3A_487 = tpu.vector_load %arg5[%swap3A_486] {strides = array<i32>} : memref<32768xf32, #tpu.memory_space<vmem>>, vector<16xf32>,
          tpu.vector_store %arg5[%swap3A_486], %select_n3A_485 {strides = array<i32>} : memref<32768xf32, #tpu.memory_space<vmem>>, vector<16xf32>,
          %add3A_488 = arith.addf %add3A_468, %select_n3A_485 : vector<16xf32>
          scf.yield %add3A_488 : vector<16xf32>
        }
        %scan3A_149 = arith.constant 128 : i32
        %reduce_sum3A_150 = arith.constant true
        %reduce_sum3A_151 = vector.broadcast %reduce_sum3A_150 : i1 to vector<16xi1>
        %reduce_sum3A_152 = tpu.scan <sum>, %scan3A_148 masked %reduce_sum3A_151 : vector<16xf32>, vector<16xi1> -> vector<16xf32>
        %reduce_sum3A_153 = vector.extract %reduce_sum3A_152[15] : f32 from vector<16xf32>
        %broadcast_in_dim3A_154 = vector.broadcast %reduce_sum3A_153 : f32 to vector<16xf32>
        %max3A_155 = arith.constant 9.99999996E-13 : f32
        %max3A_156 = vector.broadcast %max3A_155 : f32 to vector<16xf32>
        %max3A_157 = arith.maximumf %broadcast_in_dim3A_154, %max3A_156 : vector<16xf32>
        %div3A_158 = arith.constant 1.000000e+00 : f32
        %div3A_159 = vector.broadcast %div3A_158 : f32 to vector<16xf32>
        %div3A_160 = arith.divf %div3A_159, %max3A_157 : vector<16xf32>
        %scan3A_161 = arith.constant 0 : i32
        %scan3A_162 = arith.constant 0 : i32
        %scan3A_163 = arith.constant 128 : i32
        %scan3A_164 = arith.addi %scan3A_162, %scan3A_163 : i32
        %scan3A_165 = arith.constant 1 : i32
        %scan3A_166 = scf.for %scan3A_169 = %scan3A_162 to %scan3A_164 step %scan3A_165 iter_args(%scan3A_170 = %scan3A_161) -> (i32)  : i32 {
          %mul3A_171 = arith.constant 16 : i32
          %mul3A_172 = arith.muli %scan3A_169, %mul3A_171 : i32
          %add3A_173 = arith.constant 0 : i32
          %add3A_174 = arith.addi %mul3A_172, %add3A_173 : i32
          %mul3A_175 = arith.constant 16 : i32
          %mul3A_176 = arith.muli %add3A_174, %mul3A_175 : i32
          %get3A = arith.index_cast %mul3A_176 : i32 to index
          %get3A_177 = tpu.vector_load %arg5[%get3A] {strides = array<i32>} : memref<32768xf32, #tpu.memory_space<vmem>>, vector<16xf32>,
          %mul3A_178 = arith.mulf %get3A_177, %div3A_160 : vector<16xf32>
          %swap3A = arith.index_cast %mul3A_176 : i32 to index
          %swap3A_179 = tpu.vector_load %arg5[%swap3A] {strides = array<i32>} : memref<32768xf32, #tpu.memory_space<vmem>>, vector<16xf32>,
          tpu.vector_store %arg5[%swap3A], %mul3A_178 {strides = array<i32>} : memref<32768xf32, #tpu.memory_space<vmem>>, vector<16xf32>,
          %mul3A_180 = arith.constant 16 : i32
          %mul3A_181 = arith.muli %scan3A_169, %mul3A_180 : i32
          %add3A_182 = arith.constant 1 : i32
          %add3A_183 = arith.addi %mul3A_181, %add3A_182 : i32
          %mul3A_184 = arith.constant 16 : i32
          %mul3A_185 = arith.muli %add3A_183, %mul3A_184 : i32
          %get3A_186 = arith.index_cast %mul3A_185 : i32 to index
          %get3A_187 = tpu.vector_load %arg5[%get3A_186] {strides = array<i32>} : memref<32768xf32, #tpu.memory_space<vmem>>, vector<16xf32>,
          %mul3A_188 = arith.mulf %get3A_187, %div3A_160 : vector<16xf32>
          %swap3A_189 = arith.index_cast %mul3A_185 : i32 to index
          %swap3A_190 = tpu.vector_load %arg5[%swap3A_189] {strides = array<i32>} : memref<32768xf32, #tpu.memory_space<vmem>>, vector<16xf32>,
          tpu.vector_store %arg5[%swap3A_189], %mul3A_188 {strides = array<i32>} : memref<32768xf32, #tpu.memory_space<vmem>>, vector<16xf32>,
          %mul3A_191 = arith.constant 16 : i32
          %mul3A_192 = arith.muli %scan3A_169, %mul3A_191 : i32
          %add3A_193 = arith.constant 2 : i32
          %add3A_194 = arith.addi %mul3A_192, %add3A_193 : i32
          %mul3A_195 = arith.constant 16 : i32
          %mul3A_196 = arith.muli %add3A_194, %mul3A_195 : i32
          %get3A_197 = arith.index_cast %mul3A_196 : i32 to index
          %get3A_198 = tpu.vector_load %arg5[%get3A_197] {strides = array<i32>} : memref<32768xf32, #tpu.memory_space<vmem>>, vector<16xf32>,
          %mul3A_199 = arith.mulf %get3A_198, %div3A_160 : vector<16xf32>
          %swap3A_200 = arith.index_cast %mul3A_196 : i32 to index
          %swap3A_201 = tpu.vector_load %arg5[%swap3A_200] {strides = array<i32>} : memref<32768xf32, #tpu.memory_space<vmem>>, vector<16xf32>,
          tpu.vector_store %arg5[%swap3A_200], %mul3A_199 {strides = array<i32>} : memref<32768xf32, #tpu.memory_space<vmem>>, vector<16xf32>,
          %mul3A_202 = arith.constant 16 : i32
          %mul3A_203 = arith.muli %scan3A_169, %mul3A_202 : i32
          %add3A_204 = arith.constant 3 : i32
          %add3A_205 = arith.addi %mul3A_203, %add3A_204 : i32
          %mul3A_206 = arith.constant 16 : i32
          %mul3A_207 = arith.muli %add3A_205, %mul3A_206 : i32
          %get3A_208 = arith.index_cast %mul3A_207 : i32 to index
          %get3A_209 = tpu.vector_load %arg5[%get3A_208] {strides = array<i32>} : memref<32768xf32, #tpu.memory_space<vmem>>, vector<16xf32>,
          %mul3A_210 = arith.mulf %get3A_209, %div3A_160 : vector<16xf32>
          %swap3A_211 = arith.index_cast %mul3A_207 : i32 to index
          %swap3A_212 = tpu.vector_load %arg5[%swap3A_211] {strides = array<i32>} : memref<32768xf32, #tpu.memory_space<vmem>>, vector<16xf32>,
          tpu.vector_store %arg5[%swap3A_211], %mul3A_210 {strides = array<i32>} : memref<32768xf32, #tpu.memory_space<vmem>>, vector<16xf32>,
          %mul3A_213 = arith.constant 16 : i32
          %mul3A_214 = arith.muli %scan3A_169, %mul3A_213 : i32
          %add3A_215 = arith.constant 4 : i32
          %add3A_216 = arith.addi %mul3A_214, %add3A_215 : i32
          %mul3A_217 = arith.constant 16 : i32
          %mul3A_218 = arith.muli %add3A_216, %mul3A_217 : i32
          %get3A_219 = arith.index_cast %mul3A_218 : i32 to index
          %get3A_220 = tpu.vector_load %arg5[%get3A_219] {strides = array<i32>} : memref<32768xf32, #tpu.memory_space<vmem>>, vector<16xf32>,
          %mul3A_221 = arith.mulf %get3A_220, %div3A_160 : vector<16xf32>
          %swap3A_222 = arith.index_cast %mul3A_218 : i32 to index
          %swap3A_223 = tpu.vector_load %arg5[%swap3A_222] {strides = array<i32>} : memref<32768xf32, #tpu.memory_space<vmem>>, vector<16xf32>,
          tpu.vector_store %arg5[%swap3A_222], %mul3A_221 {strides = array<i32>} : memref<32768xf32, #tpu.memory_space<vmem>>, vector<16xf32>,
          %mul3A_224 = arith.constant 16 : i32
          %mul3A_225 = arith.muli %scan3A_169, %mul3A_224 : i32
          %add3A_226 = arith.constant 5 : i32
          %add3A_227 = arith.addi %mul3A_225, %add3A_226 : i32
          %mul3A_228 = arith.constant 16 : i32
          %mul3A_229 = arith.muli %add3A_227, %mul3A_228 : i32
          %get3A_230 = arith.index_cast %mul3A_229 : i32 to index
          %get3A_231 = tpu.vector_load %arg5[%get3A_230] {strides = array<i32>} : memref<32768xf32, #tpu.memory_space<vmem>>, vector<16xf32>,
          %mul3A_232 = arith.mulf %get3A_231, %div3A_160 : vector<16xf32>
          %swap3A_233 = arith.index_cast %mul3A_229 : i32 to index
          %swap3A_234 = tpu.vector_load %arg5[%swap3A_233] {strides = array<i32>} : memref<32768xf32, #tpu.memory_space<vmem>>, vector<16xf32>,
          tpu.vector_store %arg5[%swap3A_233], %mul3A_232 {strides = array<i32>} : memref<32768xf32, #tpu.memory_space<vmem>>, vector<16xf32>,
          %mul3A_235 = arith.constant 16 : i32
          %mul3A_236 = arith.muli %scan3A_169, %mul3A_235 : i32
          %add3A_237 = arith.constant 6 : i32
          %add3A_238 = arith.addi %mul3A_236, %add3A_237 : i32
          %mul3A_239 = arith.constant 16 : i32
          %mul3A_240 = arith.muli %add3A_238, %mul3A_239 : i32
          %get3A_241 = arith.index_cast %mul3A_240 : i32 to index
          %get3A_242 = tpu.vector_load %arg5[%get3A_241] {strides = array<i32>} : memref<32768xf32, #tpu.memory_space<vmem>>, vector<16xf32>,
          %mul3A_243 = arith.mulf %get3A_242, %div3A_160 : vector<16xf32>
          %swap3A_244 = arith.index_cast %mul3A_240 : i32 to index
          %swap3A_245 = tpu.vector_load %arg5[%swap3A_244] {strides = array<i32>} : memref<32768xf32, #tpu.memory_space<vmem>>, vector<16xf32>,
          tpu.vector_store %arg5[%swap3A_244], %mul3A_243 {strides = array<i32>} : memref<32768xf32, #tpu.memory_space<vmem>>, vector<16xf32>,
          %mul3A_246 = arith.constant 16 : i32
          %mul3A_247 = arith.muli %scan3A_169, %mul3A_246 : i32
          %add3A_248 = arith.constant 7 : i32
          %add3A_249 = arith.addi %mul3A_247, %add3A_248 : i32
          %mul3A_250 = arith.constant 16 : i32
          %mul3A_251 = arith.muli %add3A_249, %mul3A_250 : i32
          %get3A_252 = arith.index_cast %mul3A_251 : i32 to index
          %get3A_253 = tpu.vector_load %arg5[%get3A_252] {strides = array<i32>} : memref<32768xf32, #tpu.memory_space<vmem>>, vector<16xf32>,
          %mul3A_254 = arith.mulf %get3A_253, %div3A_160 : vector<16xf32>
          %swap3A_255 = arith.index_cast %mul3A_251 : i32 to index
          %swap3A_256 = tpu.vector_load %arg5[%swap3A_255] {strides = array<i32>} : memref<32768xf32, #tpu.memory_space<vmem>>, vector<16xf32>,
          tpu.vector_store %arg5[%swap3A_255], %mul3A_254 {strides = array<i32>} : memref<32768xf32, #tpu.memory_space<vmem>>, vector<16xf32>,
          %mul3A_257 = arith.constant 16 : i32
          %mul3A_258 = arith.muli %scan3A_169, %mul3A_257 : i32
          %add3A_259 = arith.constant 8 : i32
          %add3A_260 = arith.addi %mul3A_258, %add3A_259 : i32
          %mul3A_261 = arith.constant 16 : i32
          %mul3A_262 = arith.muli %add3A_260, %mul3A_261 : i32
          %get3A_263 = arith.index_cast %mul3A_262 : i32 to index
          %get3A_264 = tpu.vector_load %arg5[%get3A_263] {strides = array<i32>} : memref<32768xf32, #tpu.memory_space<vmem>>, vector<16xf32>,
          %mul3A_265 = arith.mulf %get3A_264, %div3A_160 : vector<16xf32>
          %swap3A_266 = arith.index_cast %mul3A_262 : i32 to index
          %swap3A_267 = tpu.vector_load %arg5[%swap3A_266] {strides = array<i32>} : memref<32768xf32, #tpu.memory_space<vmem>>, vector<16xf32>,
          tpu.vector_store %arg5[%swap3A_266], %mul3A_265 {strides = array<i32>} : memref<32768xf32, #tpu.memory_space<vmem>>, vector<16xf32>,
          %mul3A_268 = arith.constant 16 : i32
          %mul3A_269 = arith.muli %scan3A_169, %mul3A_268 : i32
          %add3A_270 = arith.constant 9 : i32
          %add3A_271 = arith.addi %mul3A_269, %add3A_270 : i32
          %mul3A_272 = arith.constant 16 : i32
          %mul3A_273 = arith.muli %add3A_271, %mul3A_272 : i32
          %get3A_274 = arith.index_cast %mul3A_273 : i32 to index
          %get3A_275 = tpu.vector_load %arg5[%get3A_274] {strides = array<i32>} : memref<32768xf32, #tpu.memory_space<vmem>>, vector<16xf32>,
          %mul3A_276 = arith.mulf %get3A_275, %div3A_160 : vector<16xf32>
          %swap3A_277 = arith.index_cast %mul3A_273 : i32 to index
          %swap3A_278 = tpu.vector_load %arg5[%swap3A_277] {strides = array<i32>} : memref<32768xf32, #tpu.memory_space<vmem>>, vector<16xf32>,
          tpu.vector_store %arg5[%swap3A_277], %mul3A_276 {strides = array<i32>} : memref<32768xf32, #tpu.memory_space<vmem>>, vector<16xf32>,
          %mul3A_279 = arith.constant 16 : i32
          %mul3A_280 = arith.muli %scan3A_169, %mul3A_279 : i32
          %add3A_281 = arith.constant 10 : i32
          %add3A_282 = arith.addi %mul3A_280, %add3A_281 : i32
          %mul3A_283 = arith.constant 16 : i32
          %mul3A_284 = arith.muli %add3A_282, %mul3A_283 : i32
          %get3A_285 = arith.index_cast %mul3A_284 : i32 to index
          %get3A_286 = tpu.vector_load %arg5[%get3A_285] {strides = array<i32>} : memref<32768xf32, #tpu.memory_space<vmem>>, vector<16xf32>,
          %mul3A_287 = arith.mulf %get3A_286, %div3A_160 : vector<16xf32>
          %swap3A_288 = arith.index_cast %mul3A_284 : i32 to index
          %swap3A_289 = tpu.vector_load %arg5[%swap3A_288] {strides = array<i32>} : memref<32768xf32, #tpu.memory_space<vmem>>, vector<16xf32>,
          tpu.vector_store %arg5[%swap3A_288], %mul3A_287 {strides = array<i32>} : memref<32768xf32, #tpu.memory_space<vmem>>, vector<16xf32>,
          %mul3A_290 = arith.constant 16 : i32
          %mul3A_291 = arith.muli %scan3A_169, %mul3A_290 : i32
          %add3A_292 = arith.constant 11 : i32
          %add3A_293 = arith.addi %mul3A_291, %add3A_292 : i32
          %mul3A_294 = arith.constant 16 : i32
          %mul3A_295 = arith.muli %add3A_293, %mul3A_294 : i32
          %get3A_296 = arith.index_cast %mul3A_295 : i32 to index
          %get3A_297 = tpu.vector_load %arg5[%get3A_296] {strides = array<i32>} : memref<32768xf32, #tpu.memory_space<vmem>>, vector<16xf32>,
          %mul3A_298 = arith.mulf %get3A_297, %div3A_160 : vector<16xf32>
          %swap3A_299 = arith.index_cast %mul3A_295 : i32 to index
          %swap3A_300 = tpu.vector_load %arg5[%swap3A_299] {strides = array<i32>} : memref<32768xf32, #tpu.memory_space<vmem>>, vector<16xf32>,
          tpu.vector_store %arg5[%swap3A_299], %mul3A_298 {strides = array<i32>} : memref<32768xf32, #tpu.memory_space<vmem>>, vector<16xf32>,
          %mul3A_301 = arith.constant 16 : i32
          %mul3A_302 = arith.muli %scan3A_169, %mul3A_301 : i32
          %add3A_303 = arith.constant 12 : i32
          %add3A_304 = arith.addi %mul3A_302, %add3A_303 : i32
          %mul3A_305 = arith.constant 16 : i32
          %mul3A_306 = arith.muli %add3A_304, %mul3A_305 : i32
          %get3A_307 = arith.index_cast %mul3A_306 : i32 to index
          %get3A_308 = tpu.vector_load %arg5[%get3A_307] {strides = array<i32>} : memref<32768xf32, #tpu.memory_space<vmem>>, vector<16xf32>,
          %mul3A_309 = arith.mulf %get3A_308, %div3A_160 : vector<16xf32>
          %swap3A_310 = arith.index_cast %mul3A_306 : i32 to index
          %swap3A_311 = tpu.vector_load %arg5[%swap3A_310] {strides = array<i32>} : memref<32768xf32, #tpu.memory_space<vmem>>, vector<16xf32>,
          tpu.vector_store %arg5[%swap3A_310], %mul3A_309 {strides = array<i32>} : memref<32768xf32, #tpu.memory_space<vmem>>, vector<16xf32>,
          %mul3A_312 = arith.constant 16 : i32
          %mul3A_313 = arith.muli %scan3A_169, %mul3A_312 : i32
          %add3A_314 = arith.constant 13 : i32
          %add3A_315 = arith.addi %mul3A_313, %add3A_314 : i32
          %mul3A_316 = arith.constant 16 : i32
          %mul3A_317 = arith.muli %add3A_315, %mul3A_316 : i32
          %get3A_318 = arith.index_cast %mul3A_317 : i32 to index
          %get3A_319 = tpu.vector_load %arg5[%get3A_318] {strides = array<i32>} : memref<32768xf32, #tpu.memory_space<vmem>>, vector<16xf32>,
          %mul3A_320 = arith.mulf %get3A_319, %div3A_160 : vector<16xf32>
          %swap3A_321 = arith.index_cast %mul3A_317 : i32 to index
          %swap3A_322 = tpu.vector_load %arg5[%swap3A_321] {strides = array<i32>} : memref<32768xf32, #tpu.memory_space<vmem>>, vector<16xf32>,
          tpu.vector_store %arg5[%swap3A_321], %mul3A_320 {strides = array<i32>} : memref<32768xf32, #tpu.memory_space<vmem>>, vector<16xf32>,
          %mul3A_323 = arith.constant 16 : i32
          %mul3A_324 = arith.muli %scan3A_169, %mul3A_323 : i32
          %add3A_325 = arith.constant 14 : i32
          %add3A_326 = arith.addi %mul3A_324, %add3A_325 : i32
          %mul3A_327 = arith.constant 16 : i32
          %mul3A_328 = arith.muli %add3A_326, %mul3A_327 : i32
          %get3A_329 = arith.index_cast %mul3A_328 : i32 to index
          %get3A_330 = tpu.vector_load %arg5[%get3A_329] {strides = array<i32>} : memref<32768xf32, #tpu.memory_space<vmem>>, vector<16xf32>,
          %mul3A_331 = arith.mulf %get3A_330, %div3A_160 : vector<16xf32>
          %swap3A_332 = arith.index_cast %mul3A_328 : i32 to index
          %swap3A_333 = tpu.vector_load %arg5[%swap3A_332] {strides = array<i32>} : memref<32768xf32, #tpu.memory_space<vmem>>, vector<16xf32>,
          tpu.vector_store %arg5[%swap3A_332], %mul3A_331 {strides = array<i32>} : memref<32768xf32, #tpu.memory_space<vmem>>, vector<16xf32>,
          %mul3A_334 = arith.constant 16 : i32
          %mul3A_335 = arith.muli %scan3A_169, %mul3A_334 : i32
          %add3A_336 = arith.constant 15 : i32
          %add3A_337 = arith.addi %mul3A_335, %add3A_336 : i32
          %mul3A_338 = arith.constant 16 : i32
          %mul3A_339 = arith.muli %add3A_337, %mul3A_338 : i32
          %get3A_340 = arith.index_cast %mul3A_339 : i32 to index
          %get3A_341 = tpu.vector_load %arg5[%get3A_340] {strides = array<i32>} : memref<32768xf32, #tpu.memory_space<vmem>>, vector<16xf32>,
          %mul3A_342 = arith.mulf %get3A_341, %div3A_160 : vector<16xf32>
          %swap3A_343 = arith.index_cast %mul3A_339 : i32 to index
          %swap3A_344 = tpu.vector_load %arg5[%swap3A_343] {strides = array<i32>} : memref<32768xf32, #tpu.memory_space<vmem>>, vector<16xf32>,
          tpu.vector_store %arg5[%swap3A_343], %mul3A_342 {strides = array<i32>} : memref<32768xf32, #tpu.memory_space<vmem>>, vector<16xf32>,
          %scan3A_345 = arith.constant 0 : i32
          scf.yield %scan3A_345 : i32
        }
        %scan3A_167 = arith.constant 128 : i32
        %cond3A_168 = arith.constant 0 : i32
        scf.yield %cond3A_168 : i32
      }
      "tpu.region"() ({
        %run_scoped3A = tpu.sem_alloc : memref<!tpu.dma_semaphore, #tpu.memory_space<semaphore_mem>>
        %dma_start3A = arith.constant 0 : i32
        %dma_start3A_52 = tpu.memref_slice %arg4[%add3A, %dma_start3A] : memref<128x32768xf32, #tpu.memory_space<hbm>> -> memref<1x32768xf32, #tpu.memory_space<hbm>>
        %dma_start3A_53 = tpu.memref_squeeze %dma_start3A_52 : memref<1x32768xf32, #tpu.memory_space<hbm>> -> memref<32768xf32, #tpu.memory_space<hbm>>
        %dma_start3A_54 = arith.constant 0 : i32
        %dma_start3A_55 = tpu.memref_slice %arg4[%add3A, %dma_start3A_54] : memref<128x32768xf32, #tpu.memory_space<hbm>> -> memref<1x32768xf32, #tpu.memory_space<hbm>>
        %dma_start3A_56 = tpu.memref_squeeze %dma_start3A_55 : memref<1x32768xf32, #tpu.memory_space<hbm>> -> memref<32768xf32, #tpu.memory_space<hbm>>
        tpu.enqueue_dma source(%arg5 : memref<32768xf32, #tpu.memory_space<vmem>>) target(%dma_start3A_56 : memref<32768xf32, #tpu.memory_space<hbm>>) target_semaphore(%run_scoped3A : memref<!tpu.dma_semaphore, #tpu.memory_space<semaphore_mem>>)
        %dma_wait3A = arith.constant 0 : i32
        %dma_wait3A_57 = tpu.memref_slice %arg4[%add3A, %dma_wait3A] : memref<128x32768xf32, #tpu.memory_space<hbm>> -> memref<1x32768xf32, #tpu.memory_space<hbm>>
        %dma_wait3A_58 = tpu.memref_squeeze %dma_wait3A_57 : memref<1x32768xf32, #tpu.memory_space<hbm>> -> memref<32768xf32, #tpu.memory_space<hbm>>
        %dma_wait3A_59 = arith.constant 0 : i32
        %dma_wait3A_60 = tpu.memref_slice %arg4[%add3A, %dma_wait3A_59] : memref<128x32768xf32, #tpu.memory_space<hbm>> -> memref<1x32768xf32, #tpu.memory_space<hbm>>
        %dma_wait3A_61 = tpu.memref_squeeze %dma_wait3A_60 : memref<1x32768xf32, #tpu.memory_space<hbm>> -> memref<32768xf32, #tpu.memory_space<hbm>>
        tpu.wait_dma2 semaphore(%run_scoped3A : memref<!tpu.dma_semaphore, #tpu.memory_space<semaphore_mem>>) src(%arg5 : memref<32768xf32, #tpu.memory_space<vmem>>) dst(%dma_wait3A_61 : memref<32768xf32, #tpu.memory_space<hbm>>)
        tpu.yield
      }) : () -> ()
      %sc_fetch_and_add3A_48 = arith.constant 1 : i32
      %sc_fetch_and_add3A_49 = arith.constant 0 : i32
      %sc_fetch_and_add3A_50 = arith.constant 0 : i32
      %sc_fetch_and_add3A_51 = tpu.fetch_and_add_sync %arg10[%sc_fetch_and_add3A_49], %sc_fetch_and_add3A_48, %sc_fetch_and_add3A_50 : memref<1xi32, #tpu.memory_space<smem>>, i32 -> i32
      scf.yield %sc_fetch_and_add3A_51 : i32
    }
    return
  }
}

</mosaic_0001>

<sc_bundles>
// kernel: kernel.3.cloned.1.call-start
scs
__scs_entry_jumppad:
0x0: {  	(pc) =	sbr.rel $0x88, $3  }
0x1: {  	(tag) =	ssettag $0x0;
	lr =	simm.s32 $0x1  }
0x2: {  	[smem:$0x3F9F] =	sst lr;
	_ =	strace $0xD0000000  }
0x3: {  	_ = 	snop  }
0x4: {  	_ = 	snop  }
0x5: {  	_ = 	snop  }
0x6: {  	_ = 	snop  }
0x7: {  	_ = 	snop  }
__scs_overlays_trampoline_lowered:
0x8: {  	[smem:$0x3FAE] =	sst s0  }
0x9: {  	[smem:$0x3FAF] =	sst s1  }
0xa: {  	[smem:$0x3FB0] =	sst s2  }
0xb: {  	[smem:$0x3FB1] =	sst s3  }
0xc: {  	[smem:$0x3FB2] =	sst s4  }
0xd: {  	[smem:$0x3FB3] =	sst s5  }
0xe: {  	[smem:$0x3FB4] =	sst s6  }
0xf: {  	[smem:$0x3FB5] =	sst s7  }
0x10: {  	[smem:$0x3FB6] =	sst s8  }
0x11: {  	[smem:$0x3FB7] =	sst s9;
	s0 =	simm.s32 @!p0 $0x0  }
0x12: {  	s1 =	sld [smem:$0x3F9D];
	s0 =	simm.s32 @p0 $0x1  }
0x13: {  	[smem:$0x3FB8] =	sst s0;
	s0 =	simm.s32 @!p1 $0x0  }
0x14: {  	s2 =	sld [smem:$0x3F9C];
	s0 =	simm.s32 @p1 $0x1  }
0x15: {  	[smem:$0x3FB9] =	sst s0;
	s0 =	simm.s32 @!p2 $0x0  }
0x16: {  	s3 =	sld [smem:$0x3FDB];
	s0 =	simm.s32 @p2 $0x1  }
0x17: {  	s4 =	simm.s32 $0x1BF5;
	[smem:$0x3FBB] =	sst s0  }
0x18: {  	s0 =	sld [smem:$0x3F9E];
	_ =	swait.ge [sflag:s4], $0x0  }
0x19: {  	s7 =	sld [smem:$0x3F9F]  }
0x1a: {  	s8 =	sadd.s32 $0xFFFFE003, lr  }
0x1b: {  	s9 =	sadd.s32 $0xFFFFFEF7, lr;
	s5 =	simm.s32 $0xFFFFFFFF;
	p2 =	slt.u32 s8, $0xFFFFF086  }
0x1c: {  	p1 =	slt.u32 s9, $0xF7A;
	s5 =	simm.s32 @!p2 $0x0  }
0x1d: {  	s5 =	simm.s32 @p1 $0x1;
	p0 =	seq.s32 s7, s2  }
0x1e: {  	s7 =	smul.u32 @!p0 $0xF7A, s2;
	p2 =	seq.s32 @!p0 s5, $0x0  }
0x1f: {  	s9 =	smul.u32 $0xF7A, s1;
	s8 =	simm.s32 @!p0 $0x1BF5;
	p2 =	por !p2, p0  }
0x20: {  	[sflag:s8] =	ssyncset.s32 @!p0 $0xFFFFF086;
	s6 =	sadd.s32 @!p0 s3, s7;
	s7 =	simm.s32 @!p0 $0x108  }
0x21: {  	s3 =	sadd.s32 s3, s9;
	s6 =	sadd.s32 @!p0 $0x88, s6;
	s7 =	simm.s32 @p2 $0x1082  }
0x22: {  	[simem:s7], [sflag:s8] =	dma.local @!p0 [hbm:s6], $0xF7A  }
0x23: {  	s9 =	sor.u32 $0xD0000000, s2;
	s6 =	simm.s32 $0x108;
	_ =	swait.ge @!p0 [sflag:s8], $0x0  }
0x24: {  	s3 =	sadd.s32 $0x88, s3;
	s6 =	simm.s32 @!p1 $0x1082;
	[sflag:s4] =	ssyncset.s32 $0xFFFFF086  }
0x25: {  	[simem:s6], [sflag:s4] =	dma.local [hbm:s3], $0xF7A  }
0x26: {  	[smem:$0x3F9F] =	sst s1;
	(tag) =	ssettag s2;
	_ =	strace s9  }
0x27: {  	s1 =	sld [smem:$0x3FAF]  }
0x28: {  	s2 =	sld [smem:$0x3FB0]  }
0x29: {  	s4 =	sld [smem:$0x3FB2]  }
0x2a: {  	p0 =	seq.s32 s5, $0x0;
	s5 =	sld [smem:$0x3FB3]  }
0x2b: {  	s6 =	sld [smem:$0x3FB4]  }
0x2c: {  	s7 =	sld [smem:$0x3FB5]  }
0x2d: {  	s3 =	simm.s32 $0x108;
	s8 =	sld [smem:$0x3FB6]  }
0x2e: {  	s3 =	simm.s32 @!p0 $0x1082;
	s9 =	sld [smem:$0x3FB7]  }
0x2f: {  	lr =	sadd.s32 s0, s3;
	s0 =	sld [smem:$0x3FAE]  }
0x30: {  	s3 =	sld [smem:$0x3FB1]  }
0x31: {  	[smem:$0x3FBA] =	sst s10  }
0x32: {  	s10 =	sld [smem:$0x3FB8];
	_ =	sdelay $0x3  }
0x33: {  	p0 =	seq.s32 s10, $0x1;
	s10 =	sld [smem:$0x3FBA];
	_ =	sdelay $0x3  }
0x34: {  	[smem:$0x3FBA] =	sst s10  }
0x35: {  	s10 =	sld [smem:$0x3FB9];
	_ =	sdelay $0x3  }
0x36: {  	p1 =	seq.s32 s10, $0x1;
	s10 =	sld [smem:$0x3FBA];
	_ =	sdelay $0x3  }
0x37: {  	[smem:$0x3FBA] =	sst s10  }
0x38: {  	s10 =	sld [smem:$0x3FBB]  }
0x39: {  	_ = 	snop;
	(pc) =	sbr.ind lr, $3  }
0x3a: {  	_ = 	snop  }
0x3b: {  	_ = 	snop  }
0x3c: {  	p2 =	seq.s32 s10, $0x1;
	s10 =	sld [smem:$0x3FBA]  }
0x3d: {  	_ =	shalt  }
0x3e: {  	_ =	shalt  }
0x3f: {  	_ =	shalt  }
0x40: {  	_ =	shalt  }
0x41: {  	_ =	shalt  }
0x42: {  	_ =	shalt  }
0x43: {  	_ =	shalt  }
0x44: {  	_ =	shalt  }
0x45: {  	_ =	shalt  }
0x46: {  	_ =	shalt  }
0x47: {  	_ =	shalt  }
0x48: {  	_ =	shalt  }
0x49: {  	_ =	shalt  }
0x4a: {  	_ =	shalt  }
0x4b: {  	_ =	shalt  }
0x4c: {  	_ =	shalt  }
0x4d: {  	_ =	shalt  }
0x4e: {  	_ =	shalt  }
0x4f: {  	_ =	shalt  }
0x50: {  	_ =	shalt  }
0x51: {  	_ =	shalt  }
0x52: {  	_ =	shalt  }
0x53: {  	_ =	shalt  }
0x54: {  	_ =	shalt  }
0x55: {  	_ =	shalt  }
0x56: {  	_ =	shalt  }
0x57: {  	_ =	shalt  }
0x58: {  	_ =	shalt  }
0x59: {  	_ =	shalt  }
0x5a: {  	_ =	shalt  }
0x5b: {  	_ =	shalt  }
0x5c: {  	_ =	shalt  }
0x5d: {  	_ =	shalt  }
0x5e: {  	_ =	shalt  }
0x5f: {  	_ =	shalt  }
0x60: {  	_ =	shalt  }
0x61: {  	_ =	shalt  }
0x62: {  	_ =	shalt  }
0x63: {  	_ =	shalt  }
0x64: {  	_ =	shalt  }
0x65: {  	_ =	shalt  }
0x66: {  	_ =	shalt  }
0x67: {  	_ =	shalt  }
0x68: {  	_ =	shalt  }
0x69: {  	_ =	shalt  }
0x6a: {  	_ =	shalt  }
0x6b: {  	_ =	shalt  }
0x6c: {  	_ =	shalt  }
0x6d: {  	_ =	shalt  }
0x6e: {  	_ =	shalt  }
0x6f: {  	_ =	shalt  }
0x70: {  	_ =	shalt  }
0x71: {  	_ =	shalt  }
0x72: {  	_ =	shalt  }
0x73: {  	_ =	shalt  }
0x74: {  	_ =	shalt  }
0x75: {  	_ =	shalt  }
0x76: {  	_ =	shalt  }
0x77: {  	_ =	shalt  }
0x78: {  	_ =	shalt  }
0x79: {  	_ =	shalt  }
0x7a: {  	_ =	shalt  }
0x7b: {  	_ =	shalt  }
0x7c: {  	_ =	shalt  }
0x7d: {  	_ =	shalt  }
0x7e: {  	_ =	shalt  }
0x7f: {  	_ =	shalt  }
0x80: {  	_ =	shalt  }
0x81: {  	_ =	shalt  }
0x82: {  	_ =	shalt  }
0x83: {  	_ =	shalt  }
0x84: {  	_ =	shalt  }
0x85: {  	_ =	shalt  }
0x86: {  	_ =	shalt  }
0x87: {  	_ =	shalt  }
.Lfunc_end0:
.L_simem_size_0:
called_computation_lowered:
.L_overlay_start_0:
0x88: {  	s2 =	sld [smem:$0x3FD9]  }
0x89: {  	s3 =	sld [smem:$0x3FFE];
	_ =	sdelay $0x1  }
0x8a: {  	s1 =	srdreg.scid  }
0x8b: {  	s0 =	sand.u32 $0x1, s1  }
0x8c: {  	s17 =	sshll.u32 s0, $0xA;
	s2 =	sadd.s32 s3, s2  }
0x8d: {  	s2 =	sadd.s32 s2, s17  }
0x8e: {  	[smem:$0x3FC6] =	sst s2  }
0x8f: {  	_ = 	snop  }
0x90: {  	s2 =	sld [smem:$0x3FC9]  }
0x91: {  	s18 =	sld [smem:$0x3FD0];
	(tm) =	ssettm $0x1  }
0x92: {  	s4 =	sld [smem:$0x3FFB];
	_ =	sdelay $0x3  }
0x93: {  	_ =	strace s4  }
0x94: {  	s4 =	sld [smem:$0x3FFC];
	_ =	sdelay $0x3  }
0x95: {  	_ =	strace s4  }
0x96: {  	s4 =	sld [smem:$0x3FFD];
	_ =	sdelay $0x3  }
0x97: {  	_ =	strace s4  }
0x98: {  	_ =	strace $0x8FFFFFFF  }
0x99: {  	s19 =	sld [smem:$0x3FDB];
	_ =	sdelay $0x1  }
0x9a: {  	s5 =	simm.s32 $_scs_section_size  }
0x9b: {  	s6 =	simm.s32 $_size__tile_overlayer_lowered;
	s7 =	simm.s32 $_tile_overlayer_lowered  }
0x9c: {  	s22 =	simm.s32 $0x1BFF;
	s21 =	sshll.u32 s7, $0x1;
	s4 =	sadd.s32 s5, s19  }
0x9d: {  	s8 =	simm.s32 $0x0;
	s20 =	sshll.u32 s6, $0x1;
	s6 =	sadd.s32 s21, s4  }
0x9e: {  	[timem:s8], [sflag:s22] =	dma.local [hbm:s6], s20  }
0x9f: {  	_ =	swait.ge [sflag:s22], s20  }
0xa0: {  	s5 =	ssub.s32 $0x0, s20;
	[sflag:s22] =	ssyncset.done $0x0  }
0xa1: {  	[sflag:s22] =	ssyncadd.s32 s5;
	_ =	sdelay $0x1  }
0xa2: {  	s23 =	simm.s32 $0x1B8B  }
0xa3: {  	_ =	swait.ge [sflag:s23], $0x1  }
0xa4: {  	[sflag:s23] =	ssyncset.done $0x0  }
0xa5: {  	s25 =	simm.s32 $0x1B8E;
	s24 =	sld [smem:$0x3FFE];
	[sflag:s23] =	ssyncadd.s32 $0xFFFFFFFF  }
0xa6: {  	s26 =	simm.s32 $execute0_lowered;
	[smem:$0x3FD2] =	sst s25  }
0xa7: {  	s6 =	sshll.u32 s26, $0x1;
	_ =	strace $0x80000046;
	[dreg:$0x1] =	wrdreg $0xFFFFFFFF  }
0xa8: {  	s28 =	simm.s32 $_size_execute0_lowered;
	s4 =	sadd.s32 s4, s6;
	[dreg:$0x0] =	wrdreg $0x0  }
0xa9: {  	s6 =	sshll.u32 s28, $0x1;
	[dreg:$0x2] =	wrdreg s4  }
0xaa: {  	[dreg:$0x3] =	wrdreg s6  }
0xab: {  	[dreg:$0x4] =	wrdreg $0xC0  }
0xac: {  	_ =	task [dreg:s8], $0x5FFFF  }
0xad: {  	[dreg:$0x1] =	wrdreg $0xFFFFFFFF  }
0xae: {  	[dreg:$0x0] =	wrdreg $0x60  }
0xaf: {  	[dreg:$0x2] =	wrdreg s2  }
0xb0: {  	[dreg:$0x3] =	wrdreg s24  }
0xb1: {  	[dreg:$0x4] =	wrdreg s18  }
0xb2: {  	[dreg:$0x5] =	wrdreg $0x9  }
0xb3: {  	_ =	task.clear_ibuf [dreg:s8], $0x6FFFF;
	_ =	strace $0x90000046  }
0xb4: {  	s29 =	simm.s32 $0x9;
	_ =	strace $0x80000048  }
0xb5: {  	_ =	swait.ge [sflag:s29], $0x1  }
0xb6: {  	[sflag:s29] =	ssyncadd.s32 $0xFFFFFFFF  }
0xb7: {  	_ =	strace $0x90000048  }
0xb8: {  	_ =	sfence  }
0xb9: {  	s30 =	sld [smem:$0x0];
	_ =	sdelay $0x2  }
0xba: {  	s31 =	sshll.u32 s1, $0xD;
	s1 =	sshrl.u32 s1, $0x2  }
0xbb: {  	s3 =	sand.u32 $0x4000, s31;
	s1 =	sadd.s32 s1, s30  }
0xbc: {  	s0 =	sor.u32 s3, s0;
	s1 =	sshll.u32 s1, $0x11  }
0xbd: {  	s0 =	sor.u32 s1, s0  }
0xbe: {  	s0 =	sadd.s32 $0x8F2B, s0  }
0xbf: {  	[sflag:s0] =	ssyncadd.remote.s32 $0x1  }
0xc0: {  	_ =	sfence.sel $0xFFFF  }
0xc1: {  	[dreg:$0x0] =	wrdreg $0xFFFFFFFF;
	(pc) =	sbr.abs _section_cstart, $3  }
0xc2: {  	[dreg:$0x1] =	wrdreg $0xFFFFFFFF  }
0xc3: {  	_ =	task.clear_ibuf [dreg:s8], $0x2FFFF;
	_ =	strace $0x9FFFFFFF  }
0xc4: {  	(tm) =	ssettm $0x7FFFFFFF  }
0xc5: {  	_ =	shalt  }
tec
execute0_lowered:
.L_overlay_start_1:
0x0: {  	(tag) =	ssettag $0x1  }
0x1: {  	s1 =	rddreg [dreg:$0x0]  }
0x2: {  	s4 =	rddreg [dreg:$0x1]  }
0x3: {  	s2 =	rddreg [dreg:$0x2]  }
0x4: {  	s5 =	srdreg.scid;
	s0 =	rddreg [dreg:$0x3];
	s3 =	simm.s32 $0x0  }
0x5: {  	s8 =	stileid.u32;
	s9 =	simm.s32 $0x400;
	s10 =	simm.s32 $0x3  }
0x6: {  	s11 =	simm.s32 $0x8000;
	s12 =	simm.s32 $0x2;
	s13 =	simm.s32 $0x10000  }
.Ltmp0:
0x7: {  	s14 =	simm.s32 $0x11000;
	s5 =	sand.u32 $0x1, s5;
	(pc) =	sbr.rel .LBB2_1-.Ltmp0, $4  }
0x8: {  	s15 =	simm.s32 $0x0;
	[smem:$0x7FF] =	sst s3;
	s6 =	ssub.s32 $0x2, s5  }
0x9: {  	s4 =	sadd.s32 $0x400, s4;
	p0 =	sne.s32 s8, $0x0;
	s7 =	sshrl.u32 s6, $0x1  }
0xa: {  	v0 =	vimm.f32 $0.0e+00;
	v1 =	vimm.f32 $NaN;
	s8 =	simm.s32 $0x80;
	_ =	strace $0x80000047;
	s6 =	ssub.s32 s6, s7  }
0xb: {  	v2 =	vimm.s32 $0x0;
	v3 =	vlaneseq.u32;
	v4 =	vimm.f32 $1.000000000e+00;
	s5 =	sshll.u32 s5, $0x15;
	s7 =	simm.s32 $0x1;
	s6 =	smax.u32 s6, $0x1  }
.LBB2_42:
0xc: {  	s15 =	sadd.s32 $0x1, s15  }
0xd: {  	p1 =	sne.s32 s15, s6  }
.Ltmp1:
0xe: {  	_ = 	snop;
	(pc) =	sbr.rel @!p1 .LBB2_43-.Ltmp1, $1  }
0xf: {  	_ =	sdelay $0x3  }
.LBB2_1:
0x10: {  	s16 =	simm.s32 @!p0 $0x0  }
0x11: {  	[smem:$0x0] =	sst @!p0 s16  }
0x12: {  	[bflag:$0x0] =	sbarrier.arrive $0xFFFF  }
0x13: {  	[sflag:s7] =	ssyncset.done $0x0  }
0x14: {  	[smem:s3], [sflag:$0x1] =	smem.add.s32 $0x1  }
0x15: {  	_ =	swait.done [sflag:s7]  }
0x16: {  	s16 =	ssyncread [sflag:$0x1];
	_ =	sdelay $0x2  }
0x17: {  	p1 =	sgt.s32 s16, $0x3F  }
.Ltmp2:
0x18: {  	_ = 	snop;
	(pc) =	sbr.rel @p1 .LBB2_42-.Ltmp2, $4  }
.Ltmp3:
0x19: {  	_ = 	snop;
	(pc) =	sbr.rel @!p1 .LBB2_2-.Ltmp3, $4  }
0x1a: {  	_ = 	snop  }
0x1b: {  	[sflag:s7] =	ssyncset.s32 $0x0  }
0x1c: {  	[sflag:s7] =	ssyncset.done $0x0  }
0x1d: {  	_ = 	snop  }
.LBB2_41:
0x1e: {  	s16 =	sadd.s32 s2, s16  }
0x1f: {  	[hbm4b:s16+s8] =	stream.strided.scatter [tilespmem:s3], [sflag:$0x3], $0x8000, s9, s8, $0x38;
	[tilespmem:$0x12800] =	vst v63  }
0x20: {  	_ =	swait.ge [sflag:s10], $0x8000  }
0x21: {  	[sflag:s10] =	ssyncset.done $0x0  }
0x22: {  	[sflag:s10] =	ssyncadd.s32 $0xFFFF8000  }
0x23: {  	[sflag:s12] =	ssyncset.done $0x0  }
0x24: {  	[smem:s3], [sflag:$0x2] =	smem.add.s32 $0x1  }
0x25: {  	_ =	swait.done [sflag:s12]  }
0x26: {  	s16 =	ssyncread [sflag:$0x2];
	_ =	sdelay $0x2  }
0x27: {  	p1 =	slt.s32 s16, $0x40  }
.Ltmp4:
0x28: {  	_ = 	snop;
	(pc) =	sbr.rel @!p1 .LBB2_42-.Ltmp4, $3  }
0x29: {  	_ =	sdelay $0x1  }
0x2a: {  	[sflag:s12] =	ssyncset.s32 $0x0  }
0x2b: {  	[sflag:s12] =	ssyncset.done $0x0  }
.LBB2_2:
0x2c: {  	s17 =	sshll.u32 s16, $0xF  }
0x2d: {  	s29 =	sshll.u32 s16, $0x7;
	s17 =	sadd.s32 s5, s17  }
0x2e: {  	s16 =	sand.u32 $0x380, s29;
	s17 =	sand.u32 $0xFFFC0000, s17  }
0x2f: {  	s16 =	sor.u32 s16, s17  }
0x30: {  	s16 =	sshrl.u32 s16, $0x3  }
0x31: {  	s18 =	simm.s32 $0x0;
	s30 =	sadd.s32 s1, s16  }
0x32: {  	[tilespmem:s18], [sflag:$0x3] =	stream.strided.gather [hbm4b:s30+s8], $0x8000, s9, s8, $0x38;
	[tilespmem:$0x12800] =	vst v63  }
0x33: {  	_ =	swait.ge [sflag:s10], $0x8000  }
0x34: {  	[sflag:s10] =	ssyncset.done $0x0  }
0x35: {  	s31 =	sadd.s32 s4, s16;
	[sflag:s10] =	ssyncadd.s32 $0xFFFF8000  }
0x36: {  	[tilespmem:s11], [sflag:$0x3] =	stream.strided.gather [hbm4b:s31+s8], $0x8000, s9, s8, $0x38;
	[tilespmem:$0x12800] =	vst v63  }
0x37: {  	_ =	swait.ge [sflag:s10], $0x8000  }
0x38: {  	[sflag:s10] =	ssyncset.done $0x0  }
0x39: {  	s17 =	simm.s32 $0x0;
	[sflag:s10] =	ssyncadd.s32 $0xFFFF8000  }
0x3a: {  	v7 =	vld [tilespmem:s17+$0x30]  }
0x3b: {  	v8 =	vld [tilespmem:s17+$0x8070]  }
0x3c: {  	v6 =	vld [tilespmem:s17+$0x8060]  }
0x3d: {  	v9 =	vld [tilespmem:s17+$0x0]  }
0x3e: {  	v5 =	vld [tilespmem:s17+$0x8030]  }
0x3f: {  	v12 =	vld [tilespmem:s17+$0x8040]  }
0x40: {  	v13 =	vld [tilespmem:s17+$0x8010]  }
0x41: {  	v14 =	vld [tilespmem:s17+$0x8000]  }
0x42: {  	v16 =	vld [tilespmem:s17+$0x8020]  }
0x43: {  	v10 =	vld [tilespmem:s17+$0x40]  }
0x44: {  	v15 =	vld [tilespmem:s17+$0x10]  }
0x45: {  	v22 =	vimm.f32 $3.402823470e+38;
	v23 =	vimm.f32 $0.0e+00;
	v18 =	vld [tilespmem:s17+$0x20];
	vm0 =	vgt.f32 v5, $0.0e+00  }
0x46: {  	v11 =	vld [tilespmem:s17+$0x8050];
	vm1 =	vgt.f32 v12, $0.0e+00;
	vm3 =	vgt.f32 v14, $0.0e+00;
	vm4 =	vgt.f32 v13, $0.0e+00  }
0x47: {  	v5 =	vimm.f32 $-3.402823470e+38;
	vm2 =	vgt.f32 v6, $0.0e+00;
	vm5 =	vgt.f32 v16, $0.0e+00  }
0x48: {  	v17 =	vnsel vm0, $0xFE7FFFFF, v7;
	v12 =	vnsel vm1, $0xFE7FFFFF, v10;
	v14 =	vnsel vm3, $0xFE7FFFFF, v9  }
0x49: {  	v30 =	vld [tilespmem:s17+$0x80A0];
	v13 =	vnsel vm4, $0xFE7FFFFF, v15;
	v25 =	vsel vm1, $0x3F800000, v0;
	v10 =	vnsel vm1, $0x7F7FFFFF, v10  }
0x4a: {  	v19 =	vld [tilespmem:s17+$0x50];
	vm1 =	vgt.f32 v8, $0.0e+00;
	v8 =	vnsel vm3, $0x7F7FFFFF, v9;
	v9 =	vnsel vm5, $0xFE7FFFFF, v18  }
0x4b: {  	v24 =	vld [tilespmem:s17+$0x70];
	v26 =	vsel vm3, $0x3F800000, v0;
	vm3 =	vgt.f32 v11, $0.0e+00;
	v60 =	vnsel vm0, $0x7F7FFFFF, v7  }
0x4c: {  	v20 =	vld [tilespmem:s17+$0x60];
	v7 =	vnsel vm4, $0x7F7FFFFF, v15;
	v15 =	vsel vm4, $0x3F800000, v0;
	v27 =	vsel vm0, $0x3F800000, v0  }
0x4d: {  	v18 =	vnsel vm5, $0x7F7FFFFF, v18;
	v28 =	vsel vm5, $0x3F800000, v0;
	v29 =	vsel vm2, $0x3F800000, v0  }
0x4e: {  	vm4 =	vgt.f32 v30, $0.0e+00;
	[tilespmem:s17+$0x0] =	vst v14;
	v11 =	vmax.f32 v14, $-3.402823470e+38;
	v14 =	vadd.f32 v26, v23  }
0x4f: {  	v16 =	vld [tilespmem:s17+$0x8080];
	v8 =	vmin.f32 v22, v8;
	v61 =	vsel vm3, $0x3F800000, v0;
	v11 =	vmax.f32 v11, v13  }
0x50: {  	v62 =	vld [tilespmem:s17+$0x80B0];
	[tilespmem:s17+$0x10] =	vst v13;
	v13 =	vnsel vm3, $0xFE7FFFFF, v19;
	v7 =	vmin.f32 v8, v7;
	v8 =	vnsel vm1, $0xFE7FFFFF, v24  }
0x51: {  	v22 =	vld [tilespmem:s17+$0x80];
	v24 =	vnsel vm1, $0x7F7FFFFF, v24;
	v14 =	vadd.f32 v15, v14;
	v15 =	vnsel vm2, $0xFE7FFFFF, v20  }
0x52: {  	[tilespmem:s17+$0x20] =	vst v9;
	v23 =	vld [tilespmem:s17+$0x8090];
	v9 =	vmax.f32 v11, v9;
	v20 =	vnsel vm2, $0x7F7FFFFF, v20;
	v18 =	vmin.f32 v7, v18  }
0x53: {  	v31 =	vld [tilespmem:s17+$0x90];
	[tilespmem:s17+$0x30] =	vst v17;
	v7 =	vsel vm1, $0x3F800000, v0;
	v9 =	vmax.f32 v9, v17;
	v17 =	vnsel vm3, $0x7F7FFFFF, v19  }
0x54: {  	v11 =	vld [tilespmem:s17+$0x80E0];
	vm1 =	vgt.f32 v16, $0.0e+00;
	v14 =	vadd.f32 v28, v14;
	v9 =	vmax.f32 v9, v12  }
0x55: {  	v63 =	vld [tilespmem:s17+$0xA0];
	[tilespmem:s17+$0x40] =	vst v12;
	vm3 =	vgt.f32 v62, $0.0e+00;
	v12 =	vmin.f32 v18, v60;
	v9 =	vmax.f32 v9, v13  }
0x56: {  	v6 =	vld [tilespmem:s17+$0xE0];
	[tilespmem:s17+$0x50] =	vst v13;
	v13 =	vnsel vm1, $0xFE7FFFFF, v22;
	v10 =	vmin.f32 v12, v10;
	v14 =	vadd.f32 v27, v14  }
0x57: {  	v21 =	vld [tilespmem:s17+$0x80F0];
	vm5 =	vgt.f32 v23, $0.0e+00;
	v9 =	vmax.f32 v9, v15;
	v10 =	vmin.f32 v10, v17  }
0x58: {  	v17 =	vnsel vm5, $0xFE7FFFFF, v31;
	v12 =	vadd.f32 v25, v14;
	v14 =	vnsel vm1, $0x7F7FFFFF, v22;
	v22 =	vld [tilespmem:s17+$0x80D0]  }
0x59: {  	[tilespmem:s17+$0x70] =	vst v8;
	v18 =	vld [tilespmem:s17+$0x80C0];
	v8 =	vmax.f32 v9, v8;
	v10 =	vmin.f32 v10, v20;
	vm0 =	vgt.f32 v11, $0.0e+00  }
0x5a: {  	[tilespmem:s17+$0x60] =	vst v15;
	v20 =	vsel vm1, $0x3F800000, v0;
	v15 =	vmax.f32 v8, v13;
	v8 =	vld [tilespmem:s17+$0xB0];
	v9 =	vadd.f32 v61, v12  }
0x5b: {  	v16 =	vld [tilespmem:s17+$0xC0];
	[tilespmem:s17+$0x80] =	vst v13;
	v11 =	vnsel vm0, $0xFE7FFFFF, v6;
	v13 =	vmin.f32 v10, v24;
	v10 =	vnsel vm4, $0x7F7FFFFF, v63  }
0x5c: {  	s20 =	simm.s32 $0x400;
	[tilespmem:s17+$0x90] =	vst v17;
	vm1 =	vgt.f32 v21, $0.0e+00;
	v14 =	vmin.f32 v13, v14;
	v19 =	vadd.f32 v29, v9;
	v9 =	vld [tilespmem:s17+$0xD0]  }
0x5d: {  	s19 =	simm.s32 $0x12000;
	s18 =	simm.s32 $0x12000;
	[tilespmem:s17+$0xE0] =	vst v11;
	v13 =	vnsel vm4, $0xFE7FFFFF, v63;
	v12 =	vnsel vm5, $0x7F7FFFFF, v31;
	vm2 =	vgt.f32 v22, $0.0e+00  }
.LBB2_3:
0x5e: {  	p1 =	sne.s32 s20, $0x1FC00  }
0x5f: {  	v21 =	vnsel vm3, $0xFE7FFFFF, v8;
	vm6 =	vgt.f32 v18, $0.0e+00;
	s19 =	sadd.s32 $0x10, s19;
	s21 =	smov.u32 s20;
	s20 =	sadd.s32 $0x400, s20  }
0x60: {  	v15 =	vmax.f32 v15, v17;
	v17 =	vsel vm5, $0x3F800000, v0;
	[tilespmem:s17+$0xB0] =	vst v21;
	v18 =	vnsel vm6, $0xFE7FFFFF, v16;
	v22 =	vld [tilespmem:s17+$0xF0]  }
0x61: {  	v7 =	vadd.f32 v7, v19;
	v15 =	vmax.f32 v15, v13;
	[tilespmem:s17+$0xC0] =	vst v18;
	v19 =	vnsel vm2, $0xFE7FFFFF, v9  }
0x62: {  	v23 =	vsel vm4, $0x3F800000, v0;
	v16 =	vnsel vm6, $0x7F7FFFFF, v16;
	v15 =	vmax.f32 v15, v21;
	[tilespmem:s17+$0xD0] =	vst v19  }
0x63: {  	v7 =	vadd.f32 v20, v7;
	v15 =	vmax.f32 v15, v18  }
0x64: {  	v15 =	vmax.f32 v15, v19;
	[tilespmem:s17+$0xA0] =	vst v13;
	v13 =	vsel vm3, $0x3F800000, v0  }
0x65: {  	s21 =	sshra.s32 s21, $0x2;
	v7 =	vadd.f32 v17, v7;
	v11 =	vmax.f32 v15, v11;
	v15 =	vnsel vm1, $0xFE7FFFFF, v22  }
0x66: {  	v17 =	vsel vm6, $0x3F800000, v0;
	[tilespmem:s17+$0xF0] =	vst v15;
	v11 =	vmax.f32 v11, v15;
	v15 =	vnsel vm1, $0x7F7FFFFF, v22;
	s17 =	smov.u32 s21  }
0x67: {  	v12 =	vmin.f32 v14, v12;
	v7 =	vadd.f32 v23, v7;
	[tilespmem:s18+$0x0] =	vst v11;
	v5 =	vmax.f32 v5, v11;
	s18 =	smov.u32 s19  }
0x68: {  	v8 =	vnsel vm3, $0x7F7FFFFF, v8;
	v10 =	vmin.f32 v12, v10;
	v12 =	vsel vm2, $0x3F800000, v0;
	v11 =	vld [tilespmem:s17+$0x30]  }
0x69: {  	v8 =	vmin.f32 v10, v8;
	v7 =	vadd.f32 v13, v7;
	v14 =	vld [tilespmem:s17+$0x8070]  }
0x6a: {  	v9 =	vnsel vm2, $0x7F7FFFFF, v9;
	v8 =	vmin.f32 v8, v16;
	v10 =	vld [tilespmem:s17+$0x8060]  }
0x6b: {  	v6 =	vnsel vm0, $0x7F7FFFFF, v6;
	v8 =	vmin.f32 v8, v9;
	v7 =	vadd.f32 v17, v7;
	v13 =	vld [tilespmem:s17+$0x0]  }
0x6c: {  	v6 =	vmin.f32 v8, v6;
	v9 =	vld [tilespmem:s17+$0x40]  }
0x6d: {  	v15 =	vmin.f32 v6, v15;
	v7 =	vadd.f32 v12, v7;
	v12 =	vsel vm0, $0x3F800000, v0;
	v8 =	vld [tilespmem:s17+$0x8050]  }
0x6e: {  	v6 =	vld [tilespmem:s17+$0x8030]  }
0x6f: {  	v7 =	vadd.f32 v12, v7;
	v12 =	vsel vm1, $0x3F800000, v0;
	v16 =	vld [tilespmem:s17+$0x8040]  }
0x70: {  	v17 =	vld [tilespmem:s17+$0x8010]  }
0x71: {  	vm1 =	vgt.f32 v10, $0.0e+00;
	v7 =	vadd.f32 v12, v7;
	v18 =	vld [tilespmem:s17+$0x8000]  }
0x72: {  	vm0 =	vgt.f32 v14, $0.0e+00;
	v10 =	vld [tilespmem:s17+$0x10]  }
0x73: {  	vm2 =	vgt.f32 v6, $0.0e+00;
	v21 =	vld [tilespmem:s17+$0x80F0]  }
0x74: {  	v6 =	vld [tilespmem:s17+$0x8020];
	v12 =	vnsel vm2, $0xFE7FFFFF, v11;
	v11 =	vnsel vm2, $0x7F7FFFFF, v11;
	vm4 =	vgt.f32 v16, $0.0e+00  }
0x75: {  	vm3 =	vgt.f32 v17, $0.0e+00;
	[tilespmem:s17+$0x30] =	vst v12;
	v14 =	vnsel vm4, $0xFE7FFFFF, v9;
	v16 =	vsel vm4, $0x3F800000, v0  }
0x76: {  	v17 =	vsel vm2, $0x3F800000, v0;
	vm2 =	vgt.f32 v8, $0.0e+00;
	vm5 =	vgt.f32 v18, $0.0e+00;
	[tilespmem:s17+$0x40] =	vst v14  }
0x77: {  	v9 =	vnsel vm4, $0x7F7FFFFF, v9;
	v8 =	vnsel vm5, $0xFE7FFFFF, v13;
	v18 =	vsel vm5, $0x3F800000, v0;
	v19 =	vld [tilespmem:s17+$0x20]  }
0x78: {  	v24 =	vsel vm1, $0x3F800000, v0;
	v22 =	vsel vm3, $0x3F800000, v0;
	v20 =	vnsel vm3, $0xFE7FFFFF, v10;
	[tilespmem:s17+$0x0] =	vst v8;
	v23 =	vld [tilespmem:s17+$0x50]  }
0x79: {  	v25 =	vsel vm2, $0x3F800000, v0;
	v13 =	vnsel vm5, $0x7F7FFFFF, v13;
	[tilespmem:s17+$0x10] =	vst v20;
	vm4 =	vgt.f32 v6, $0.0e+00;
	v26 =	vld [tilespmem:s17+$0x60]  }
0x7a: {  	v6 =	vmax.f32 v8, $-3.402823470e+38;
	v8 =	vadd.f32 v18, v7;
	v7 =	vsel vm0, $0x3F800000, v0;
	v18 =	vld [tilespmem:s17+$0x70]  }
0x7b: {  	v10 =	vnsel vm3, $0x7F7FFFFF, v10;
	v20 =	vmax.f32 v6, v20;
	v27 =	vsel vm4, $0x3F800000, v0;
	v6 =	vld [tilespmem:s17+$0xE0]  }
0x7c: {  	v8 =	vadd.f32 v22, v8;
	v22 =	vnsel vm4, $0xFE7FFFFF, v19;
	v19 =	vnsel vm4, $0x7F7FFFFF, v19;
	v28 =	vld [tilespmem:s17+$0x8080]  }
0x7d: {  	v13 =	vmin.f32 v15, v13;
	[tilespmem:s17+$0x20] =	vst v22;
	v15 =	vmax.f32 v20, v22;
	v20 =	vnsel vm2, $0xFE7FFFFF, v23;
	v22 =	vld [tilespmem:s17+$0x8090]  }
0x7e: {  	v10 =	vmin.f32 v13, v10;
	[tilespmem:s17+$0x50] =	vst v20;
	v13 =	vnsel vm1, $0xFE7FFFFF, v26;
	v26 =	vnsel vm1, $0x7F7FFFFF, v26;
	v29 =	vld [tilespmem:s17+$0x80]  }
0x7f: {  	v8 =	vadd.f32 v27, v8;
	[tilespmem:s17+$0x60] =	vst v13;
	v27 =	vnsel vm0, $0xFE7FFFFF, v18;
	v30 =	vnsel vm0, $0x7F7FFFFF, v18;
	v31 =	vld [tilespmem:s17+$0x80E0]  }
0x80: {  	v10 =	vmin.f32 v10, v19;
	v12 =	vmax.f32 v15, v12;
	v15 =	vnsel vm2, $0x7F7FFFFF, v23;
	[tilespmem:s17+$0x70] =	vst v27;
	v18 =	vld [tilespmem:s17+$0x80A0]  }
0x81: {  	v10 =	vmin.f32 v10, v11;
	v8 =	vadd.f32 v17, v8;
	v11 =	vmax.f32 v12, v14;
	v12 =	vld [tilespmem:s17+$0x90]  }
0x82: {  	v9 =	vmin.f32 v10, v9;
	v10 =	vmax.f32 v11, v20;
	vm1 =	vgt.f32 v28, $0.0e+00;
	v23 =	vld [tilespmem:s17+$0x80B0]  }
0x83: {  	v8 =	vadd.f32 v16, v8;
	v10 =	vmax.f32 v10, v13;
	v11 =	vnsel vm1, $0xFE7FFFFF, v29;
	v13 =	vld [tilespmem:s17+$0xA0]  }
0x84: {  	v9 =	vmin.f32 v9, v15;
	v10 =	vmax.f32 v10, v27;
	v14 =	vnsel vm1, $0x7F7FFFFF, v29;
	[tilespmem:s17+$0x80] =	vst v11;
	v27 =	vld [tilespmem:s17+$0x80D0]  }
0x85: {  	v16 =	vadd.f32 v25, v8;
	v15 =	vmax.f32 v10, v11;
	vm4 =	vgt.f32 v18, $0.0e+00;
	v8 =	vld [tilespmem:s17+$0xB0]  }
.Ltmp5:
0x86: {  	v9 =	vmin.f32 v9, v26;
	vm5 =	vgt.f32 v22, $0.0e+00;
	vm0 =	vgt.f32 v31, $0.0e+00;
	v18 =	vld [tilespmem:s17+$0x80C0];
	(pc) =	sbr.rel @p1 .LBB2_3-.Ltmp5, $4  }
0x87: {  	v19 =	vadd.f32 v24, v16;
	v11 =	vnsel vm0, $0xFE7FFFFF, v6;
	v17 =	vnsel vm5, $0xFE7FFFFF, v12;
	v16 =	vld [tilespmem:s17+$0xC0]  }
0x88: {  	v20 =	vmin.f32 v9, v30;
	v12 =	vnsel vm5, $0x7F7FFFFF, v12;
	[tilespmem:s17+$0x90] =	vst v17;
	v10 =	vnsel vm4, $0x7F7FFFFF, v13;
	v9 =	vld [tilespmem:s17+$0xD0]  }
0x89: {  	v14 =	vmin.f32 v20, v14;
	v20 =	vsel vm1, $0x3F800000, v0;
	vm2 =	vgt.f32 v27, $0.0e+00;
	[tilespmem:s17+$0xE0] =	vst v11  }
0x8a: {  	vm1 =	vgt.f32 v21, $0.0e+00;
	vm3 =	vgt.f32 v23, $0.0e+00;
	v13 =	vnsel vm4, $0xFE7FFFFF, v13  }
0x8b: {  	v7 =	vadd.f32 v7, v19;
	_ =	sdelay $0x1  }
0x8c: {  	v7 =	vadd.f32 v20, v7  }
0x8d: {  	v50 =	vsel vm5, $0x3F800000, v0  }
0x8e: {  	v7 =	vadd.f32 v50, v7  }
0x8f: {  	v51 =	vsel vm4, $0x3F800000, v0  }
0x90: {  	v7 =	vadd.f32 v51, v7  }
0x91: {  	v52 =	vsel vm3, $0x3F800000, v0  }
0x92: {  	vm14 =	vgt.f32 v18, $0.0e+00;
	v7 =	vadd.f32 v52, v7  }
0x93: {  	v18 =	vsel vm14, $0x3F800000, v0  }
0x94: {  	v7 =	vadd.f32 v18, v7  }
0x95: {  	v53 =	vsel vm2, $0x3F800000, v0  }
0x96: {  	v7 =	vadd.f32 v53, v7  }
0x97: {  	v54 =	vsel vm0, $0x3F800000, v0  }
0x98: {  	v7 =	vadd.f32 v54, v7  }
0x99: {  	v55 =	vsel vm1, $0x3F800000, v0  }
0x9a: {  	v7 =	vadd.f32 v55, v7;
	_ =	sdelay $0x1  }
0x9b: {  	(xrf2) =	vadd.scan.msk.f32 $0xffff, v7;
	_ =	sdelay $0x3  }
0x9c: {  	v15 =	vmax.f32 v15, v17;
	v56 =	vld [tilespmem:s17+$0xF0]  }
0x9d: {  	v15 =	vmax.f32 v15, v13;
	v7 =	vnsel vm3, $0xFE7FFFFF, v8  }
0x9e: {  	v12 =	vmin.f32 v14, v12;
	v57 =	vnsel vm14, $0xFE7FFFFF, v16;
	[tilespmem:s17+$0xB0] =	vst v7;
	v7 =	vmax.f32 v15, v7  }
0x9f: {  	v59 =	vnsel vm14, $0x7F7FFFFF, v16;
	v58 =	vnsel vm2, $0xFE7FFFFF, v9;
	v7 =	vmax.f32 v7, v57  }
0xa0: {  	v10 =	vmin.f32 v12, v10;
	v8 =	vnsel vm3, $0x7F7FFFFF, v8;
	v7 =	vmax.f32 v7, v58  }
0xa1: {  	v60 =	vnsel vm1, $0xFE7FFFFF, v56;
	v8 =	vmin.f32 v10, v8;
	v7 =	vmax.f32 v7, v11  }
0xa2: {  	v61 =	vmax.f32 v7, v60;
	v7 =	vmin.f32 v8, v59;
	v8 =	vnsel vm2, $0x7F7FFFFF, v9;
	v62, _, _ =	vpop (xrf2)  }
0xa3: {  	v7 =	vmin.f32 v7, v8;
	v8 =	vnsel vm0, $0x7F7FFFFF, v6;
	v6 =	vbroadcast v62, $0xF  }
0xa4: {  	v63 =	vnsel vm1, $0x7F7FFFFF, v56;
	v5 =	vmax.f32 v5, v61;
	v7 =	vmin.f32 v7, v8  }
0xa5: {  	(xrf0) =	vmax.scan.msk.f32 $0xffff, v5;
	v7 =	vmin.f32 v7, v63;
	vm15 =	vle.f32 v6, $1.637900000e+04  }
0xa6: {  	(xrf0) =	vmin.scan.msk.f32 $0xffff, v7;
	v5 =	vsel vm15, $0x3F800000, v0  }
0xa7: {  	(xrf0) =	vmin.scan.msk.f32 $0xffff, v5;
	_ =	sdelay $0x3  }
0xa8: {  	v5, _, _ =	vpop (xrf0)  }
0xa9: {  	v7, _, _ =	vpop (xrf0)  }
0xaa: {  	v8, _, _ =	vpop (xrf0)  }
0xab: {  	(v2sf) =	vpush v8, $0xF;
	_ =	sdelay $0xe  }
0xac: {  	s19 =	spop (v2sf)  }
0xad: {  	p1 =	sgt.f32 s19, $0.0e+00  }
.Ltmp6:
0xae: {  	[tilespmem:s17+$0xA0] =	vst v13;
	(pc) =	sbr.rel @!p1 .LBB2_8-.Ltmp6, $4  }
0xaf: {  	[tilespmem:s17+$0xC0] =	vst v57  }
0xb0: {  	[tilespmem:s17+$0xD0] =	vst v58  }
0xb1: {  	[tilespmem:s17+$0xF0] =	vst v60  }
0xb2: {  	[tilespmem:s18+$0x0] =	vst v61;
	s18 =	simm.s32 $0x0  }
0xb3: {  	s17 =	sshra.s32 s18, $0x2;
	s18 =	sadd.s32 $0x400, s18  }
.LBB2_6:
0xb4: {  	p1 =	seq.s32 s18, $0x1FC00;
	[tilespmem:s17+$0xF0] =	vst v1  }
0xb5: {  	[tilespmem:s17+$0x0] =	vst v1  }
0xb6: {  	[tilespmem:s17+$0x10] =	vst v1  }
0xb7: {  	[tilespmem:s17+$0x20] =	vst v1  }
0xb8: {  	[tilespmem:s17+$0x30] =	vst v1  }
0xb9: {  	[tilespmem:s17+$0x40] =	vst v1  }
0xba: {  	[tilespmem:s17+$0x50] =	vst v1  }
0xbb: {  	[tilespmem:s17+$0x60] =	vst v1  }
0xbc: {  	[tilespmem:s17+$0x70] =	vst v1  }
0xbd: {  	[tilespmem:s17+$0x80] =	vst v1  }
0xbe: {  	[tilespmem:s17+$0x90] =	vst v1  }
.Ltmp7:
0xbf: {  	[tilespmem:s17+$0xA0] =	vst v1;
	(pc) =	sbr.rel @!p1 .LBB2_6-.Ltmp7, $4  }
0xc0: {  	[tilespmem:s17+$0xB0] =	vst v1  }
0xc1: {  	[tilespmem:s17+$0xC0] =	vst v1  }
0xc2: {  	[tilespmem:s17+$0xD0] =	vst v1  }
0xc3: {  	[tilespmem:s17+$0xE0] =	vst v1;
	s17 =	sshra.s32 s18, $0x2;
	s18 =	sadd.s32 $0x400, s18  }
0xc4: {  	[tilespmem:s17+$0xF0] =	vst v1  }
0xc5: {  	[tilespmem:s17+$0x0] =	vst v1  }
0xc6: {  	[tilespmem:s17+$0x10] =	vst v1  }
0xc7: {  	[tilespmem:s17+$0x20] =	vst v1  }
0xc8: {  	[tilespmem:s17+$0x30] =	vst v1  }
0xc9: {  	[tilespmem:s17+$0x40] =	vst v1  }
0xca: {  	[tilespmem:s17+$0x50] =	vst v1  }
0xcb: {  	[tilespmem:s17+$0x60] =	vst v1  }
0xcc: {  	[tilespmem:s17+$0x70] =	vst v1  }
0xcd: {  	[tilespmem:s17+$0x80] =	vst v1  }
0xce: {  	[tilespmem:s17+$0x90] =	vst v1  }
.Ltmp8:
0xcf: {  	[tilespmem:s17+$0xA0] =	vst v1;
	(pc) =	sbr.rel .LBB2_41-.Ltmp8, $4  }
0xd0: {  	[tilespmem:s17+$0xB0] =	vst v1  }
0xd1: {  	[tilespmem:s17+$0xC0] =	vst v1  }
0xd2: {  	[tilespmem:s17+$0xD0] =	vst v1  }
0xd3: {  	[tilespmem:s17+$0xE0] =	vst v1  }
.LBB2_8:
.Ltmp9:
0xd4: {  	(pc) =	sbr.rel .LBB2_9-.Ltmp9, $3  }
0xd5: {  	_ = 	snop  }
0xd6: {  	v8 =	vbroadcast v5, $0xF;
	_ =	sdelay $0x1  }
0xd7: {  	v5 =	vbroadcast v7, $0xF;
	s17 =	simm.s32 $0x0;
	s18 =	simm.s32 $0x80;
	s19 =	simm.s32 $0x0;
	v7 =	vadd.f32 $-1.000000000e+00, v8  }
.LBB2_11:
0xd8: {  	s17 =	sadd.s32 $0x40, s17  }
0xd9: {  	p1 =	sne.s32 s17, $0x2000  }
.Ltmp10:
0xda: {  	_ = 	snop;
	(pc) =	sbr.rel @!p1 .LBB2_12-.Ltmp10, $2  }
0xdb: {  	_ =	sdelay $0x2  }
0xdc: {  	s18 =	sadd.s32 $0x100, s18  }
.LBB2_9:
0xdd: {  	s20 =	sshra.s32 s17, $0x2  }
0xde: {  	v9 =	vld [tilespmem:s20+$0x12000];
	_ =	sdelay $0x4  }
0xdf: {  	vm0 =	vgt.f32 v9, v7  }
0xe0: {  	v9 =	vsel vm0, $0x3F800000, v0  }
0xe1: {  	(xrf0) =	vmax.scan.msk.f32 $0xffff, v9;
	_ =	sdelay $0x5  }
0xe2: {  	v9, _, _ =	vpop (xrf0)  }
0xe3: {  	(v2sf) =	vpush v9, $0xF;
	_ =	sdelay $0xe  }
0xe4: {  	s31 =	spop (v2sf)  }
0xe5: {  	p1 =	sgt.f32 s31, $0.0e+00  }
.Ltmp11:
0xe6: {  	_ = 	snop;
	(pc) =	sbr.rel @!p1 .LBB2_11-.Ltmp11, $1  }
0xe7: {  	_ =	sdelay $0x3  }
0xe8: {  	v9 =	vld [tilespmem:s18+$0xFFFFFF80];
	_ =	sdelay $0x4  }
0xe9: {  	vm0 =	vgt.f32 v9, v7  }
0xea: {  	v10 =	vsel vm0, $0x1, v2  }
0xeb: {  	(xrf0) =	vadd.scan.msk.s32 $0xffff, v10;
	_ =	sdelay $0x5  }
0xec: {  	s20 =	sadd.s32 $0xFFFFFFFF, s19;
	v10, _, _ =	vpop (xrf0)  }
0xed: {  	v11 =	vadd.s32 s20, v10;
	_ =	sdelay $0x1  }
0xee: {  	(v2sf) =	vpush v10, $0xF;
	_ =	sdelay $0x2  }
0xef: {  	[tilespmem:v11+s11+$0x0] =	vst.idx.msk vm0, v9  }
0xf0: {  	v9 =	vld [tilespmem:s18+$0xFFFFFF90];
	_ =	sdelay $0x4  }
0xf1: {  	vm13 =	vgt.f32 v9, v7  }
0xf2: {  	v10 =	vsel vm13, $0x1, v2  }
0xf3: {  	(xrf0) =	vadd.scan.msk.s32 $0xffff, v10;
	_ =	sdelay $0x3  }
0xf4: {  	s24 =	spop (v2sf)  }
0xf5: {  	s25 =	sadd.s32 s19, s24  }
0xf6: {  	s20 =	sadd.s32 $0xFFFFFFFF, s25;
	v10, _, _ =	vpop (xrf0)  }
0xf7: {  	v11 =	vadd.s32 s20, v10;
	_ =	sdelay $0x1  }
0xf8: {  	(v2sf) =	vpush v10, $0xF;
	_ =	sdelay $0x2  }
0xf9: {  	[tilespmem:v11+s11+$0x0] =	vst.idx.msk vm13, v9  }
0xfa: {  	v9 =	vld [tilespmem:s18+$0xFFFFFFA0];
	_ =	sdelay $0x4  }
0xfb: {  	vm14 =	vgt.f32 v9, v7  }
0xfc: {  	v10 =	vsel vm14, $0x1, v2  }
0xfd: {  	(xrf0) =	vadd.scan.msk.s32 $0xffff, v10;
	_ =	sdelay $0x3  }
0xfe: {  	s26 =	spop (v2sf)  }
0xff: {  	s19 =	sadd.s32 s25, s26  }
0x100: {  	s20 =	sadd.s32 $0xFFFFFFFF, s19;
	v10, _, _ =	vpop (xrf0)  }
0x101: {  	v11 =	vadd.s32 s20, v10;
	_ =	sdelay $0x1  }
0x102: {  	(v2sf) =	vpush v10, $0xF;
	_ =	sdelay $0x2  }
0x103: {  	[tilespmem:v11+s11+$0x0] =	vst.idx.msk vm14, v9  }
0x104: {  	v9 =	vld [tilespmem:s18+$0xFFFFFFB0];
	_ =	sdelay $0x4  }
0x105: {  	vm15 =	vgt.f32 v9, v7  }
0x106: {  	v10 =	vsel vm15, $0x1, v2  }
0x107: {  	(xrf0) =	vadd.scan.msk.s32 $0xffff, v10;
	_ =	sdelay $0x3  }
0x108: {  	s28 =	spop (v2sf)  }
0x109: {  	s19 =	sadd.s32 s19, s28  }
0x10a: {  	s20 =	sadd.s32 $0xFFFFFFFF, s19;
	v10, _, _ =	vpop (xrf0)  }
0x10b: {  	v11 =	vadd.s32 s20, v10;
	_ =	sdelay $0x1  }
0x10c: {  	(v2sf) =	vpush v10, $0xF;
	_ =	sdelay $0x2  }
0x10d: {  	[tilespmem:v11+s11+$0x0] =	vst.idx.msk vm15, v9  }
0x10e: {  	v9 =	vld [tilespmem:s18+$0xFFFFFFC0];
	_ =	sdelay $0x4  }
0x10f: {  	vm4 =	vgt.f32 v9, v7  }
0x110: {  	v10 =	vsel vm4, $0x1, v2  }
0x111: {  	(xrf0) =	vadd.scan.msk.s32 $0xffff, v10;
	_ =	sdelay $0x3  }
0x112: {  	s29 =	spop (v2sf)  }
0x113: {  	s19 =	sadd.s32 s19, s29  }
0x114: {  	s20 =	sadd.s32 $0xFFFFFFFF, s19;
	v10, _, _ =	vpop (xrf0)  }
0x115: {  	v11 =	vadd.s32 s20, v10;
	_ =	sdelay $0x1  }
0x116: {  	(v2sf) =	vpush v10, $0xF;
	_ =	sdelay $0x2  }
0x117: {  	[tilespmem:v11+s11+$0x0] =	vst.idx.msk vm4, v9  }
0x118: {  	v9 =	vld [tilespmem:s18+$0xFFFFFFD0];
	_ =	sdelay $0x4  }
0x119: {  	vm5 =	vgt.f32 v9, v7  }
0x11a: {  	v10 =	vsel vm5, $0x1, v2  }
0x11b: {  	(xrf0) =	vadd.scan.msk.s32 $0xffff, v10;
	_ =	sdelay $0x3  }
0x11c: {  	s30 =	spop (v2sf)  }
0x11d: {  	s19 =	sadd.s32 s19, s30  }
0x11e: {  	s20 =	sadd.s32 $0xFFFFFFFF, s19;
	v10, _, _ =	vpop (xrf0)  }
0x11f: {  	v11 =	vadd.s32 s20, v10;
	_ =	sdelay $0x1  }
0x120: {  	(v2sf) =	vpush v10, $0xF;
	_ =	sdelay $0x2  }
0x121: {  	[tilespmem:v11+s11+$0x0] =	vst.idx.msk vm5, v9  }
0x122: {  	v9 =	vld [tilespmem:s18+$0xFFFFFFE0];
	_ =	sdelay $0x4  }
0x123: {  	vm6 =	vgt.f32 v9, v7  }
0x124: {  	v10 =	vsel vm6, $0x1, v2  }
0x125: {  	(xrf0) =	vadd.scan.msk.s32 $0xffff, v10;
	_ =	sdelay $0x3  }
0x126: {  	s31 =	spop (v2sf)  }
0x127: {  	s19 =	sadd.s32 s19, s31  }
0x128: {  	s20 =	sadd.s32 $0xFFFFFFFF, s19;
	v10, _, _ =	vpop (xrf0)  }
0x129: {  	v11 =	vadd.s32 s20, v10;
	_ =	sdelay $0x1  }
0x12a: {  	(v2sf) =	vpush v10, $0xF;
	_ =	sdelay $0x2  }
0x12b: {  	[tilespmem:v11+s11+$0x0] =	vst.idx.msk vm6, v9  }
0x12c: {  	v9 =	vld [tilespmem:s18+$0xFFFFFFF0];
	_ =	sdelay $0x4  }
0x12d: {  	vm7 =	vgt.f32 v9, v7  }
0x12e: {  	v10 =	vsel vm7, $0x1, v2  }
0x12f: {  	(xrf0) =	vadd.scan.msk.s32 $0xffff, v10;
	_ =	sdelay $0x3  }
0x130: {  	s21 =	spop (v2sf)  }
0x131: {  	s19 =	sadd.s32 s19, s21  }
0x132: {  	s20 =	sadd.s32 $0xFFFFFFFF, s19;
	v10, _, _ =	vpop (xrf0)  }
0x133: {  	v11 =	vadd.s32 s20, v10;
	_ =	sdelay $0x1  }
0x134: {  	(v2sf) =	vpush v10, $0xF;
	_ =	sdelay $0x2  }
0x135: {  	[tilespmem:v11+s11+$0x0] =	vst.idx.msk vm7, v9  }
0x136: {  	v9 =	vld [tilespmem:s18+$0x0];
	_ =	sdelay $0x4  }
0x137: {  	vm8 =	vgt.f32 v9, v7  }
0x138: {  	v10 =	vsel vm8, $0x1, v2  }
0x139: {  	(xrf0) =	vadd.scan.msk.s32 $0xffff, v10;
	_ =	sdelay $0x3  }
0x13a: {  	s22 =	spop (v2sf)  }
0x13b: {  	s19 =	sadd.s32 s19, s22  }
0x13c: {  	s20 =	sadd.s32 $0xFFFFFFFF, s19;
	v10, _, _ =	vpop (xrf0)  }
0x13d: {  	v11 =	vadd.s32 s20, v10;
	_ =	sdelay $0x1  }
0x13e: {  	(v2sf) =	vpush v10, $0xF;
	_ =	sdelay $0x2  }
0x13f: {  	[tilespmem:v11+s11+$0x0] =	vst.idx.msk vm8, v9  }
0x140: {  	v9 =	vld [tilespmem:s18+$0x10];
	_ =	sdelay $0x4  }
0x141: {  	vm9 =	vgt.f32 v9, v7  }
0x142: {  	v10 =	vsel vm9, $0x1, v2  }
0x143: {  	(xrf0) =	vadd.scan.msk.s32 $0xffff, v10;
	_ =	sdelay $0x3  }
0x144: {  	s23 =	spop (v2sf)  }
0x145: {  	s19 =	sadd.s32 s19, s23  }
0x146: {  	s20 =	sadd.s32 $0xFFFFFFFF, s19;
	v10, _, _ =	vpop (xrf0)  }
0x147: {  	v11 =	vadd.s32 s20, v10;
	_ =	sdelay $0x1  }
0x148: {  	(v2sf) =	vpush v10, $0xF;
	_ =	sdelay $0x2  }
0x149: {  	[tilespmem:v11+s11+$0x0] =	vst.idx.msk vm9, v9  }
0x14a: {  	v9 =	vld [tilespmem:s18+$0x20];
	_ =	sdelay $0x4  }
0x14b: {  	vm10 =	vgt.f32 v9, v7  }
0x14c: {  	v10 =	vsel vm10, $0x1, v2  }
0x14d: {  	(xrf0) =	vadd.scan.msk.s32 $0xffff, v10;
	_ =	sdelay $0x3  }
0x14e: {  	s24 =	spop (v2sf)  }
0x14f: {  	s19 =	sadd.s32 s19, s24  }
0x150: {  	s20 =	sadd.s32 $0xFFFFFFFF, s19;
	v10, _, _ =	vpop (xrf0)  }
0x151: {  	v11 =	vadd.s32 s20, v10;
	_ =	sdelay $0x1  }
0x152: {  	(v2sf) =	vpush v10, $0xF;
	_ =	sdelay $0x2  }
0x153: {  	[tilespmem:v11+s11+$0x0] =	vst.idx.msk vm10, v9  }
0x154: {  	v9 =	vld [tilespmem:s18+$0x30];
	_ =	sdelay $0x4  }
0x155: {  	vm11 =	vgt.f32 v9, v7  }
0x156: {  	v10 =	vsel vm11, $0x1, v2  }
0x157: {  	(xrf0) =	vadd.scan.msk.s32 $0xffff, v10;
	_ =	sdelay $0x3  }
0x158: {  	s25 =	spop (v2sf)  }
0x159: {  	s19 =	sadd.s32 s19, s25  }
0x15a: {  	s20 =	sadd.s32 $0xFFFFFFFF, s19;
	v10, _, _ =	vpop (xrf0)  }
0x15b: {  	v11 =	vadd.s32 s20, v10;
	_ =	sdelay $0x1  }
0x15c: {  	(v2sf) =	vpush v10, $0xF;
	_ =	sdelay $0x2  }
0x15d: {  	[tilespmem:v11+s11+$0x0] =	vst.idx.msk vm11, v9  }
0x15e: {  	v9 =	vld [tilespmem:s18+$0x40];
	_ =	sdelay $0x4  }
0x15f: {  	vm12 =	vgt.f32 v9, v7  }
0x160: {  	v10 =	vsel vm12, $0x1, v2  }
0x161: {  	(xrf0) =	vadd.scan.msk.s32 $0xffff, v10;
	_ =	sdelay $0x3  }
0x162: {  	s26 =	spop (v2sf)  }
0x163: {  	s19 =	sadd.s32 s19, s26  }
0x164: {  	s20 =	sadd.s32 $0xFFFFFFFF, s19;
	v10, _, _ =	vpop (xrf0)  }
0x165: {  	v11 =	vadd.s32 s20, v10;
	_ =	sdelay $0x1  }
0x166: {  	(v2sf) =	vpush v10, $0xF;
	_ =	sdelay $0x2  }
0x167: {  	[tilespmem:v11+s11+$0x0] =	vst.idx.msk vm12, v9  }
0x168: {  	v9 =	vld [tilespmem:s18+$0x50];
	_ =	sdelay $0x4  }
0x169: {  	vm13 =	vgt.f32 v9, v7  }
0x16a: {  	v10 =	vsel vm13, $0x1, v2  }
0x16b: {  	(xrf0) =	vadd.scan.msk.s32 $0xffff, v10;
	_ =	sdelay $0x3  }
0x16c: {  	s28 =	spop (v2sf)  }
0x16d: {  	s19 =	sadd.s32 s19, s28  }
0x16e: {  	s20 =	sadd.s32 $0xFFFFFFFF, s19;
	v10, _, _ =	vpop (xrf0)  }
0x16f: {  	v11 =	vadd.s32 s20, v10;
	_ =	sdelay $0x1  }
0x170: {  	(v2sf) =	vpush v10, $0xF;
	_ =	sdelay $0x2  }
0x171: {  	[tilespmem:v11+s11+$0x0] =	vst.idx.msk vm13, v9  }
0x172: {  	v9 =	vld [tilespmem:s18+$0x60];
	_ =	sdelay $0x4  }
0x173: {  	vm14 =	vgt.f32 v9, v7  }
0x174: {  	v10 =	vsel vm14, $0x1, v2  }
0x175: {  	(xrf0) =	vadd.scan.msk.s32 $0xffff, v10;
	_ =	sdelay $0x3  }
0x176: {  	s29 =	spop (v2sf)  }
0x177: {  	s19 =	sadd.s32 s19, s29  }
0x178: {  	s20 =	sadd.s32 $0xFFFFFFFF, s19;
	v10, _, _ =	vpop (xrf0)  }
0x179: {  	v11 =	vadd.s32 s20, v10;
	_ =	sdelay $0x4  }
0x17a: {  	[tilespmem:v11+s11+$0x0] =	vst.idx.msk vm14, v9  }
0x17b: {  	v9 =	vld [tilespmem:s18+$0x70];
	_ =	sdelay $0x4  }
0x17c: {  	vm15 =	vgt.f32 v9, v7  }
0x17d: {  	v11 =	vsel vm15, $0x1, v2  }
0x17e: {  	(v2sf) =	vpush v10, $0xF;
	(xrf0) =	vadd.scan.msk.s32 $0xffff, v11;
	_ =	sdelay $0x5  }
0x17f: {  	v10, _, _ =	vpop (xrf0)  }
0x180: {  	(v2sf) =	vpush v10, $0xF;
	_ =	sdelay $0x7  }
0x181: {  	s30 =	spop (v2sf)  }
0x182: {  	s19 =	sadd.s32 s19, s30  }
0x183: {  	s20 =	sadd.s32 $0xFFFFFFFF, s19  }
0x184: {  	v10 =	vadd.s32 s20, v10  }
.Ltmp12:
0x185: {  	_ = 	snop;
	(pc) =	sbr.rel .LBB2_11-.Ltmp12, $3  }
0x186: {  	_ =	sdelay $0x1  }
0x187: {  	s31 =	spop (v2sf)  }
0x188: {  	[tilespmem:v10+s11+$0x0] =	vst.idx.msk vm15, v9;
	s19 =	sadd.s32 s19, s31  }
.LBB2_12:
.Ltmp13:
0x189: {  	(pc) =	sbr.rel .LBB2_13-.Ltmp13, $4  }
0x18a: {  	_ = 	snop  }
0x18b: {  	s17 =	sadd.s32 $0xF, s19  }
0x18c: {  	s17 =	sshra.s32 s17, $0x4  }
0x18d: {  	v9 =	vmov s19;
	s18 =	simm.s32 $0x0;
	s19 =	simm.s32 $0x0;
	p1 =	slt.s32 s17, $0x1  }
.LBB2_14:
0x18e: {  	v11 =	vimm.f32 $0.0e+00  }
.LBB2_24:
0x18f: {  	(xrf2) =	vadd.scan.msk.f32 $0xffff, v10  }
0x190: {  	(xrf2) =	vadd.scan.msk.f32 $0xffff, v11;
	_ =	sdelay $0x8  }
0x191: {  	v10, _, _ =	vpop (xrf2)  }
0x192: {  	v11, _, _ =	vpop (xrf2)  }
0x193: {  	v11 =	vmax.f32 v11, $1.000000000e+00  }
0x194: {  	v11 =	vbroadcast v11, $0xF;
	_ =	sdelay $0x1  }
0x195: {  	(erf) = vrcp.f32 v11;
	_ =	sdelay $0x5  }
0x196: {  	v10 =	vadd.f32 $-1.000000000e+00, v10;
	_ =	sdelay $0x1  }
0x197: {  	v10 =	vbroadcast v10, $0xF  }
0x198: {  	v11 =	vpop (erf)  }
0x199: {  	v10 =	vmul.f32 v11, v10;
	_ =	sdelay $0x1  }
0x19a: {  	vm0 =	veq.f32 v10, v7  }
0x19b: {  	v7 =	vsel vm0, $0x3F800000, v0  }
0x19c: {  	(xrf0) =	vmin.scan.msk.f32 $0xffff, v7;
	_ =	sdelay $0x5  }
0x19d: {  	v7, _, _ =	vpop (xrf0)  }
0x19e: {  	(v2sf) =	vpush v7, $0xF;
	_ =	sdelay $0xe  }
0x19f: {  	s20 =	spop (v2sf)  }
0x1a0: {  	p2 =	sgt.f32 s20, $0.0e+00;
	_ =	sdelay $0x1  }
0x1a1: {  	p3 =	sgt.u32 @!p2 s19, $0x3E  }
0x1a2: {  	p2 =	por p2, p3  }
.Ltmp14:
0x1a3: {  	_ = 	snop;
	(pc) =	sbr.rel @p2 .LBB2_15-.Ltmp14, $2  }
0x1a4: {  	_ =	sdelay $0x2  }
0x1a5: {  	v7 =	vmov v10;
	s19 =	sadd.s32 $0x1, s19  }
.LBB2_13:
.Ltmp15:
0x1a6: {  	(pc) =	sbr.rel @p1 .LBB2_14-.Ltmp15, $2  }
0x1a7: {  	_ =	sdelay $0x2  }
0x1a8: {  	v10 =	vimm.f32 $0.0e+00;
	s20 =	simm.s32 $0x8000  }
0x1a9: {  	v12 =	vld [tilespmem:s20+$0x0];
	p2 =	sne.s32 s17, $0x1  }
.Ltmp16:
0x1aa: {  	_ = 	snop;
	(pc) =	sbr.rel @!p2 .LBB2_23-.Ltmp16, $3  }
0x1ab: {  	_ =	sdelay $0x1  }
0x1ac: {  	v11 =	vor.u32 s18, v3  }
0x1ad: {  	s20 =	sadd.s32 $0xFFFFFFFF, s17;
	s21 =	simm.s32 $0x8010;
	s22 =	simm.s32 $0x0;
	vm0 =	vlt.s32 v11, v9;
	v11 =	vimm.f32 $0.0e+00;
	vm1 =	vgt.f32 v12, v7  }
.LBB2_22:
0x1ae: {  	v13 =	vld [tilespmem:s21+$0x0];
	p2 =	sne.s32 s20, $0x1;
	s20 =	sadd.s32 $0xFFFFFFFF, s20;
	vm0 =	vmand vm0, vm1  }
.Ltmp17:
0x1af: {  	v12 =	vnsel vm0, $0x0, v12;
	v14 =	vsel vm0, $0x3F800000, v0;
	(pc) =	sbr.rel @p2 .LBB2_22-.Ltmp17, $4  }
0x1b0: {  	v10 =	vadd.f32 v12, v10;
	v11 =	vadd.f32 v14, v11  }
0x1b1: {  	s22 =	sadd.s32 $0x10, s22  }
0x1b2: {  	v14 =	vor.u32 s22, v3  }
0x1b3: {  	s21 =	sadd.s32 $0x10, s21;
	vm0 =	vlt.s32 v14, v9;
	vm1 =	vgt.f32 v13, v7;
	v12 =	vmov v13  }
.LBB2_23:
.Ltmp18:
0x1b4: {  	(pc) =	sbr.rel .LBB2_24-.Ltmp18, $4  }
0x1b5: {  	vm0 =	vmand vm0, vm1  }
0x1b6: {  	v12 =	vnsel vm0, $0x0, v12  }
0x1b7: {  	v13 =	vsel vm0, $0x3F800000, v0;
	v10 =	vadd.f32 v12, v10  }
0x1b8: {  	v11 =	vadd.f32 v13, v11  }
.LBB2_15:
0x1b9: {  	p1 =	sgt.s32 s17, $0x0  }
.Ltmp19:
0x1ba: {  	_ = 	snop;
	(pc) =	sbr.rel @!p1 .LBB2_19-.Ltmp19, $2  }
0x1bb: {  	_ =	sdelay $0x2  }
0x1bc: {  	v7 =	vimm.f32 $0.0e+00  }
0x1bd: {  	s19 =	simm.s32 $0x8000  }
0x1be: {  	p1 =	sne.s32 s17, $0x1;
	v11 =	vld [tilespmem:s19+$0x0]  }
.Ltmp20:
0x1bf: {  	_ = 	snop;
	(pc) =	sbr.rel @!p1 .LBB2_18-.Ltmp20, $4  }
0x1c0: {  	_ = 	snop  }
0x1c1: {  	s18 =	simm.s32 $0x0  }
0x1c2: {  	v12 =	vor.u32 s18, v3  }
0x1c3: {  	s17 =	sadd.s32 $0xFFFFFFFF, s17;
	s19 =	simm.s32 $0x8010;
	vm0 =	vlt.s32 v12, v9;
	vm1 =	vgt.f32 v11, v10  }
.LBB2_17:
0x1c4: {  	v11 =	vld [tilespmem:s19+$0x0];
	p1 =	sne.s32 s17, $0x1;
	s17 =	sadd.s32 $0xFFFFFFFF, s17;
	vm0 =	vmand vm0, vm1  }
.Ltmp21:
0x1c5: {  	v12 =	vsel vm0, $0x3F800000, v0;
	(pc) =	sbr.rel @p1 .LBB2_17-.Ltmp21, $4  }
0x1c6: {  	v7 =	vadd.f32 v12, v7  }
0x1c7: {  	s18 =	sadd.s32 $0x10, s18  }
0x1c8: {  	v12 =	vor.u32 s18, v3  }
0x1c9: {  	s19 =	sadd.s32 $0x10, s19;
	vm0 =	vlt.s32 v12, v9;
	vm1 =	vgt.f32 v11, v10  }
.LBB2_18:
0x1ca: {  	vm0 =	vmand vm0, vm1  }
0x1cb: {  	v9 =	vsel vm0, $0x3F800000, v0  }
0x1cc: {  	v7 =	vadd.f32 v9, v7  }
.LBB2_19:
0x1cd: {  	_ = 	snop  }
0x1ce: {  	(xrf2) =	vadd.scan.msk.f32 $0xffff, v7;
	_ =	sdelay $0x9  }
0x1cf: {  	v7, _, _ =	vpop (xrf2)  }
0x1d0: {  	v9 =	vsub.f32 $3.276400000e+04, v6;
	v7 =	vbroadcast v7, $0xF;
	_ =	sdelay $0x1  }
0x1d1: {  	v7 =	vadd.f32 v7, v9;
	_ =	sdelay $0x1  }
0x1d2: {  	v6 =	vsub.f32 v7, v6;
	_ =	sdelay $0x1  }
0x1d3: {  	vm0 =	vlt.f32 v6, $5.000000000e-01  }
0x1d4: {  	v9 =	vsel vm0, $0x3F800000, v0  }
0x1d5: {  	(xrf0) =	vmin.scan.msk.f32 $0xffff, v9;
	_ =	sdelay $0x5  }
0x1d6: {  	v9, _, _ =	vpop (xrf0)  }
0x1d7: {  	(v2sf) =	vpush v9, $0xF;
	_ =	sdelay $0xe  }
0x1d8: {  	s17 =	spop (v2sf)  }
0x1d9: {  	p1 =	sgt.f32 s17, $0.0e+00  }
.Ltmp22:
0x1da: {  	_ = 	snop;
	(pc) =	sbr.rel @!p1 .LBB2_20-.Ltmp22, $2  }
0x1db: {  	_ =	sdelay $0x2  }
0x1dc: {  	s18 =	simm.s32 $0x0  }
0x1dd: {  	s17 =	sshra.s32 s18, $0x2;
	s18 =	sadd.s32 $0x400, s18  }
.LBB2_26:
0x1de: {  	p1 =	sne.s32 s18, $0x3C00;
	[tilespmem:s17+$0x110F0] =	vst v0  }
0x1df: {  	[tilespmem:s17+$0x10000] =	vst v0  }
0x1e0: {  	[tilespmem:s17+$0x11000] =	vst v0  }
0x1e1: {  	[tilespmem:s17+$0x10010] =	vst v0  }
0x1e2: {  	[tilespmem:s17+$0x11010] =	vst v0  }
0x1e3: {  	[tilespmem:s17+$0x10020] =	vst v0  }
0x1e4: {  	[tilespmem:s17+$0x11020] =	vst v0  }
0x1e5: {  	[tilespmem:s17+$0x10030] =	vst v0  }
0x1e6: {  	[tilespmem:s17+$0x11030] =	vst v0  }
0x1e7: {  	[tilespmem:s17+$0x10040] =	vst v0  }
0x1e8: {  	[tilespmem:s17+$0x11040] =	vst v0  }
0x1e9: {  	[tilespmem:s17+$0x10050] =	vst v0  }
0x1ea: {  	[tilespmem:s17+$0x11050] =	vst v0  }
0x1eb: {  	[tilespmem:s17+$0x10060] =	vst v0  }
0x1ec: {  	[tilespmem:s17+$0x11060] =	vst v0  }
0x1ed: {  	[tilespmem:s17+$0x10070] =	vst v0  }
0x1ee: {  	[tilespmem:s17+$0x11070] =	vst v0  }
0x1ef: {  	[tilespmem:s17+$0x10080] =	vst v0  }
0x1f0: {  	[tilespmem:s17+$0x11080] =	vst v0  }
0x1f1: {  	[tilespmem:s17+$0x10090] =	vst v0  }
0x1f2: {  	[tilespmem:s17+$0x11090] =	vst v0  }
0x1f3: {  	[tilespmem:s17+$0x100A0] =	vst v0  }
0x1f4: {  	[tilespmem:s17+$0x110A0] =	vst v0  }
0x1f5: {  	[tilespmem:s17+$0x100B0] =	vst v0  }
0x1f6: {  	[tilespmem:s17+$0x110B0] =	vst v0  }
0x1f7: {  	[tilespmem:s17+$0x100C0] =	vst v0  }
0x1f8: {  	[tilespmem:s17+$0x110C0] =	vst v0  }
.Ltmp23:
0x1f9: {  	[tilespmem:s17+$0x100D0] =	vst v0;
	(pc) =	sbr.rel @p1 .LBB2_26-.Ltmp23, $4  }
0x1fa: {  	[tilespmem:s17+$0x110D0] =	vst v0  }
0x1fb: {  	[tilespmem:s17+$0x100E0] =	vst v0  }
0x1fc: {  	[tilespmem:s17+$0x110E0] =	vst v0  }
0x1fd: {  	[tilespmem:s17+$0x100F0] =	vst v0;
	s17 =	sshra.s32 s18, $0x2;
	s18 =	sadd.s32 $0x400, s18  }
0x1fe: {  	[tilespmem:s17+$0x110F0] =	vst v0  }
0x1ff: {  	[tilespmem:s17+$0x10000] =	vst v0  }
0x200: {  	[tilespmem:s17+$0x11000] =	vst v0  }
0x201: {  	[tilespmem:s17+$0x10010] =	vst v0  }
0x202: {  	[tilespmem:s17+$0x11010] =	vst v0  }
0x203: {  	[tilespmem:s17+$0x10020] =	vst v0  }
0x204: {  	[tilespmem:s17+$0x11020] =	vst v0  }
0x205: {  	[tilespmem:s17+$0x10030] =	vst v0  }
0x206: {  	[tilespmem:s17+$0x11030] =	vst v0  }
0x207: {  	[tilespmem:s17+$0x10040] =	vst v0  }
0x208: {  	[tilespmem:s17+$0x11040] =	vst v0  }
0x209: {  	[tilespmem:s17+$0x10050] =	vst v0  }
0x20a: {  	[tilespmem:s17+$0x11050] =	vst v0  }
0x20b: {  	[tilespmem:s17+$0x10060] =	vst v0  }
0x20c: {  	[tilespmem:s17+$0x11060] =	vst v0  }
0x20d: {  	[tilespmem:s17+$0x10070] =	vst v0  }
0x20e: {  	[tilespmem:s17+$0x11070] =	vst v0  }
0x20f: {  	[tilespmem:s17+$0x10080] =	vst v0;
	v9 =	vsub.f32 v8, v5  }
0x210: {  	[tilespmem:s17+$0x11080] =	vst v0  }
0x211: {  	[tilespmem:s17+$0x10090] =	vst v0;
	v9 =	vmul.f32 $3.906250000e-03, v9  }
0x212: {  	[tilespmem:s17+$0x11090] =	vst v0;
	vm0 =	vgt.f32 v8, v5  }
0x213: {  	[tilespmem:s17+$0x100A0] =	vst v0;
	v8 =	vnsel vm0, $0x3F800000, v9  }
0x214: {  	[tilespmem:s17+$0x110A0] =	vst v0;
	(erf) = vrcp.f32 v8  }
0x215: {  	[tilespmem:s17+$0x100B0] =	vst v0  }
0x216: {  	[tilespmem:s17+$0x110B0] =	vst v0  }
0x217: {  	[tilespmem:s17+$0x100C0] =	vst v0  }
0x218: {  	[tilespmem:s17+$0x110C0] =	vst v0  }
0x219: {  	[tilespmem:s17+$0x100D0] =	vst v0  }
0x21a: {  	[tilespmem:s17+$0x110D0] =	vst v0  }
0x21b: {  	[tilespmem:s17+$0x100E0] =	vst v0  }
0x21c: {  	[tilespmem:s17+$0x110E0] =	vst v0  }
0x21d: {  	[tilespmem:s17+$0x100F0] =	vst v0;
	s17 =	simm.s32 $0x0;
	v10 =	vpop (erf)  }
.LBB2_28:
0x21e: {  	s18 =	sshra.s32 s17, $0x2  }
0x21f: {  	v9 =	vld [tilespmem:s18+$0x0];
	_ =	sdelay $0x4  }
0x220: {  	v11 =	vsub.f32 v9, v5;
	_ =	sdelay $0x1  }
0x221: {  	v11 =	vmul.f32 v11, v10;
	_ =	sdelay $0x1  }
0x222: {  	v11 =	vmax.f32 v11, $0.0e+00  }
0x223: {  	v11 =	vmin.f32 v11, $2.550000000e+02  }
0x224: {  	v11 =	vtrunc.f32 v11  }
0x225: {  	v11 =	vcvt.f32.s32 v11;
	_ =	sdelay $0x1  }
0x226: {  	v11 =	vshll.u32 v11, $0x4  }
0x227: {  	v11 =	vor.u32 v3, v11;
	_ =	sdelay $0x4  }
0x228: {  	[tilespmem:v11+s13+$0x0] =	vst.idx.add.f32.msk $0xffff, v4  }
0x229: {  	[tilespmem:v11+s14+$0x0] =	vst.idx.add.f32.msk $0xffff, v9  }
0x22a: {  	v9 =	vld [tilespmem:s18+$0x10];
	_ =	sdelay $0x4  }
0x22b: {  	v11 =	vsub.f32 v9, v5;
	_ =	sdelay $0x1  }
0x22c: {  	v11 =	vmul.f32 v11, v10;
	_ =	sdelay $0x1  }
0x22d: {  	v11 =	vmax.f32 v11, $0.0e+00  }
0x22e: {  	v11 =	vmin.f32 v11, $2.550000000e+02  }
0x22f: {  	v11 =	vtrunc.f32 v11  }
0x230: {  	v11 =	vcvt.f32.s32 v11;
	_ =	sdelay $0x1  }
0x231: {  	v11 =	vshll.u32 v11, $0x4  }
0x232: {  	v11 =	vor.u32 v3, v11;
	_ =	sdelay $0x4  }
0x233: {  	[tilespmem:v11+s13+$0x0] =	vst.idx.add.f32.msk $0xffff, v4  }
0x234: {  	[tilespmem:v11+s14+$0x0] =	vst.idx.add.f32.msk $0xffff, v9  }
0x235: {  	v9 =	vld [tilespmem:s18+$0x20];
	_ =	sdelay $0x4  }
0x236: {  	v11 =	vsub.f32 v9, v5;
	_ =	sdelay $0x1  }
0x237: {  	v11 =	vmul.f32 v11, v10;
	_ =	sdelay $0x1  }
0x238: {  	v11 =	vmax.f32 v11, $0.0e+00  }
0x239: {  	v11 =	vmin.f32 v11, $2.550000000e+02  }
0x23a: {  	v11 =	vtrunc.f32 v11  }
0x23b: {  	v11 =	vcvt.f32.s32 v11;
	_ =	sdelay $0x1  }
0x23c: {  	v11 =	vshll.u32 v11, $0x4  }
0x23d: {  	v11 =	vor.u32 v3, v11;
	_ =	sdelay $0x4  }
0x23e: {  	[tilespmem:v11+s13+$0x0] =	vst.idx.add.f32.msk $0xffff, v4  }
0x23f: {  	[tilespmem:v11+s14+$0x0] =	vst.idx.add.f32.msk $0xffff, v9  }
0x240: {  	v9 =	vld [tilespmem:s18+$0x30];
	_ =	sdelay $0x4  }
0x241: {  	v11 =	vsub.f32 v9, v5;
	_ =	sdelay $0x1  }
0x242: {  	v11 =	vmul.f32 v11, v10;
	_ =	sdelay $0x1  }
0x243: {  	v11 =	vmax.f32 v11, $0.0e+00  }
0x244: {  	v11 =	vmin.f32 v11, $2.550000000e+02  }
0x245: {  	v11 =	vtrunc.f32 v11  }
0x246: {  	v11 =	vcvt.f32.s32 v11;
	_ =	sdelay $0x1  }
0x247: {  	v11 =	vshll.u32 v11, $0x4  }
0x248: {  	v11 =	vor.u32 v3, v11;
	_ =	sdelay $0x4  }
0x249: {  	[tilespmem:v11+s13+$0x0] =	vst.idx.add.f32.msk $0xffff, v4  }
0x24a: {  	[tilespmem:v11+s14+$0x0] =	vst.idx.add.f32.msk $0xffff, v9  }
0x24b: {  	v9 =	vld [tilespmem:s18+$0x40];
	_ =	sdelay $0x4  }
0x24c: {  	v11 =	vsub.f32 v9, v5;
	_ =	sdelay $0x1  }
0x24d: {  	v11 =	vmul.f32 v11, v10;
	_ =	sdelay $0x1  }
0x24e: {  	v11 =	vmax.f32 v11, $0.0e+00  }
0x24f: {  	v11 =	vmin.f32 v11, $2.550000000e+02  }
0x250: {  	v11 =	vtrunc.f32 v11  }
0x251: {  	v11 =	vcvt.f32.s32 v11;
	_ =	sdelay $0x1  }
0x252: {  	v11 =	vshll.u32 v11, $0x4  }
0x253: {  	v11 =	vor.u32 v3, v11;
	_ =	sdelay $0x4  }
0x254: {  	[tilespmem:v11+s13+$0x0] =	vst.idx.add.f32.msk $0xffff, v4  }
0x255: {  	[tilespmem:v11+s14+$0x0] =	vst.idx.add.f32.msk $0xffff, v9  }
0x256: {  	v9 =	vld [tilespmem:s18+$0x50];
	_ =	sdelay $0x4  }
0x257: {  	v11 =	vsub.f32 v9, v5;
	_ =	sdelay $0x1  }
0x258: {  	v11 =	vmul.f32 v11, v10;
	_ =	sdelay $0x1  }
0x259: {  	v11 =	vmax.f32 v11, $0.0e+00  }
0x25a: {  	v11 =	vmin.f32 v11, $2.550000000e+02  }
0x25b: {  	v11 =	vtrunc.f32 v11  }
0x25c: {  	v11 =	vcvt.f32.s32 v11;
	_ =	sdelay $0x1  }
0x25d: {  	v11 =	vshll.u32 v11, $0x4  }
0x25e: {  	v11 =	vor.u32 v3, v11;
	_ =	sdelay $0x4  }
0x25f: {  	[tilespmem:v11+s13+$0x0] =	vst.idx.add.f32.msk $0xffff, v4  }
0x260: {  	[tilespmem:v11+s14+$0x0] =	vst.idx.add.f32.msk $0xffff, v9  }
0x261: {  	v9 =	vld [tilespmem:s18+$0x60];
	_ =	sdelay $0x4  }
0x262: {  	v11 =	vsub.f32 v9, v5;
	_ =	sdelay $0x1  }
0x263: {  	v11 =	vmul.f32 v11, v10;
	_ =	sdelay $0x1  }
0x264: {  	v11 =	vmax.f32 v11, $0.0e+00  }
0x265: {  	v11 =	vmin.f32 v11, $2.550000000e+02  }
0x266: {  	v11 =	vtrunc.f32 v11  }
0x267: {  	v11 =	vcvt.f32.s32 v11;
	_ =	sdelay $0x1  }
0x268: {  	v11 =	vshll.u32 v11, $0x4  }
0x269: {  	v11 =	vor.u32 v3, v11;
	_ =	sdelay $0x4  }
0x26a: {  	[tilespmem:v11+s13+$0x0] =	vst.idx.add.f32.msk $0xffff, v4  }
0x26b: {  	[tilespmem:v11+s14+$0x0] =	vst.idx.add.f32.msk $0xffff, v9  }
0x26c: {  	v9 =	vld [tilespmem:s18+$0x70];
	_ =	sdelay $0x4  }
0x26d: {  	v11 =	vsub.f32 v9, v5;
	_ =	sdelay $0x1  }
0x26e: {  	v11 =	vmul.f32 v11, v10;
	_ =	sdelay $0x1  }
0x26f: {  	v11 =	vmax.f32 v11, $0.0e+00  }
0x270: {  	v11 =	vmin.f32 v11, $2.550000000e+02  }
0x271: {  	v11 =	vtrunc.f32 v11  }
0x272: {  	v11 =	vcvt.f32.s32 v11;
	_ =	sdelay $0x1  }
0x273: {  	v11 =	vshll.u32 v11, $0x4  }
0x274: {  	v11 =	vor.u32 v3, v11;
	_ =	sdelay $0x4  }
0x275: {  	[tilespmem:v11+s13+$0x0] =	vst.idx.add.f32.msk $0xffff, v4  }
0x276: {  	[tilespmem:v11+s14+$0x0] =	vst.idx.add.f32.msk $0xffff, v9  }
0x277: {  	v9 =	vld [tilespmem:s18+$0x80];
	_ =	sdelay $0x4  }
0x278: {  	v11 =	vsub.f32 v9, v5;
	_ =	sdelay $0x1  }
0x279: {  	v11 =	vmul.f32 v11, v10;
	_ =	sdelay $0x1  }
0x27a: {  	v11 =	vmax.f32 v11, $0.0e+00  }
0x27b: {  	v11 =	vmin.f32 v11, $2.550000000e+02  }
0x27c: {  	v11 =	vtrunc.f32 v11  }
0x27d: {  	v11 =	vcvt.f32.s32 v11;
	_ =	sdelay $0x1  }
0x27e: {  	v11 =	vshll.u32 v11, $0x4  }
0x27f: {  	v11 =	vor.u32 v3, v11;
	_ =	sdelay $0x4  }
0x280: {  	[tilespmem:v11+s13+$0x0] =	vst.idx.add.f32.msk $0xffff, v4  }
0x281: {  	[tilespmem:v11+s14+$0x0] =	vst.idx.add.f32.msk $0xffff, v9  }
0x282: {  	v9 =	vld [tilespmem:s18+$0x90];
	_ =	sdelay $0x4  }
0x283: {  	v11 =	vsub.f32 v9, v5;
	_ =	sdelay $0x1  }
0x284: {  	v11 =	vmul.f32 v11, v10;
	_ =	sdelay $0x1  }
0x285: {  	v11 =	vmax.f32 v11, $0.0e+00  }
0x286: {  	v11 =	vmin.f32 v11, $2.550000000e+02  }
0x287: {  	v11 =	vtrunc.f32 v11  }
0x288: {  	v11 =	vcvt.f32.s32 v11;
	_ =	sdelay $0x1  }
0x289: {  	v11 =	vshll.u32 v11, $0x4  }
0x28a: {  	v11 =	vor.u32 v3, v11;
	_ =	sdelay $0x4  }
0x28b: {  	[tilespmem:v11+s13+$0x0] =	vst.idx.add.f32.msk $0xffff, v4  }
0x28c: {  	[tilespmem:v11+s14+$0x0] =	vst.idx.add.f32.msk $0xffff, v9  }
0x28d: {  	v9 =	vld [tilespmem:s18+$0xA0];
	_ =	sdelay $0x4  }
0x28e: {  	v11 =	vsub.f32 v9, v5;
	_ =	sdelay $0x1  }
0x28f: {  	v11 =	vmul.f32 v11, v10;
	_ =	sdelay $0x1  }
0x290: {  	v11 =	vmax.f32 v11, $0.0e+00  }
0x291: {  	v11 =	vmin.f32 v11, $2.550000000e+02  }
0x292: {  	v11 =	vtrunc.f32 v11  }
0x293: {  	v11 =	vcvt.f32.s32 v11;
	_ =	sdelay $0x1  }
0x294: {  	v11 =	vshll.u32 v11, $0x4  }
0x295: {  	v11 =	vor.u32 v3, v11;
	_ =	sdelay $0x4  }
0x296: {  	[tilespmem:v11+s13+$0x0] =	vst.idx.add.f32.msk $0xffff, v4  }
0x297: {  	[tilespmem:v11+s14+$0x0] =	vst.idx.add.f32.msk $0xffff, v9  }
0x298: {  	v9 =	vld [tilespmem:s18+$0xB0];
	_ =	sdelay $0x4  }
0x299: {  	v11 =	vsub.f32 v9, v5;
	_ =	sdelay $0x1  }
0x29a: {  	v11 =	vmul.f32 v11, v10;
	_ =	sdelay $0x1  }
0x29b: {  	v11 =	vmax.f32 v11, $0.0e+00  }
0x29c: {  	v11 =	vmin.f32 v11, $2.550000000e+02  }
0x29d: {  	v11 =	vtrunc.f32 v11  }
0x29e: {  	v11 =	vcvt.f32.s32 v11;
	_ =	sdelay $0x1  }
0x29f: {  	v11 =	vshll.u32 v11, $0x4  }
0x2a0: {  	v11 =	vor.u32 v3, v11;
	_ =	sdelay $0x4  }
0x2a1: {  	[tilespmem:v11+s13+$0x0] =	vst.idx.add.f32.msk $0xffff, v4  }
0x2a2: {  	[tilespmem:v11+s14+$0x0] =	vst.idx.add.f32.msk $0xffff, v9  }
0x2a3: {  	v9 =	vld [tilespmem:s18+$0xC0];
	_ =	sdelay $0x4  }
0x2a4: {  	v11 =	vsub.f32 v9, v5;
	_ =	sdelay $0x1  }
0x2a5: {  	v11 =	vmul.f32 v11, v10;
	_ =	sdelay $0x1  }
0x2a6: {  	v11 =	vmax.f32 v11, $0.0e+00  }
0x2a7: {  	v11 =	vmin.f32 v11, $2.550000000e+02  }
0x2a8: {  	v11 =	vtrunc.f32 v11  }
0x2a9: {  	v11 =	vcvt.f32.s32 v11;
	_ =	sdelay $0x1  }
0x2aa: {  	v11 =	vshll.u32 v11, $0x4  }
0x2ab: {  	v11 =	vor.u32 v3, v11;
	_ =	sdelay $0x4  }
0x2ac: {  	[tilespmem:v11+s13+$0x0] =	vst.idx.add.f32.msk $0xffff, v4  }
0x2ad: {  	[tilespmem:v11+s14+$0x0] =	vst.idx.add.f32.msk $0xffff, v9  }
0x2ae: {  	v9 =	vld [tilespmem:s18+$0xD0];
	_ =	sdelay $0x4  }
0x2af: {  	v11 =	vsub.f32 v9, v5;
	_ =	sdelay $0x1  }
0x2b0: {  	v11 =	vmul.f32 v11, v10;
	_ =	sdelay $0x1  }
0x2b1: {  	v11 =	vmax.f32 v11, $0.0e+00  }
0x2b2: {  	v11 =	vmin.f32 v11, $2.550000000e+02  }
0x2b3: {  	v11 =	vtrunc.f32 v11  }
0x2b4: {  	v11 =	vcvt.f32.s32 v11;
	_ =	sdelay $0x1  }
0x2b5: {  	v11 =	vshll.u32 v11, $0x4  }
0x2b6: {  	v11 =	vor.u32 v3, v11;
	_ =	sdelay $0x4  }
0x2b7: {  	[tilespmem:v11+s13+$0x0] =	vst.idx.add.f32.msk $0xffff, v4  }
0x2b8: {  	[tilespmem:v11+s14+$0x0] =	vst.idx.add.f32.msk $0xffff, v9  }
0x2b9: {  	v9 =	vld [tilespmem:s18+$0xE0];
	_ =	sdelay $0x4  }
0x2ba: {  	v11 =	vsub.f32 v9, v5;
	_ =	sdelay $0x1  }
0x2bb: {  	v11 =	vmul.f32 v11, v10;
	_ =	sdelay $0x1  }
0x2bc: {  	v11 =	vmax.f32 v11, $0.0e+00  }
0x2bd: {  	v11 =	vmin.f32 v11, $2.550000000e+02  }
0x2be: {  	v11 =	vtrunc.f32 v11  }
0x2bf: {  	v11 =	vcvt.f32.s32 v11;
	_ =	sdelay $0x1  }
0x2c0: {  	v11 =	vshll.u32 v11, $0x4  }
0x2c1: {  	v11 =	vor.u32 v3, v11;
	_ =	sdelay $0x4  }
0x2c2: {  	[tilespmem:v11+s13+$0x0] =	vst.idx.add.f32.msk $0xffff, v4  }
0x2c3: {  	[tilespmem:v11+s14+$0x0] =	vst.idx.add.f32.msk $0xffff, v9  }
0x2c4: {  	v11 =	vld [tilespmem:s18+$0xF0];
	_ =	sdelay $0x4  }
0x2c5: {  	v9 =	vsub.f32 v11, v5;
	_ =	sdelay $0x1  }
0x2c6: {  	v9 =	vmul.f32 v9, v10;
	_ =	sdelay $0x1  }
0x2c7: {  	v9 =	vmax.f32 v9, $0.0e+00  }
0x2c8: {  	v9 =	vmin.f32 v9, $2.550000000e+02  }
0x2c9: {  	v9 =	vtrunc.f32 v9  }
0x2ca: {  	v9 =	vcvt.f32.s32 v9;
	_ =	sdelay $0x1  }
0x2cb: {  	v9 =	vshll.u32 v9, $0x4  }
0x2cc: {  	v12 =	vor.u32 v3, v9  }
0x2cd: {  	p1 =	sne.s32 s17, $0x1FC00  }
.Ltmp24:
0x2ce: {  	_ = 	snop;
	(pc) =	sbr.rel @p1 .LBB2_28-.Ltmp24, $3  }
0x2cf: {  	_ =	sdelay $0x1  }
0x2d0: {  	[tilespmem:v12+s13+$0x0] =	vst.idx.add.f32.msk $0xffff, v4  }
0x2d1: {  	s17 =	sadd.s32 $0x400, s17;
	v9 =	vimm.f32 $0.0e+00;
	[tilespmem:v12+s14+$0x0] =	vst.idx.add.f32.msk $0xffff, v11  }
0x2d2: {  	s17 =	simm.s32 $0x0  }
0x2d3: {  	v10 =	vld [tilespmem:s17+$0x10FF0]  }
0x2d4: {  	v11 =	vld [tilespmem:s17+$0x10FC0]  }
0x2d5: {  	v12 =	vld [tilespmem:s17+$0x10FA0]  }
0x2d6: {  	v13 =	vld [tilespmem:s17+$0x10F70]  }
0x2d7: {  	v14 =	vld [tilespmem:s17+$0x10F50]  }
0x2d8: {  	v15 =	vld [tilespmem:s17+$0x10F80];
	(xrf2) =	vadd.scan.msk.f32 $0xffff, v10  }
0x2d9: {  	v10 =	vld [tilespmem:s17+$0x10F20];
	(xrf2) =	vadd.scan.msk.f32 $0xffff, v11  }
0x2da: {  	v11 =	vld [tilespmem:s17+$0x10F40];
	(xrf2) =	vadd.scan.msk.f32 $0xffff, v12  }
0x2db: {  	v12 =	vld [tilespmem:s17+$0x10F10];
	(xrf2) =	vadd.scan.msk.f32 $0xffff, v13  }
0x2dc: {  	v13 =	vld [tilespmem:s17+$0x10F90];
	(xrf2) =	vadd.scan.msk.f32 $0xffff, v14  }
0x2dd: {  	v14 =	vld [tilespmem:s17+$0x10F00];
	(xrf2) =	vadd.scan.msk.f32 $0xffff, v15  }
0x2de: {  	v15 =	vld [tilespmem:s17+$0x10F60];
	(xrf2) =	vadd.scan.msk.f32 $0xffff, v10  }
0x2df: {  	v10 =	vld [tilespmem:s17+$0x10FD0];
	(xrf2) =	vadd.scan.msk.f32 $0xffff, v11  }
0x2e0: {  	v11 =	vld [tilespmem:s17+$0x10FE0];
	(xrf2) =	vadd.scan.msk.f32 $0xffff, v12  }
0x2e1: {  	(xrf2) =	vadd.scan.msk.f32 $0xffff, v13  }
0x2e2: {  	v12, _, _ =	vpop (xrf2);
	(xrf2) =	vadd.scan.msk.f32 $0xffff, v14  }
0x2e3: {  	v13, _, _ =	vpop (xrf2);
	(xrf2) =	vadd.scan.msk.f32 $0xffff, v15  }
0x2e4: {  	v14, _, _ =	vpop (xrf2);
	(xrf2) =	vadd.scan.msk.f32 $0xffff, v10  }
0x2e5: {  	v10, _, _ =	vpop (xrf2);
	(xrf2) =	vadd.scan.msk.f32 $0xffff, v11  }
0x2e6: {  	v11 =	vld [tilespmem:s17+$0x10F30];
	v15, _, _ =	vpop (xrf2)  }
0x2e7: {  	v16 =	vld [tilespmem:s17+$0x10FB0];
	v17, _, _ =	vpop (xrf2)  }
0x2e8: {  	v18, _, _ =	vpop (xrf2)  }
0x2e9: {  	v19, _, _ =	vpop (xrf2)  }
0x2ea: {  	v20, _, _ =	vpop (xrf2)  }
0x2eb: {  	v21, _, _ =	vpop (xrf2);
	(xrf2) =	vadd.scan.msk.f32 $0xffff, v11  }
0x2ec: {  	v11, _, _ =	vpop (xrf2);
	(xrf2) =	vadd.scan.msk.f32 $0xffff, v16  }
0x2ed: {  	v16, _, _ =	vpop (xrf2)  }
0x2ee: {  	v12 =	vbroadcast v12, $0xF;
	v22, _, _ =	vpop (xrf2)  }
0x2ef: {  	v23, _, _ =	vpop (xrf2)  }
0x2f0: {  	v12 =	vadd.f32 v12, v9;
	v23 =	vbroadcast v23, $0xF;
	_ =	sdelay $0x1  }
0x2f1: {  	vm0 =	vgt.f32 v12, v7;
	v12 =	vadd.f32 v23, v12  }
0x2f2: {  	v22 =	vbroadcast v22, $0xF;
	v23 =	vsel vm0, $0x3F800000, v9  }
0x2f3: {  	v23 =	vadd.f32 v23, v9;
	vm0 =	vgt.f32 v12, v7  }
0x2f4: {  	s31 =	simm.s32 $0xFFFFFF00;
	v13 =	vbroadcast v13, $0xF;
	v12 =	vadd.f32 v22, v12;
	v24, _, _ =	vpop (xrf2);
	v22 =	vsel vm0, $0x3F800000, v9  }
0x2f5: {  	v25 =	vld [tilespmem:s31+$0x10FF0];
	v26, _, _ =	vpop (xrf2);
	v22 =	vadd.f32 v22, v23  }
0x2f6: {  	v23 =	vld [tilespmem:s31+$0x10FC0];
	vm0 =	vgt.f32 v12, v7;
	v12 =	vadd.f32 v13, v12;
	v13 =	vbroadcast v26, $0xF  }
0x2f7: {  	v14 =	vbroadcast v14, $0xF;
	v26 =	vld [tilespmem:s31+$0x10FA0];
	v27 =	vsel vm0, $0x3F800000, v9  }
0x2f8: {  	v28 =	vld [tilespmem:s31+$0x10F70];
	v22 =	vadd.f32 v27, v22;
	vm0 =	vgt.f32 v12, v7;
	v12 =	vadd.f32 v13, v12  }
0x2f9: {  	v21 =	vbroadcast v21, $0xF;
	v13 =	vld [tilespmem:s31+$0x10F50];
	v27 =	vsel vm0, $0x3F800000, v9  }
0x2fa: {  	(xrf2) =	vadd.scan.msk.f32 $0xffff, v25;
	v22 =	vadd.f32 v27, v22;
	vm0 =	vgt.f32 v12, v7;
	v12 =	vadd.f32 v14, v12  }
0x2fb: {  	v14 =	vbroadcast v17, $0xF;
	(xrf2) =	vadd.scan.msk.f32 $0xffff, v23;
	v23 =	vsel vm0, $0x3F800000, v9  }
0x2fc: {  	v29 =	vld [tilespmem:s31+$0x10F80];
	(xrf2) =	vadd.scan.msk.f32 $0xffff, v26;
	v22 =	vadd.f32 v23, v22;
	vm0 =	vgt.f32 v12, v7;
	v12 =	vadd.f32 v21, v12  }
0x2fd: {  	v10 =	vbroadcast v10, $0xF;
	v17 =	vld [tilespmem:s31+$0x10F20];
	(xrf2) =	vadd.scan.msk.f32 $0xffff, v28;
	v23 =	vsel vm0, $0x3F800000, v9  }
0x2fe: {  	v25 =	vld [tilespmem:s31+$0x10F40];
	(xrf2) =	vadd.scan.msk.f32 $0xffff, v13;
	v13 =	vadd.f32 v23, v22;
	vm0 =	vgt.f32 v12, v7;
	v12 =	vadd.f32 v14, v12  }
0x2ff: {  	v21 =	vld [tilespmem:s31+$0x10F10];
	v22 =	vsel vm0, $0x3F800000, v9  }
0x300: {  	v26 =	vld [tilespmem:s31+$0x10F90];
	v13 =	vadd.f32 v22, v13;
	vm0 =	vgt.f32 v12, v7;
	v10 =	vadd.f32 v10, v12  }
0x301: {  	v16 =	vbroadcast v16, $0xF;
	v14 =	vld [tilespmem:s31+$0x10F00];
	(xrf2) =	vadd.scan.msk.f32 $0xffff, v29;
	v12 =	vbroadcast v15, $0xF;
	v15 =	vsel vm0, $0x3F800000, v9  }
0x302: {  	(xrf2) =	vadd.scan.msk.f32 $0xffff, v17;
	v13 =	vadd.f32 v15, v13;
	vm0 =	vgt.f32 v10, v7  }
0x303: {  	(xrf2) =	vadd.scan.msk.f32 $0xffff, v25;
	v10 =	vadd.f32 v16, v10;
	v16 =	vsel vm0, $0x3F800000, v9  }
0x304: {  	(xrf2) =	vadd.scan.msk.f32 $0xffff, v21;
	v13 =	vadd.f32 v16, v13;
	v16 =	vbroadcast v24, $0xF;
	v24 =	vld [tilespmem:s31+$0x10F60]  }
0x305: {  	v15 =	vbroadcast v19, $0xF;
	(xrf2) =	vadd.scan.msk.f32 $0xffff, v26;
	vm0 =	vgt.f32 v10, v7  }
0x306: {  	v19, _, _ =	vpop (xrf2);
	(xrf2) =	vadd.scan.msk.f32 $0xffff, v14;
	v10 =	vadd.f32 v12, v10;
	v14 =	vsel vm0, $0x3F800000, v9  }
0x307: {  	v28 =	vld [tilespmem:s31+$0x10FD0];
	v12, _, _ =	vpop (xrf2);
	v13 =	vadd.f32 v14, v13  }
0x308: {  	v17 =	vbroadcast v18, $0xF;
	v18, _, _ =	vpop (xrf2);
	vm0 =	vgt.f32 v10, v7;
	v10 =	vadd.f32 v15, v10  }
0x309: {  	v29 =	vbroadcast v11, $0xF;
	v15, _, _ =	vpop (xrf2);
	v14 =	vbroadcast v12, $0xF;
	v12 =	vsel vm0, $0x3F800000, v9;
	(xrf2) =	vadd.scan.msk.f32 $0xffff, v24  }
0x30a: {  	v23 =	vld [tilespmem:s31+$0x10FE0];
	v27, _, _ =	vpop (xrf2);
	v12 =	vadd.f32 v12, v13;
	vm0 =	vgt.f32 v10, v7;
	v10 =	vadd.f32 v16, v10  }
0x30b: {  	s17 =	simm.s32 $0xFFFFFE00;
	v22 =	vld [tilespmem:s31+$0x10F30];
	v26 =	vbroadcast v20, $0xF;
	v16 =	vbroadcast v18, $0xF;
	v11 =	vsel vm0, $0x3F800000, v9;
	v13, _, _ =	vpop (xrf2)  }
0x30c: {  	v25 =	vld [tilespmem:s17+$0x10FF0];
	v18 =	vadd.f32 v11, v12;
	vm0 =	vgt.f32 v10, v7;
	v10 =	vadd.f32 v17, v10;
	(xrf2) =	vadd.scan.msk.f32 $0xffff, v28;
	v21, _, _ =	vpop (xrf2)  }
0x30d: {  	v20 =	vld [tilespmem:s31+$0x10FB0];
	v11 =	vbroadcast v15, $0xF;
	v12 =	vbroadcast v13, $0xF;
	v17 =	vsel vm0, $0x3F800000, v9;
	v13, _, _ =	vpop (xrf2)  }
0x30e: {  	v24 =	vld [tilespmem:s17+$0x10FE0];
	v30 =	vadd.f32 v17, v18;
	vm0 =	vgt.f32 v10, v7;
	v31 =	vadd.f32 v26, v10;
	v15, _, _ =	vpop (xrf2)  }
0x30f: {  	(xrf2) =	vadd.scan.msk.f32 $0xffff, v23;
	v17 =	vbroadcast v27, $0xF;
	v10 =	vld [tilespmem:s17+$0x10FD0];
	v13 =	vbroadcast v13, $0xF;
	v28 =	vsel vm0, $0x3F800000, v9;
	v26, _, _ =	vpop (xrf2)  }
0x310: {  	s18 =	simm.s32 $0xFFFFF400;
	v27 =	vld [tilespmem:s17+$0x10FC0];
	v23 =	vadd.f32 v28, v30;
	vm0 =	vgt.f32 v31, v7;
	v28 =	vadd.f32 v29, v31;
	v18, _, _ =	vpop (xrf2)  }
.LBB2_30:
0x311: {  	p1 =	sne.s32 s18, $0xFFFFC400;
	v29 =	vld [tilespmem:s17+$0x10FB0];
	v30 =	vsel vm0, $0x3F800000, v9;
	s19 =	smov.u32 s18;
	s18 =	sadd.s32 $0xFFFFFC00, s18  }
0x312: {  	v31 =	vld [tilespmem:s17+$0x10FA0];
	(xrf2) =	vadd.scan.msk.f32 $0xffff, v22;
	v22 =	vadd.f32 v30, v23;
	vm0 =	vgt.f32 v28, v7  }
0x313: {  	v30 =	vld [tilespmem:s17+$0x10F90];
	v32, _, _ =	vpop (xrf2);
	v33 =	vsel vm0, $0x3F800000, v9;
	v23 =	vmov v24  }
0x314: {  	v34 =	vld [tilespmem:s17+$0x10F80];
	v33 =	vadd.f32 v33, v22  }
0x315: {  	v24 =	vbroadcast v21, $0xF;
	v35 =	vld [tilespmem:s17+$0x10F70];
	(xrf2) =	vadd.scan.msk.f32 $0xffff, v20  }
0x316: {  	v36 =	vld [tilespmem:s17+$0x10F60];
	v21, _, _ =	vpop (xrf2);
	v20 =	vmov v29  }
0x317: {  	v29 =	vld [tilespmem:s17+$0x10F50]  }
0x318: {  	v37 =	vld [tilespmem:s17+$0x10F40];
	(xrf2) =	vadd.scan.msk.f32 $0xffff, v25  }
0x319: {  	v19 =	vbroadcast v19, $0xF;
	v22 =	vld [tilespmem:s17+$0x10F30];
	v25, _, _ =	vpop (xrf2)  }
0x31a: {  	v38 =	vld [tilespmem:s17+$0x10F20]  }
0x31b: {  	v26 =	vbroadcast v26, $0xF;
	v19 =	vadd.f32 v19, v28;
	v39 =	vld [tilespmem:s17+$0x10F10];
	(xrf2) =	vadd.scan.msk.f32 $0xffff, v27  }
0x31c: {  	v27 =	vld [tilespmem:s17+$0x10F00];
	v28, _, _ =	vpop (xrf2)  }
0x31d: {  	vm0 =	vgt.f32 v19, v7  }
0x31e: {  	(xrf2) =	vadd.scan.msk.f32 $0xffff, v31;
	v31 =	vsel vm0, $0x3F800000, v9  }
0x31f: {  	v21 =	vbroadcast v21, $0xF;
	v25 =	vbroadcast v25, $0xF;
	v31 =	vadd.f32 v31, v33;
	v33, _, _ =	vpop (xrf2);
	_ =	sdelay $0x1  }
0x320: {  	v25 =	vadd.f32 v25, v19;
	(xrf2) =	vadd.scan.msk.f32 $0xffff, v35  }
0x321: {  	v19, _, _ =	vpop (xrf2)  }
0x322: {  	vm0 =	vgt.f32 v25, v7;
	v21 =	vadd.f32 v21, v25  }
0x323: {  	v25 =	vsel vm0, $0x3F800000, v9;
	(xrf2) =	vadd.scan.msk.f32 $0xffff, v29  }
0x324: {  	vm0 =	vgt.f32 v21, v7;
	v21 =	vadd.f32 v14, v21;
	v25 =	vadd.f32 v25, v31;
	v29, _, _ =	vpop (xrf2)  }
0x325: {  	v31 =	vbroadcast v33, $0xF;
	v14 =	vbroadcast v29, $0xF;
	v29 =	vsel vm0, $0x3F800000, v9  }
0x326: {  	vm0 =	vgt.f32 v21, v7;
	(xrf2) =	vadd.scan.msk.f32 $0xffff, v34;
	v25 =	vadd.f32 v29, v25;
	v29 =	vbroadcast v32, $0xF  }
0x327: {  	v21 =	vadd.f32 v31, v21;
	v33 =	vsel vm0, $0x3F800000, v9;
	v32, _, _ =	vpop (xrf2)  }
0x328: {  	v25 =	vadd.f32 v33, v25  }
0x329: {  	vm0 =	vgt.f32 v21, v7;
	v21 =	vadd.f32 v16, v21;
	(xrf2) =	vadd.scan.msk.f32 $0xffff, v38  }
0x32a: {  	v16 =	vsel vm0, $0x3F800000, v9;
	v31, _, _ =	vpop (xrf2)  }
0x32b: {  	v33 =	vbroadcast v15, $0xF;
	vm0 =	vgt.f32 v21, v7;
	v25 =	vadd.f32 v16, v25  }
0x32c: {  	v21 =	vadd.f32 v26, v21;
	v16 =	vbroadcast v32, $0xF;
	v15 =	vsel vm0, $0x3F800000, v9;
	(xrf2) =	vadd.scan.msk.f32 $0xffff, v37  }
0x32d: {  	v32 =	vbroadcast v18, $0xF;
	v15 =	vadd.f32 v15, v25;
	v26, _, _ =	vpop (xrf2)  }
0x32e: {  	vm0 =	vgt.f32 v21, v7;
	v12 =	vadd.f32 v12, v21  }
0x32f: {  	v18 =	vsel vm0, $0x3F800000, v9;
	(xrf2) =	vadd.scan.msk.f32 $0xffff, v39  }
0x330: {  	vm0 =	vgt.f32 v12, v7;
	v11 =	vadd.f32 v11, v12;
	v15 =	vadd.f32 v18, v15;
	v21, _, _ =	vpop (xrf2)  }
0x331: {  	v18 =	vsel vm0, $0x3F800000, v9  }
0x332: {  	vm0 =	vgt.f32 v11, v7;
	v15 =	vadd.f32 v18, v15;
	v12 =	vbroadcast v21, $0xF;
	(xrf2) =	vadd.scan.msk.f32 $0xffff, v30  }
0x333: {  	v28 =	vbroadcast v28, $0xF;
	v25 =	vadd.f32 v29, v11;
	v18 =	vsel vm0, $0x3F800000, v9;
	v21, _, _ =	vpop (xrf2)  }
0x334: {  	v11 =	vbroadcast v31, $0xF;
	v15 =	vadd.f32 v18, v15  }
0x335: {  	vm0 =	vgt.f32 v25, v7;
	v17 =	vadd.f32 v17, v25;
	(xrf2) =	vadd.scan.msk.f32 $0xffff, v27  }
0x336: {  	v25 =	vsel vm0, $0x3F800000, v9;
	v18, _, _ =	vpop (xrf2)  }
0x337: {  	vm0 =	vgt.f32 v17, v7;
	v13 =	vadd.f32 v13, v17;
	v25 =	vadd.f32 v25, v15  }
0x338: {  	v17 =	vsel vm0, $0x3F800000, v9;
	(xrf2) =	vadd.scan.msk.f32 $0xffff, v36  }
0x339: {  	vm0 =	vgt.f32 v13, v7;
	v13 =	vadd.f32 v28, v13;
	v17 =	vadd.f32 v17, v25;
	v15, _, _ =	vpop (xrf2)  }
0x33a: {  	v25 =	vsel vm0, $0x3F800000, v9  }
.Ltmp25:
0x33b: {  	s17 =	sshra.s32 s19, $0x2;
	vm0 =	vgt.f32 v13, v7;
	v13 =	vadd.f32 v24, v13;
	(xrf2) =	vadd.scan.msk.f32 $0xffff, v10;
	v10 =	vadd.f32 v25, v17;
	(pc) =	sbr.rel @p1 .LBB2_30-.Ltmp25, $4  }
0x33c: {  	v27 =	vsel vm0, $0x3F800000, v9;
	v17 =	vbroadcast v26, $0xF;
	v25 =	vld [tilespmem:s17+$0x10FF0];
	v26, _, _ =	vpop (xrf2)  }
0x33d: {  	vm0 =	vgt.f32 v13, v7;
	v29 =	vadd.f32 v33, v13;
	v24 =	vld [tilespmem:s17+$0x10FE0];
	v28 =	vadd.f32 v27, v10  }
0x33e: {  	v13 =	vbroadcast v18, $0xF;
	v10 =	vld [tilespmem:s17+$0x10FD0];
	(xrf2) =	vadd.scan.msk.f32 $0xffff, v23;
	v23 =	vsel vm0, $0x3F800000, v9  }
0x33f: {  	vm0 =	vgt.f32 v29, v7;
	v27 =	vld [tilespmem:s17+$0x10FC0];
	v18, _, _ =	vpop (xrf2);
	v23 =	vadd.f32 v23, v28;
	v28 =	vadd.f32 v32, v29  }
0x340: {  	_ =	sdelay $0x1  }
0x341: {  	(xrf2) =	vadd.scan.msk.f32 $0xffff, v22  }
0x342: {  	(xrf2) =	vadd.scan.msk.f32 $0xffff, v20;
	_ =	sdelay $0x2  }
0x343: {  	v53, _, _ =	vpop (xrf2)  }
0x344: {  	v54 =	vsel vm0, $0x3F800000, v9;
	v19 =	vbroadcast v19, $0xF;
	v29, _, _ =	vpop (xrf2)  }
0x345: {  	v22 =	vadd.f32 v54, v23;
	vm7 =	vgt.f32 v28, v7;
	v55, _, _ =	vpop (xrf2)  }
0x346: {  	v19 =	vadd.f32 v19, v28;
	v56 =	vsel vm7, $0x3F800000, v9;
	v23 =	vbroadcast v55, $0xF  }
0x347: {  	v22 =	vadd.f32 v56, v22  }
0x348: {  	vm8 =	vgt.f32 v19, v7;
	v58 =	vbroadcast v29, $0xF;
	v19 =	vadd.f32 v23, v19  }
0x349: {  	v62 =	vld [tilespmem:s17+$0x10FA0];
	v57 =	vsel vm8, $0x3F800000, v9;
	v59, _, _ =	vpop (xrf2)  }
0x34a: {  	v33 =	vld [tilespmem:s17+$0x10F70];
	v22 =	vadd.f32 v57, v22;
	v61, _, _ =	vpop (xrf2);
	vm9 =	vgt.f32 v19, v7;
	v19 =	vadd.f32 v58, v19  }
0x34b: {  	v31 =	vld [tilespmem:s17+$0x10F50];
	v63 =	vbroadcast v61, $0xF;
	v60 =	vsel vm9, $0x3F800000, v9  }
0x34c: {  	v34 =	vld [tilespmem:s17+$0x10F80];
	(xrf2) =	vadd.scan.msk.f32 $0xffff, v25;
	v22 =	vadd.f32 v60, v22;
	vm10 =	vgt.f32 v19, v7;
	v14 =	vadd.f32 v14, v19  }
0x34d: {  	v37 =	vld [tilespmem:s17+$0x10F20];
	(xrf2) =	vadd.scan.msk.f32 $0xffff, v27;
	v30 =	vsel vm10, $0x3F800000, v9  }
0x34e: {  	v38 =	vld [tilespmem:s17+$0x10F40];
	(xrf2) =	vadd.scan.msk.f32 $0xffff, v62;
	v22 =	vadd.f32 v30, v22;
	vm11 =	vgt.f32 v14, v7;
	v14 =	vadd.f32 v63, v14  }
0x34f: {  	v35 =	vbroadcast v26, $0xF;
	v40 =	vld [tilespmem:s17+$0x10F10];
	(xrf2) =	vadd.scan.msk.f32 $0xffff, v33;
	v36 =	vsel vm11, $0x3F800000, v9  }
0x350: {  	v41 =	vld [tilespmem:s17+$0x10F90];
	(xrf2) =	vadd.scan.msk.f32 $0xffff, v31;
	v22 =	vadd.f32 v36, v22;
	vm12 =	vgt.f32 v14, v7;
	v14 =	vadd.f32 v16, v14  }
0x351: {  	v43 =	vld [tilespmem:s17+$0x10F00];
	(xrf2) =	vadd.scan.msk.f32 $0xffff, v34;
	v39 =	vsel vm12, $0x3F800000, v9  }
0x352: {  	(xrf2) =	vadd.scan.msk.f32 $0xffff, v37;
	v22 =	vadd.f32 v39, v22;
	vm13 =	vgt.f32 v14, v7;
	v14 =	vadd.f32 v35, v14  }
0x353: {  	v45 =	vld [tilespmem:s17+$0x10F60];
	(xrf2) =	vadd.scan.msk.f32 $0xffff, v38;
	v42 =	vsel vm13, $0x3F800000, v9  }
0x354: {  	(xrf2) =	vadd.scan.msk.f32 $0xffff, v40;
	v44 =	vadd.f32 v42, v22;
	vm14 =	vgt.f32 v14, v7;
	v12 =	vadd.f32 v12, v14  }
0x355: {  	v20 =	vbroadcast v53, $0xF;
	(xrf2) =	vadd.scan.msk.f32 $0xffff, v41;
	v46 =	vsel vm14, $0x3F800000, v9  }
0x356: {  	v49, _, _ =	vpop (xrf2);
	(xrf2) =	vadd.scan.msk.f32 $0xffff, v43;
	v47 =	vadd.f32 v46, v44;
	vm15 =	vgt.f32 v12, v7;
	v11 =	vadd.f32 v11, v12  }
0x357: {  	v51, _, _ =	vpop (xrf2);
	v48 =	vsel vm15, $0x3F800000, v9  }
0x358: {  	(xrf2) =	vadd.scan.msk.f32 $0xffff, v45;
	v52, _, _ =	vpop (xrf2);
	v12 =	vadd.f32 v48, v47;
	vm4 =	vgt.f32 v11, v7;
	v11 =	vadd.f32 v20, v11  }
0x359: {  	(xrf2) =	vadd.scan.msk.f32 $0xffff, v10;
	v10, _, _ =	vpop (xrf2);
	v50 =	vsel vm4, $0x3F800000, v9  }
0x35a: {  	v57 =	vld [tilespmem:s17+$0x10F30];
	(xrf2) =	vadd.scan.msk.f32 $0xffff, v24;
	v55, _, _ =	vpop (xrf2);
	v12 =	vadd.f32 v50, v12;
	vm5 =	vgt.f32 v11, v7;
	v11 =	vadd.f32 v17, v11  }
0x35b: {  	v53 =	vbroadcast v59, $0xF;
	v60 =	vld [tilespmem:s17+$0x10FB0];
	v59, _, _ =	vpop (xrf2);
	v54 =	vsel vm5, $0x3F800000, v9  }
0x35c: {  	v61, _, _ =	vpop (xrf2);
	v12 =	vadd.f32 v54, v12;
	vm6 =	vgt.f32 v11, v7;
	v11 =	vadd.f32 v13, v11  }
0x35d: {  	v56 =	vbroadcast v21, $0xF;
	v63, _, _ =	vpop (xrf2);
	v58 =	vsel vm6, $0x3F800000, v9  }
0x35e: {  	v28, _, _ =	vpop (xrf2);
	v12 =	vadd.f32 v58, v12;
	vm7 =	vgt.f32 v11, v7;
	v11 =	vadd.f32 v53, v11  }
0x35f: {  	v15 =	vbroadcast v15, $0xF;
	(xrf2) =	vadd.scan.msk.f32 $0xffff, v57;
	v30, _, _ =	vpop (xrf2);
	v62 =	vsel vm7, $0x3F800000, v9  }
0x360: {  	v33, _, _ =	vpop (xrf2);
	(xrf2) =	vadd.scan.msk.f32 $0xffff, v60;
	v12 =	vadd.f32 v62, v12;
	vm8 =	vgt.f32 v11, v7;
	v11 =	vadd.f32 v56, v11  }
0x361: {  	v31 =	vbroadcast v18, $0xF;
	v29 =	vsel vm8, $0x3F800000, v9  }
0x362: {  	v34, _, _ =	vpop (xrf2);
	v12 =	vadd.f32 v29, v12;
	vm9 =	vgt.f32 v11, v7;
	v11 =	vadd.f32 v15, v11  }
0x363: {  	v16 =	vbroadcast v49, $0xF;
	v36, _, _ =	vpop (xrf2);
	v32 =	vsel vm9, $0x3F800000, v9  }
0x364: {  	v37, _, _ =	vpop (xrf2);
	v12 =	vadd.f32 v32, v12;
	vm10 =	vgt.f32 v11, v7;
	v11 =	vadd.f32 v31, v11  }
0x365: {  	v15 =	vbroadcast v37, $0xF;
	v35 =	vsel vm10, $0x3F800000, v9  }
0x366: {  	v12 =	vadd.f32 v35, v12;
	vm11 =	vgt.f32 v11, v7;
	v11 =	vadd.f32 v16, v11  }
0x367: {  	v40 =	vbroadcast v36, $0xF;
	v38 =	vsel vm11, $0x3F800000, v9  }
0x368: {  	v12 =	vadd.f32 v38, v12;
	vm12 =	vgt.f32 v11, v7;
	v11 =	vadd.f32 v15, v11  }
0x369: {  	v41 =	vbroadcast v51, $0xF;
	v42, _, _ =	vpop (xrf2);
	v39 =	vsel vm12, $0x3F800000, v9  }
0x36a: {  	v44, _, _ =	vpop (xrf2);
	v12 =	vadd.f32 v39, v12;
	vm13 =	vgt.f32 v11, v7;
	v11 =	vadd.f32 v40, v11  }
0x36b: {  	v45 =	vbroadcast v44, $0xF;
	v43 =	vsel vm13, $0x3F800000, v9  }
0x36c: {  	v12 =	vadd.f32 v43, v12;
	vm14 =	vgt.f32 v11, v7;
	v11 =	vadd.f32 v41, v11  }
0x36d: {  	v14 =	vbroadcast v52, $0xF;
	v46 =	vsel vm14, $0x3F800000, v9  }
0x36e: {  	v12 =	vadd.f32 v46, v12;
	vm15 =	vgt.f32 v11, v7;
	v11 =	vadd.f32 v45, v11  }
0x36f: {  	v47 =	vbroadcast v30, $0xF;
	v48 =	vsel vm15, $0x3F800000, v9  }
0x370: {  	v12 =	vadd.f32 v48, v12;
	vm4 =	vgt.f32 v11, v7;
	v11 =	vadd.f32 v14, v11  }
0x371: {  	v49 =	vbroadcast v59, $0xF;
	v50 =	vsel vm4, $0x3F800000, v9  }
0x372: {  	v12 =	vadd.f32 v50, v12;
	vm5 =	vgt.f32 v11, v7;
	v11 =	vadd.f32 v47, v11  }
0x373: {  	v10 =	vbroadcast v10, $0xF;
	v51 =	vsel vm5, $0x3F800000, v9  }
0x374: {  	v12 =	vadd.f32 v51, v12;
	vm6 =	vgt.f32 v11, v7;
	v11 =	vadd.f32 v49, v11  }
0x375: {  	v52 =	vbroadcast v34, $0xF;
	v53 =	vsel vm6, $0x3F800000, v9  }
0x376: {  	v12 =	vadd.f32 v53, v12;
	vm7 =	vgt.f32 v11, v7;
	v10 =	vadd.f32 v10, v11  }
0x377: {  	v11 =	vbroadcast v55, $0xF;
	v54 =	vsel vm7, $0x3F800000, v9  }
0x378: {  	v12 =	vadd.f32 v54, v12;
	vm8 =	vgt.f32 v10, v7;
	v10 =	vadd.f32 v52, v10  }
0x379: {  	v55 =	vbroadcast v63, $0xF;
	v56 =	vsel vm8, $0x3F800000, v9  }
0x37a: {  	v12 =	vadd.f32 v56, v12;
	vm9 =	vgt.f32 v10, v7;
	v10 =	vadd.f32 v11, v10  }
0x37b: {  	v11 =	vbroadcast v42, $0xF;
	v57 =	vsel vm9, $0x3F800000, v9  }
0x37c: {  	v12 =	vadd.f32 v57, v12;
	vm10 =	vgt.f32 v10, v7;
	v10 =	vadd.f32 v55, v10  }
0x37d: {  	v58 =	vbroadcast v61, $0xF;
	v59 =	vsel vm10, $0x3F800000, v9  }
0x37e: {  	v12 =	vadd.f32 v59, v12;
	vm11 =	vgt.f32 v10, v7;
	v10 =	vadd.f32 v11, v10  }
0x37f: {  	v11 =	vbroadcast v28, $0xF;
	v60 =	vsel vm11, $0x3F800000, v9  }
0x380: {  	v12 =	vadd.f32 v60, v12;
	vm12 =	vgt.f32 v10, v7;
	v10 =	vadd.f32 v58, v10  }
0x381: {  	v61 =	vbroadcast v33, $0xF;
	v62 =	vsel vm12, $0x3F800000, v9  }
0x382: {  	v12 =	vadd.f32 v62, v12;
	vm13 =	vgt.f32 v10, v7;
	v10 =	vadd.f32 v11, v10  }
0x383: {  	v11 =	vsel vm13, $0x3F800000, v9  }
0x384: {  	v11 =	vadd.f32 v11, v12;
	vm14 =	vgt.f32 v10, v7;
	v10 =	vadd.f32 v61, v10  }
0x385: {  	v63 =	vsel vm14, $0x3F800000, v9  }
0x386: {  	v11 =	vadd.f32 v63, v11;
	vm15 =	vgt.f32 v10, v7  }
0x387: {  	v10 =	vsel vm15, $0x3F800000, v9  }
0x388: {  	s18 =	simm.s32 $0x11FF0;
	s19 =	simm.s32 $0x10FF0;
	s17 =	simm.s32 $0xF0;
	v10 =	vadd.f32 v10, v11;
	v11 =	vimm.f32 $0.0e+00  }
.LBB2_32:
0x389: {  	v12 =	vld [tilespmem:s19+$0x0];
	_ =	sdelay $0x3  }
0x38a: {  	v13 =	vld [tilespmem:s18+$0x0]  }
0x38b: {  	v14 =	vld [tilespmem:s19+$0xFFFFFFF0];
	(xrf2) =	vadd.scan.msk.f32 $0xffff, v12  }
0x38c: {  	v39 =	vld [tilespmem:s18+$0xFFFFFFF0];
	_ =	sdelay $0x1  }
0x38d: {  	v40 =	vld [tilespmem:s19+$0xFFFFFFE0]  }
0x38e: {  	v41 =	vld [tilespmem:s18+$0xFFFFFFE0];
	(xrf2) =	vadd.scan.msk.f32 $0xffff, v13  }
0x38f: {  	v42 =	vld [tilespmem:s19+$0xFFFFFFD0];
	(xrf2) =	vadd.scan.msk.f32 $0xffff, v14  }
0x390: {  	(xrf2) =	vadd.scan.msk.f32 $0xffff, v39;
	_ =	sdelay $0x1  }
0x391: {  	(xrf2) =	vadd.scan.msk.f32 $0xffff, v40  }
0x392: {  	s20 =	sadd.s32 $0xF, s17;
	v43 =	vld [tilespmem:s18+$0xFFFFFFD0];
	(xrf2) =	vadd.scan.msk.f32 $0xffff, v41  }
0x393: {  	v44 =	vld [tilespmem:s19+$0xFFFFFFC0];
	s28 =	sadd.s32 $0xE, s17;
	s29 =	sadd.s32 $0xD, s17;
	v15 =	vmov s20;
	v16, _, _ =	vpop (xrf2);
	(xrf2) =	vadd.scan.msk.f32 $0xffff, v42  }
0x394: {  	v45 =	vld [tilespmem:s18+$0xFFFFFFC0];
	v17 =	vmov s28;
	v18 =	vmov s29;
	v15 =	vcvt.s32.f32 v15  }
0x395: {  	s30 =	sadd.s32 $0xC, s17;
	s31 =	sadd.s32 $0xB, s17;
	v17 =	vcvt.s32.f32 v17;
	v18 =	vcvt.s32.f32 v18  }
0x396: {  	v47 =	vld [tilespmem:s19+$0xFFFFFFB0];
	s21 =	sadd.s32 $0xA, s17;
	v55 =	vmov s30;
	v21 =	vmov s31;
	v15 =	vbroadcast v15, $0x0  }
0x397: {  	v50 =	vld [tilespmem:s18+$0xFFFFFFB0];
	s22 =	sadd.s32 $0x9, s17;
	v27 =	vmov s21;
	v48 =	vbroadcast v17, $0x0;
	v53 =	vbroadcast v18, $0x0;
	v46, _, _ =	vpop (xrf2);
	(xrf2) =	vadd.scan.msk.f32 $0xffff, v43  }
0x398: {  	v51 =	vld [tilespmem:s19+$0xFFFFFFA0];
	v34 =	vmov s22;
	vm0 =	vgt.f32 v15, v10;
	v16 =	vbroadcast v16, $0xF;
	v49, _, _ =	vpop (xrf2);
	(xrf2) =	vadd.scan.msk.f32 $0xffff, v44  }
0x399: {  	s23 =	sadd.s32 $0x8, s17;
	vm13 =	vgt.f32 v48, v10;
	vm14 =	vgt.f32 v53, v10;
	v15 =	vbroadcast v46, $0xF;
	v19, _, _ =	vpop (xrf2);
	(xrf2) =	vadd.scan.msk.f32 $0xffff, v45  }
0x39a: {  	v43 =	vmov s23;
	v16 =	vnsel vm0, $0x0, v16;
	v17 =	vbroadcast v49, $0xF  }
0x39b: {  	v11 =	vadd.f32 v16, v11;
	v15 =	vnsel vm0, $0x0, v15;
	v52 =	vbroadcast v19, $0xF;
	v54, _, _ =	vpop (xrf2);
	(xrf2) =	vadd.scan.msk.f32 $0xffff, v47  }
0x39c: {  	v56 =	vld [tilespmem:s18+$0xFFFFFFA0];
	v19 =	vcvt.s32.f32 v55;
	v9 =	vadd.f32 v15, v9;
	v16 =	vnsel vm13, $0x0, v17;
	v57, _, _ =	vpop (xrf2);
	(xrf2) =	vadd.scan.msk.f32 $0xffff, v50  }
0x39d: {  	v58 =	vld [tilespmem:s19+$0xFFFFFF90];
	v18 =	vbroadcast v54, $0xF;
	v15 =	vnsel vm13, $0x0, v52;
	v11 =	vadd.f32 v16, v11;
	v61, _, _ =	vpop (xrf2);
	(xrf2) =	vadd.scan.msk.f32 $0xffff, v51  }
0x39e: {  	v62 =	vld [tilespmem:s18+$0xFFFFFF90];
	v60 =	vbroadcast v19, $0x0;
	v19 =	vcvt.s32.f32 v34;
	v9 =	vadd.f32 v15, v9  }
0x39f: {  	s24 =	sadd.s32 $0x7, s17;
	v15 =	vbroadcast v57, $0xF;
	v59 =	vnsel vm14, $0x0, v18;
	v18 =	vcvt.s32.f32 v21  }
0x3a0: {  	v23 =	vld [tilespmem:s19+$0xFFFFFF80];
	v49 =	vmov s24;
	v11 =	vadd.f32 v59, v11;
	v39 =	vbroadcast v19, $0x0  }
0x3a1: {  	v28 =	vld [tilespmem:s18+$0xFFFFFF80];
	v15 =	vnsel vm14, $0x0, v15;
	v25 =	vbroadcast v18, $0x0;
	v18 =	vcvt.s32.f32 v27;
	v22, _, _ =	vpop (xrf2);
	(xrf2) =	vadd.scan.msk.f32 $0xffff, v56  }
0x3a2: {  	v30 =	vld [tilespmem:s19+$0xFFFFFF70];
	s25 =	sadd.s32 $0x6, s17;
	vm15 =	vgt.f32 v60, v10;
	v9 =	vadd.f32 v15, v9;
	vm6 =	vgt.f32 v39, v10;
	v26, _, _ =	vpop (xrf2);
	(xrf2) =	vadd.scan.msk.f32 $0xffff, v58  }
0x3a3: {  	v63 =	vbroadcast v61, $0xF;
	v32 =	vbroadcast v18, $0x0;
	v56 =	vmov s25;
	v29, _, _ =	vpop (xrf2);
	(xrf2) =	vadd.scan.msk.f32 $0xffff, v62  }
0x3a4: {  	vm4 =	vgt.f32 v25, v10;
	v24 =	vbroadcast v22, $0xF;
	v19 =	vcvt.s32.f32 v56  }
0x3a5: {  	v16 =	vnsel vm15, $0x0, v63;
	v17 =	vbroadcast v26, $0xF;
	vm5 =	vgt.f32 v32, v10;
	v33, _, _ =	vpop (xrf2);
	(xrf2) =	vadd.scan.msk.f32 $0xffff, v23  }
0x3a6: {  	v35 =	vld [tilespmem:s18+$0xFFFFFF70];
	s26 =	sadd.s32 $0x5, s17;
	v11 =	vadd.f32 v16, v11;
	v15 =	vnsel vm15, $0x0, v24;
	v31 =	vbroadcast v29, $0xF;
	v36, _, _ =	vpop (xrf2);
	(xrf2) =	vadd.scan.msk.f32 $0xffff, v28  }
0x3a7: {  	v37 =	vld [tilespmem:s19+$0xFFFFFF60];
	v61 =	vbroadcast v19, $0x0;
	v24 =	vmov s26;
	v18 =	vbroadcast v33, $0xF;
	v40, _, _ =	vpop (xrf2);
	(xrf2) =	vadd.scan.msk.f32 $0xffff, v30  }
0x3a8: {  	v41 =	vld [tilespmem:s18+$0xFFFFFF60];
	v9 =	vadd.f32 v15, v9;
	v16 =	vnsel vm4, $0x0, v17;
	v15 =	vnsel vm4, $0x0, v31  }
0x3a9: {  	v11 =	vadd.f32 v16, v11;
	v38 =	vnsel vm5, $0x0, v18;
	v18 =	vcvt.s32.f32 v43  }
0x3aa: {  	s28 =	sadd.s32 $0x4, s17;
	v45 =	vld [tilespmem:s19+$0xFFFFFF50];
	vm9 =	vgt.f32 v61, v10;
	v9 =	vadd.f32 v15, v9;
	v15 =	vbroadcast v36, $0xF  }
0x3ab: {  	v50 =	vld [tilespmem:s18+$0xFFFFFF50];
	v31 =	vmov s28;
	v47 =	vbroadcast v18, $0x0;
	v18 =	vcvt.s32.f32 v49;
	v44, _, _ =	vpop (xrf2);
	(xrf2) =	vadd.scan.msk.f32 $0xffff, v35  }
0x3ac: {  	v52 =	vld [tilespmem:s19+$0xFFFFFF40];
	v19 =	vcvt.s32.f32 v31;
	v11 =	vadd.f32 v38, v11;
	v15 =	vnsel vm5, $0x0, v15;
	v48, _, _ =	vpop (xrf2);
	(xrf2) =	vadd.scan.msk.f32 $0xffff, v37  }
0x3ad: {  	v9 =	vadd.f32 v15, v9;
	v42 =	vbroadcast v40, $0xF;
	v54 =	vbroadcast v18, $0x0;
	v51, _, _ =	vpop (xrf2);
	(xrf2) =	vadd.scan.msk.f32 $0xffff, v41  }
0x3ae: {  	s29 =	sadd.s32 $0x3, s17;
	s30 =	sadd.s32 $0x2, s17;
	vm7 =	vgt.f32 v47, v10;
	v35 =	vbroadcast v19, $0x0;
	v46 =	vbroadcast v44, $0xF  }
0x3af: {  	v37 =	vmov s29;
	v44 =	vmov s30;
	v16 =	vnsel vm6, $0x0, v42;
	v55, _, _ =	vpop (xrf2);
	(xrf2) =	vadd.scan.msk.f32 $0xffff, v45  }
0x3b0: {  	v57 =	vld [tilespmem:s18+$0xFFFFFF40];
	v17 =	vbroadcast v48, $0xF;
	vm8 =	vgt.f32 v54, v10;
	v13 =	vcvt.s32.f32 v37;
	v58, _, _ =	vpop (xrf2);
	(xrf2) =	vadd.scan.msk.f32 $0xffff, v50  }
0x3b1: {  	v59 =	vld [tilespmem:s19+$0xFFFFFF30];
	vm11 =	vgt.f32 v35, v10;
	v54 =	vmov s17;
	v11 =	vadd.f32 v16, v11;
	v62, _, _ =	vpop (xrf2);
	(xrf2) =	vadd.scan.msk.f32 $0xffff, v52  }
0x3b2: {  	v63 =	vld [tilespmem:s18+$0xFFFFFF30];
	v15 =	vnsel vm6, $0x0, v46;
	v53 =	vbroadcast v51, $0xF;
	v46 =	vcvt.s32.f32 v44  }
0x3b3: {  	s31 =	sadd.s32 $0x1, s17;
	v26 =	vld [tilespmem:s19+$0xFFFFFF20];
	v56 =	vcvt.s32.f32 v54;
	v9 =	vadd.f32 v15, v9;
	v16 =	vnsel vm7, $0x0, v17  }
0x3b4: {  	v28 =	vld [tilespmem:s18+$0xFFFFFF20];
	v18 =	vbroadcast v55, $0xF;
	v13 =	vbroadcast v13, $0x0;
	v50 =	vmov s31  }
0x3b5: {  	v32 =	vld [tilespmem:s19+$0xFFFFFF10];
	v15 =	vnsel vm7, $0x0, v53;
	v11 =	vadd.f32 v16, v11;
	v49 =	vbroadcast v46, $0x0;
	v25, _, _ =	vpop (xrf2);
	(xrf2) =	vadd.scan.msk.f32 $0xffff, v57  }
0x3b6: {  	v33 =	vld [tilespmem:s18+$0xFFFFFF10];
	v9 =	vadd.f32 v15, v9;
	v15 =	vbroadcast v58, $0xF;
	v60 =	vnsel vm8, $0x0, v18;
	v30, _, _ =	vpop (xrf2);
	(xrf2) =	vadd.scan.msk.f32 $0xffff, v59  }
0x3b7: {  	v18 =	vcvt.s32.f32 v24;
	vm12 =	vgt.f32 v13, v10;
	v13 =	vcvt.s32.f32 v50;
	v20, _, _ =	vpop (xrf2);
	(xrf2) =	vadd.scan.msk.f32 $0xffff, v63  }
0x3b8: {  	v11 =	vadd.f32 v60, v11;
	vm13 =	vgt.f32 v49, v10;
	v60 =	vbroadcast v56, $0x0;
	(xrf2) =	vadd.scan.msk.f32 $0xffff, v26  }
0x3b9: {  	v15 =	vnsel vm8, $0x0, v15;
	v29 =	vbroadcast v18, $0x0;
	v13 =	vbroadcast v13, $0x0;
	v36, _, _ =	vpop (xrf2);
	(xrf2) =	vadd.scan.msk.f32 $0xffff, v28  }
0x3ba: {  	v9 =	vadd.f32 v15, v9;
	v23 =	vbroadcast v62, $0xF;
	v27 =	vbroadcast v25, $0xF;
	v39, _, _ =	vpop (xrf2);
	(xrf2) =	vadd.scan.msk.f32 $0xffff, v32  }
0x3bb: {  	vm10 =	vgt.f32 v29, v10;
	vm14 =	vgt.f32 v13, v10;
	v18 =	vbroadcast v30, $0xF;
	v42, _, _ =	vpop (xrf2);
	(xrf2) =	vadd.scan.msk.f32 $0xffff, v33  }
0x3bc: {  	v16 =	vnsel vm9, $0x0, v23;
	v15 =	vnsel vm9, $0x0, v27;
	v34 =	vbroadcast v20, $0xF  }
0x3bd: {  	v11 =	vadd.f32 v16, v11;
	v9 =	vadd.f32 v15, v9;
	v16 =	vnsel vm10, $0x0, v18  }
0x3be: {  	v38 =	vbroadcast v36, $0xF;
	v15 =	vnsel vm10, $0x0, v34;
	v40 =	vbroadcast v39, $0xF  }
0x3bf: {  	v11 =	vadd.f32 v16, v11;
	v9 =	vadd.f32 v15, v9;
	v43 =	vbroadcast v42, $0xF;
	v45, _, _ =	vpop (xrf2)  }
0x3c0: {  	v41 =	vnsel vm11, $0x0, v38;
	v14 =	vnsel vm11, $0x0, v40;
	v47 =	vbroadcast v45, $0xF;
	v48, _, _ =	vpop (xrf2)  }
0x3c1: {  	v11 =	vadd.f32 v41, v11;
	v9 =	vadd.f32 v14, v9;
	v12 =	vnsel vm12, $0x0, v43;
	v51, _, _ =	vpop (xrf2)  }
0x3c2: {  	v15 =	vbroadcast v48, $0xF;
	v14 =	vnsel vm12, $0x0, v47;
	v52 =	vbroadcast v51, $0xF;
	v53, _, _ =	vpop (xrf2)  }
0x3c3: {  	v11 =	vadd.f32 v12, v11;
	v9 =	vadd.f32 v14, v9;
	v55, _, _ =	vpop (xrf2);
	v14 =	vbroadcast v53, $0xF  }
0x3c4: {  	p1 =	sne.s32 s17, $0x0;
	v15 =	vnsel vm13, $0x0, v15;
	v57, _, _ =	vpop (xrf2);
	v12 =	vnsel vm13, $0x0, v52;
	v58 =	vbroadcast v55, $0xF  }
.Ltmp26:
0x3c5: {  	v11 =	vadd.f32 v15, v11;
	v9 =	vadd.f32 v12, v9;
	v59 =	vnsel vm14, $0x0, v14;
	v61, _, _ =	vpop (xrf2);
	(pc) =	sbr.rel @p1 .LBB2_32-.Ltmp26, $4  }
0x3c6: {  	v16 =	vbroadcast v57, $0xF;
	v13 =	vnsel vm14, $0x0, v58;
	v15 =	vbroadcast v61, $0xF  }
0x3c7: {  	vm15 =	vgt.f32 v60, v10;
	v11 =	vadd.f32 v59, v11;
	v9 =	vadd.f32 v13, v9  }
0x3c8: {  	v62 =	vnsel vm15, $0x0, v16;
	v63 =	vnsel vm15, $0x0, v15  }
0x3c9: {  	s19 =	sadd.s32 $0xFFFFFF00, s19;
	s18 =	sadd.s32 $0xFFFFFF00, s18;
	s17 =	sadd.s32 $0xFFFFFFF0, s17;
	v11 =	vadd.f32 v62, v11;
	v9 =	vadd.f32 v63, v9  }
0x3ca: {  	v8 =	vmul.f32 v10, v8;
	(erf) = vrcp.f32 v7;
	_ =	sdelay $0x1  }
0x3cb: {  	v7 =	vsub.f32 v7, v11;
	v5 =	vadd.f32 v8, v5;
	_ =	sdelay $0x1  }
0x3cc: {  	v5 =	vmul.f32 v7, v5;
	_ =	sdelay $0x1  }
.Ltmp27:
0x3cd: {  	v5 =	vadd.f32 v5, v9;
	(pc) =	sbr.rel .LBB2_34-.Ltmp27, $4  }
0x3ce: {  	_ = 	snop  }
0x3cf: {  	v5 =	vadd.f32 $-1.000000000e+00, v5  }
0x3d0: {  	v7 =	vpop (erf)  }
0x3d1: {  	v5 =	vmul.f32 v5, v7  }
.LBB2_20:
0x3d2: {  	(erf) = vrcp.f32 v7;
	_ =	sdelay $0x8  }
0x3d3: {  	v5 =	vimm.f32 $0.0e+00;
	v7 =	vpop (erf)  }
.LBB2_34:
0x3d4: {  	v8 =	vmul.f32 $-8.507058670e+37, v6;
	_ =	sdelay $0x1  }
0x3d5: {  	s17 =	simm.s32 $0x0;
	v8 =	vadd.f32 $-1.000000000e+00, v8  }
0x3d6: {  	v9 =	vld [tilespmem:s17+$0x0]  }
0x3d7: {  	v7 =	vmul.f32 v8, v7  }
0x3d8: {  	vm0 =	vge.f32 v6, $5.000000000e-01;
	v8 =	vld [tilespmem:s17+$0x10]  }
0x3d9: {  	vm1 =	vge.f32 v6, $4.500000000e+00;
	v5 =	vsel vm0, v7, v5  }
0x3da: {  	v6 =	vld [tilespmem:s17+$0x20];
	v5 =	vsel vm1, $0xFF800000, v5  }
0x3db: {  	v7 =	vsub.f32 v9, v5  }
0x3dc: {  	v9 =	vld [tilespmem:s17+$0x30]  }
0x3dd: {  	v10 =	vimm.f32 $0.0e+00;
	v8 =	vsub.f32 v8, v5;
	v7 =	vmax.f32 v7, $0.0e+00  }
0x3de: {  	v7 =	vadd.f32 v7, v10;
	v10 =	vld [tilespmem:s17+$0x40]  }
0x3df: {  	v6 =	vsub.f32 v6, v5;
	v8 =	vmax.f32 v8, $0.0e+00  }
0x3e0: {  	v7 =	vadd.f32 v8, v7;
	v8 =	vld [tilespmem:s17+$0x50]  }
0x3e1: {  	v6 =	vmax.f32 v6, $0.0e+00;
	v9 =	vsub.f32 v9, v5  }
0x3e2: {  	v6 =	vadd.f32 v6, v7;
	v7 =	vld [tilespmem:s17+$0x60]  }
0x3e3: {  	v9 =	vmax.f32 v9, $0.0e+00;
	v10 =	vsub.f32 v10, v5  }
0x3e4: {  	v6 =	vadd.f32 v9, v6;
	v9 =	vld [tilespmem:s17+$0x70]  }
0x3e5: {  	v10 =	vmax.f32 v10, $0.0e+00;
	v8 =	vsub.f32 v8, v5  }
0x3e6: {  	v6 =	vadd.f32 v10, v6;
	v10 =	vld [tilespmem:s17+$0x80]  }
0x3e7: {  	v8 =	vmax.f32 v8, $0.0e+00;
	v7 =	vsub.f32 v7, v5  }
0x3e8: {  	v6 =	vadd.f32 v8, v6;
	v8 =	vld [tilespmem:s17+$0x90]  }
0x3e9: {  	v7 =	vmax.f32 v7, $0.0e+00;
	v9 =	vsub.f32 v9, v5  }
0x3ea: {  	v6 =	vadd.f32 v7, v6;
	v7 =	vld [tilespmem:s17+$0xA0]  }
0x3eb: {  	v9 =	vmax.f32 v9, $0.0e+00;
	v10 =	vsub.f32 v10, v5  }
0x3ec: {  	v6 =	vadd.f32 v9, v6;
	v9 =	vld [tilespmem:s17+$0xB0]  }
0x3ed: {  	v10 =	vmax.f32 v10, $0.0e+00;
	v8 =	vsub.f32 v8, v5  }
0x3ee: {  	v11 =	vld [tilespmem:s17+$0xC0];
	v6 =	vadd.f32 v10, v6  }
0x3ef: {  	v8 =	vmax.f32 v8, $0.0e+00;
	v7 =	vsub.f32 v7, v5  }
0x3f0: {  	v12 =	vld [tilespmem:s17+$0xD0];
	v6 =	vadd.f32 v8, v6  }
0x3f1: {  	v7 =	vmax.f32 v7, $0.0e+00;
	v8 =	vsub.f32 v9, v5  }
0x3f2: {  	v6 =	vadd.f32 v7, v6;
	v7 =	vld [tilespmem:s17+$0xE0]  }
0x3f3: {  	v9 =	vsub.f32 v11, v5;
	v8 =	vmax.f32 v8, $0.0e+00  }
0x3f4: {  	v8 =	vadd.f32 v8, v6;
	v6 =	vld [tilespmem:s17+$0xF0]  }
0x3f5: {  	s18 =	simm.s32 $0x800;
	v10 =	vmax.f32 v9, $0.0e+00;
	v9 =	vsub.f32 v12, v5;
	s17 =	simm.s32 $0x100  }
.LBB2_35:
0x3f6: {  	p1 =	sne.s32 s18, $0x1FC00;
	v11 =	vld [tilespmem:s17+$0x0];
	v8 =	vadd.f32 v10, v8  }
0x3f7: {  	v9 =	vmax.f32 v9, $0.0e+00;
	v7 =	vsub.f32 v7, v5  }
0x3f8: {  	v10 =	vld [tilespmem:s17+$0x10];
	v8 =	vadd.f32 v9, v8  }
0x3f9: {  	v7 =	vmax.f32 v7, $0.0e+00;
	v6 =	vsub.f32 v6, v5  }
0x3fa: {  	v9 =	vld [tilespmem:s17+$0x20];
	v7 =	vadd.f32 v7, v8  }
0x3fb: {  	v8 =	vsub.f32 v11, v5;
	v6 =	vmax.f32 v6, $0.0e+00  }
0x3fc: {  	v11 =	vld [tilespmem:s17+$0x30];
	v6 =	vadd.f32 v6, v7  }
0x3fd: {  	v7 =	vmax.f32 v8, $0.0e+00;
	v8 =	vsub.f32 v10, v5  }
0x3fe: {  	v6 =	vadd.f32 v7, v6;
	v7 =	vld [tilespmem:s17+$0x40]  }
0x3ff: {  	v8 =	vmax.f32 v8, $0.0e+00;
	v9 =	vsub.f32 v9, v5  }
0x400: {  	v6 =	vadd.f32 v8, v6;
	v8 =	vld [tilespmem:s17+$0x50]  }
0x401: {  	v9 =	vmax.f32 v9, $0.0e+00;
	v10 =	vsub.f32 v11, v5  }
0x402: {  	v6 =	vadd.f32 v9, v6;
	v9 =	vld [tilespmem:s17+$0x60]  }
0x403: {  	v10 =	vmax.f32 v10, $0.0e+00;
	v7 =	vsub.f32 v7, v5  }
0x404: {  	v6 =	vadd.f32 v10, v6;
	v10 =	vld [tilespmem:s17+$0x70]  }
0x405: {  	v7 =	vmax.f32 v7, $0.0e+00;
	v8 =	vsub.f32 v8, v5  }
0x406: {  	v6 =	vadd.f32 v7, v6;
	v7 =	vld [tilespmem:s17+$0x80]  }
0x407: {  	v8 =	vmax.f32 v8, $0.0e+00;
	v9 =	vsub.f32 v9, v5  }
0x408: {  	v6 =	vadd.f32 v8, v6;
	v8 =	vld [tilespmem:s17+$0x90]  }
0x409: {  	v9 =	vmax.f32 v9, $0.0e+00;
	v10 =	vsub.f32 v10, v5  }
0x40a: {  	v6 =	vadd.f32 v9, v6;
	v9 =	vld [tilespmem:s17+$0xA0]  }
0x40b: {  	v10 =	vmax.f32 v10, $0.0e+00;
	v7 =	vsub.f32 v7, v5  }
0x40c: {  	v6 =	vadd.f32 v10, v6;
	v10 =	vld [tilespmem:s17+$0xB0]  }
0x40d: {  	v7 =	vmax.f32 v7, $0.0e+00;
	v8 =	vsub.f32 v8, v5  }
0x40e: {  	v6 =	vadd.f32 v7, v6;
	v11 =	vld [tilespmem:s17+$0xC0]  }
0x40f: {  	v7 =	vmax.f32 v8, $0.0e+00;
	v8 =	vsub.f32 v9, v5  }
0x410: {  	v6 =	vadd.f32 v7, v6;
	v9 =	vld [tilespmem:s17+$0xD0]  }
.Ltmp28:
0x411: {  	v7 =	vmax.f32 v8, $0.0e+00;
	v8 =	vsub.f32 v10, v5;
	(pc) =	sbr.rel @p1 .LBB2_35-.Ltmp28, $4  }
0x412: {  	v6 =	vadd.f32 v7, v6;
	v7 =	vld [tilespmem:s17+$0xE0]  }
0x413: {  	v8 =	vmax.f32 v8, $0.0e+00;
	v10 =	vsub.f32 v11, v5  }
0x414: {  	v8 =	vadd.f32 v8, v6;
	v6 =	vld [tilespmem:s17+$0xF0]  }
0x415: {  	s17 =	sshra.s32 s18, $0x2;
	s18 =	sadd.s32 $0x400, s18;
	v10 =	vmax.f32 v10, $0.0e+00;
	v9 =	vsub.f32 v9, v5  }
0x416: {  	v11 =	vld [tilespmem:s17+$0x0];
	v8 =	vadd.f32 v10, v8  }
0x417: {  	v9 =	vmax.f32 v9, $0.0e+00;
	v7 =	vsub.f32 v7, v5  }
0x418: {  	v10 =	vld [tilespmem:s17+$0x10];
	v8 =	vadd.f32 v9, v8  }
0x419: {  	v7 =	vmax.f32 v7, $0.0e+00;
	v6 =	vsub.f32 v6, v5  }
0x41a: {  	v9 =	vld [tilespmem:s17+$0x20];
	v7 =	vadd.f32 v7, v8  }
0x41b: {  	v8 =	vsub.f32 v11, v5;
	v6 =	vmax.f32 v6, $0.0e+00  }
0x41c: {  	v11 =	vld [tilespmem:s17+$0x30];
	v6 =	vadd.f32 v6, v7  }
0x41d: {  	v7 =	vmax.f32 v8, $0.0e+00;
	v8 =	vsub.f32 v10, v5  }
0x41e: {  	v6 =	vadd.f32 v7, v6;
	v7 =	vld [tilespmem:s17+$0x40]  }
0x41f: {  	v9 =	vsub.f32 v9, v5;
	v8 =	vmax.f32 v8, $0.0e+00  }
0x420: {  	v6 =	vadd.f32 v8, v6;
	v8 =	vld [tilespmem:s17+$0x50]  }
0x421: {  	v9 =	vmax.f32 v9, $0.0e+00;
	v10 =	vsub.f32 v11, v5  }
0x422: {  	v6 =	vadd.f32 v9, v6;
	v9 =	vld [tilespmem:s17+$0x60]  }
0x423: {  	v10 =	vmax.f32 v10, $0.0e+00;
	v7 =	vsub.f32 v7, v5  }
0x424: {  	v6 =	vadd.f32 v10, v6;
	v10 =	vld [tilespmem:s17+$0x70]  }
0x425: {  	v7 =	vmax.f32 v7, $0.0e+00;
	v8 =	vsub.f32 v8, v5  }
0x426: {  	v6 =	vadd.f32 v7, v6;
	v7 =	vld [tilespmem:s17+$0x80]  }
0x427: {  	v8 =	vmax.f32 v8, $0.0e+00;
	v9 =	vsub.f32 v9, v5  }
0x428: {  	v6 =	vadd.f32 v8, v6;
	v8 =	vld [tilespmem:s17+$0x90]  }
0x429: {  	v9 =	vmax.f32 v9, $0.0e+00;
	v10 =	vsub.f32 v10, v5  }
0x42a: {  	v6 =	vadd.f32 v9, v6;
	v9 =	vld [tilespmem:s17+$0xA0]  }
0x42b: {  	v10 =	vmax.f32 v10, $0.0e+00;
	v7 =	vsub.f32 v7, v5  }
0x42c: {  	v6 =	vadd.f32 v10, v6;
	v10 =	vld [tilespmem:s17+$0xB0]  }
0x42d: {  	v7 =	vmax.f32 v7, $0.0e+00;
	v8 =	vsub.f32 v8, v5  }
0x42e: {  	v6 =	vadd.f32 v7, v6;
	v7 =	vld [tilespmem:s17+$0xC0]  }
0x42f: {  	v8 =	vmax.f32 v8, $0.0e+00;
	v9 =	vsub.f32 v9, v5  }
0x430: {  	v6 =	vadd.f32 v8, v6;
	v8 =	vld [tilespmem:s17+$0xD0]  }
0x431: {  	v9 =	vmax.f32 v9, $0.0e+00;
	v10 =	vsub.f32 v10, v5  }
0x432: {  	v6 =	vadd.f32 v9, v6;
	v9 =	vld [tilespmem:s17+$0xE0]  }
0x433: {  	v10 =	vmax.f32 v10, $0.0e+00;
	v7 =	vsub.f32 v7, v5  }
0x434: {  	v6 =	vadd.f32 v10, v6;
	v10 =	vld [tilespmem:s17+$0xF0]  }
0x435: {  	v7 =	vmax.f32 v7, $0.0e+00;
	v8 =	vsub.f32 v8, v5  }
0x436: {  	v6 =	vadd.f32 v7, v6  }
0x437: {  	v7 =	vmax.f32 v8, $0.0e+00;
	v8 =	vsub.f32 v9, v5  }
0x438: {  	v6 =	vadd.f32 v7, v6  }
0x439: {  	v7 =	vmax.f32 v8, $0.0e+00;
	v8 =	vsub.f32 v10, v5  }
0x43a: {  	v6 =	vadd.f32 v7, v6  }
0x43b: {  	v7 =	vmax.f32 v8, $0.0e+00  }
0x43c: {  	v6 =	vadd.f32 v7, v6;
	_ =	sdelay $0x1  }
0x43d: {  	(xrf2) =	vadd.scan.msk.f32 $0xffff, v6;
	_ =	sdelay $0x9  }
0x43e: {  	v6, _, _ =	vpop (xrf2)  }
0x43f: {  	v6 =	vmax.f32 v6, $9.999999960e-13  }
0x440: {  	v6 =	vbroadcast v6, $0xF;
	_ =	sdelay $0x1  }
0x441: {  	(erf) = vrcp.f32 v6  }
0x442: {  	s17 =	simm.s32 $0x0  }
0x443: {  	v6 =	vld [tilespmem:s17+$0x0];
	_ =	sdelay $0x1  }
0x444: {  	v7 =	vld [tilespmem:s17+$0x10];
	_ =	sdelay $0x1  }
0x445: {  	v8 =	vld [tilespmem:s17+$0x20]  }
0x446: {  	v9 =	vsub.f32 v6, v5  }
0x447: {  	v10 =	vld [tilespmem:s17+$0x30]  }
0x448: {  	v7 =	vsub.f32 v7, v5;
	v9 =	vmax.f32 v9, $0.0e+00;
	v6 =	vpop (erf)  }
0x449: {  	v11 =	vld [tilespmem:s17+$0x40];
	v9 =	vmul.f32 v9, v6  }
0x44a: {  	v8 =	vsub.f32 v8, v5;
	v7 =	vmax.f32 v7, $0.0e+00  }
0x44b: {  	v12 =	vimm.f32 $0.0e+00;
	v13 =	vld [tilespmem:s17+$0x50];
	v7 =	vmul.f32 v7, v6;
	vm0 =	vlt.f32 v9, $9.999999970e-07  }
0x44c: {  	v10 =	vsub.f32 v10, v5;
	v8 =	vmax.f32 v8, $0.0e+00;
	v9 =	vsel vm0, $0x0, v9  }
0x44d: {  	v8 =	vmul.f32 v8, v6;
	vm6 =	vlt.f32 v7, $9.999999970e-07;
	[tilespmem:s17+$0x0] =	vst v9;
	v9 =	vadd.f32 v9, v12;
	v12 =	vld [tilespmem:s17+$0x60]  }
0x44e: {  	v11 =	vsub.f32 v11, v5;
	v10 =	vmax.f32 v10, $0.0e+00;
	v7 =	vsel vm6, $0x0, v7  }
0x44f: {  	vm7 =	vlt.f32 v8, $9.999999970e-07;
	[tilespmem:s17+$0x10] =	vst v7;
	v7 =	vadd.f32 v7, v9;
	v9 =	vmul.f32 v10, v6;
	v10 =	vld [tilespmem:s17+$0x70]  }
0x450: {  	v13 =	vsub.f32 v13, v5;
	v11 =	vmax.f32 v11, $0.0e+00;
	v8 =	vsel vm7, $0x0, v8  }
0x451: {  	[tilespmem:s17+$0x20] =	vst v8;
	v7 =	vadd.f32 v8, v7;
	vm8 =	vlt.f32 v9, $9.999999970e-07;
	v8 =	vmul.f32 v11, v6;
	v11 =	vld [tilespmem:s17+$0x80]  }
0x452: {  	v13 =	vmax.f32 v13, $0.0e+00;
	v9 =	vsel vm8, $0x0, v9;
	v12 =	vsub.f32 v12, v5  }
0x453: {  	[tilespmem:s17+$0x30] =	vst v9;
	v7 =	vadd.f32 v9, v7;
	vm9 =	vlt.f32 v8, $9.999999970e-07;
	v9 =	vmul.f32 v13, v6;
	v13 =	vld [tilespmem:s17+$0x90]  }
0x454: {  	v8 =	vsel vm9, $0x0, v8;
	v12 =	vmax.f32 v12, $0.0e+00;
	v10 =	vsub.f32 v10, v5  }
0x455: {  	[tilespmem:s17+$0x40] =	vst v8;
	vm10 =	vlt.f32 v9, $9.999999970e-07;
	v12 =	vmul.f32 v12, v6;
	v7 =	vadd.f32 v8, v7;
	v8 =	vld [tilespmem:s17+$0xA0]  }
0x456: {  	v9 =	vsel vm10, $0x0, v9;
	v10 =	vmax.f32 v10, $0.0e+00;
	v11 =	vsub.f32 v11, v5  }
0x457: {  	[tilespmem:s17+$0x50] =	vst v9;
	vm11 =	vlt.f32 v12, $9.999999970e-07;
	v10 =	vmul.f32 v10, v6;
	v7 =	vadd.f32 v9, v7;
	v9 =	vld [tilespmem:s17+$0xB0]  }
0x458: {  	v12 =	vsel vm11, $0x0, v12;
	v11 =	vmax.f32 v11, $0.0e+00;
	v13 =	vsub.f32 v13, v5  }
0x459: {  	[tilespmem:s17+$0x60] =	vst v12;
	vm12 =	vlt.f32 v10, $9.999999970e-07;
	v7 =	vadd.f32 v12, v7;
	v11 =	vmul.f32 v11, v6;
	v12 =	vld [tilespmem:s17+$0xC0]  }
0x45a: {  	v10 =	vsel vm12, $0x0, v10;
	v13 =	vmax.f32 v13, $0.0e+00;
	v8 =	vsub.f32 v8, v5  }
0x45b: {  	v14 =	vld [tilespmem:s17+$0xD0];
	[tilespmem:s17+$0x70] =	vst v10;
	v7 =	vadd.f32 v10, v7;
	vm13 =	vlt.f32 v11, $9.999999970e-07;
	v10 =	vmul.f32 v13, v6  }
0x45c: {  	v11 =	vsel vm13, $0x0, v11;
	v8 =	vmax.f32 v8, $0.0e+00;
	v9 =	vsub.f32 v9, v5  }
0x45d: {  	[tilespmem:s17+$0x80] =	vst v11;
	v11 =	vadd.f32 v11, v7;
	vm14 =	vlt.f32 v10, $9.999999970e-07;
	v13 =	vmul.f32 v8, v6;
	v7 =	vld [tilespmem:s17+$0xE0]  }
0x45e: {  	v8 =	vsel vm14, $0x0, v10;
	v9 =	vmax.f32 v9, $0.0e+00;
	v15 =	vsub.f32 v12, v5  }
0x45f: {  	[tilespmem:s17+$0x90] =	vst v8;
	v10 =	vadd.f32 v8, v11;
	vm15 =	vlt.f32 v13, $9.999999970e-07;
	v9 =	vmul.f32 v9, v6;
	v8 =	vld [tilespmem:s17+$0xF0]  }
0x460: {  	s18 =	simm.s32 $0x100;
	s19 =	simm.s32 $0x800;
	v11 =	vsub.f32 v14, v5;
	v12 =	vsel vm15, $0x0, v13;
	v13 =	vmax.f32 v15, $0.0e+00  }
.LBB2_37:
0x461: {  	p1 =	sne.s32 s19, $0x1FC00;
	v14 =	vld [tilespmem:s18+$0x0];
	[tilespmem:s17+$0xA0] =	vst v12;
	v10 =	vadd.f32 v12, v10;
	vm0 =	vlt.f32 v9, $9.999999970e-07;
	v12 =	vmul.f32 v13, v6  }
0x462: {  	v9 =	vsel vm0, $0x0, v9;
	v11 =	vmax.f32 v11, $0.0e+00;
	v7 =	vsub.f32 v7, v5  }
0x463: {  	v13 =	vld [tilespmem:s18+$0x10];
	[tilespmem:s17+$0xB0] =	vst v9;
	v9 =	vadd.f32 v9, v10;
	vm0 =	vlt.f32 v12, $9.999999970e-07;
	v10 =	vmul.f32 v11, v6  }
0x464: {  	v11 =	vsel vm0, $0x0, v12;
	v7 =	vmax.f32 v7, $0.0e+00;
	v8 =	vsub.f32 v8, v5  }
0x465: {  	v12 =	vld [tilespmem:s18+$0x20];
	[tilespmem:s17+$0xC0] =	vst v11;
	v9 =	vadd.f32 v11, v9;
	vm0 =	vlt.f32 v10, $9.999999970e-07;
	v7 =	vmul.f32 v7, v6  }
0x466: {  	v11 =	vsub.f32 v14, v5;
	v10 =	vsel vm0, $0x0, v10;
	v8 =	vmax.f32 v8, $0.0e+00  }
0x467: {  	v14 =	vld [tilespmem:s18+$0x30];
	[tilespmem:s17+$0xD0] =	vst v10;
	v9 =	vadd.f32 v10, v9;
	vm0 =	vlt.f32 v7, $9.999999970e-07;
	v8 =	vmul.f32 v8, v6  }
0x468: {  	v10 =	vmax.f32 v11, $0.0e+00;
	v11 =	vsub.f32 v13, v5;
	v7 =	vsel vm0, $0x0, v7  }
0x469: {  	v10 =	vmul.f32 v10, v6;
	v13 =	vld [tilespmem:s18+$0x40];
	[tilespmem:s17+$0xE0] =	vst v7;
	v7 =	vadd.f32 v7, v9;
	vm0 =	vlt.f32 v8, $9.999999970e-07  }
0x46a: {  	v9 =	vmax.f32 v11, $0.0e+00;
	v11 =	vsub.f32 v12, v5;
	v8 =	vsel vm0, $0x0, v8  }
0x46b: {  	vm0 =	vlt.f32 v10, $9.999999970e-07;
	v9 =	vmul.f32 v9, v6;
	v12 =	vld [tilespmem:s18+$0x50];
	[tilespmem:s17+$0xF0] =	vst v8;
	v7 =	vadd.f32 v8, v7;
	s17 =	smov.u32 s18  }
0x46c: {  	v8 =	vsel vm0, $0x0, v10;
	v10 =	vmax.f32 v11, $0.0e+00;
	v11 =	vsub.f32 v14, v5  }
0x46d: {  	[tilespmem:s17+$0x0] =	vst v8;
	v7 =	vadd.f32 v8, v7;
	vm0 =	vlt.f32 v9, $9.999999970e-07;
	v8 =	vmul.f32 v10, v6;
	v10 =	vld [tilespmem:s17+$0x60]  }
0x46e: {  	v9 =	vsel vm0, $0x0, v9;
	v11 =	vmax.f32 v11, $0.0e+00;
	v13 =	vsub.f32 v13, v5  }
0x46f: {  	[tilespmem:s17+$0x10] =	vst v9;
	v7 =	vadd.f32 v9, v7;
	vm0 =	vlt.f32 v8, $9.999999970e-07;
	v9 =	vmul.f32 v11, v6;
	v11 =	vld [tilespmem:s17+$0x70]  }
0x470: {  	v8 =	vsel vm0, $0x0, v8;
	v13 =	vmax.f32 v13, $0.0e+00;
	v12 =	vsub.f32 v12, v5  }
0x471: {  	[tilespmem:s17+$0x20] =	vst v8;
	v7 =	vadd.f32 v8, v7;
	vm0 =	vlt.f32 v9, $9.999999970e-07;
	v8 =	vmul.f32 v13, v6;
	v13 =	vld [tilespmem:s17+$0x80]  }
0x472: {  	v9 =	vsel vm0, $0x0, v9;
	v12 =	vmax.f32 v12, $0.0e+00;
	v10 =	vsub.f32 v10, v5  }
0x473: {  	[tilespmem:s17+$0x30] =	vst v9;
	v7 =	vadd.f32 v9, v7;
	vm0 =	vlt.f32 v8, $9.999999970e-07;
	v9 =	vmul.f32 v12, v6;
	v12 =	vld [tilespmem:s17+$0x90]  }
0x474: {  	v8 =	vsel vm0, $0x0, v8;
	v10 =	vmax.f32 v10, $0.0e+00;
	v11 =	vsub.f32 v11, v5  }
0x475: {  	[tilespmem:s17+$0x40] =	vst v8;
	v7 =	vadd.f32 v8, v7;
	vm0 =	vlt.f32 v9, $9.999999970e-07;
	v8 =	vmul.f32 v10, v6;
	v10 =	vld [tilespmem:s17+$0xA0]  }
0x476: {  	v9 =	vsel vm0, $0x0, v9;
	v11 =	vmax.f32 v11, $0.0e+00;
	v13 =	vsub.f32 v13, v5  }
0x477: {  	[tilespmem:s17+$0x50] =	vst v9;
	v7 =	vadd.f32 v9, v7;
	vm0 =	vlt.f32 v8, $9.999999970e-07;
	v9 =	vmul.f32 v11, v6;
	v11 =	vld [tilespmem:s17+$0xB0]  }
0x478: {  	v8 =	vsel vm0, $0x0, v8;
	v13 =	vmax.f32 v13, $0.0e+00;
	v12 =	vsub.f32 v12, v5  }
0x479: {  	[tilespmem:s17+$0x60] =	vst v8;
	v7 =	vadd.f32 v8, v7;
	vm0 =	vlt.f32 v9, $9.999999970e-07;
	v8 =	vmul.f32 v13, v6;
	v13 =	vld [tilespmem:s17+$0xC0]  }
0x47a: {  	v9 =	vsel vm0, $0x0, v9;
	v12 =	vmax.f32 v12, $0.0e+00;
	v10 =	vsub.f32 v10, v5  }
0x47b: {  	[tilespmem:s17+$0x70] =	vst v9;
	v7 =	vadd.f32 v9, v7;
	vm0 =	vlt.f32 v8, $9.999999970e-07;
	v9 =	vmul.f32 v12, v6;
	v14 =	vld [tilespmem:s17+$0xD0]  }
.Ltmp29:
0x47c: {  	v8 =	vsel vm0, $0x0, v8;
	v10 =	vmax.f32 v10, $0.0e+00;
	v11 =	vsub.f32 v11, v5;
	(pc) =	sbr.rel @p1 .LBB2_37-.Ltmp29, $4  }
0x47d: {  	[tilespmem:s17+$0x80] =	vst v8;
	v8 =	vadd.f32 v8, v7;
	vm0 =	vlt.f32 v9, $9.999999970e-07;
	v12 =	vmul.f32 v10, v6;
	v7 =	vld [tilespmem:s17+$0xE0]  }
0x47e: {  	v9 =	vsel vm0, $0x0, v9;
	v11 =	vmax.f32 v11, $0.0e+00;
	v13 =	vsub.f32 v13, v5  }
0x47f: {  	[tilespmem:s17+$0x90] =	vst v9;
	v10 =	vadd.f32 v9, v8;
	vm0 =	vlt.f32 v12, $9.999999970e-07;
	v9 =	vmul.f32 v11, v6;
	v8 =	vld [tilespmem:s17+$0xF0]  }
0x480: {  	s18 =	sshra.s32 s19, $0x2;
	s19 =	sadd.s32 $0x400, s19;
	v12 =	vsel vm0, $0x0, v12;
	v13 =	vmax.f32 v13, $0.0e+00;
	v11 =	vsub.f32 v14, v5  }
0x481: {  	v14 =	vld [tilespmem:s18+$0x0];
	v10 =	vadd.f32 v12, v10;
	vm0 =	vlt.f32 v9, $9.999999970e-07;
	v13 =	vmul.f32 v13, v6  }
0x482: {  	[tilespmem:s17+$0xA0] =	vst v12;
	v9 =	vsel vm0, $0x0, v9;
	v11 =	vmax.f32 v11, $0.0e+00;
	v7 =	vsub.f32 v7, v5  }
0x483: {  	v12 =	vld [tilespmem:s18+$0x10];
	v10 =	vadd.f32 v9, v10;
	vm8 =	vlt.f32 v13, $9.999999970e-07;
	v11 =	vmul.f32 v11, v6  }
0x484: {  	[tilespmem:s17+$0xB0] =	vst v9;
	v9 =	vsel vm8, $0x0, v13;
	v7 =	vmax.f32 v7, $0.0e+00;
	v8 =	vsub.f32 v8, v5  }
0x485: {  	v13 =	vld [tilespmem:s18+$0x20];
	v10 =	vadd.f32 v9, v10;
	vm9 =	vlt.f32 v11, $9.999999970e-07;
	v7 =	vmul.f32 v7, v6  }
0x486: {  	[tilespmem:s17+$0xC0] =	vst v9;
	v9 =	vsub.f32 v14, v5;
	v11 =	vsel vm9, $0x0, v11;
	v8 =	vmax.f32 v8, $0.0e+00  }
0x487: {  	v14 =	vld [tilespmem:s18+$0x30];
	v10 =	vadd.f32 v11, v10;
	vm10 =	vlt.f32 v7, $9.999999970e-07;
	v8 =	vmul.f32 v8, v6  }
0x488: {  	[tilespmem:s17+$0xD0] =	vst v11;
	v11 =	vsub.f32 v12, v5;
	v9 =	vmax.f32 v9, $0.0e+00;
	v7 =	vsel vm10, $0x0, v7  }
0x489: {  	v12 =	vld [tilespmem:s18+$0x40];
	v9 =	vmul.f32 v9, v6;
	v10 =	vadd.f32 v7, v10;
	vm11 =	vlt.f32 v8, $9.999999970e-07  }
0x48a: {  	[tilespmem:s17+$0xE0] =	vst v7;
	v7 =	vmax.f32 v11, $0.0e+00;
	v11 =	vsub.f32 v13, v5;
	v8 =	vsel vm11, $0x0, v8  }
0x48b: {  	v7 =	vmul.f32 v7, v6;
	v13 =	vld [tilespmem:s18+$0x50];
	vm12 =	vlt.f32 v9, $9.999999970e-07;
	v10 =	vadd.f32 v8, v10  }
0x48c: {  	[tilespmem:s17+$0xF0] =	vst v8;
	v8 =	vsel vm12, $0x0, v9;
	v9 =	vmax.f32 v11, $0.0e+00;
	v11 =	vsub.f32 v14, v5  }
0x48d: {  	vm13 =	vlt.f32 v7, $9.999999970e-07;
	[tilespmem:s18+$0x0] =	vst v8;
	v9 =	vmul.f32 v9, v6;
	v8 =	vadd.f32 v8, v10;
	v10 =	vld [tilespmem:s18+$0x60]  }
0x48e: {  	v7 =	vsel vm13, $0x0, v7;
	v12 =	vsub.f32 v12, v5;
	v11 =	vmax.f32 v11, $0.0e+00  }
0x48f: {  	[tilespmem:s18+$0x10] =	vst v7;
	vm14 =	vlt.f32 v9, $9.999999970e-07;
	v11 =	vmul.f32 v11, v6;
	v7 =	vadd.f32 v7, v8;
	v8 =	vld [tilespmem:s18+$0x70]  }
0x490: {  	v12 =	vmax.f32 v12, $0.0e+00;
	v13 =	vsub.f32 v13, v5;
	v9 =	vsel vm14, $0x0, v9  }
0x491: {  	[tilespmem:s18+$0x20] =	vst v9;
	vm15 =	vlt.f32 v11, $9.999999970e-07;
	v7 =	vadd.f32 v9, v7;
	v9 =	vmul.f32 v12, v6;
	v12 =	vld [tilespmem:s18+$0x80]  }
0x492: {  	v13 =	vmax.f32 v13, $0.0e+00;
	v11 =	vsel vm15, $0x0, v11;
	v10 =	vsub.f32 v10, v5  }
0x493: {  	[tilespmem:s18+$0x30] =	vst v11;
	v7 =	vadd.f32 v11, v7;
	vm4 =	vlt.f32 v9, $9.999999970e-07;
	v11 =	vmul.f32 v13, v6;
	v13 =	vld [tilespmem:s18+$0x90]  }
0x494: {  	v9 =	vsel vm4, $0x0, v9;
	v10 =	vmax.f32 v10, $0.0e+00;
	v8 =	vsub.f32 v8, v5  }
0x495: {  	[tilespmem:s18+$0x40] =	vst v9;
	v7 =	vadd.f32 v9, v7;
	vm5 =	vlt.f32 v11, $9.999999970e-07;
	v9 =	vmul.f32 v10, v6;
	v10 =	vld [tilespmem:s18+$0xA0]  }
0x496: {  	v11 =	vsel vm5, $0x0, v11;
	v8 =	vmax.f32 v8, $0.0e+00;
	v12 =	vsub.f32 v12, v5  }
0x497: {  	[tilespmem:s18+$0x50] =	vst v11;
	v7 =	vadd.f32 v11, v7;
	vm6 =	vlt.f32 v9, $9.999999970e-07;
	v8 =	vmul.f32 v8, v6;
	v11 =	vld [tilespmem:s18+$0xB0]  }
0x498: {  	v9 =	vsel vm6, $0x0, v9;
	v12 =	vmax.f32 v12, $0.0e+00;
	v13 =	vsub.f32 v13, v5  }
0x499: {  	[tilespmem:s18+$0x60] =	vst v9;
	vm7 =	vlt.f32 v8, $9.999999970e-07;
	v12 =	vmul.f32 v12, v6;
	v7 =	vadd.f32 v9, v7;
	v9 =	vld [tilespmem:s18+$0xC0]  }
0x49a: {  	v8 =	vsel vm7, $0x0, v8;
	v13 =	vmax.f32 v13, $0.0e+00;
	v10 =	vsub.f32 v10, v5  }
0x49b: {  	[tilespmem:s18+$0x70] =	vst v8;
	vm8 =	vlt.f32 v12, $9.999999970e-07;
	v13 =	vmul.f32 v13, v6;
	v7 =	vadd.f32 v8, v7;
	v8 =	vld [tilespmem:s18+$0xD0]  }
0x49c: {  	v12 =	vsel vm8, $0x0, v12;
	v10 =	vmax.f32 v10, $0.0e+00;
	v11 =	vsub.f32 v11, v5  }
0x49d: {  	[tilespmem:s18+$0x80] =	vst v12;
	vm9 =	vlt.f32 v13, $9.999999970e-07;
	v7 =	vadd.f32 v12, v7;
	v10 =	vmul.f32 v10, v6;
	v12 =	vld [tilespmem:s18+$0xE0]  }
0x49e: {  	v13 =	vsel vm9, $0x0, v13;
	v11 =	vmax.f32 v11, $0.0e+00;
	v9 =	vsub.f32 v9, v5  }
0x49f: {  	[tilespmem:s18+$0x90] =	vst v13;
	v7 =	vadd.f32 v13, v7;
	vm10 =	vlt.f32 v10, $9.999999970e-07;
	v11 =	vmul.f32 v11, v6;
	v13 =	vld [tilespmem:s18+$0xF0]  }
0x4a0: {  	v10 =	vsel vm10, $0x0, v10;
	v9 =	vmax.f32 v9, $0.0e+00;
	v8 =	vsub.f32 v8, v5  }
0x4a1: {  	v7 =	vadd.f32 v10, v7;
	vm11 =	vlt.f32 v11, $9.999999970e-07;
	v9 =	vmul.f32 v9, v6  }
0x4a2: {  	v11 =	vsel vm11, $0x0, v11;
	v8 =	vmax.f32 v8, $0.0e+00;
	v12 =	vsub.f32 v12, v5  }
0x4a3: {  	v7 =	vadd.f32 v11, v7;
	vm12 =	vlt.f32 v9, $9.999999970e-07;
	v8 =	vmul.f32 v8, v6  }
0x4a4: {  	v9 =	vsel vm12, $0x0, v9;
	v12 =	vmax.f32 v12, $0.0e+00;
	v5 =	vsub.f32 v13, v5  }
0x4a5: {  	v7 =	vadd.f32 v9, v7;
	vm13 =	vlt.f32 v8, $9.999999970e-07;
	v12 =	vmul.f32 v12, v6  }
0x4a6: {  	v8 =	vsel vm13, $0x0, v8;
	v5 =	vmax.f32 v5, $0.0e+00  }
0x4a7: {  	v7 =	vadd.f32 v8, v7;
	vm14 =	vlt.f32 v12, $9.999999970e-07;
	v5 =	vmul.f32 v5, v6  }
0x4a8: {  	v6 =	vsel vm14, $0x0, v12  }
0x4a9: {  	v7 =	vadd.f32 v6, v7;
	vm15 =	vlt.f32 v5, $9.999999970e-07  }
0x4aa: {  	v5 =	vsel vm15, $0x0, v5  }
0x4ab: {  	v7 =	vadd.f32 v5, v7;
	_ =	sdelay $0x1  }
0x4ac: {  	(xrf2) =	vadd.scan.msk.f32 $0xffff, v7;
	_ =	sdelay $0x9  }
0x4ad: {  	v7, _, _ =	vpop (xrf2)  }
0x4ae: {  	v7 =	vmax.f32 v7, $9.999999960e-13  }
0x4af: {  	v7 =	vbroadcast v7, $0xF  }
0x4b0: {  	[tilespmem:s18+$0xA0] =	vst v10  }
0x4b1: {  	[tilespmem:s18+$0xB0] =	vst v11;
	(erf) = vrcp.f32 v7  }
0x4b2: {  	[tilespmem:s18+$0xC0] =	vst v9  }
0x4b3: {  	[tilespmem:s18+$0xD0] =	vst v8  }
0x4b4: {  	[tilespmem:s18+$0xE0] =	vst v6  }
0x4b5: {  	s17 =	simm.s32 $0x0;
	[tilespmem:s18+$0xF0] =	vst v5  }
0x4b6: {  	v6 =	vld [tilespmem:s17+$0x0]  }
0x4b7: {  	v7 =	vld [tilespmem:s17+$0x10]  }
0x4b8: {  	v8 =	vld [tilespmem:s17+$0x20]  }
0x4b9: {  	v9 =	vld [tilespmem:s17+$0x30]  }
0x4ba: {  	v10 =	vld [tilespmem:s17+$0x40];
	v5 =	vpop (erf)  }
0x4bb: {  	v11 =	vld [tilespmem:s17+$0x50];
	v6 =	vmul.f32 v6, v5  }
0x4bc: {  	v12 =	vld [tilespmem:s17+$0x60];
	v7 =	vmul.f32 v7, v5  }
0x4bd: {  	v13 =	vld [tilespmem:s17+$0x70];
	[tilespmem:s17+$0x0] =	vst v6;
	v6 =	vmul.f32 v8, v5  }
0x4be: {  	v14 =	vld [tilespmem:s17+$0x80];
	[tilespmem:s17+$0x10] =	vst v7;
	v7 =	vmul.f32 v9, v5  }
0x4bf: {  	v15 =	vld [tilespmem:s17+$0x90];
	[tilespmem:s17+$0x20] =	vst v6;
	v6 =	vmul.f32 v10, v5  }
0x4c0: {  	v8 =	vmul.f32 v11, v5;
	[tilespmem:s17+$0x30] =	vst v7;
	v7 =	vld [tilespmem:s17+$0xA0]  }
0x4c1: {  	v9 =	vmul.f32 v12, v5;
	[tilespmem:s17+$0x40] =	vst v6;
	v6 =	vld [tilespmem:s17+$0xB0]  }
0x4c2: {  	[tilespmem:s17+$0x50] =	vst v8;
	v8 =	vld [tilespmem:s17+$0xC0];
	v10 =	vmul.f32 v13, v5  }
0x4c3: {  	v12 =	vmul.f32 v14, v5;
	[tilespmem:s17+$0x60] =	vst v9;
	v9 =	vld [tilespmem:s17+$0xD0]  }
0x4c4: {  	s18 =	simm.s32 $0x400;
	v11 =	vmul.f32 v15, v5;
	[tilespmem:s17+$0x70] =	vst v10;
	v10 =	vld [tilespmem:s17+$0xE0]  }
.LBB2_39:
0x4c5: {  	s19 =	sshra.s32 s18, $0x2;
	p1 =	sne.s32 s18, $0x1FC00;
	[tilespmem:s17+$0x80] =	vst v12;
	v7 =	vmul.f32 v7, v5;
	v12 =	vld [tilespmem:s17+$0xF0]  }
0x4c6: {  	v13 =	vld [tilespmem:s19+$0x0];
	[tilespmem:s17+$0x90] =	vst v11;
	v6 =	vmul.f32 v6, v5  }
0x4c7: {  	v11 =	vld [tilespmem:s19+$0x10];
	[tilespmem:s17+$0xA0] =	vst v7;
	v7 =	vmul.f32 v8, v5  }
0x4c8: {  	v8 =	vld [tilespmem:s19+$0x20];
	[tilespmem:s17+$0xB0] =	vst v6;
	v6 =	vmul.f32 v9, v5  }
0x4c9: {  	v9 =	vld [tilespmem:s19+$0x30];
	[tilespmem:s17+$0xC0] =	vst v7;
	v7 =	vmul.f32 v10, v5  }
0x4ca: {  	v10 =	vld [tilespmem:s19+$0x40];
	[tilespmem:s17+$0xD0] =	vst v6;
	v6 =	vmul.f32 v12, v5  }
0x4cb: {  	v12 =	vmul.f32 v13, v5;
	v13 =	vld [tilespmem:s19+$0x50];
	[tilespmem:s17+$0xE0] =	vst v7  }
0x4cc: {  	v7 =	vmul.f32 v11, v5;
	v11 =	vld [tilespmem:s19+$0x60];
	[tilespmem:s17+$0xF0] =	vst v6;
	s17 =	smov.u32 s19  }
0x4cd: {  	[tilespmem:s17+$0x0] =	vst v12;
	v6 =	vmul.f32 v8, v5;
	v8 =	vld [tilespmem:s17+$0x70]  }
0x4ce: {  	[tilespmem:s17+$0x10] =	vst v7;
	v7 =	vmul.f32 v9, v5;
	v9 =	vld [tilespmem:s17+$0x80]  }
0x4cf: {  	[tilespmem:s17+$0x20] =	vst v6;
	v6 =	vmul.f32 v10, v5;
	v10 =	vld [tilespmem:s17+$0x90]  }
.Ltmp30:
0x4d0: {  	[tilespmem:s17+$0x30] =	vst v7;
	v12 =	vmul.f32 v13, v5;
	v7 =	vld [tilespmem:s17+$0xA0];
	(pc) =	sbr.rel @p1 .LBB2_39-.Ltmp30, $4  }
0x4d1: {  	[tilespmem:s17+$0x40] =	vst v6;
	v11 =	vmul.f32 v11, v5;
	v6 =	vld [tilespmem:s17+$0xB0]  }
0x4d2: {  	[tilespmem:s17+$0x50] =	vst v12;
	v13 =	vmul.f32 v8, v5;
	v8 =	vld [tilespmem:s17+$0xC0]  }
0x4d3: {  	[tilespmem:s17+$0x60] =	vst v11;
	v12 =	vmul.f32 v9, v5;
	v9 =	vld [tilespmem:s17+$0xD0]  }
0x4d4: {  	s18 =	sadd.s32 $0x400, s18;
	[tilespmem:s17+$0x70] =	vst v13;
	v11 =	vmul.f32 v10, v5;
	v10 =	vld [tilespmem:s17+$0xE0]  }
0x4d5: {  	[tilespmem:s17+$0x80] =	vst v12;
	v7 =	vmul.f32 v7, v5;
	v63 =	vld [tilespmem:s17+$0xF0]  }
0x4d6: {  	[tilespmem:s17+$0x90] =	vst v11;
	v6 =	vmul.f32 v6, v5  }
0x4d7: {  	[tilespmem:s17+$0xA0] =	vst v7;
	v7 =	vmul.f32 v8, v5  }
.Ltmp31:
0x4d8: {  	[tilespmem:s17+$0xB0] =	vst v6;
	v6 =	vmul.f32 v9, v5;
	(pc) =	sbr.rel .LBB2_41-.Ltmp31, $4  }
0x4d9: {  	[tilespmem:s17+$0xC0] =	vst v7;
	v7 =	vmul.f32 v10, v5  }
0x4da: {  	[tilespmem:s17+$0xD0] =	vst v6;
	v5 =	vmul.f32 v63, v5  }
0x4db: {  	[tilespmem:s17+$0xE0] =	vst v7  }
0x4dc: {  	[tilespmem:s17+$0xF0] =	vst v5  }
.LBB2_43:
0x4dd: {  	_ =	sfence.sel $0x180000  }
0x4de: {  	[bflag:$0x0] =	sbarrier.arrive $0xFFFF  }
0x4df: {  	_ =	strace $0x90000047  }
0x4e0: {  	s0 =	sadd.s32 @!p0 $0x100000, s0;
	[bflag:$0x2] =	sbarrier.arrive $0xFFFF  }
0x4e1: {  	[sflag:s0] =	ssyncadd.tile.s32 @!p0 $0x1;
	_ =	shalt  }
.Lfunc_end2:
_tile_overlayer_lowered:
.L_overlay_start_2:
0x4e2: {  	(tag) =	ssettag $0x2  }
0x4e3: {  	s0 =	rddreg [dreg:$0x0];
	s2 =	stileid.u32  }
0x4e4: {  	s1 =	rddreg [dreg:$0x1];
	p0 =	sne.s32 s2, $0x0  }
0x4e5: {  	s3 =	rddreg [dreg:$0x2];
	[bflag:$0x3] =	sbarrier.arrive $0xFFFF;
	s2 =	simm.s32 @!p0 $0x1C01  }
0x4e6: {  	[timem:s3], [sflag:s2] =	dma.local @!p0 [hbm:s0], s1  }
0x4e7: {  	s0 =	simm.s32 @!p0 $0x1  }
0x4e8: {  	_ =	swait.ge @!p0 [sflag:s0], s1  }
0x4e9: {  	s1 =	ssub.s32 @!p0 $0x0, s1;
	[sflag:s0] =	ssyncset.done @!p0 $0x0  }
0x4ea: {  	[sflag:s0] =	ssyncadd.s32 @!p0 s1  }
0x4eb: {  	[bflag:$0x3] =	sbarrier.arrive $0xFFFF  }
0x4ec: {  	_ =	shalt  }

</sc_bundles>
